<compile_context>
chip_gen: v7x
topology: tpu7x:2x2x1
jax: 0.10.2.dev20260603
libtpu: 0.0.44.dev20260713+nightly
codegen_flags: <defaults>
</compile_context>

<pallas_src>
import jax
import jax.numpy as jnp
from jax import lax
from jax.experimental import pallas as pl
from jax.experimental.pallas import tpu as pltpu
from jax.experimental.pallas import tpu_sc as plsc

NUM_EMB = 1000000
DIM = 64
PROWS = NUM_EMB // 2
NSEQ = 16384
SEQ = 50
NW = 32
SLAB = NSEQ // NW
SB = 128
BPS = SLAB // SB
NBLK = SEQ * BPS


CH = 192
NFULL = PROWS // CH
MAXTRIP = (NFULL + NW - 1) // NW
TAILROWS = 96
TAILP0 = PROWS - TAILROWS


def _repack_body(tT_hbm, packed_hbm, in0, out0, gs0, os0, in1, out1, gs1, os1,
                 in_t):
    nc = 2
    wid = lax.axis_index("s") * nc + lax.axis_index("c")

    def chunk_of(t):
        return wid + t * NW

    def prep(c, in_v, gsem):
        @pl.when(c < NFULL)
        def _():
            for h in range(4):
                pltpu.async_copy(
                    tT_hbm.at[pl.ds(16 * h, 16), pl.ds(c * (2 * CH), 2 * CH)],
                    in_v.at[pl.ds(16 * h, 16), :], gsem)

    def transpose_into(out_v, in_v, nrows):
        i16 = lax.iota(jnp.int32, 16)
        ish = lax.shift_right_logical(i16, 1)
        i64 = 64 * lax.bitwise_and(i16, 1)

        @plsc.parallel_loop(0, nrows // 8, unroll=4)
        def _rb(rb8):
            cin = rb8 * 16 + i16
            rows_out = rb8 * 8 + ish
            for db in range(4):
                for k in range(16):
                    dd = lax.bitwise_and(i16 + k, 15)
                    vals = plsc.load_gather(in_v, [db * 16 + dd, cin])
                    plsc.store_scatter(
                        out_v, [rows_out, i64 + db * 16 + dd], vals)

    def finish(c, in_v, out_v, gsem, osem):
        @pl.when(c < NFULL)
        def _():
            pltpu.make_async_copy(
                out_v, packed_hbm.at[pl.ds(0, CH), :], osem).wait()
            for h in range(4):
                pltpu.make_async_copy(
                    tT_hbm.at[pl.ds(16 * h, 16), pl.ds(c * (2 * CH), 2 * CH)],
                    in_v.at[pl.ds(16 * h, 16), :], gsem).wait()
            transpose_into(out_v, in_v, CH)
            pltpu.async_copy(out_v, packed_hbm.at[pl.ds(c * CH, CH), :], osem)

    prep(chunk_of(0), in0, gs0)
    prep(chunk_of(1), in1, gs1)
    pltpu.async_copy(out0, packed_hbm.at[pl.ds(chunk_of(0) * CH, CH), :], os0)
    pltpu.async_copy(out1, packed_hbm.at[pl.ds(chunk_of(1) * CH, CH), :], os1)

    @pl.loop(0, MAXTRIP, step=2)
    def _pair(t):
        finish(chunk_of(t), in0, out0, gs0, os0)
        prep(chunk_of(t + 2), in0, gs0)
        finish(chunk_of(t + 1), in1, out1, gs1, os1)
        prep(chunk_of(t + 3), in1, gs1)

    @pl.when(chunk_of(MAXTRIP - 2) < NFULL)
    def _d0():
        pltpu.make_async_copy(out0, packed_hbm.at[pl.ds(0, CH), :], os0).wait()

    @pl.when(chunk_of(MAXTRIP - 1) < NFULL)
    def _d1():
        pltpu.make_async_copy(out1, packed_hbm.at[pl.ds(0, CH), :], os1).wait()

    def transpose_small(out_v, in_v, nrows):
        i16 = lax.iota(jnp.int32, 16)
        i2 = 2 * i16

        @pl.loop(0, nrows // 16)
        def _rb(rb):
            rvec = i16 + rb * 16

            @pl.loop(0, 8)
            def _cb(cb):
                cols_in = (2 * 16) * rb + lax.shift_right_logical(cb, 2) + i2
                rbase = lax.bitwise_and(cb, 3) * 16
                for k in range(16):
                    dd = lax.bitwise_and(i16 + k, 15)
                    vals = plsc.load_gather(in_v, [rbase + dd, cols_in])
                    plsc.store_scatter(out_v, [rvec, cb * 16 + dd], vals)

    @pl.when(wid == 0)
    def _tail():
        pltpu.sync_copy(tT_hbm.at[:, pl.ds(2 * TAILP0, 2 * TAILROWS)], in_t)
        transpose_small(out0, in_t, TAILROWS)
        pltpu.sync_copy(out0.at[pl.ds(0, TAILROWS), :],
                        packed_hbm.at[pl.ds(TAILP0, TAILROWS), :])


@jax.jit
def _repack(tT):
    mesh = plsc.VectorSubcoreMesh(core_axis_name="c", subcore_axis_name="s")
    return pl.kernel(
        _repack_body,
        out_type=jax.ShapeDtypeStruct((PROWS, 128), jnp.float32),
        mesh=mesh,
        scratch_types=[
            pltpu.VMEM((DIM, 2 * CH), jnp.float32),
            pltpu.VMEM((CH, 128), jnp.float32),
            pltpu.SemaphoreType.DMA,
            pltpu.SemaphoreType.DMA,
            pltpu.VMEM((DIM, 2 * CH), jnp.float32),
            pltpu.VMEM((CH, 128), jnp.float32),
            pltpu.SemaphoreType.DMA,
            pltpu.SemaphoreType.DMA,
            pltpu.VMEM((DIM, 2 * TAILROWS), jnp.float32),
        ],
        compiler_params=pltpu.CompilerParams(
            use_tc_tiling_on_sc=True, needs_layout_passes=False),
    )(tT)


def _body(idxT_hbm, packed_hbm, outT_hbm, idx_v,
          qv0, jv0, buf0, oblk0, gsem0,
          qv1, jv1, buf1, oblk1, gsem1):
    nc = 2
    wid = lax.axis_index("s") * nc + lax.axis_index("c")
    s0 = wid * SLAB
    pltpu.sync_copy(idxT_hbm.at[:, pl.ds(s0, SLAB)], idx_v)

    def prep_start(b, qv, jv, buf, gsem):
        p = lax.div(b, BPS)
        sb = lax.rem(b, BPS)

        @pl.loop(0, SB // 16)
        def _q(k):
            v = idx_v[p, pl.ds(sb * SB + k * 16, 16)]
            qv[pl.ds(k * 16, 16)] = lax.shift_right_logical(v, 1)
            jv[pl.ds(k * 16, 16)] = lax.bitwise_and(v, 1)

        pltpu.async_copy(packed_hbm.at[qv], buf, gsem)

    def finish(b, qv, jv, buf, oblk, gsem):
        p = lax.div(b, BPS)
        sb = lax.rem(b, BPS)
        pltpu.make_async_copy(packed_hbm.at[qv], buf, gsem).wait()

        @plsc.parallel_loop(0, SB // 16, unroll=4)
        def _tb(tb):
            i16 = lax.iota(jnp.int32, 16)
            trow = i16 + tb * 16
            cbase = jv[pl.ds(tb * 16, 16)] * 64
            for db in range(DIM // 16):
                cb = cbase + db * 16
                for k in range(16):
                    dd = lax.bitwise_and(i16 + k, 15)
                    vals = plsc.load_gather(buf, [trow, cb + dd])
                    plsc.store_scatter(oblk, [db * 16 + dd, trow], vals)

        pltpu.sync_copy(oblk, outT_hbm.at[p, :, pl.ds(s0 + sb * SB, SB)])

    prep_start(0, qv0, jv0, buf0, gsem0)

    @pl.loop(0, NBLK, step=2)
    def _pair(g):
        prep_start(g + 1, qv1, jv1, buf1, gsem1)
        finish(g, qv0, jv0, buf0, oblk0, gsem0)

        @pl.when(g + 2 < NBLK)
        def _pre():
            prep_start(g + 2, qv0, jv0, buf0, gsem0)

        finish(g + 1, qv1, jv1, buf1, oblk1, gsem1)


@jax.jit
def _gather2(idxT, packed):
    mesh = plsc.VectorSubcoreMesh(core_axis_name="c", subcore_axis_name="s")
    return pl.kernel(
        _body,
        out_type=jax.ShapeDtypeStruct((SEQ, DIM, NSEQ), jnp.float32),
        mesh=mesh,
        scratch_types=[
            pltpu.VMEM((SEQ, SLAB), jnp.int32),
        ] + 2 * [
            pltpu.VMEM((SB,), jnp.int32),
            pltpu.VMEM((SB,), jnp.int32),
            pltpu.VMEM((SB, 128), jnp.float32),
            pltpu.VMEM((DIM, SB), jnp.float32),
            pltpu.SemaphoreType.DMA,
        ],
        compiler_params=pltpu.CompilerParams(
            use_tc_tiling_on_sc=True, needs_layout_passes=False),
    )(idxT, packed)


def kernel(indices, table):
    packed = _repack(table.T)
    outT = _gather2(indices.T, packed)
    return jnp.transpose(outT, (2, 0, 1))

# --- scband reference (transcript-rebuilt; emitter-appended) ---
"""Pipeline reference for scband-frame-model-18073222381800 (READ-ONLY COPY).

The authoritative reference and input builder live on the scoring server;
editing this copy changes nothing except your own understanding.
"""

import jax, jax.numpy as jnp
import numpy as np

NUM_EMBEDDINGS = 1000000
EMBEDDING_DIM = 64

def setup_inputs(seed: int = 0) -> dict:
    key = jax.random.key(seed)
    k1, k2 = jax.random.split(key)
    indices = jax.random.randint(k1, (16384, 50), 0, NUM_EMBEDDINGS, dtype=jnp.int64 if jax.config.jax_enable_x64 else jnp.int32)
    table = jax.random.normal(k2, (NUM_EMBEDDINGS, EMBEDDING_DIM), dtype=jnp.float32)
    return {"indices": indices, "table": table}

def reference(indices, table):
    # nn.Embedding forward: gather rows of the table
    return jnp.take(table, indices, axis=0)

if __name__ == "__main__":
    import jax
    _d = setup_inputs()
    print(jax.jit(kernel)(*tuple(_d.values())))

</pallas_src>

<mosaic_0001>
#map = affine_map<(d0, d1) -> (0, 0)>
module attributes {stable_mosaic.version = 14 : i64} {
  func.func @_repack_body(%arg0: i32, %arg1: i32, %arg2: memref<64x1000000xf32, #tpu.memory_space<hbm>>, %arg3: memref<500000x128xf32, #tpu.memory_space<hbm>>, %arg4: memref<64x384xf32, #tpu.memory_space<vmem>>, %arg5: memref<192x128xf32, #tpu.memory_space<vmem>>, %arg6: memref<!tpu.dma_semaphore, #tpu.memory_space<semaphore_mem>>, %arg7: memref<!tpu.dma_semaphore, #tpu.memory_space<semaphore_mem>>, %arg8: memref<64x384xf32, #tpu.memory_space<vmem>>, %arg9: memref<192x128xf32, #tpu.memory_space<vmem>>, %arg10: memref<!tpu.dma_semaphore, #tpu.memory_space<semaphore_mem>>, %arg11: memref<!tpu.dma_semaphore, #tpu.memory_space<semaphore_mem>>, %arg12: memref<64x192xf32, #tpu.memory_space<vmem>>) attributes {dimension_semantics = [#tpu.dimension_semantics<core_parallel>, #tpu.dimension_semantics<subcore_parallel>], iteration_bounds = array<i64: 2, 16>, scalar_prefetch = 0 : i64, scratch_operands = 9 : i64, tpu.core_type = #tpu.core_type<sc_vector_subcore>, window_params = [{transform_indices = #map}, {transform_indices = #map}]} {
    %mul3A = arith.constant 2 : i32
    %mul3A_0 = arith.muli %arg1, %mul3A : i32
    %add3A = arith.addi %mul3A_0, %arg0 : i32
    %add3A_1 = arith.constant 0 : i32
    %add3A_2 = arith.addi %add3A, %add3A_1 : i32
    %lt3A = arith.constant 2604 : i32
    %lt3A_3 = arith.cmpi slt, %add3A_2, %lt3A : i32
    %convert_element_type3A = arith.extui %lt3A_3 : i1 to i32
    %cond3A = arith.constant 0 : i32
    %cond3A_4 = arith.cmpi ne, %convert_element_type3A, %cond3A : i32
    scf.if %cond3A_4 {
      %mul3A_49 = arith.constant 384 : i32
      %mul3A_50 = arith.muli %add3A_2, %mul3A_49 : i32
      %dma_start3A_51 = arith.constant 0 : i32
      %dma_start3A_52 = arith.constant 0 : i32
      %dma_start3A_53 = tpu.memref_slice %arg4[%dma_start3A_51, %dma_start3A_52] : memref<64x384xf32, #tpu.memory_space<vmem>> -> memref<16x384xf32, #tpu.memory_space<vmem>>
      %dma_start3A_54 = arith.constant 0 : i32
      %dma_start3A_55 = tpu.memref_slice %arg2[%dma_start3A_54, %mul3A_50] : memref<64x1000000xf32, #tpu.memory_space<hbm>> -> memref<16x384xf32, #tpu.memory_space<hbm>>
      %dma_start3A_56 = arith.constant 0 : i32
      %dma_start3A_57 = arith.constant 0 : i32
      %dma_start3A_58 = tpu.memref_slice %arg4[%dma_start3A_56, %dma_start3A_57] : memref<64x384xf32, #tpu.memory_space<vmem>> -> memref<16x384xf32, #tpu.memory_space<vmem>>
      %dma_start3A_59 = arith.constant 0 : i32
      %dma_start3A_60 = tpu.memref_slice %arg2[%dma_start3A_59, %mul3A_50] : memref<64x1000000xf32, #tpu.memory_space<hbm>> -> memref<16x384xf32, #tpu.memory_space<hbm>>
      tpu.enqueue_dma source(%dma_start3A_60 : memref<16x384xf32, #tpu.memory_space<hbm>>) target(%dma_start3A_58 : memref<16x384xf32, #tpu.memory_space<vmem>>) target_semaphore(%arg6 : memref<!tpu.dma_semaphore, #tpu.memory_space<semaphore_mem>>)
      %mul3A_61 = arith.constant 384 : i32
      %mul3A_62 = arith.muli %add3A_2, %mul3A_61 : i32
      %dma_start3A_63 = arith.constant 16 : i32
      %dma_start3A_64 = arith.constant 0 : i32
      %dma_start3A_65 = tpu.memref_slice %arg4[%dma_start3A_63, %dma_start3A_64] : memref<64x384xf32, #tpu.memory_space<vmem>> -> memref<16x384xf32, #tpu.memory_space<vmem>>
      %dma_start3A_66 = arith.constant 16 : i32
      %dma_start3A_67 = tpu.memref_slice %arg2[%dma_start3A_66, %mul3A_62] : memref<64x1000000xf32, #tpu.memory_space<hbm>> -> memref<16x384xf32, #tpu.memory_space<hbm>>
      %dma_start3A_68 = arith.constant 16 : i32
      %dma_start3A_69 = arith.constant 0 : i32
      %dma_start3A_70 = tpu.memref_slice %arg4[%dma_start3A_68, %dma_start3A_69] : memref<64x384xf32, #tpu.memory_space<vmem>> -> memref<16x384xf32, #tpu.memory_space<vmem>>
      %dma_start3A_71 = arith.constant 16 : i32
      %dma_start3A_72 = tpu.memref_slice %arg2[%dma_start3A_71, %mul3A_62] : memref<64x1000000xf32, #tpu.memory_space<hbm>> -> memref<16x384xf32, #tpu.memory_space<hbm>>
      tpu.enqueue_dma source(%dma_start3A_72 : memref<16x384xf32, #tpu.memory_space<hbm>>) target(%dma_start3A_70 : memref<16x384xf32, #tpu.memory_space<vmem>>) target_semaphore(%arg6 : memref<!tpu.dma_semaphore, #tpu.memory_space<semaphore_mem>>)
      %mul3A_73 = arith.constant 384 : i32
      %mul3A_74 = arith.muli %add3A_2, %mul3A_73 : i32
      %dma_start3A_75 = arith.constant 32 : i32
      %dma_start3A_76 = arith.constant 0 : i32
      %dma_start3A_77 = tpu.memref_slice %arg4[%dma_start3A_75, %dma_start3A_76] : memref<64x384xf32, #tpu.memory_space<vmem>> -> memref<16x384xf32, #tpu.memory_space<vmem>>
      %dma_start3A_78 = arith.constant 32 : i32
      %dma_start3A_79 = tpu.memref_slice %arg2[%dma_start3A_78, %mul3A_74] : memref<64x1000000xf32, #tpu.memory_space<hbm>> -> memref<16x384xf32, #tpu.memory_space<hbm>>
      %dma_start3A_80 = arith.constant 32 : i32
      %dma_start3A_81 = arith.constant 0 : i32
      %dma_start3A_82 = tpu.memref_slice %arg4[%dma_start3A_80, %dma_start3A_81] : memref<64x384xf32, #tpu.memory_space<vmem>> -> memref<16x384xf32, #tpu.memory_space<vmem>>
      %dma_start3A_83 = arith.constant 32 : i32
      %dma_start3A_84 = tpu.memref_slice %arg2[%dma_start3A_83, %mul3A_74] : memref<64x1000000xf32, #tpu.memory_space<hbm>> -> memref<16x384xf32, #tpu.memory_space<hbm>>
      tpu.enqueue_dma source(%dma_start3A_84 : memref<16x384xf32, #tpu.memory_space<hbm>>) target(%dma_start3A_82 : memref<16x384xf32, #tpu.memory_space<vmem>>) target_semaphore(%arg6 : memref<!tpu.dma_semaphore, #tpu.memory_space<semaphore_mem>>)
      %mul3A_85 = arith.constant 384 : i32
      %mul3A_86 = arith.muli %add3A_2, %mul3A_85 : i32
      %dma_start3A_87 = arith.constant 48 : i32
      %dma_start3A_88 = arith.constant 0 : i32
      %dma_start3A_89 = tpu.memref_slice %arg4[%dma_start3A_87, %dma_start3A_88] : memref<64x384xf32, #tpu.memory_space<vmem>> -> memref<16x384xf32, #tpu.memory_space<vmem>>
      %dma_start3A_90 = arith.constant 48 : i32
      %dma_start3A_91 = tpu.memref_slice %arg2[%dma_start3A_90, %mul3A_86] : memref<64x1000000xf32, #tpu.memory_space<hbm>> -> memref<16x384xf32, #tpu.memory_space<hbm>>
      %dma_start3A_92 = arith.constant 48 : i32
      %dma_start3A_93 = arith.constant 0 : i32
      %dma_start3A_94 = tpu.memref_slice %arg4[%dma_start3A_92, %dma_start3A_93] : memref<64x384xf32, #tpu.memory_space<vmem>> -> memref<16x384xf32, #tpu.memory_space<vmem>>
      %dma_start3A_95 = arith.constant 48 : i32
      %dma_start3A_96 = tpu.memref_slice %arg2[%dma_start3A_95, %mul3A_86] : memref<64x1000000xf32, #tpu.memory_space<hbm>> -> memref<16x384xf32, #tpu.memory_space<hbm>>
      tpu.enqueue_dma source(%dma_start3A_96 : memref<16x384xf32, #tpu.memory_space<hbm>>) target(%dma_start3A_94 : memref<16x384xf32, #tpu.memory_space<vmem>>) target_semaphore(%arg6 : memref<!tpu.dma_semaphore, #tpu.memory_space<semaphore_mem>>)
    } else {
    }
    %add3A_5 = arith.constant 32 : i32
    %add3A_6 = arith.addi %add3A, %add3A_5 : i32
    %lt3A_7 = arith.constant 2604 : i32
    %lt3A_8 = arith.cmpi slt, %add3A_6, %lt3A_7 : i32
    %convert_element_type3A_9 = arith.extui %lt3A_8 : i1 to i32
    %cond3A_10 = arith.constant 0 : i32
    %cond3A_11 = arith.cmpi ne, %convert_element_type3A_9, %cond3A_10 : i32
    scf.if %cond3A_11 {
      %mul3A_49 = arith.constant 384 : i32
      %mul3A_50 = arith.muli %add3A_6, %mul3A_49 : i32
      %dma_start3A_51 = arith.constant 0 : i32
      %dma_start3A_52 = arith.constant 0 : i32
      %dma_start3A_53 = tpu.memref_slice %arg8[%dma_start3A_51, %dma_start3A_52] : memref<64x384xf32, #tpu.memory_space<vmem>> -> memref<16x384xf32, #tpu.memory_space<vmem>>
      %dma_start3A_54 = arith.constant 0 : i32
      %dma_start3A_55 = tpu.memref_slice %arg2[%dma_start3A_54, %mul3A_50] : memref<64x1000000xf32, #tpu.memory_space<hbm>> -> memref<16x384xf32, #tpu.memory_space<hbm>>
      %dma_start3A_56 = arith.constant 0 : i32
      %dma_start3A_57 = arith.constant 0 : i32
      %dma_start3A_58 = tpu.memref_slice %arg8[%dma_start3A_56, %dma_start3A_57] : memref<64x384xf32, #tpu.memory_space<vmem>> -> memref<16x384xf32, #tpu.memory_space<vmem>>
      %dma_start3A_59 = arith.constant 0 : i32
      %dma_start3A_60 = tpu.memref_slice %arg2[%dma_start3A_59, %mul3A_50] : memref<64x1000000xf32, #tpu.memory_space<hbm>> -> memref<16x384xf32, #tpu.memory_space<hbm>>
      tpu.enqueue_dma source(%dma_start3A_60 : memref<16x384xf32, #tpu.memory_space<hbm>>) target(%dma_start3A_58 : memref<16x384xf32, #tpu.memory_space<vmem>>) target_semaphore(%arg10 : memref<!tpu.dma_semaphore, #tpu.memory_space<semaphore_mem>>)
      %mul3A_61 = arith.constant 384 : i32
      %mul3A_62 = arith.muli %add3A_6, %mul3A_61 : i32
      %dma_start3A_63 = arith.constant 16 : i32
      %dma_start3A_64 = arith.constant 0 : i32
      %dma_start3A_65 = tpu.memref_slice %arg8[%dma_start3A_63, %dma_start3A_64] : memref<64x384xf32, #tpu.memory_space<vmem>> -> memref<16x384xf32, #tpu.memory_space<vmem>>
      %dma_start3A_66 = arith.constant 16 : i32
      %dma_start3A_67 = tpu.memref_slice %arg2[%dma_start3A_66, %mul3A_62] : memref<64x1000000xf32, #tpu.memory_space<hbm>> -> memref<16x384xf32, #tpu.memory_space<hbm>>
      %dma_start3A_68 = arith.constant 16 : i32
      %dma_start3A_69 = arith.constant 0 : i32
      %dma_start3A_70 = tpu.memref_slice %arg8[%dma_start3A_68, %dma_start3A_69] : memref<64x384xf32, #tpu.memory_space<vmem>> -> memref<16x384xf32, #tpu.memory_space<vmem>>
      %dma_start3A_71 = arith.constant 16 : i32
      %dma_start3A_72 = tpu.memref_slice %arg2[%dma_start3A_71, %mul3A_62] : memref<64x1000000xf32, #tpu.memory_space<hbm>> -> memref<16x384xf32, #tpu.memory_space<hbm>>
      tpu.enqueue_dma source(%dma_start3A_72 : memref<16x384xf32, #tpu.memory_space<hbm>>) target(%dma_start3A_70 : memref<16x384xf32, #tpu.memory_space<vmem>>) target_semaphore(%arg10 : memref<!tpu.dma_semaphore, #tpu.memory_space<semaphore_mem>>)
      %mul3A_73 = arith.constant 384 : i32
      %mul3A_74 = arith.muli %add3A_6, %mul3A_73 : i32
      %dma_start3A_75 = arith.constant 32 : i32
      %dma_start3A_76 = arith.constant 0 : i32
      %dma_start3A_77 = tpu.memref_slice %arg8[%dma_start3A_75, %dma_start3A_76] : memref<64x384xf32, #tpu.memory_space<vmem>> -> memref<16x384xf32, #tpu.memory_space<vmem>>
      %dma_start3A_78 = arith.constant 32 : i32
      %dma_start3A_79 = tpu.memref_slice %arg2[%dma_start3A_78, %mul3A_74] : memref<64x1000000xf32, #tpu.memory_space<hbm>> -> memref<16x384xf32, #tpu.memory_space<hbm>>
      %dma_start3A_80 = arith.constant 32 : i32
      %dma_start3A_81 = arith.constant 0 : i32
      %dma_start3A_82 = tpu.memref_slice %arg8[%dma_start3A_80, %dma_start3A_81] : memref<64x384xf32, #tpu.memory_space<vmem>> -> memref<16x384xf32, #tpu.memory_space<vmem>>
      %dma_start3A_83 = arith.constant 32 : i32
      %dma_start3A_84 = tpu.memref_slice %arg2[%dma_start3A_83, %mul3A_74] : memref<64x1000000xf32, #tpu.memory_space<hbm>> -> memref<16x384xf32, #tpu.memory_space<hbm>>
      tpu.enqueue_dma source(%dma_start3A_84 : memref<16x384xf32, #tpu.memory_space<hbm>>) target(%dma_start3A_82 : memref<16x384xf32, #tpu.memory_space<vmem>>) target_semaphore(%arg10 : memref<!tpu.dma_semaphore, #tpu.memory_space<semaphore_mem>>)
      %mul3A_85 = arith.constant 384 : i32
      %mul3A_86 = arith.muli %add3A_6, %mul3A_85 : i32
      %dma_start3A_87 = arith.constant 48 : i32
      %dma_start3A_88 = arith.constant 0 : i32
      %dma_start3A_89 = tpu.memref_slice %arg8[%dma_start3A_87, %dma_start3A_88] : memref<64x384xf32, #tpu.memory_space<vmem>> -> memref<16x384xf32, #tpu.memory_space<vmem>>
      %dma_start3A_90 = arith.constant 48 : i32
      %dma_start3A_91 = tpu.memref_slice %arg2[%dma_start3A_90, %mul3A_86] : memref<64x1000000xf32, #tpu.memory_space<hbm>> -> memref<16x384xf32, #tpu.memory_space<hbm>>
      %dma_start3A_92 = arith.constant 48 : i32
      %dma_start3A_93 = arith.constant 0 : i32
      %dma_start3A_94 = tpu.memref_slice %arg8[%dma_start3A_92, %dma_start3A_93] : memref<64x384xf32, #tpu.memory_space<vmem>> -> memref<16x384xf32, #tpu.memory_space<vmem>>
      %dma_start3A_95 = arith.constant 48 : i32
      %dma_start3A_96 = tpu.memref_slice %arg2[%dma_start3A_95, %mul3A_86] : memref<64x1000000xf32, #tpu.memory_space<hbm>> -> memref<16x384xf32, #tpu.memory_space<hbm>>
      tpu.enqueue_dma source(%dma_start3A_96 : memref<16x384xf32, #tpu.memory_space<hbm>>) target(%dma_start3A_94 : memref<16x384xf32, #tpu.memory_space<vmem>>) target_semaphore(%arg10 : memref<!tpu.dma_semaphore, #tpu.memory_space<semaphore_mem>>)
    } else {
    }
    %add3A_12 = arith.constant 0 : i32
    %add3A_13 = arith.addi %add3A, %add3A_12 : i32
    %mul3A_14 = arith.constant 192 : i32
    %mul3A_15 = arith.muli %add3A_13, %mul3A_14 : i32
    %dma_start3A = arith.constant 0 : i32
    %dma_start3A_16 = tpu.memref_slice %arg3[%mul3A_15, %dma_start3A] : memref<500000x128xf32, #tpu.memory_space<hbm>> -> memref<192x128xf32, #tpu.memory_space<hbm>>
    %dma_start3A_17 = arith.constant 0 : i32
    %dma_start3A_18 = tpu.memref_slice %arg3[%mul3A_15, %dma_start3A_17] : memref<500000x128xf32, #tpu.memory_space<hbm>> -> memref<192x128xf32, #tpu.memory_space<hbm>>
    tpu.enqueue_dma source(%arg5 : memref<192x128xf32, #tpu.memory_space<vmem>>) target(%dma_start3A_18 : memref<192x128xf32, #tpu.memory_space<hbm>>) target_semaphore(%arg7 : memref<!tpu.dma_semaphore, #tpu.memory_space<semaphore_mem>>)
    %add3A_19 = arith.constant 32 : i32
    %add3A_20 = arith.addi %add3A, %add3A_19 : i32
    %mul3A_21 = arith.constant 192 : i32
    %mul3A_22 = arith.muli %add3A_20, %mul3A_21 : i32
    %dma_start3A_23 = arith.constant 0 : i32
    %dma_start3A_24 = tpu.memref_slice %arg3[%mul3A_22, %dma_start3A_23] : memref<500000x128xf32, #tpu.memory_space<hbm>> -> memref<192x128xf32, #tpu.memory_space<hbm>>
    %dma_start3A_25 = arith.constant 0 : i32
    %dma_start3A_26 = tpu.memref_slice %arg3[%mul3A_22, %dma_start3A_25] : memref<500000x128xf32, #tpu.memory_space<hbm>> -> memref<192x128xf32, #tpu.memory_space<hbm>>
    tpu.enqueue_dma source(%arg9 : memref<192x128xf32, #tpu.memory_space<vmem>>) target(%dma_start3A_26 : memref<192x128xf32, #tpu.memory_space<hbm>>) target_semaphore(%arg11 : memref<!tpu.dma_semaphore, #tpu.memory_space<semaphore_mem>>)
    %scan3A = arith.constant 0 : i32
    %scan3A_27 = arith.constant 41 : i32
    %scan3A_28 = arith.addi %scan3A, %scan3A_27 : i32
    %scan3A_29 = arith.constant 1 : i32
    scf.for %scan3A_49 = %scan3A to %scan3A_28 step %scan3A_29  : i32 {
      %mul3A_50 = arith.constant 2 : i32
      %mul3A_51 = arith.muli %scan3A_49, %mul3A_50 : i32
      %add3A_52 = arith.constant 0 : i32
      %add3A_53 = arith.addi %add3A_52, %mul3A_51 : i32
      %mul3A_54 = arith.constant 32 : i32
      %mul3A_55 = arith.muli %add3A_53, %mul3A_54 : i32
      %add3A_56 = arith.addi %add3A, %mul3A_55 : i32
      %lt3A_57 = arith.constant 2604 : i32
      %lt3A_58 = arith.cmpi slt, %add3A_56, %lt3A_57 : i32
      %convert_element_type3A_59 = arith.extui %lt3A_58 : i1 to i32
      %cond3A_60 = arith.constant 0 : i32
      %cond3A_61 = arith.cmpi ne, %convert_element_type3A_59, %cond3A_60 : i32
      scf.if %cond3A_61 {
        %dma_wait3A = arith.constant 0 : i32
        %dma_wait3A_92 = arith.constant 0 : i32
        %dma_wait3A_93 = tpu.memref_slice %arg3[%dma_wait3A, %dma_wait3A_92] : memref<500000x128xf32, #tpu.memory_space<hbm>> -> memref<192x128xf32, #tpu.memory_space<hbm>>
        %dma_wait3A_94 = arith.constant 0 : i32
        %dma_wait3A_95 = arith.constant 0 : i32
        %dma_wait3A_96 = tpu.memref_slice %arg3[%dma_wait3A_94, %dma_wait3A_95] : memref<500000x128xf32, #tpu.memory_space<hbm>> -> memref<192x128xf32, #tpu.memory_space<hbm>>
        tpu.wait_dma2 semaphore(%arg7 : memref<!tpu.dma_semaphore, #tpu.memory_space<semaphore_mem>>) src(%arg5 : memref<192x128xf32, #tpu.memory_space<vmem>>) dst(%dma_wait3A_96 : memref<192x128xf32, #tpu.memory_space<hbm>>)
        %mul3A_97 = arith.constant 384 : i32
        %mul3A_98 = arith.muli %add3A_56, %mul3A_97 : i32
        %dma_wait3A_99 = arith.constant 0 : i32
        %dma_wait3A_100 = arith.constant 0 : i32
        %dma_wait3A_101 = tpu.memref_slice %arg4[%dma_wait3A_99, %dma_wait3A_100] : memref<64x384xf32, #tpu.memory_space<vmem>> -> memref<16x384xf32, #tpu.memory_space<vmem>>
        %dma_wait3A_102 = arith.constant 0 : i32
        %dma_wait3A_103 = tpu.memref_slice %arg2[%dma_wait3A_102, %mul3A_98] : memref<64x1000000xf32, #tpu.memory_space<hbm>> -> memref<16x384xf32, #tpu.memory_space<hbm>>
        %dma_wait3A_104 = arith.constant 0 : i32
        %dma_wait3A_105 = arith.constant 0 : i32
        %dma_wait3A_106 = tpu.memref_slice %arg4[%dma_wait3A_104, %dma_wait3A_105] : memref<64x384xf32, #tpu.memory_space<vmem>> -> memref<16x384xf32, #tpu.memory_space<vmem>>
        %dma_wait3A_107 = arith.constant 0 : i32
        %dma_wait3A_108 = tpu.memref_slice %arg2[%dma_wait3A_107, %mul3A_98] : memref<64x1000000xf32, #tpu.memory_space<hbm>> -> memref<16x384xf32, #tpu.memory_space<hbm>>
        tpu.wait_dma2 semaphore(%arg6 : memref<!tpu.dma_semaphore, #tpu.memory_space<semaphore_mem>>) src(%dma_wait3A_108 : memref<16x384xf32, #tpu.memory_space<hbm>>) dst(%dma_wait3A_106 : memref<16x384xf32, #tpu.memory_space<vmem>>)
        %mul3A_109 = arith.constant 384 : i32
        %mul3A_110 = arith.muli %add3A_56, %mul3A_109 : i32
        %dma_wait3A_111 = arith.constant 16 : i32
        %dma_wait3A_112 = arith.constant 0 : i32
        %dma_wait3A_113 = tpu.memref_slice %arg4[%dma_wait3A_111, %dma_wait3A_112] : memref<64x384xf32, #tpu.memory_space<vmem>> -> memref<16x384xf32, #tpu.memory_space<vmem>>
        %dma_wait3A_114 = arith.constant 16 : i32
        %dma_wait3A_115 = tpu.memref_slice %arg2[%dma_wait3A_114, %mul3A_110] : memref<64x1000000xf32, #tpu.memory_space<hbm>> -> memref<16x384xf32, #tpu.memory_space<hbm>>
        %dma_wait3A_116 = arith.constant 16 : i32
        %dma_wait3A_117 = arith.constant 0 : i32
        %dma_wait3A_118 = tpu.memref_slice %arg4[%dma_wait3A_116, %dma_wait3A_117] : memref<64x384xf32, #tpu.memory_space<vmem>> -> memref<16x384xf32, #tpu.memory_space<vmem>>
        %dma_wait3A_119 = arith.constant 16 : i32
        %dma_wait3A_120 = tpu.memref_slice %arg2[%dma_wait3A_119, %mul3A_110] : memref<64x1000000xf32, #tpu.memory_space<hbm>> -> memref<16x384xf32, #tpu.memory_space<hbm>>
        tpu.wait_dma2 semaphore(%arg6 : memref<!tpu.dma_semaphore, #tpu.memory_space<semaphore_mem>>) src(%dma_wait3A_120 : memref<16x384xf32, #tpu.memory_space<hbm>>) dst(%dma_wait3A_118 : memref<16x384xf32, #tpu.memory_space<vmem>>)
        %mul3A_121 = arith.constant 384 : i32
        %mul3A_122 = arith.muli %add3A_56, %mul3A_121 : i32
        %dma_wait3A_123 = arith.constant 32 : i32
        %dma_wait3A_124 = arith.constant 0 : i32
        %dma_wait3A_125 = tpu.memref_slice %arg4[%dma_wait3A_123, %dma_wait3A_124] : memref<64x384xf32, #tpu.memory_space<vmem>> -> memref<16x384xf32, #tpu.memory_space<vmem>>
        %dma_wait3A_126 = arith.constant 32 : i32
        %dma_wait3A_127 = tpu.memref_slice %arg2[%dma_wait3A_126, %mul3A_122] : memref<64x1000000xf32, #tpu.memory_space<hbm>> -> memref<16x384xf32, #tpu.memory_space<hbm>>
        %dma_wait3A_128 = arith.constant 32 : i32
        %dma_wait3A_129 = arith.constant 0 : i32
        %dma_wait3A_130 = tpu.memref_slice %arg4[%dma_wait3A_128, %dma_wait3A_129] : memref<64x384xf32, #tpu.memory_space<vmem>> -> memref<16x384xf32, #tpu.memory_space<vmem>>
        %dma_wait3A_131 = arith.constant 32 : i32
        %dma_wait3A_132 = tpu.memref_slice %arg2[%dma_wait3A_131, %mul3A_122] : memref<64x1000000xf32, #tpu.memory_space<hbm>> -> memref<16x384xf32, #tpu.memory_space<hbm>>
        tpu.wait_dma2 semaphore(%arg6 : memref<!tpu.dma_semaphore, #tpu.memory_space<semaphore_mem>>) src(%dma_wait3A_132 : memref<16x384xf32, #tpu.memory_space<hbm>>) dst(%dma_wait3A_130 : memref<16x384xf32, #tpu.memory_space<vmem>>)
        %mul3A_133 = arith.constant 384 : i32
        %mul3A_134 = arith.muli %add3A_56, %mul3A_133 : i32
        %dma_wait3A_135 = arith.constant 48 : i32
        %dma_wait3A_136 = arith.constant 0 : i32
        %dma_wait3A_137 = tpu.memref_slice %arg4[%dma_wait3A_135, %dma_wait3A_136] : memref<64x384xf32, #tpu.memory_space<vmem>> -> memref<16x384xf32, #tpu.memory_space<vmem>>
        %dma_wait3A_138 = arith.constant 48 : i32
        %dma_wait3A_139 = tpu.memref_slice %arg2[%dma_wait3A_138, %mul3A_134] : memref<64x1000000xf32, #tpu.memory_space<hbm>> -> memref<16x384xf32, #tpu.memory_space<hbm>>
        %dma_wait3A_140 = arith.constant 48 : i32
        %dma_wait3A_141 = arith.constant 0 : i32
        %dma_wait3A_142 = tpu.memref_slice %arg4[%dma_wait3A_140, %dma_wait3A_141] : memref<64x384xf32, #tpu.memory_space<vmem>> -> memref<16x384xf32, #tpu.memory_space<vmem>>
        %dma_wait3A_143 = arith.constant 48 : i32
        %dma_wait3A_144 = tpu.memref_slice %arg2[%dma_wait3A_143, %mul3A_134] : memref<64x1000000xf32, #tpu.memory_space<hbm>> -> memref<16x384xf32, #tpu.memory_space<hbm>>
        tpu.wait_dma2 semaphore(%arg6 : memref<!tpu.dma_semaphore, #tpu.memory_space<semaphore_mem>>) src(%dma_wait3A_144 : memref<16x384xf32, #tpu.memory_space<hbm>>) dst(%dma_wait3A_142 : memref<16x384xf32, #tpu.memory_space<vmem>>)
        %iota3A = tpu.iota {dimensions = array<i32: 0>} : vector<16xi32>
        %shift_right_logical3A = arith.constant 1 : i32
        %shift_right_logical3A_145 = vector.broadcast %shift_right_logical3A : i32 to vector<16xi32>
        %shift_right_logical3A_146 = arith.shrui %iota3A, %shift_right_logical3A_145 : vector<16xi32>
        %and3A = arith.constant 1 : i32
        %and3A_147 = vector.broadcast %and3A : i32 to vector<16xi32>
        %and3A_148 = arith.andi %iota3A, %and3A_147 : vector<16xi32>
        %mul3A_149 = arith.constant 64 : i32
        %mul3A_150 = vector.broadcast %mul3A_149 : i32 to vector<16xi32>
        %mul3A_151 = arith.muli %mul3A_150, %and3A_148 : vector<16xi32>
        %parallel_loop3A = arith.constant 0 : i32
        %parallel_loop3A_152 = arith.constant 24 : i32
        %parallel_loop3A_153 = arith.constant 1 : i32
        scf.for %parallel_loop3A_160 = %parallel_loop3A to %parallel_loop3A_152 step %parallel_loop3A_153  : i32 {
          %parallel_loop3A_161 = arith.constant 16 : i32
          %parallel_loop3A_162 = arith.muli %parallel_loop3A_160, %parallel_loop3A_161 : i32
          %parallel_loop3A_163 = vector.broadcast %parallel_loop3A_162 : i32 to vector<16xi32>
          %parallel_loop3A_164 = arith.addi %parallel_loop3A_163, %iota3A : vector<16xi32>
          %parallel_loop3A_165 = arith.constant 8 : i32
          %parallel_loop3A_166 = arith.muli %parallel_loop3A_160, %parallel_loop3A_165 : i32
          %parallel_loop3A_167 = vector.broadcast %parallel_loop3A_166 : i32 to vector<16xi32>
          %parallel_loop3A_168 = arith.addi %parallel_loop3A_167, %shift_right_logical3A_146 : vector<16xi32>
          %parallel_loop3A_169 = arith.constant 0 : i32
          %parallel_loop3A_170 = vector.broadcast %parallel_loop3A_169 : i32 to vector<16xi32>
          %parallel_loop3A_171 = arith.addi %iota3A, %parallel_loop3A_170 : vector<16xi32>
          %parallel_loop3A_172 = arith.constant 15 : i32
          %parallel_loop3A_173 = vector.broadcast %parallel_loop3A_172 : i32 to vector<16xi32>
          %parallel_loop3A_174 = arith.andi %parallel_loop3A_171, %parallel_loop3A_173 : vector<16xi32>
          %parallel_loop3A_175 = arith.constant 0 : i32
          %parallel_loop3A_176 = vector.broadcast %parallel_loop3A_175 : i32 to vector<16xi32>
          %parallel_loop3A_177 = arith.addi %parallel_loop3A_176, %parallel_loop3A_174 : vector<16xi32>
          %parallel_loop3A_178 = tpu.vector_load_idx %arg4[%parallel_loop3A_177, %parallel_loop3A_164] : memref<64x384xf32, #tpu.memory_space<vmem>>[vector<16xi32>, vector<16xi32>], vector<16xf32>,
          %parallel_loop3A_179 = arith.constant 0 : i32
          %parallel_loop3A_180 = vector.broadcast %parallel_loop3A_179 : i32 to vector<16xi32>
          %parallel_loop3A_181 = arith.addi %mul3A_151, %parallel_loop3A_180 : vector<16xi32>
          %parallel_loop3A_182 = arith.addi %parallel_loop3A_181, %parallel_loop3A_174 : vector<16xi32>
          tpu.vector_store_idx %arg5[%parallel_loop3A_168, %parallel_loop3A_182], %parallel_loop3A_178 : memref<192x128xf32, #tpu.memory_space<vmem>>[vector<16xi32>, vector<16xi32>], vector<16xf32>,
          %parallel_loop3A_183 = arith.constant 1 : i32
          %parallel_loop3A_184 = vector.broadcast %parallel_loop3A_183 : i32 to vector<16xi32>
          %parallel_loop3A_185 = arith.addi %iota3A, %parallel_loop3A_184 : vector<16xi32>
          %parallel_loop3A_186 = arith.constant 15 : i32
          %parallel_loop3A_187 = vector.broadcast %parallel_loop3A_186 : i32 to vector<16xi32>
          %parallel_loop3A_188 = arith.andi %parallel_loop3A_185, %parallel_loop3A_187 : vector<16xi32>
          %parallel_loop3A_189 = arith.constant 0 : i32
          %parallel_loop3A_190 = vector.broadcast %parallel_loop3A_189 : i32 to vector<16xi32>
          %parallel_loop3A_191 = arith.addi %parallel_loop3A_190, %parallel_loop3A_188 : vector<16xi32>
          %parallel_loop3A_192 = tpu.vector_load_idx %arg4[%parallel_loop3A_191, %parallel_loop3A_164] : memref<64x384xf32, #tpu.memory_space<vmem>>[vector<16xi32>, vector<16xi32>], vector<16xf32>,
          %parallel_loop3A_193 = arith.constant 0 : i32
          %parallel_loop3A_194 = vector.broadcast %parallel_loop3A_193 : i32 to vector<16xi32>
          %parallel_loop3A_195 = arith.addi %mul3A_151, %parallel_loop3A_194 : vector<16xi32>
          %parallel_loop3A_196 = arith.addi %parallel_loop3A_195, %parallel_loop3A_188 : vector<16xi32>
          tpu.vector_store_idx %arg5[%parallel_loop3A_168, %parallel_loop3A_196], %parallel_loop3A_192 : memref<192x128xf32, #tpu.memory_space<vmem>>[vector<16xi32>, vector<16xi32>], vector<16xf32>,
          %parallel_loop3A_197 = arith.constant 2 : i32
          %parallel_loop3A_198 = vector.broadcast %parallel_loop3A_197 : i32 to vector<16xi32>
          %parallel_loop3A_199 = arith.addi %iota3A, %parallel_loop3A_198 : vector<16xi32>
          %parallel_loop3A_200 = arith.constant 15 : i32
          %parallel_loop3A_201 = vector.broadcast %parallel_loop3A_200 : i32 to vector<16xi32>
          %parallel_loop3A_202 = arith.andi %parallel_loop3A_199, %parallel_loop3A_201 : vector<16xi32>
          %parallel_loop3A_203 = arith.constant 0 : i32
          %parallel_loop3A_204 = vector.broadcast %parallel_loop3A_203 : i32 to vector<16xi32>
          %parallel_loop3A_205 = arith.addi %parallel_loop3A_204, %parallel_loop3A_202 : vector<16xi32>
          %parallel_loop3A_206 = tpu.vector_load_idx %arg4[%parallel_loop3A_205, %parallel_loop3A_164] : memref<64x384xf32, #tpu.memory_space<vmem>>[vector<16xi32>, vector<16xi32>], vector<16xf32>,
          %parallel_loop3A_207 = arith.constant 0 : i32
          %parallel_loop3A_208 = vector.broadcast %parallel_loop3A_207 : i32 to vector<16xi32>
          %parallel_loop3A_209 = arith.addi %mul3A_151, %parallel_loop3A_208 : vector<16xi32>
          %parallel_loop3A_210 = arith.addi %parallel_loop3A_209, %parallel_loop3A_202 : vector<16xi32>
          tpu.vector_store_idx %arg5[%parallel_loop3A_168, %parallel_loop3A_210], %parallel_loop3A_206 : memref<192x128xf32, #tpu.memory_space<vmem>>[vector<16xi32>, vector<16xi32>], vector<16xf32>,
          %parallel_loop3A_211 = arith.constant 3 : i32
          %parallel_loop3A_212 = vector.broadcast %parallel_loop3A_211 : i32 to vector<16xi32>
          %parallel_loop3A_213 = arith.addi %iota3A, %parallel_loop3A_212 : vector<16xi32>
          %parallel_loop3A_214 = arith.constant 15 : i32
          %parallel_loop3A_215 = vector.broadcast %parallel_loop3A_214 : i32 to vector<16xi32>
          %parallel_loop3A_216 = arith.andi %parallel_loop3A_213, %parallel_loop3A_215 : vector<16xi32>
          %parallel_loop3A_217 = arith.constant 0 : i32
          %parallel_loop3A_218 = vector.broadcast %parallel_loop3A_217 : i32 to vector<16xi32>
          %parallel_loop3A_219 = arith.addi %parallel_loop3A_218, %parallel_loop3A_216 : vector<16xi32>
          %parallel_loop3A_220 = tpu.vector_load_idx %arg4[%parallel_loop3A_219, %parallel_loop3A_164] : memref<64x384xf32, #tpu.memory_space<vmem>>[vector<16xi32>, vector<16xi32>], vector<16xf32>,
          %parallel_loop3A_221 = arith.constant 0 : i32
          %parallel_loop3A_222 = vector.broadcast %parallel_loop3A_221 : i32 to vector<16xi32>
          %parallel_loop3A_223 = arith.addi %mul3A_151, %parallel_loop3A_222 : vector<16xi32>
          %parallel_loop3A_224 = arith.addi %parallel_loop3A_223, %parallel_loop3A_216 : vector<16xi32>
          tpu.vector_store_idx %arg5[%parallel_loop3A_168, %parallel_loop3A_224], %parallel_loop3A_220 : memref<192x128xf32, #tpu.memory_space<vmem>>[vector<16xi32>, vector<16xi32>], vector<16xf32>,
          %parallel_loop3A_225 = arith.constant 4 : i32
          %parallel_loop3A_226 = vector.broadcast %parallel_loop3A_225 : i32 to vector<16xi32>
          %parallel_loop3A_227 = arith.addi %iota3A, %parallel_loop3A_226 : vector<16xi32>
          %parallel_loop3A_228 = arith.constant 15 : i32
          %parallel_loop3A_229 = vector.broadcast %parallel_loop3A_228 : i32 to vector<16xi32>
          %parallel_loop3A_230 = arith.andi %parallel_loop3A_227, %parallel_loop3A_229 : vector<16xi32>
          %parallel_loop3A_231 = arith.constant 0 : i32
          %parallel_loop3A_232 = vector.broadcast %parallel_loop3A_231 : i32 to vector<16xi32>
          %parallel_loop3A_233 = arith.addi %parallel_loop3A_232, %parallel_loop3A_230 : vector<16xi32>
          %parallel_loop3A_234 = tpu.vector_load_idx %arg4[%parallel_loop3A_233, %parallel_loop3A_164] : memref<64x384xf32, #tpu.memory_space<vmem>>[vector<16xi32>, vector<16xi32>], vector<16xf32>,
          %parallel_loop3A_235 = arith.constant 0 : i32
          %parallel_loop3A_236 = vector.broadcast %parallel_loop3A_235 : i32 to vector<16xi32>
          %parallel_loop3A_237 = arith.addi %mul3A_151, %parallel_loop3A_236 : vector<16xi32>
          %parallel_loop3A_238 = arith.addi %parallel_loop3A_237, %parallel_loop3A_230 : vector<16xi32>
          tpu.vector_store_idx %arg5[%parallel_loop3A_168, %parallel_loop3A_238], %parallel_loop3A_234 : memref<192x128xf32, #tpu.memory_space<vmem>>[vector<16xi32>, vector<16xi32>], vector<16xf32>,
          %parallel_loop3A_239 = arith.constant 5 : i32
          %parallel_loop3A_240 = vector.broadcast %parallel_loop3A_239 : i32 to vector<16xi32>
          %parallel_loop3A_241 = arith.addi %iota3A, %parallel_loop3A_240 : vector<16xi32>
          %parallel_loop3A_242 = arith.constant 15 : i32
          %parallel_loop3A_243 = vector.broadcast %parallel_loop3A_242 : i32 to vector<16xi32>
          %parallel_loop3A_244 = arith.andi %parallel_loop3A_241, %parallel_loop3A_243 : vector<16xi32>
          %parallel_loop3A_245 = arith.constant 0 : i32
          %parallel_loop3A_246 = vector.broadcast %parallel_loop3A_245 : i32 to vector<16xi32>
          %parallel_loop3A_247 = arith.addi %parallel_loop3A_246, %parallel_loop3A_244 : vector<16xi32>
          %parallel_loop3A_248 = tpu.vector_load_idx %arg4[%parallel_loop3A_247, %parallel_loop3A_164] : memref<64x384xf32, #tpu.memory_space<vmem>>[vector<16xi32>, vector<16xi32>], vector<16xf32>,
          %parallel_loop3A_249 = arith.constant 0 : i32
          %parallel_loop3A_250 = vector.broadcast %parallel_loop3A_249 : i32 to vector<16xi32>
          %parallel_loop3A_251 = arith.addi %mul3A_151, %parallel_loop3A_250 : vector<16xi32>
          %parallel_loop3A_252 = arith.addi %parallel_loop3A_251, %parallel_loop3A_244 : vector<16xi32>
          tpu.vector_store_idx %arg5[%parallel_loop3A_168, %parallel_loop3A_252], %parallel_loop3A_248 : memref<192x128xf32, #tpu.memory_space<vmem>>[vector<16xi32>, vector<16xi32>], vector<16xf32>,
          %parallel_loop3A_253 = arith.constant 6 : i32
          %parallel_loop3A_254 = vector.broadcast %parallel_loop3A_253 : i32 to vector<16xi32>
          %parallel_loop3A_255 = arith.addi %iota3A, %parallel_loop3A_254 : vector<16xi32>
          %parallel_loop3A_256 = arith.constant 15 : i32
          %parallel_loop3A_257 = vector.broadcast %parallel_loop3A_256 : i32 to vector<16xi32>
          %parallel_loop3A_258 = arith.andi %parallel_loop3A_255, %parallel_loop3A_257 : vector<16xi32>
          %parallel_loop3A_259 = arith.constant 0 : i32
          %parallel_loop3A_260 = vector.broadcast %parallel_loop3A_259 : i32 to vector<16xi32>
          %parallel_loop3A_261 = arith.addi %parallel_loop3A_260, %parallel_loop3A_258 : vector<16xi32>
          %parallel_loop3A_262 = tpu.vector_load_idx %arg4[%parallel_loop3A_261, %parallel_loop3A_164] : memref<64x384xf32, #tpu.memory_space<vmem>>[vector<16xi32>, vector<16xi32>], vector<16xf32>,
          %parallel_loop3A_263 = arith.constant 0 : i32
          %parallel_loop3A_264 = vector.broadcast %parallel_loop3A_263 : i32 to vector<16xi32>
          %parallel_loop3A_265 = arith.addi %mul3A_151, %parallel_loop3A_264 : vector<16xi32>
          %parallel_loop3A_266 = arith.addi %parallel_loop3A_265, %parallel_loop3A_258 : vector<16xi32>
          tpu.vector_store_idx %arg5[%parallel_loop3A_168, %parallel_loop3A_266], %parallel_loop3A_262 : memref<192x128xf32, #tpu.memory_space<vmem>>[vector<16xi32>, vector<16xi32>], vector<16xf32>,
          %parallel_loop3A_267 = arith.constant 7 : i32
          %parallel_loop3A_268 = vector.broadcast %parallel_loop3A_267 : i32 to vector<16xi32>
          %parallel_loop3A_269 = arith.addi %iota3A, %parallel_loop3A_268 : vector<16xi32>
          %parallel_loop3A_270 = arith.constant 15 : i32
          %parallel_loop3A_271 = vector.broadcast %parallel_loop3A_270 : i32 to vector<16xi32>
          %parallel_loop3A_272 = arith.andi %parallel_loop3A_269, %parallel_loop3A_271 : vector<16xi32>
          %parallel_loop3A_273 = arith.constant 0 : i32
          %parallel_loop3A_274 = vector.broadcast %parallel_loop3A_273 : i32 to vector<16xi32>
          %parallel_loop3A_275 = arith.addi %parallel_loop3A_274, %parallel_loop3A_272 : vector<16xi32>
          %parallel_loop3A_276 = tpu.vector_load_idx %arg4[%parallel_loop3A_275, %parallel_loop3A_164] : memref<64x384xf32, #tpu.memory_space<vmem>>[vector<16xi32>, vector<16xi32>], vector<16xf32>,
          %parallel_loop3A_277 = arith.constant 0 : i32
          %parallel_loop3A_278 = vector.broadcast %parallel_loop3A_277 : i32 to vector<16xi32>
          %parallel_loop3A_279 = arith.addi %mul3A_151, %parallel_loop3A_278 : vector<16xi32>
          %parallel_loop3A_280 = arith.addi %parallel_loop3A_279, %parallel_loop3A_272 : vector<16xi32>
          tpu.vector_store_idx %arg5[%parallel_loop3A_168, %parallel_loop3A_280], %parallel_loop3A_276 : memref<192x128xf32, #tpu.memory_space<vmem>>[vector<16xi32>, vector<16xi32>], vector<16xf32>,
          %parallel_loop3A_281 = arith.constant 8 : i32
          %parallel_loop3A_282 = vector.broadcast %parallel_loop3A_281 : i32 to vector<16xi32>
          %parallel_loop3A_283 = arith.addi %iota3A, %parallel_loop3A_282 : vector<16xi32>
          %parallel_loop3A_284 = arith.constant 15 : i32
          %parallel_loop3A_285 = vector.broadcast %parallel_loop3A_284 : i32 to vector<16xi32>
          %parallel_loop3A_286 = arith.andi %parallel_loop3A_283, %parallel_loop3A_285 : vector<16xi32>
          %parallel_loop3A_287 = arith.constant 0 : i32
          %parallel_loop3A_288 = vector.broadcast %parallel_loop3A_287 : i32 to vector<16xi32>
          %parallel_loop3A_289 = arith.addi %parallel_loop3A_288, %parallel_loop3A_286 : vector<16xi32>
          %parallel_loop3A_290 = tpu.vector_load_idx %arg4[%parallel_loop3A_289, %parallel_loop3A_164] : memref<64x384xf32, #tpu.memory_space<vmem>>[vector<16xi32>, vector<16xi32>], vector<16xf32>,
          %parallel_loop3A_291 = arith.constant 0 : i32
          %parallel_loop3A_292 = vector.broadcast %parallel_loop3A_291 : i32 to vector<16xi32>
          %parallel_loop3A_293 = arith.addi %mul3A_151, %parallel_loop3A_292 : vector<16xi32>
          %parallel_loop3A_294 = arith.addi %parallel_loop3A_293, %parallel_loop3A_286 : vector<16xi32>
          tpu.vector_store_idx %arg5[%parallel_loop3A_168, %parallel_loop3A_294], %parallel_loop3A_290 : memref<192x128xf32, #tpu.memory_space<vmem>>[vector<16xi32>, vector<16xi32>], vector<16xf32>,
          %parallel_loop3A_295 = arith.constant 9 : i32
          %parallel_loop3A_296 = vector.broadcast %parallel_loop3A_295 : i32 to vector<16xi32>
          %parallel_loop3A_297 = arith.addi %iota3A, %parallel_loop3A_296 : vector<16xi32>
          %parallel_loop3A_298 = arith.constant 15 : i32
          %parallel_loop3A_299 = vector.broadcast %parallel_loop3A_298 : i32 to vector<16xi32>
          %parallel_loop3A_300 = arith.andi %parallel_loop3A_297, %parallel_loop3A_299 : vector<16xi32>
          %parallel_loop3A_301 = arith.constant 0 : i32
          %parallel_loop3A_302 = vector.broadcast %parallel_loop3A_301 : i32 to vector<16xi32>
          %parallel_loop3A_303 = arith.addi %parallel_loop3A_302, %parallel_loop3A_300 : vector<16xi32>
          %parallel_loop3A_304 = tpu.vector_load_idx %arg4[%parallel_loop3A_303, %parallel_loop3A_164] : memref<64x384xf32, #tpu.memory_space<vmem>>[vector<16xi32>, vector<16xi32>], vector<16xf32>,
          %parallel_loop3A_305 = arith.constant 0 : i32
          %parallel_loop3A_306 = vector.broadcast %parallel_loop3A_305 : i32 to vector<16xi32>
          %parallel_loop3A_307 = arith.addi %mul3A_151, %parallel_loop3A_306 : vector<16xi32>
          %parallel_loop3A_308 = arith.addi %parallel_loop3A_307, %parallel_loop3A_300 : vector<16xi32>
          tpu.vector_store_idx %arg5[%parallel_loop3A_168, %parallel_loop3A_308], %parallel_loop3A_304 : memref<192x128xf32, #tpu.memory_space<vmem>>[vector<16xi32>, vector<16xi32>], vector<16xf32>,
          %parallel_loop3A_309 = arith.constant 10 : i32
          %parallel_loop3A_310 = vector.broadcast %parallel_loop3A_309 : i32 to vector<16xi32>
          %parallel_loop3A_311 = arith.addi %iota3A, %parallel_loop3A_310 : vector<16xi32>
          %parallel_loop3A_312 = arith.constant 15 : i32
          %parallel_loop3A_313 = vector.broadcast %parallel_loop3A_312 : i32 to vector<16xi32>
          %parallel_loop3A_314 = arith.andi %parallel_loop3A_311, %parallel_loop3A_313 : vector<16xi32>
          %parallel_loop3A_315 = arith.constant 0 : i32
          %parallel_loop3A_316 = vector.broadcast %parallel_loop3A_315 : i32 to vector<16xi32>
          %parallel_loop3A_317 = arith.addi %parallel_loop3A_316, %parallel_loop3A_314 : vector<16xi32>
          %parallel_loop3A_318 = tpu.vector_load_idx %arg4[%parallel_loop3A_317, %parallel_loop3A_164] : memref<64x384xf32, #tpu.memory_space<vmem>>[vector<16xi32>, vector<16xi32>], vector<16xf32>,
          %parallel_loop3A_319 = arith.constant 0 : i32
          %parallel_loop3A_320 = vector.broadcast %parallel_loop3A_319 : i32 to vector<16xi32>
          %parallel_loop3A_321 = arith.addi %mul3A_151, %parallel_loop3A_320 : vector<16xi32>
          %parallel_loop3A_322 = arith.addi %parallel_loop3A_321, %parallel_loop3A_314 : vector<16xi32>
          tpu.vector_store_idx %arg5[%parallel_loop3A_168, %parallel_loop3A_322], %parallel_loop3A_318 : memref<192x128xf32, #tpu.memory_space<vmem>>[vector<16xi32>, vector<16xi32>], vector<16xf32>,
          %parallel_loop3A_323 = arith.constant 11 : i32
          %parallel_loop3A_324 = vector.broadcast %parallel_loop3A_323 : i32 to vector<16xi32>
          %parallel_loop3A_325 = arith.addi %iota3A, %parallel_loop3A_324 : vector<16xi32>
          %parallel_loop3A_326 = arith.constant 15 : i32
          %parallel_loop3A_327 = vector.broadcast %parallel_loop3A_326 : i32 to vector<16xi32>
          %parallel_loop3A_328 = arith.andi %parallel_loop3A_325, %parallel_loop3A_327 : vector<16xi32>
          %parallel_loop3A_329 = arith.constant 0 : i32
          %parallel_loop3A_330 = vector.broadcast %parallel_loop3A_329 : i32 to vector<16xi32>
          %parallel_loop3A_331 = arith.addi %parallel_loop3A_330, %parallel_loop3A_328 : vector<16xi32>
          %parallel_loop3A_332 = tpu.vector_load_idx %arg4[%parallel_loop3A_331, %parallel_loop3A_164] : memref<64x384xf32, #tpu.memory_space<vmem>>[vector<16xi32>, vector<16xi32>], vector<16xf32>,
          %parallel_loop3A_333 = arith.constant 0 : i32
          %parallel_loop3A_334 = vector.broadcast %parallel_loop3A_333 : i32 to vector<16xi32>
          %parallel_loop3A_335 = arith.addi %mul3A_151, %parallel_loop3A_334 : vector<16xi32>
          %parallel_loop3A_336 = arith.addi %parallel_loop3A_335, %parallel_loop3A_328 : vector<16xi32>
          tpu.vector_store_idx %arg5[%parallel_loop3A_168, %parallel_loop3A_336], %parallel_loop3A_332 : memref<192x128xf32, #tpu.memory_space<vmem>>[vector<16xi32>, vector<16xi32>], vector<16xf32>,
          %parallel_loop3A_337 = arith.constant 12 : i32
          %parallel_loop3A_338 = vector.broadcast %parallel_loop3A_337 : i32 to vector<16xi32>
          %parallel_loop3A_339 = arith.addi %iota3A, %parallel_loop3A_338 : vector<16xi32>
          %parallel_loop3A_340 = arith.constant 15 : i32
          %parallel_loop3A_341 = vector.broadcast %parallel_loop3A_340 : i32 to vector<16xi32>
          %parallel_loop3A_342 = arith.andi %parallel_loop3A_339, %parallel_loop3A_341 : vector<16xi32>
          %parallel_loop3A_343 = arith.constant 0 : i32
          %parallel_loop3A_344 = vector.broadcast %parallel_loop3A_343 : i32 to vector<16xi32>
          %parallel_loop3A_345 = arith.addi %parallel_loop3A_344, %parallel_loop3A_342 : vector<16xi32>
          %parallel_loop3A_346 = tpu.vector_load_idx %arg4[%parallel_loop3A_345, %parallel_loop3A_164] : memref<64x384xf32, #tpu.memory_space<vmem>>[vector<16xi32>, vector<16xi32>], vector<16xf32>,
          %parallel_loop3A_347 = arith.constant 0 : i32
          %parallel_loop3A_348 = vector.broadcast %parallel_loop3A_347 : i32 to vector<16xi32>
          %parallel_loop3A_349 = arith.addi %mul3A_151, %parallel_loop3A_348 : vector<16xi32>
          %parallel_loop3A_350 = arith.addi %parallel_loop3A_349, %parallel_loop3A_342 : vector<16xi32>
          tpu.vector_store_idx %arg5[%parallel_loop3A_168, %parallel_loop3A_350], %parallel_loop3A_346 : memref<192x128xf32, #tpu.memory_space<vmem>>[vector<16xi32>, vector<16xi32>], vector<16xf32>,
          %parallel_loop3A_351 = arith.constant 13 : i32
          %parallel_loop3A_352 = vector.broadcast %parallel_loop3A_351 : i32 to vector<16xi32>
          %parallel_loop3A_353 = arith.addi %iota3A, %parallel_loop3A_352 : vector<16xi32>
          %parallel_loop3A_354 = arith.constant 15 : i32
          %parallel_loop3A_355 = vector.broadcast %parallel_loop3A_354 : i32 to vector<16xi32>
          %parallel_loop3A_356 = arith.andi %parallel_loop3A_353, %parallel_loop3A_355 : vector<16xi32>
          %parallel_loop3A_357 = arith.constant 0 : i32
          %parallel_loop3A_358 = vector.broadcast %parallel_loop3A_357 : i32 to vector<16xi32>
          %parallel_loop3A_359 = arith.addi %parallel_loop3A_358, %parallel_loop3A_356 : vector<16xi32>
          %parallel_loop3A_360 = tpu.vector_load_idx %arg4[%parallel_loop3A_359, %parallel_loop3A_164] : memref<64x384xf32, #tpu.memory_space<vmem>>[vector<16xi32>, vector<16xi32>], vector<16xf32>,
          %parallel_loop3A_361 = arith.constant 0 : i32
          %parallel_loop3A_362 = vector.broadcast %parallel_loop3A_361 : i32 to vector<16xi32>
          %parallel_loop3A_363 = arith.addi %mul3A_151, %parallel_loop3A_362 : vector<16xi32>
          %parallel_loop3A_364 = arith.addi %parallel_loop3A_363, %parallel_loop3A_356 : vector<16xi32>
          tpu.vector_store_idx %arg5[%parallel_loop3A_168, %parallel_loop3A_364], %parallel_loop3A_360 : memref<192x128xf32, #tpu.memory_space<vmem>>[vector<16xi32>, vector<16xi32>], vector<16xf32>,
          %parallel_loop3A_365 = arith.constant 14 : i32
          %parallel_loop3A_366 = vector.broadcast %parallel_loop3A_365 : i32 to vector<16xi32>
          %parallel_loop3A_367 = arith.addi %iota3A, %parallel_loop3A_366 : vector<16xi32>
          %parallel_loop3A_368 = arith.constant 15 : i32
          %parallel_loop3A_369 = vector.broadcast %parallel_loop3A_368 : i32 to vector<16xi32>
          %parallel_loop3A_370 = arith.andi %parallel_loop3A_367, %parallel_loop3A_369 : vector<16xi32>
          %parallel_loop3A_371 = arith.constant 0 : i32
          %parallel_loop3A_372 = vector.broadcast %parallel_loop3A_371 : i32 to vector<16xi32>
          %parallel_loop3A_373 = arith.addi %parallel_loop3A_372, %parallel_loop3A_370 : vector<16xi32>
          %parallel_loop3A_374 = tpu.vector_load_idx %arg4[%parallel_loop3A_373, %parallel_loop3A_164] : memref<64x384xf32, #tpu.memory_space<vmem>>[vector<16xi32>, vector<16xi32>], vector<16xf32>,
          %parallel_loop3A_375 = arith.constant 0 : i32
          %parallel_loop3A_376 = vector.broadcast %parallel_loop3A_375 : i32 to vector<16xi32>
          %parallel_loop3A_377 = arith.addi %mul3A_151, %parallel_loop3A_376 : vector<16xi32>
          %parallel_loop3A_378 = arith.addi %parallel_loop3A_377, %parallel_loop3A_370 : vector<16xi32>
          tpu.vector_store_idx %arg5[%parallel_loop3A_168, %parallel_loop3A_378], %parallel_loop3A_374 : memref<192x128xf32, #tpu.memory_space<vmem>>[vector<16xi32>, vector<16xi32>], vector<16xf32>,
          %parallel_loop3A_379 = arith.constant 15 : i32
          %parallel_loop3A_380 = vector.broadcast %parallel_loop3A_379 : i32 to vector<16xi32>
          %parallel_loop3A_381 = arith.addi %iota3A, %parallel_loop3A_380 : vector<16xi32>
          %parallel_loop3A_382 = arith.constant 15 : i32
          %parallel_loop3A_383 = vector.broadcast %parallel_loop3A_382 : i32 to vector<16xi32>
          %parallel_loop3A_384 = arith.andi %parallel_loop3A_381, %parallel_loop3A_383 : vector<16xi32>
          %parallel_loop3A_385 = arith.constant 0 : i32
          %parallel_loop3A_386 = vector.broadcast %parallel_loop3A_385 : i32 to vector<16xi32>
          %parallel_loop3A_387 = arith.addi %parallel_loop3A_386, %parallel_loop3A_384 : vector<16xi32>
          %parallel_loop3A_388 = tpu.vector_load_idx %arg4[%parallel_loop3A_387, %parallel_loop3A_164] : memref<64x384xf32, #tpu.memory_space<vmem>>[vector<16xi32>, vector<16xi32>], vector<16xf32>,
          %parallel_loop3A_389 = arith.constant 0 : i32
          %parallel_loop3A_390 = vector.broadcast %parallel_loop3A_389 : i32 to vector<16xi32>
          %parallel_loop3A_391 = arith.addi %mul3A_151, %parallel_loop3A_390 : vector<16xi32>
          %parallel_loop3A_392 = arith.addi %parallel_loop3A_391, %parallel_loop3A_384 : vector<16xi32>
          tpu.vector_store_idx %arg5[%parallel_loop3A_168, %parallel_loop3A_392], %parallel_loop3A_388 : memref<192x128xf32, #tpu.memory_space<vmem>>[vector<16xi32>, vector<16xi32>], vector<16xf32>,
          %parallel_loop3A_393 = arith.constant 0 : i32
          %parallel_loop3A_394 = vector.broadcast %parallel_loop3A_393 : i32 to vector<16xi32>
          %parallel_loop3A_395 = arith.addi %iota3A, %parallel_loop3A_394 : vector<16xi32>
          %parallel_loop3A_396 = arith.constant 15 : i32
          %parallel_loop3A_397 = vector.broadcast %parallel_loop3A_396 : i32 to vector<16xi32>
          %parallel_loop3A_398 = arith.andi %parallel_loop3A_395, %parallel_loop3A_397 : vector<16xi32>
          %parallel_loop3A_399 = arith.constant 16 : i32
          %parallel_loop3A_400 = vector.broadcast %parallel_loop3A_399 : i32 to vector<16xi32>
          %parallel_loop3A_401 = arith.addi %parallel_loop3A_400, %parallel_loop3A_398 : vector<16xi32>
          %parallel_loop3A_402 = tpu.vector_load_idx %arg4[%parallel_loop3A_401, %parallel_loop3A_164] : memref<64x384xf32, #tpu.memory_space<vmem>>[vector<16xi32>, vector<16xi32>], vector<16xf32>,
          %parallel_loop3A_403 = arith.constant 16 : i32
          %parallel_loop3A_404 = vector.broadcast %parallel_loop3A_403 : i32 to vector<16xi32>
          %parallel_loop3A_405 = arith.addi %mul3A_151, %parallel_loop3A_404 : vector<16xi32>
          %parallel_loop3A_406 = arith.addi %parallel_loop3A_405, %parallel_loop3A_398 : vector<16xi32>
          tpu.vector_store_idx %arg5[%parallel_loop3A_168, %parallel_loop3A_406], %parallel_loop3A_402 : memref<192x128xf32, #tpu.memory_space<vmem>>[vector<16xi32>, vector<16xi32>], vector<16xf32>,
          %parallel_loop3A_407 = arith.constant 1 : i32
          %parallel_loop3A_408 = vector.broadcast %parallel_loop3A_407 : i32 to vector<16xi32>
          %parallel_loop3A_409 = arith.addi %iota3A, %parallel_loop3A_408 : vector<16xi32>
          %parallel_loop3A_410 = arith.constant 15 : i32
          %parallel_loop3A_411 = vector.broadcast %parallel_loop3A_410 : i32 to vector<16xi32>
          %parallel_loop3A_412 = arith.andi %parallel_loop3A_409, %parallel_loop3A_411 : vector<16xi32>
          %parallel_loop3A_413 = arith.constant 16 : i32
          %parallel_loop3A_414 = vector.broadcast %parallel_loop3A_413 : i32 to vector<16xi32>
          %parallel_loop3A_415 = arith.addi %parallel_loop3A_414, %parallel_loop3A_412 : vector<16xi32>
          %parallel_loop3A_416 = tpu.vector_load_idx %arg4[%parallel_loop3A_415, %parallel_loop3A_164] : memref<64x384xf32, #tpu.memory_space<vmem>>[vector<16xi32>, vector<16xi32>], vector<16xf32>,
          %parallel_loop3A_417 = arith.constant 16 : i32
          %parallel_loop3A_418 = vector.broadcast %parallel_loop3A_417 : i32 to vector<16xi32>
          %parallel_loop3A_419 = arith.addi %mul3A_151, %parallel_loop3A_418 : vector<16xi32>
          %parallel_loop3A_420 = arith.addi %parallel_loop3A_419, %parallel_loop3A_412 : vector<16xi32>
          tpu.vector_store_idx %arg5[%parallel_loop3A_168, %parallel_loop3A_420], %parallel_loop3A_416 : memref<192x128xf32, #tpu.memory_space<vmem>>[vector<16xi32>, vector<16xi32>], vector<16xf32>,
          %parallel_loop3A_421 = arith.constant 2 : i32
          %parallel_loop3A_422 = vector.broadcast %parallel_loop3A_421 : i32 to vector<16xi32>
          %parallel_loop3A_423 = arith.addi %iota3A, %parallel_loop3A_422 : vector<16xi32>
          %parallel_loop3A_424 = arith.constant 15 : i32
          %parallel_loop3A_425 = vector.broadcast %parallel_loop3A_424 : i32 to vector<16xi32>
          %parallel_loop3A_426 = arith.andi %parallel_loop3A_423, %parallel_loop3A_425 : vector<16xi32>
          %parallel_loop3A_427 = arith.constant 16 : i32
          %parallel_loop3A_428 = vector.broadcast %parallel_loop3A_427 : i32 to vector<16xi32>
          %parallel_loop3A_429 = arith.addi %parallel_loop3A_428, %parallel_loop3A_426 : vector<16xi32>
          %parallel_loop3A_430 = tpu.vector_load_idx %arg4[%parallel_loop3A_429, %parallel_loop3A_164] : memref<64x384xf32, #tpu.memory_space<vmem>>[vector<16xi32>, vector<16xi32>], vector<16xf32>,
          %parallel_loop3A_431 = arith.constant 16 : i32
          %parallel_loop3A_432 = vector.broadcast %parallel_loop3A_431 : i32 to vector<16xi32>
          %parallel_loop3A_433 = arith.addi %mul3A_151, %parallel_loop3A_432 : vector<16xi32>
          %parallel_loop3A_434 = arith.addi %parallel_loop3A_433, %parallel_loop3A_426 : vector<16xi32>
          tpu.vector_store_idx %arg5[%parallel_loop3A_168, %parallel_loop3A_434], %parallel_loop3A_430 : memref<192x128xf32, #tpu.memory_space<vmem>>[vector<16xi32>, vector<16xi32>], vector<16xf32>,
          %parallel_loop3A_435 = arith.constant 3 : i32
          %parallel_loop3A_436 = vector.broadcast %parallel_loop3A_435 : i32 to vector<16xi32>
          %parallel_loop3A_437 = arith.addi %iota3A, %parallel_loop3A_436 : vector<16xi32>
          %parallel_loop3A_438 = arith.constant 15 : i32
          %parallel_loop3A_439 = vector.broadcast %parallel_loop3A_438 : i32 to vector<16xi32>
          %parallel_loop3A_440 = arith.andi %parallel_loop3A_437, %parallel_loop3A_439 : vector<16xi32>
          %parallel_loop3A_441 = arith.constant 16 : i32
          %parallel_loop3A_442 = vector.broadcast %parallel_loop3A_441 : i32 to vector<16xi32>
          %parallel_loop3A_443 = arith.addi %parallel_loop3A_442, %parallel_loop3A_440 : vector<16xi32>
          %parallel_loop3A_444 = tpu.vector_load_idx %arg4[%parallel_loop3A_443, %parallel_loop3A_164] : memref<64x384xf32, #tpu.memory_space<vmem>>[vector<16xi32>, vector<16xi32>], vector<16xf32>,
          %parallel_loop3A_445 = arith.constant 16 : i32
          %parallel_loop3A_446 = vector.broadcast %parallel_loop3A_445 : i32 to vector<16xi32>
          %parallel_loop3A_447 = arith.addi %mul3A_151, %parallel_loop3A_446 : vector<16xi32>
          %parallel_loop3A_448 = arith.addi %parallel_loop3A_447, %parallel_loop3A_440 : vector<16xi32>
          tpu.vector_store_idx %arg5[%parallel_loop3A_168, %parallel_loop3A_448], %parallel_loop3A_444 : memref<192x128xf32, #tpu.memory_space<vmem>>[vector<16xi32>, vector<16xi32>], vector<16xf32>,
          %parallel_loop3A_449 = arith.constant 4 : i32
          %parallel_loop3A_450 = vector.broadcast %parallel_loop3A_449 : i32 to vector<16xi32>
          %parallel_loop3A_451 = arith.addi %iota3A, %parallel_loop3A_450 : vector<16xi32>
          %parallel_loop3A_452 = arith.constant 15 : i32
          %parallel_loop3A_453 = vector.broadcast %parallel_loop3A_452 : i32 to vector<16xi32>
          %parallel_loop3A_454 = arith.andi %parallel_loop3A_451, %parallel_loop3A_453 : vector<16xi32>
          %parallel_loop3A_455 = arith.constant 16 : i32
          %parallel_loop3A_456 = vector.broadcast %parallel_loop3A_455 : i32 to vector<16xi32>
          %parallel_loop3A_457 = arith.addi %parallel_loop3A_456, %parallel_loop3A_454 : vector<16xi32>
          %parallel_loop3A_458 = tpu.vector_load_idx %arg4[%parallel_loop3A_457, %parallel_loop3A_164] : memref<64x384xf32, #tpu.memory_space<vmem>>[vector<16xi32>, vector<16xi32>], vector<16xf32>,
          %parallel_loop3A_459 = arith.constant 16 : i32
          %parallel_loop3A_460 = vector.broadcast %parallel_loop3A_459 : i32 to vector<16xi32>
          %parallel_loop3A_461 = arith.addi %mul3A_151, %parallel_loop3A_460 : vector<16xi32>
          %parallel_loop3A_462 = arith.addi %parallel_loop3A_461, %parallel_loop3A_454 : vector<16xi32>
          tpu.vector_store_idx %arg5[%parallel_loop3A_168, %parallel_loop3A_462], %parallel_loop3A_458 : memref<192x128xf32, #tpu.memory_space<vmem>>[vector<16xi32>, vector<16xi32>], vector<16xf32>,
          %parallel_loop3A_463 = arith.constant 5 : i32
          %parallel_loop3A_464 = vector.broadcast %parallel_loop3A_463 : i32 to vector<16xi32>
          %parallel_loop3A_465 = arith.addi %iota3A, %parallel_loop3A_464 : vector<16xi32>
          %parallel_loop3A_466 = arith.constant 15 : i32
          %parallel_loop3A_467 = vector.broadcast %parallel_loop3A_466 : i32 to vector<16xi32>
          %parallel_loop3A_468 = arith.andi %parallel_loop3A_465, %parallel_loop3A_467 : vector<16xi32>
          %parallel_loop3A_469 = arith.constant 16 : i32
          %parallel_loop3A_470 = vector.broadcast %parallel_loop3A_469 : i32 to vector<16xi32>
          %parallel_loop3A_471 = arith.addi %parallel_loop3A_470, %parallel_loop3A_468 : vector<16xi32>
          %parallel_loop3A_472 = tpu.vector_load_idx %arg4[%parallel_loop3A_471, %parallel_loop3A_164] : memref<64x384xf32, #tpu.memory_space<vmem>>[vector<16xi32>, vector<16xi32>], vector<16xf32>,
          %parallel_loop3A_473 = arith.constant 16 : i32
          %parallel_loop3A_474 = vector.broadcast %parallel_loop3A_473 : i32 to vector<16xi32>
          %parallel_loop3A_475 = arith.addi %mul3A_151, %parallel_loop3A_474 : vector<16xi32>
          %parallel_loop3A_476 = arith.addi %parallel_loop3A_475, %parallel_loop3A_468 : vector<16xi32>
          tpu.vector_store_idx %arg5[%parallel_loop3A_168, %parallel_loop3A_476], %parallel_loop3A_472 : memref<192x128xf32, #tpu.memory_space<vmem>>[vector<16xi32>, vector<16xi32>], vector<16xf32>,
          %parallel_loop3A_477 = arith.constant 6 : i32
          %parallel_loop3A_478 = vector.broadcast %parallel_loop3A_477 : i32 to vector<16xi32>
          %parallel_loop3A_479 = arith.addi %iota3A, %parallel_loop3A_478 : vector<16xi32>
          %parallel_loop3A_480 = arith.constant 15 : i32
          %parallel_loop3A_481 = vector.broadcast %parallel_loop3A_480 : i32 to vector<16xi32>
          %parallel_loop3A_482 = arith.andi %parallel_loop3A_479, %parallel_loop3A_481 : vector<16xi32>
          %parallel_loop3A_483 = arith.constant 16 : i32
          %parallel_loop3A_484 = vector.broadcast %parallel_loop3A_483 : i32 to vector<16xi32>
          %parallel_loop3A_485 = arith.addi %parallel_loop3A_484, %parallel_loop3A_482 : vector<16xi32>
          %parallel_loop3A_486 = tpu.vector_load_idx %arg4[%parallel_loop3A_485, %parallel_loop3A_164] : memref<64x384xf32, #tpu.memory_space<vmem>>[vector<16xi32>, vector<16xi32>], vector<16xf32>,
          %parallel_loop3A_487 = arith.constant 16 : i32
          %parallel_loop3A_488 = vector.broadcast %parallel_loop3A_487 : i32 to vector<16xi32>
          %parallel_loop3A_489 = arith.addi %mul3A_151, %parallel_loop3A_488 : vector<16xi32>
          %parallel_loop3A_490 = arith.addi %parallel_loop3A_489, %parallel_loop3A_482 : vector<16xi32>
          tpu.vector_store_idx %arg5[%parallel_loop3A_168, %parallel_loop3A_490], %parallel_loop3A_486 : memref<192x128xf32, #tpu.memory_space<vmem>>[vector<16xi32>, vector<16xi32>], vector<16xf32>,
          %parallel_loop3A_491 = arith.constant 7 : i32
          %parallel_loop3A_492 = vector.broadcast %parallel_loop3A_491 : i32 to vector<16xi32>
          %parallel_loop3A_493 = arith.addi %iota3A, %parallel_loop3A_492 : vector<16xi32>
          %parallel_loop3A_494 = arith.constant 15 : i32
          %parallel_loop3A_495 = vector.broadcast %parallel_loop3A_494 : i32 to vector<16xi32>
          %parallel_loop3A_496 = arith.andi %parallel_loop3A_493, %parallel_loop3A_495 : vector<16xi32>
          %parallel_loop3A_497 = arith.constant 16 : i32
          %parallel_loop3A_498 = vector.broadcast %parallel_loop3A_497 : i32 to vector<16xi32>
          %parallel_loop3A_499 = arith.addi %parallel_loop3A_498, %parallel_loop3A_496 : vector<16xi32>
          %parallel_loop3A_500 = tpu.vector_load_idx %arg4[%parallel_loop3A_499, %parallel_loop3A_164] : memref<64x384xf32, #tpu.memory_space<vmem>>[vector<16xi32>, vector<16xi32>], vector<16xf32>,
          %parallel_loop3A_501 = arith.constant 16 : i32
          %parallel_loop3A_502 = vector.broadcast %parallel_loop3A_501 : i32 to vector<16xi32>
          %parallel_loop3A_503 = arith.addi %mul3A_151, %parallel_loop3A_502 : vector<16xi32>
          %parallel_loop3A_504 = arith.addi %parallel_loop3A_503, %parallel_loop3A_496 : vector<16xi32>
          tpu.vector_store_idx %arg5[%parallel_loop3A_168, %parallel_loop3A_504], %parallel_loop3A_500 : memref<192x128xf32, #tpu.memory_space<vmem>>[vector<16xi32>, vector<16xi32>], vector<16xf32>,
          %parallel_loop3A_505 = arith.constant 8 : i32
          %parallel_loop3A_506 = vector.broadcast %parallel_loop3A_505 : i32 to vector<16xi32>
          %parallel_loop3A_507 = arith.addi %iota3A, %parallel_loop3A_506 : vector<16xi32>
          %parallel_loop3A_508 = arith.constant 15 : i32
          %parallel_loop3A_509 = vector.broadcast %parallel_loop3A_508 : i32 to vector<16xi32>
          %parallel_loop3A_510 = arith.andi %parallel_loop3A_507, %parallel_loop3A_509 : vector<16xi32>
          %parallel_loop3A_511 = arith.constant 16 : i32
          %parallel_loop3A_512 = vector.broadcast %parallel_loop3A_511 : i32 to vector<16xi32>
          %parallel_loop3A_513 = arith.addi %parallel_loop3A_512, %parallel_loop3A_510 : vector<16xi32>
          %parallel_loop3A_514 = tpu.vector_load_idx %arg4[%parallel_loop3A_513, %parallel_loop3A_164] : memref<64x384xf32, #tpu.memory_space<vmem>>[vector<16xi32>, vector<16xi32>], vector<16xf32>,
          %parallel_loop3A_515 = arith.constant 16 : i32
          %parallel_loop3A_516 = vector.broadcast %parallel_loop3A_515 : i32 to vector<16xi32>
          %parallel_loop3A_517 = arith.addi %mul3A_151, %parallel_loop3A_516 : vector<16xi32>
          %parallel_loop3A_518 = arith.addi %parallel_loop3A_517, %parallel_loop3A_510 : vector<16xi32>
          tpu.vector_store_idx %arg5[%parallel_loop3A_168, %parallel_loop3A_518], %parallel_loop3A_514 : memref<192x128xf32, #tpu.memory_space<vmem>>[vector<16xi32>, vector<16xi32>], vector<16xf32>,
          %parallel_loop3A_519 = arith.constant 9 : i32
          %parallel_loop3A_520 = vector.broadcast %parallel_loop3A_519 : i32 to vector<16xi32>
          %parallel_loop3A_521 = arith.addi %iota3A, %parallel_loop3A_520 : vector<16xi32>
          %parallel_loop3A_522 = arith.constant 15 : i32
          %parallel_loop3A_523 = vector.broadcast %parallel_loop3A_522 : i32 to vector<16xi32>
          %parallel_loop3A_524 = arith.andi %parallel_loop3A_521, %parallel_loop3A_523 : vector<16xi32>
          %parallel_loop3A_525 = arith.constant 16 : i32
          %parallel_loop3A_526 = vector.broadcast %parallel_loop3A_525 : i32 to vector<16xi32>
          %parallel_loop3A_527 = arith.addi %parallel_loop3A_526, %parallel_loop3A_524 : vector<16xi32>
          %parallel_loop3A_528 = tpu.vector_load_idx %arg4[%parallel_loop3A_527, %parallel_loop3A_164] : memref<64x384xf32, #tpu.memory_space<vmem>>[vector<16xi32>, vector<16xi32>], vector<16xf32>,
          %parallel_loop3A_529 = arith.constant 16 : i32
          %parallel_loop3A_530 = vector.broadcast %parallel_loop3A_529 : i32 to vector<16xi32>
          %parallel_loop3A_531 = arith.addi %mul3A_151, %parallel_loop3A_530 : vector<16xi32>
          %parallel_loop3A_532 = arith.addi %parallel_loop3A_531, %parallel_loop3A_524 : vector<16xi32>
          tpu.vector_store_idx %arg5[%parallel_loop3A_168, %parallel_loop3A_532], %parallel_loop3A_528 : memref<192x128xf32, #tpu.memory_space<vmem>>[vector<16xi32>, vector<16xi32>], vector<16xf32>,
          %parallel_loop3A_533 = arith.constant 10 : i32
          %parallel_loop3A_534 = vector.broadcast %parallel_loop3A_533 : i32 to vector<16xi32>
          %parallel_loop3A_535 = arith.addi %iota3A, %parallel_loop3A_534 : vector<16xi32>
          %parallel_loop3A_536 = arith.constant 15 : i32
          %parallel_loop3A_537 = vector.broadcast %parallel_loop3A_536 : i32 to vector<16xi32>
          %parallel_loop3A_538 = arith.andi %parallel_loop3A_535, %parallel_loop3A_537 : vector<16xi32>
          %parallel_loop3A_539 = arith.constant 16 : i32
          %parallel_loop3A_540 = vector.broadcast %parallel_loop3A_539 : i32 to vector<16xi32>
          %parallel_loop3A_541 = arith.addi %parallel_loop3A_540, %parallel_loop3A_538 : vector<16xi32>
          %parallel_loop3A_542 = tpu.vector_load_idx %arg4[%parallel_loop3A_541, %parallel_loop3A_164] : memref<64x384xf32, #tpu.memory_space<vmem>>[vector<16xi32>, vector<16xi32>], vector<16xf32>,
          %parallel_loop3A_543 = arith.constant 16 : i32
          %parallel_loop3A_544 = vector.broadcast %parallel_loop3A_543 : i32 to vector<16xi32>
          %parallel_loop3A_545 = arith.addi %mul3A_151, %parallel_loop3A_544 : vector<16xi32>
          %parallel_loop3A_546 = arith.addi %parallel_loop3A_545, %parallel_loop3A_538 : vector<16xi32>
          tpu.vector_store_idx %arg5[%parallel_loop3A_168, %parallel_loop3A_546], %parallel_loop3A_542 : memref<192x128xf32, #tpu.memory_space<vmem>>[vector<16xi32>, vector<16xi32>], vector<16xf32>,
          %parallel_loop3A_547 = arith.constant 11 : i32
          %parallel_loop3A_548 = vector.broadcast %parallel_loop3A_547 : i32 to vector<16xi32>
          %parallel_loop3A_549 = arith.addi %iota3A, %parallel_loop3A_548 : vector<16xi32>
          %parallel_loop3A_550 = arith.constant 15 : i32
          %parallel_loop3A_551 = vector.broadcast %parallel_loop3A_550 : i32 to vector<16xi32>
          %parallel_loop3A_552 = arith.andi %parallel_loop3A_549, %parallel_loop3A_551 : vector<16xi32>
          %parallel_loop3A_553 = arith.constant 16 : i32
          %parallel_loop3A_554 = vector.broadcast %parallel_loop3A_553 : i32 to vector<16xi32>
          %parallel_loop3A_555 = arith.addi %parallel_loop3A_554, %parallel_loop3A_552 : vector<16xi32>
          %parallel_loop3A_556 = tpu.vector_load_idx %arg4[%parallel_loop3A_555, %parallel_loop3A_164] : memref<64x384xf32, #tpu.memory_space<vmem>>[vector<16xi32>, vector<16xi32>], vector<16xf32>,
          %parallel_loop3A_557 = arith.constant 16 : i32
          %parallel_loop3A_558 = vector.broadcast %parallel_loop3A_557 : i32 to vector<16xi32>
          %parallel_loop3A_559 = arith.addi %mul3A_151, %parallel_loop3A_558 : vector<16xi32>
          %parallel_loop3A_560 = arith.addi %parallel_loop3A_559, %parallel_loop3A_552 : vector<16xi32>
          tpu.vector_store_idx %arg5[%parallel_loop3A_168, %parallel_loop3A_560], %parallel_loop3A_556 : memref<192x128xf32, #tpu.memory_space<vmem>>[vector<16xi32>, vector<16xi32>], vector<16xf32>,
          %parallel_loop3A_561 = arith.constant 12 : i32
          %parallel_loop3A_562 = vector.broadcast %parallel_loop3A_561 : i32 to vector<16xi32>
          %parallel_loop3A_563 = arith.addi %iota3A, %parallel_loop3A_562 : vector<16xi32>
          %parallel_loop3A_564 = arith.constant 15 : i32
          %parallel_loop3A_565 = vector.broadcast %parallel_loop3A_564 : i32 to vector<16xi32>
          %parallel_loop3A_566 = arith.andi %parallel_loop3A_563, %parallel_loop3A_565 : vector<16xi32>
          %parallel_loop3A_567 = arith.constant 16 : i32
          %parallel_loop3A_568 = vector.broadcast %parallel_loop3A_567 : i32 to vector<16xi32>
          %parallel_loop3A_569 = arith.addi %parallel_loop3A_568, %parallel_loop3A_566 : vector<16xi32>
          %parallel_loop3A_570 = tpu.vector_load_idx %arg4[%parallel_loop3A_569, %parallel_loop3A_164] : memref<64x384xf32, #tpu.memory_space<vmem>>[vector<16xi32>, vector<16xi32>], vector<16xf32>,
          %parallel_loop3A_571 = arith.constant 16 : i32
          %parallel_loop3A_572 = vector.broadcast %parallel_loop3A_571 : i32 to vector<16xi32>
          %parallel_loop3A_573 = arith.addi %mul3A_151, %parallel_loop3A_572 : vector<16xi32>
          %parallel_loop3A_574 = arith.addi %parallel_loop3A_573, %parallel_loop3A_566 : vector<16xi32>
          tpu.vector_store_idx %arg5[%parallel_loop3A_168, %parallel_loop3A_574], %parallel_loop3A_570 : memref<192x128xf32, #tpu.memory_space<vmem>>[vector<16xi32>, vector<16xi32>], vector<16xf32>,
          %parallel_loop3A_575 = arith.constant 13 : i32
          %parallel_loop3A_576 = vector.broadcast %parallel_loop3A_575 : i32 to vector<16xi32>
          %parallel_loop3A_577 = arith.addi %iota3A, %parallel_loop3A_576 : vector<16xi32>
          %parallel_loop3A_578 = arith.constant 15 : i32
          %parallel_loop3A_579 = vector.broadcast %parallel_loop3A_578 : i32 to vector<16xi32>
          %parallel_loop3A_580 = arith.andi %parallel_loop3A_577, %parallel_loop3A_579 : vector<16xi32>
          %parallel_loop3A_581 = arith.constant 16 : i32
          %parallel_loop3A_582 = vector.broadcast %parallel_loop3A_581 : i32 to vector<16xi32>
          %parallel_loop3A_583 = arith.addi %parallel_loop3A_582, %parallel_loop3A_580 : vector<16xi32>
          %parallel_loop3A_584 = tpu.vector_load_idx %arg4[%parallel_loop3A_583, %parallel_loop3A_164] : memref<64x384xf32, #tpu.memory_space<vmem>>[vector<16xi32>, vector<16xi32>], vector<16xf32>,
          %parallel_loop3A_585 = arith.constant 16 : i32
          %parallel_loop3A_586 = vector.broadcast %parallel_loop3A_585 : i32 to vector<16xi32>
          %parallel_loop3A_587 = arith.addi %mul3A_151, %parallel_loop3A_586 : vector<16xi32>
          %parallel_loop3A_588 = arith.addi %parallel_loop3A_587, %parallel_loop3A_580 : vector<16xi32>
          tpu.vector_store_idx %arg5[%parallel_loop3A_168, %parallel_loop3A_588], %parallel_loop3A_584 : memref<192x128xf32, #tpu.memory_space<vmem>>[vector<16xi32>, vector<16xi32>], vector<16xf32>,
          %parallel_loop3A_589 = arith.constant 14 : i32
          %parallel_loop3A_590 = vector.broadcast %parallel_loop3A_589 : i32 to vector<16xi32>
          %parallel_loop3A_591 = arith.addi %iota3A, %parallel_loop3A_590 : vector<16xi32>
          %parallel_loop3A_592 = arith.constant 15 : i32
          %parallel_loop3A_593 = vector.broadcast %parallel_loop3A_592 : i32 to vector<16xi32>
          %parallel_loop3A_594 = arith.andi %parallel_loop3A_591, %parallel_loop3A_593 : vector<16xi32>
          %parallel_loop3A_595 = arith.constant 16 : i32
          %parallel_loop3A_596 = vector.broadcast %parallel_loop3A_595 : i32 to vector<16xi32>
          %parallel_loop3A_597 = arith.addi %parallel_loop3A_596, %parallel_loop3A_594 : vector<16xi32>
          %parallel_loop3A_598 = tpu.vector_load_idx %arg4[%parallel_loop3A_597, %parallel_loop3A_164] : memref<64x384xf32, #tpu.memory_space<vmem>>[vector<16xi32>, vector<16xi32>], vector<16xf32>,
          %parallel_loop3A_599 = arith.constant 16 : i32
          %parallel_loop3A_600 = vector.broadcast %parallel_loop3A_599 : i32 to vector<16xi32>
          %parallel_loop3A_601 = arith.addi %mul3A_151, %parallel_loop3A_600 : vector<16xi32>
          %parallel_loop3A_602 = arith.addi %parallel_loop3A_601, %parallel_loop3A_594 : vector<16xi32>
          tpu.vector_store_idx %arg5[%parallel_loop3A_168, %parallel_loop3A_602], %parallel_loop3A_598 : memref<192x128xf32, #tpu.memory_space<vmem>>[vector<16xi32>, vector<16xi32>], vector<16xf32>,
          %parallel_loop3A_603 = arith.constant 15 : i32
          %parallel_loop3A_604 = vector.broadcast %parallel_loop3A_603 : i32 to vector<16xi32>
          %parallel_loop3A_605 = arith.addi %iota3A, %parallel_loop3A_604 : vector<16xi32>
          %parallel_loop3A_606 = arith.constant 15 : i32
          %parallel_loop3A_607 = vector.broadcast %parallel_loop3A_606 : i32 to vector<16xi32>
          %parallel_loop3A_608 = arith.andi %parallel_loop3A_605, %parallel_loop3A_607 : vector<16xi32>
          %parallel_loop3A_609 = arith.constant 16 : i32
          %parallel_loop3A_610 = vector.broadcast %parallel_loop3A_609 : i32 to vector<16xi32>
          %parallel_loop3A_611 = arith.addi %parallel_loop3A_610, %parallel_loop3A_608 : vector<16xi32>
          %parallel_loop3A_612 = tpu.vector_load_idx %arg4[%parallel_loop3A_611, %parallel_loop3A_164] : memref<64x384xf32, #tpu.memory_space<vmem>>[vector<16xi32>, vector<16xi32>], vector<16xf32>,
          %parallel_loop3A_613 = arith.constant 16 : i32
          %parallel_loop3A_614 = vector.broadcast %parallel_loop3A_613 : i32 to vector<16xi32>
          %parallel_loop3A_615 = arith.addi %mul3A_151, %parallel_loop3A_614 : vector<16xi32>
          %parallel_loop3A_616 = arith.addi %parallel_loop3A_615, %parallel_loop3A_608 : vector<16xi32>
          tpu.vector_store_idx %arg5[%parallel_loop3A_168, %parallel_loop3A_616], %parallel_loop3A_612 : memref<192x128xf32, #tpu.memory_space<vmem>>[vector<16xi32>, vector<16xi32>], vector<16xf32>,
          %parallel_loop3A_617 = arith.constant 0 : i32
          %parallel_loop3A_618 = vector.broadcast %parallel_loop3A_617 : i32 to vector<16xi32>
          %parallel_loop3A_619 = arith.addi %iota3A, %parallel_loop3A_618 : vector<16xi32>
          %parallel_loop3A_620 = arith.constant 15 : i32
          %parallel_loop3A_621 = vector.broadcast %parallel_loop3A_620 : i32 to vector<16xi32>
          %parallel_loop3A_622 = arith.andi %parallel_loop3A_619, %parallel_loop3A_621 : vector<16xi32>
          %parallel_loop3A_623 = arith.constant 32 : i32
          %parallel_loop3A_624 = vector.broadcast %parallel_loop3A_623 : i32 to vector<16xi32>
          %parallel_loop3A_625 = arith.addi %parallel_loop3A_624, %parallel_loop3A_622 : vector<16xi32>
          %parallel_loop3A_626 = tpu.vector_load_idx %arg4[%parallel_loop3A_625, %parallel_loop3A_164] : memref<64x384xf32, #tpu.memory_space<vmem>>[vector<16xi32>, vector<16xi32>], vector<16xf32>,
          %parallel_loop3A_627 = arith.constant 32 : i32
          %parallel_loop3A_628 = vector.broadcast %parallel_loop3A_627 : i32 to vector<16xi32>
          %parallel_loop3A_629 = arith.addi %mul3A_151, %parallel_loop3A_628 : vector<16xi32>
          %parallel_loop3A_630 = arith.addi %parallel_loop3A_629, %parallel_loop3A_622 : vector<16xi32>
          tpu.vector_store_idx %arg5[%parallel_loop3A_168, %parallel_loop3A_630], %parallel_loop3A_626 : memref<192x128xf32, #tpu.memory_space<vmem>>[vector<16xi32>, vector<16xi32>], vector<16xf32>,
          %parallel_loop3A_631 = arith.constant 1 : i32
          %parallel_loop3A_632 = vector.broadcast %parallel_loop3A_631 : i32 to vector<16xi32>
          %parallel_loop3A_633 = arith.addi %iota3A, %parallel_loop3A_632 : vector<16xi32>
          %parallel_loop3A_634 = arith.constant 15 : i32
          %parallel_loop3A_635 = vector.broadcast %parallel_loop3A_634 : i32 to vector<16xi32>
          %parallel_loop3A_636 = arith.andi %parallel_loop3A_633, %parallel_loop3A_635 : vector<16xi32>
          %parallel_loop3A_637 = arith.constant 32 : i32
          %parallel_loop3A_638 = vector.broadcast %parallel_loop3A_637 : i32 to vector<16xi32>
          %parallel_loop3A_639 = arith.addi %parallel_loop3A_638, %parallel_loop3A_636 : vector<16xi32>
          %parallel_loop3A_640 = tpu.vector_load_idx %arg4[%parallel_loop3A_639, %parallel_loop3A_164] : memref<64x384xf32, #tpu.memory_space<vmem>>[vector<16xi32>, vector<16xi32>], vector<16xf32>,
          %parallel_loop3A_641 = arith.constant 32 : i32
          %parallel_loop3A_642 = vector.broadcast %parallel_loop3A_641 : i32 to vector<16xi32>
          %parallel_loop3A_643 = arith.addi %mul3A_151, %parallel_loop3A_642 : vector<16xi32>
          %parallel_loop3A_644 = arith.addi %parallel_loop3A_643, %parallel_loop3A_636 : vector<16xi32>
          tpu.vector_store_idx %arg5[%parallel_loop3A_168, %parallel_loop3A_644], %parallel_loop3A_640 : memref<192x128xf32, #tpu.memory_space<vmem>>[vector<16xi32>, vector<16xi32>], vector<16xf32>,
          %parallel_loop3A_645 = arith.constant 2 : i32
          %parallel_loop3A_646 = vector.broadcast %parallel_loop3A_645 : i32 to vector<16xi32>
          %parallel_loop3A_647 = arith.addi %iota3A, %parallel_loop3A_646 : vector<16xi32>
          %parallel_loop3A_648 = arith.constant 15 : i32
          %parallel_loop3A_649 = vector.broadcast %parallel_loop3A_648 : i32 to vector<16xi32>
          %parallel_loop3A_650 = arith.andi %parallel_loop3A_647, %parallel_loop3A_649 : vector<16xi32>
          %parallel_loop3A_651 = arith.constant 32 : i32
          %parallel_loop3A_652 = vector.broadcast %parallel_loop3A_651 : i32 to vector<16xi32>
          %parallel_loop3A_653 = arith.addi %parallel_loop3A_652, %parallel_loop3A_650 : vector<16xi32>
          %parallel_loop3A_654 = tpu.vector_load_idx %arg4[%parallel_loop3A_653, %parallel_loop3A_164] : memref<64x384xf32, #tpu.memory_space<vmem>>[vector<16xi32>, vector<16xi32>], vector<16xf32>,
          %parallel_loop3A_655 = arith.constant 32 : i32
          %parallel_loop3A_656 = vector.broadcast %parallel_loop3A_655 : i32 to vector<16xi32>
          %parallel_loop3A_657 = arith.addi %mul3A_151, %parallel_loop3A_656 : vector<16xi32>
          %parallel_loop3A_658 = arith.addi %parallel_loop3A_657, %parallel_loop3A_650 : vector<16xi32>
          tpu.vector_store_idx %arg5[%parallel_loop3A_168, %parallel_loop3A_658], %parallel_loop3A_654 : memref<192x128xf32, #tpu.memory_space<vmem>>[vector<16xi32>, vector<16xi32>], vector<16xf32>,
          %parallel_loop3A_659 = arith.constant 3 : i32
          %parallel_loop3A_660 = vector.broadcast %parallel_loop3A_659 : i32 to vector<16xi32>
          %parallel_loop3A_661 = arith.addi %iota3A, %parallel_loop3A_660 : vector<16xi32>
          %parallel_loop3A_662 = arith.constant 15 : i32
          %parallel_loop3A_663 = vector.broadcast %parallel_loop3A_662 : i32 to vector<16xi32>
          %parallel_loop3A_664 = arith.andi %parallel_loop3A_661, %parallel_loop3A_663 : vector<16xi32>
          %parallel_loop3A_665 = arith.constant 32 : i32
          %parallel_loop3A_666 = vector.broadcast %parallel_loop3A_665 : i32 to vector<16xi32>
          %parallel_loop3A_667 = arith.addi %parallel_loop3A_666, %parallel_loop3A_664 : vector<16xi32>
          %parallel_loop3A_668 = tpu.vector_load_idx %arg4[%parallel_loop3A_667, %parallel_loop3A_164] : memref<64x384xf32, #tpu.memory_space<vmem>>[vector<16xi32>, vector<16xi32>], vector<16xf32>,
          %parallel_loop3A_669 = arith.constant 32 : i32
          %parallel_loop3A_670 = vector.broadcast %parallel_loop3A_669 : i32 to vector<16xi32>
          %parallel_loop3A_671 = arith.addi %mul3A_151, %parallel_loop3A_670 : vector<16xi32>
          %parallel_loop3A_672 = arith.addi %parallel_loop3A_671, %parallel_loop3A_664 : vector<16xi32>
          tpu.vector_store_idx %arg5[%parallel_loop3A_168, %parallel_loop3A_672], %parallel_loop3A_668 : memref<192x128xf32, #tpu.memory_space<vmem>>[vector<16xi32>, vector<16xi32>], vector<16xf32>,
          %parallel_loop3A_673 = arith.constant 4 : i32
          %parallel_loop3A_674 = vector.broadcast %parallel_loop3A_673 : i32 to vector<16xi32>
          %parallel_loop3A_675 = arith.addi %iota3A, %parallel_loop3A_674 : vector<16xi32>
          %parallel_loop3A_676 = arith.constant 15 : i32
          %parallel_loop3A_677 = vector.broadcast %parallel_loop3A_676 : i32 to vector<16xi32>
          %parallel_loop3A_678 = arith.andi %parallel_loop3A_675, %parallel_loop3A_677 : vector<16xi32>
          %parallel_loop3A_679 = arith.constant 32 : i32
          %parallel_loop3A_680 = vector.broadcast %parallel_loop3A_679 : i32 to vector<16xi32>
          %parallel_loop3A_681 = arith.addi %parallel_loop3A_680, %parallel_loop3A_678 : vector<16xi32>
          %parallel_loop3A_682 = tpu.vector_load_idx %arg4[%parallel_loop3A_681, %parallel_loop3A_164] : memref<64x384xf32, #tpu.memory_space<vmem>>[vector<16xi32>, vector<16xi32>], vector<16xf32>,
          %parallel_loop3A_683 = arith.constant 32 : i32
          %parallel_loop3A_684 = vector.broadcast %parallel_loop3A_683 : i32 to vector<16xi32>
          %parallel_loop3A_685 = arith.addi %mul3A_151, %parallel_loop3A_684 : vector<16xi32>
          %parallel_loop3A_686 = arith.addi %parallel_loop3A_685, %parallel_loop3A_678 : vector<16xi32>
          tpu.vector_store_idx %arg5[%parallel_loop3A_168, %parallel_loop3A_686], %parallel_loop3A_682 : memref<192x128xf32, #tpu.memory_space<vmem>>[vector<16xi32>, vector<16xi32>], vector<16xf32>,
          %parallel_loop3A_687 = arith.constant 5 : i32
          %parallel_loop3A_688 = vector.broadcast %parallel_loop3A_687 : i32 to vector<16xi32>
          %parallel_loop3A_689 = arith.addi %iota3A, %parallel_loop3A_688 : vector<16xi32>
          %parallel_loop3A_690 = arith.constant 15 : i32
          %parallel_loop3A_691 = vector.broadcast %parallel_loop3A_690 : i32 to vector<16xi32>
          %parallel_loop3A_692 = arith.andi %parallel_loop3A_689, %parallel_loop3A_691 : vector<16xi32>
          %parallel_loop3A_693 = arith.constant 32 : i32
          %parallel_loop3A_694 = vector.broadcast %parallel_loop3A_693 : i32 to vector<16xi32>
          %parallel_loop3A_695 = arith.addi %parallel_loop3A_694, %parallel_loop3A_692 : vector<16xi32>
          %parallel_loop3A_696 = tpu.vector_load_idx %arg4[%parallel_loop3A_695, %parallel_loop3A_164] : memref<64x384xf32, #tpu.memory_space<vmem>>[vector<16xi32>, vector<16xi32>], vector<16xf32>,
          %parallel_loop3A_697 = arith.constant 32 : i32
          %parallel_loop3A_698 = vector.broadcast %parallel_loop3A_697 : i32 to vector<16xi32>
          %parallel_loop3A_699 = arith.addi %mul3A_151, %parallel_loop3A_698 : vector<16xi32>
          %parallel_loop3A_700 = arith.addi %parallel_loop3A_699, %parallel_loop3A_692 : vector<16xi32>
          tpu.vector_store_idx %arg5[%parallel_loop3A_168, %parallel_loop3A_700], %parallel_loop3A_696 : memref<192x128xf32, #tpu.memory_space<vmem>>[vector<16xi32>, vector<16xi32>], vector<16xf32>,
          %parallel_loop3A_701 = arith.constant 6 : i32
          %parallel_loop3A_702 = vector.broadcast %parallel_loop3A_701 : i32 to vector<16xi32>
          %parallel_loop3A_703 = arith.addi %iota3A, %parallel_loop3A_702 : vector<16xi32>
          %parallel_loop3A_704 = arith.constant 15 : i32
          %parallel_loop3A_705 = vector.broadcast %parallel_loop3A_704 : i32 to vector<16xi32>
          %parallel_loop3A_706 = arith.andi %parallel_loop3A_703, %parallel_loop3A_705 : vector<16xi32>
          %parallel_loop3A_707 = arith.constant 32 : i32
          %parallel_loop3A_708 = vector.broadcast %parallel_loop3A_707 : i32 to vector<16xi32>
          %parallel_loop3A_709 = arith.addi %parallel_loop3A_708, %parallel_loop3A_706 : vector<16xi32>
          %parallel_loop3A_710 = tpu.vector_load_idx %arg4[%parallel_loop3A_709, %parallel_loop3A_164] : memref<64x384xf32, #tpu.memory_space<vmem>>[vector<16xi32>, vector<16xi32>], vector<16xf32>,
          %parallel_loop3A_711 = arith.constant 32 : i32
          %parallel_loop3A_712 = vector.broadcast %parallel_loop3A_711 : i32 to vector<16xi32>
          %parallel_loop3A_713 = arith.addi %mul3A_151, %parallel_loop3A_712 : vector<16xi32>
          %parallel_loop3A_714 = arith.addi %parallel_loop3A_713, %parallel_loop3A_706 : vector<16xi32>
          tpu.vector_store_idx %arg5[%parallel_loop3A_168, %parallel_loop3A_714], %parallel_loop3A_710 : memref<192x128xf32, #tpu.memory_space<vmem>>[vector<16xi32>, vector<16xi32>], vector<16xf32>,
          %parallel_loop3A_715 = arith.constant 7 : i32
          %parallel_loop3A_716 = vector.broadcast %parallel_loop3A_715 : i32 to vector<16xi32>
          %parallel_loop3A_717 = arith.addi %iota3A, %parallel_loop3A_716 : vector<16xi32>
          %parallel_loop3A_718 = arith.constant 15 : i32
          %parallel_loop3A_719 = vector.broadcast %parallel_loop3A_718 : i32 to vector<16xi32>
          %parallel_loop3A_720 = arith.andi %parallel_loop3A_717, %parallel_loop3A_719 : vector<16xi32>
          %parallel_loop3A_721 = arith.constant 32 : i32
          %parallel_loop3A_722 = vector.broadcast %parallel_loop3A_721 : i32 to vector<16xi32>
          %parallel_loop3A_723 = arith.addi %parallel_loop3A_722, %parallel_loop3A_720 : vector<16xi32>
          %parallel_loop3A_724 = tpu.vector_load_idx %arg4[%parallel_loop3A_723, %parallel_loop3A_164] : memref<64x384xf32, #tpu.memory_space<vmem>>[vector<16xi32>, vector<16xi32>], vector<16xf32>,
          %parallel_loop3A_725 = arith.constant 32 : i32
          %parallel_loop3A_726 = vector.broadcast %parallel_loop3A_725 : i32 to vector<16xi32>
          %parallel_loop3A_727 = arith.addi %mul3A_151, %parallel_loop3A_726 : vector<16xi32>
          %parallel_loop3A_728 = arith.addi %parallel_loop3A_727, %parallel_loop3A_720 : vector<16xi32>
          tpu.vector_store_idx %arg5[%parallel_loop3A_168, %parallel_loop3A_728], %parallel_loop3A_724 : memref<192x128xf32, #tpu.memory_space<vmem>>[vector<16xi32>, vector<16xi32>], vector<16xf32>,
          %parallel_loop3A_729 = arith.constant 8 : i32
          %parallel_loop3A_730 = vector.broadcast %parallel_loop3A_729 : i32 to vector<16xi32>
          %parallel_loop3A_731 = arith.addi %iota3A, %parallel_loop3A_730 : vector<16xi32>
          %parallel_loop3A_732 = arith.constant 15 : i32
          %parallel_loop3A_733 = vector.broadcast %parallel_loop3A_732 : i32 to vector<16xi32>
          %parallel_loop3A_734 = arith.andi %parallel_loop3A_731, %parallel_loop3A_733 : vector<16xi32>
          %parallel_loop3A_735 = arith.constant 32 : i32
          %parallel_loop3A_736 = vector.broadcast %parallel_loop3A_735 : i32 to vector<16xi32>
          %parallel_loop3A_737 = arith.addi %parallel_loop3A_736, %parallel_loop3A_734 : vector<16xi32>
          %parallel_loop3A_738 = tpu.vector_load_idx %arg4[%parallel_loop3A_737, %parallel_loop3A_164] : memref<64x384xf32, #tpu.memory_space<vmem>>[vector<16xi32>, vector<16xi32>], vector<16xf32>,
          %parallel_loop3A_739 = arith.constant 32 : i32
          %parallel_loop3A_740 = vector.broadcast %parallel_loop3A_739 : i32 to vector<16xi32>
          %parallel_loop3A_741 = arith.addi %mul3A_151, %parallel_loop3A_740 : vector<16xi32>
          %parallel_loop3A_742 = arith.addi %parallel_loop3A_741, %parallel_loop3A_734 : vector<16xi32>
          tpu.vector_store_idx %arg5[%parallel_loop3A_168, %parallel_loop3A_742], %parallel_loop3A_738 : memref<192x128xf32, #tpu.memory_space<vmem>>[vector<16xi32>, vector<16xi32>], vector<16xf32>,
          %parallel_loop3A_743 = arith.constant 9 : i32
          %parallel_loop3A_744 = vector.broadcast %parallel_loop3A_743 : i32 to vector<16xi32>
          %parallel_loop3A_745 = arith.addi %iota3A, %parallel_loop3A_744 : vector<16xi32>
          %parallel_loop3A_746 = arith.constant 15 : i32
          %parallel_loop3A_747 = vector.broadcast %parallel_loop3A_746 : i32 to vector<16xi32>
          %parallel_loop3A_748 = arith.andi %parallel_loop3A_745, %parallel_loop3A_747 : vector<16xi32>
          %parallel_loop3A_749 = arith.constant 32 : i32
          %parallel_loop3A_750 = vector.broadcast %parallel_loop3A_749 : i32 to vector<16xi32>
          %parallel_loop3A_751 = arith.addi %parallel_loop3A_750, %parallel_loop3A_748 : vector<16xi32>
          %parallel_loop3A_752 = tpu.vector_load_idx %arg4[%parallel_loop3A_751, %parallel_loop3A_164] : memref<64x384xf32, #tpu.memory_space<vmem>>[vector<16xi32>, vector<16xi32>], vector<16xf32>,
          %parallel_loop3A_753 = arith.constant 32 : i32
          %parallel_loop3A_754 = vector.broadcast %parallel_loop3A_753 : i32 to vector<16xi32>
          %parallel_loop3A_755 = arith.addi %mul3A_151, %parallel_loop3A_754 : vector<16xi32>
          %parallel_loop3A_756 = arith.addi %parallel_loop3A_755, %parallel_loop3A_748 : vector<16xi32>
          tpu.vector_store_idx %arg5[%parallel_loop3A_168, %parallel_loop3A_756], %parallel_loop3A_752 : memref<192x128xf32, #tpu.memory_space<vmem>>[vector<16xi32>, vector<16xi32>], vector<16xf32>,
          %parallel_loop3A_757 = arith.constant 10 : i32
          %parallel_loop3A_758 = vector.broadcast %parallel_loop3A_757 : i32 to vector<16xi32>
          %parallel_loop3A_759 = arith.addi %iota3A, %parallel_loop3A_758 : vector<16xi32>
          %parallel_loop3A_760 = arith.constant 15 : i32
          %parallel_loop3A_761 = vector.broadcast %parallel_loop3A_760 : i32 to vector<16xi32>
          %parallel_loop3A_762 = arith.andi %parallel_loop3A_759, %parallel_loop3A_761 : vector<16xi32>
          %parallel_loop3A_763 = arith.constant 32 : i32
          %parallel_loop3A_764 = vector.broadcast %parallel_loop3A_763 : i32 to vector<16xi32>
          %parallel_loop3A_765 = arith.addi %parallel_loop3A_764, %parallel_loop3A_762 : vector<16xi32>
          %parallel_loop3A_766 = tpu.vector_load_idx %arg4[%parallel_loop3A_765, %parallel_loop3A_164] : memref<64x384xf32, #tpu.memory_space<vmem>>[vector<16xi32>, vector<16xi32>], vector<16xf32>,
          %parallel_loop3A_767 = arith.constant 32 : i32
          %parallel_loop3A_768 = vector.broadcast %parallel_loop3A_767 : i32 to vector<16xi32>
          %parallel_loop3A_769 = arith.addi %mul3A_151, %parallel_loop3A_768 : vector<16xi32>
          %parallel_loop3A_770 = arith.addi %parallel_loop3A_769, %parallel_loop3A_762 : vector<16xi32>
          tpu.vector_store_idx %arg5[%parallel_loop3A_168, %parallel_loop3A_770], %parallel_loop3A_766 : memref<192x128xf32, #tpu.memory_space<vmem>>[vector<16xi32>, vector<16xi32>], vector<16xf32>,
          %parallel_loop3A_771 = arith.constant 11 : i32
          %parallel_loop3A_772 = vector.broadcast %parallel_loop3A_771 : i32 to vector<16xi32>
          %parallel_loop3A_773 = arith.addi %iota3A, %parallel_loop3A_772 : vector<16xi32>
          %parallel_loop3A_774 = arith.constant 15 : i32
          %parallel_loop3A_775 = vector.broadcast %parallel_loop3A_774 : i32 to vector<16xi32>
          %parallel_loop3A_776 = arith.andi %parallel_loop3A_773, %parallel_loop3A_775 : vector<16xi32>
          %parallel_loop3A_777 = arith.constant 32 : i32
          %parallel_loop3A_778 = vector.broadcast %parallel_loop3A_777 : i32 to vector<16xi32>
          %parallel_loop3A_779 = arith.addi %parallel_loop3A_778, %parallel_loop3A_776 : vector<16xi32>
          %parallel_loop3A_780 = tpu.vector_load_idx %arg4[%parallel_loop3A_779, %parallel_loop3A_164] : memref<64x384xf32, #tpu.memory_space<vmem>>[vector<16xi32>, vector<16xi32>], vector<16xf32>,
          %parallel_loop3A_781 = arith.constant 32 : i32
          %parallel_loop3A_782 = vector.broadcast %parallel_loop3A_781 : i32 to vector<16xi32>
          %parallel_loop3A_783 = arith.addi %mul3A_151, %parallel_loop3A_782 : vector<16xi32>
          %parallel_loop3A_784 = arith.addi %parallel_loop3A_783, %parallel_loop3A_776 : vector<16xi32>
          tpu.vector_store_idx %arg5[%parallel_loop3A_168, %parallel_loop3A_784], %parallel_loop3A_780 : memref<192x128xf32, #tpu.memory_space<vmem>>[vector<16xi32>, vector<16xi32>], vector<16xf32>,
          %parallel_loop3A_785 = arith.constant 12 : i32
          %parallel_loop3A_786 = vector.broadcast %parallel_loop3A_785 : i32 to vector<16xi32>
          %parallel_loop3A_787 = arith.addi %iota3A, %parallel_loop3A_786 : vector<16xi32>
          %parallel_loop3A_788 = arith.constant 15 : i32
          %parallel_loop3A_789 = vector.broadcast %parallel_loop3A_788 : i32 to vector<16xi32>
          %parallel_loop3A_790 = arith.andi %parallel_loop3A_787, %parallel_loop3A_789 : vector<16xi32>
          %parallel_loop3A_791 = arith.constant 32 : i32
          %parallel_loop3A_792 = vector.broadcast %parallel_loop3A_791 : i32 to vector<16xi32>
          %parallel_loop3A_793 = arith.addi %parallel_loop3A_792, %parallel_loop3A_790 : vector<16xi32>
          %parallel_loop3A_794 = tpu.vector_load_idx %arg4[%parallel_loop3A_793, %parallel_loop3A_164] : memref<64x384xf32, #tpu.memory_space<vmem>>[vector<16xi32>, vector<16xi32>], vector<16xf32>,
          %parallel_loop3A_795 = arith.constant 32 : i32
          %parallel_loop3A_796 = vector.broadcast %parallel_loop3A_795 : i32 to vector<16xi32>
          %parallel_loop3A_797 = arith.addi %mul3A_151, %parallel_loop3A_796 : vector<16xi32>
          %parallel_loop3A_798 = arith.addi %parallel_loop3A_797, %parallel_loop3A_790 : vector<16xi32>
          tpu.vector_store_idx %arg5[%parallel_loop3A_168, %parallel_loop3A_798], %parallel_loop3A_794 : memref<192x128xf32, #tpu.memory_space<vmem>>[vector<16xi32>, vector<16xi32>], vector<16xf32>,
          %parallel_loop3A_799 = arith.constant 13 : i32
          %parallel_loop3A_800 = vector.broadcast %parallel_loop3A_799 : i32 to vector<16xi32>
          %parallel_loop3A_801 = arith.addi %iota3A, %parallel_loop3A_800 : vector<16xi32>
          %parallel_loop3A_802 = arith.constant 15 : i32
          %parallel_loop3A_803 = vector.broadcast %parallel_loop3A_802 : i32 to vector<16xi32>
          %parallel_loop3A_804 = arith.andi %parallel_loop3A_801, %parallel_loop3A_803 : vector<16xi32>
          %parallel_loop3A_805 = arith.constant 32 : i32
          %parallel_loop3A_806 = vector.broadcast %parallel_loop3A_805 : i32 to vector<16xi32>
          %parallel_loop3A_807 = arith.addi %parallel_loop3A_806, %parallel_loop3A_804 : vector<16xi32>
          %parallel_loop3A_808 = tpu.vector_load_idx %arg4[%parallel_loop3A_807, %parallel_loop3A_164] : memref<64x384xf32, #tpu.memory_space<vmem>>[vector<16xi32>, vector<16xi32>], vector<16xf32>,
          %parallel_loop3A_809 = arith.constant 32 : i32
          %parallel_loop3A_810 = vector.broadcast %parallel_loop3A_809 : i32 to vector<16xi32>
          %parallel_loop3A_811 = arith.addi %mul3A_151, %parallel_loop3A_810 : vector<16xi32>
          %parallel_loop3A_812 = arith.addi %parallel_loop3A_811, %parallel_loop3A_804 : vector<16xi32>
          tpu.vector_store_idx %arg5[%parallel_loop3A_168, %parallel_loop3A_812], %parallel_loop3A_808 : memref<192x128xf32, #tpu.memory_space<vmem>>[vector<16xi32>, vector<16xi32>], vector<16xf32>,
          %parallel_loop3A_813 = arith.constant 14 : i32
          %parallel_loop3A_814 = vector.broadcast %parallel_loop3A_813 : i32 to vector<16xi32>
          %parallel_loop3A_815 = arith.addi %iota3A, %parallel_loop3A_814 : vector<16xi32>
          %parallel_loop3A_816 = arith.constant 15 : i32
          %parallel_loop3A_817 = vector.broadcast %parallel_loop3A_816 : i32 to vector<16xi32>
          %parallel_loop3A_818 = arith.andi %parallel_loop3A_815, %parallel_loop3A_817 : vector<16xi32>
          %parallel_loop3A_819 = arith.constant 32 : i32
          %parallel_loop3A_820 = vector.broadcast %parallel_loop3A_819 : i32 to vector<16xi32>
          %parallel_loop3A_821 = arith.addi %parallel_loop3A_820, %parallel_loop3A_818 : vector<16xi32>
          %parallel_loop3A_822 = tpu.vector_load_idx %arg4[%parallel_loop3A_821, %parallel_loop3A_164] : memref<64x384xf32, #tpu.memory_space<vmem>>[vector<16xi32>, vector<16xi32>], vector<16xf32>,
          %parallel_loop3A_823 = arith.constant 32 : i32
          %parallel_loop3A_824 = vector.broadcast %parallel_loop3A_823 : i32 to vector<16xi32>
          %parallel_loop3A_825 = arith.addi %mul3A_151, %parallel_loop3A_824 : vector<16xi32>
          %parallel_loop3A_826 = arith.addi %parallel_loop3A_825, %parallel_loop3A_818 : vector<16xi32>
          tpu.vector_store_idx %arg5[%parallel_loop3A_168, %parallel_loop3A_826], %parallel_loop3A_822 : memref<192x128xf32, #tpu.memory_space<vmem>>[vector<16xi32>, vector<16xi32>], vector<16xf32>,
          %parallel_loop3A_827 = arith.constant 15 : i32
          %parallel_loop3A_828 = vector.broadcast %parallel_loop3A_827 : i32 to vector<16xi32>
          %parallel_loop3A_829 = arith.addi %iota3A, %parallel_loop3A_828 : vector<16xi32>
          %parallel_loop3A_830 = arith.constant 15 : i32
          %parallel_loop3A_831 = vector.broadcast %parallel_loop3A_830 : i32 to vector<16xi32>
          %parallel_loop3A_832 = arith.andi %parallel_loop3A_829, %parallel_loop3A_831 : vector<16xi32>
          %parallel_loop3A_833 = arith.constant 32 : i32
          %parallel_loop3A_834 = vector.broadcast %parallel_loop3A_833 : i32 to vector<16xi32>
          %parallel_loop3A_835 = arith.addi %parallel_loop3A_834, %parallel_loop3A_832 : vector<16xi32>
          %parallel_loop3A_836 = tpu.vector_load_idx %arg4[%parallel_loop3A_835, %parallel_loop3A_164] : memref<64x384xf32, #tpu.memory_space<vmem>>[vector<16xi32>, vector<16xi32>], vector<16xf32>,
          %parallel_loop3A_837 = arith.constant 32 : i32
          %parallel_loop3A_838 = vector.broadcast %parallel_loop3A_837 : i32 to vector<16xi32>
          %parallel_loop3A_839 = arith.addi %mul3A_151, %parallel_loop3A_838 : vector<16xi32>
          %parallel_loop3A_840 = arith.addi %parallel_loop3A_839, %parallel_loop3A_832 : vector<16xi32>
          tpu.vector_store_idx %arg5[%parallel_loop3A_168, %parallel_loop3A_840], %parallel_loop3A_836 : memref<192x128xf32, #tpu.memory_space<vmem>>[vector<16xi32>, vector<16xi32>], vector<16xf32>,
          %parallel_loop3A_841 = arith.constant 0 : i32
          %parallel_loop3A_842 = vector.broadcast %parallel_loop3A_841 : i32 to vector<16xi32>
          %parallel_loop3A_843 = arith.addi %iota3A, %parallel_loop3A_842 : vector<16xi32>
          %parallel_loop3A_844 = arith.constant 15 : i32
          %parallel_loop3A_845 = vector.broadcast %parallel_loop3A_844 : i32 to vector<16xi32>
          %parallel_loop3A_846 = arith.andi %parallel_loop3A_843, %parallel_loop3A_845 : vector<16xi32>
          %parallel_loop3A_847 = arith.constant 48 : i32
          %parallel_loop3A_848 = vector.broadcast %parallel_loop3A_847 : i32 to vector<16xi32>
          %parallel_loop3A_849 = arith.addi %parallel_loop3A_848, %parallel_loop3A_846 : vector<16xi32>
          %parallel_loop3A_850 = tpu.vector_load_idx %arg4[%parallel_loop3A_849, %parallel_loop3A_164] : memref<64x384xf32, #tpu.memory_space<vmem>>[vector<16xi32>, vector<16xi32>], vector<16xf32>,
          %parallel_loop3A_851 = arith.constant 48 : i32
          %parallel_loop3A_852 = vector.broadcast %parallel_loop3A_851 : i32 to vector<16xi32>
          %parallel_loop3A_853 = arith.addi %mul3A_151, %parallel_loop3A_852 : vector<16xi32>
          %parallel_loop3A_854 = arith.addi %parallel_loop3A_853, %parallel_loop3A_846 : vector<16xi32>
          tpu.vector_store_idx %arg5[%parallel_loop3A_168, %parallel_loop3A_854], %parallel_loop3A_850 : memref<192x128xf32, #tpu.memory_space<vmem>>[vector<16xi32>, vector<16xi32>], vector<16xf32>,
          %parallel_loop3A_855 = arith.constant 1 : i32
          %parallel_loop3A_856 = vector.broadcast %parallel_loop3A_855 : i32 to vector<16xi32>
          %parallel_loop3A_857 = arith.addi %iota3A, %parallel_loop3A_856 : vector<16xi32>
          %parallel_loop3A_858 = arith.constant 15 : i32
          %parallel_loop3A_859 = vector.broadcast %parallel_loop3A_858 : i32 to vector<16xi32>
          %parallel_loop3A_860 = arith.andi %parallel_loop3A_857, %parallel_loop3A_859 : vector<16xi32>
          %parallel_loop3A_861 = arith.constant 48 : i32
          %parallel_loop3A_862 = vector.broadcast %parallel_loop3A_861 : i32 to vector<16xi32>
          %parallel_loop3A_863 = arith.addi %parallel_loop3A_862, %parallel_loop3A_860 : vector<16xi32>
          %parallel_loop3A_864 = tpu.vector_load_idx %arg4[%parallel_loop3A_863, %parallel_loop3A_164] : memref<64x384xf32, #tpu.memory_space<vmem>>[vector<16xi32>, vector<16xi32>], vector<16xf32>,
          %parallel_loop3A_865 = arith.constant 48 : i32
          %parallel_loop3A_866 = vector.broadcast %parallel_loop3A_865 : i32 to vector<16xi32>
          %parallel_loop3A_867 = arith.addi %mul3A_151, %parallel_loop3A_866 : vector<16xi32>
          %parallel_loop3A_868 = arith.addi %parallel_loop3A_867, %parallel_loop3A_860 : vector<16xi32>
          tpu.vector_store_idx %arg5[%parallel_loop3A_168, %parallel_loop3A_868], %parallel_loop3A_864 : memref<192x128xf32, #tpu.memory_space<vmem>>[vector<16xi32>, vector<16xi32>], vector<16xf32>,
          %parallel_loop3A_869 = arith.constant 2 : i32
          %parallel_loop3A_870 = vector.broadcast %parallel_loop3A_869 : i32 to vector<16xi32>
          %parallel_loop3A_871 = arith.addi %iota3A, %parallel_loop3A_870 : vector<16xi32>
          %parallel_loop3A_872 = arith.constant 15 : i32
          %parallel_loop3A_873 = vector.broadcast %parallel_loop3A_872 : i32 to vector<16xi32>
          %parallel_loop3A_874 = arith.andi %parallel_loop3A_871, %parallel_loop3A_873 : vector<16xi32>
          %parallel_loop3A_875 = arith.constant 48 : i32
          %parallel_loop3A_876 = vector.broadcast %parallel_loop3A_875 : i32 to vector<16xi32>
          %parallel_loop3A_877 = arith.addi %parallel_loop3A_876, %parallel_loop3A_874 : vector<16xi32>
          %parallel_loop3A_878 = tpu.vector_load_idx %arg4[%parallel_loop3A_877, %parallel_loop3A_164] : memref<64x384xf32, #tpu.memory_space<vmem>>[vector<16xi32>, vector<16xi32>], vector<16xf32>,
          %parallel_loop3A_879 = arith.constant 48 : i32
          %parallel_loop3A_880 = vector.broadcast %parallel_loop3A_879 : i32 to vector<16xi32>
          %parallel_loop3A_881 = arith.addi %mul3A_151, %parallel_loop3A_880 : vector<16xi32>
          %parallel_loop3A_882 = arith.addi %parallel_loop3A_881, %parallel_loop3A_874 : vector<16xi32>
          tpu.vector_store_idx %arg5[%parallel_loop3A_168, %parallel_loop3A_882], %parallel_loop3A_878 : memref<192x128xf32, #tpu.memory_space<vmem>>[vector<16xi32>, vector<16xi32>], vector<16xf32>,
          %parallel_loop3A_883 = arith.constant 3 : i32
          %parallel_loop3A_884 = vector.broadcast %parallel_loop3A_883 : i32 to vector<16xi32>
          %parallel_loop3A_885 = arith.addi %iota3A, %parallel_loop3A_884 : vector<16xi32>
          %parallel_loop3A_886 = arith.constant 15 : i32
          %parallel_loop3A_887 = vector.broadcast %parallel_loop3A_886 : i32 to vector<16xi32>
          %parallel_loop3A_888 = arith.andi %parallel_loop3A_885, %parallel_loop3A_887 : vector<16xi32>
          %parallel_loop3A_889 = arith.constant 48 : i32
          %parallel_loop3A_890 = vector.broadcast %parallel_loop3A_889 : i32 to vector<16xi32>
          %parallel_loop3A_891 = arith.addi %parallel_loop3A_890, %parallel_loop3A_888 : vector<16xi32>
          %parallel_loop3A_892 = tpu.vector_load_idx %arg4[%parallel_loop3A_891, %parallel_loop3A_164] : memref<64x384xf32, #tpu.memory_space<vmem>>[vector<16xi32>, vector<16xi32>], vector<16xf32>,
          %parallel_loop3A_893 = arith.constant 48 : i32
          %parallel_loop3A_894 = vector.broadcast %parallel_loop3A_893 : i32 to vector<16xi32>
          %parallel_loop3A_895 = arith.addi %mul3A_151, %parallel_loop3A_894 : vector<16xi32>
          %parallel_loop3A_896 = arith.addi %parallel_loop3A_895, %parallel_loop3A_888 : vector<16xi32>
          tpu.vector_store_idx %arg5[%parallel_loop3A_168, %parallel_loop3A_896], %parallel_loop3A_892 : memref<192x128xf32, #tpu.memory_space<vmem>>[vector<16xi32>, vector<16xi32>], vector<16xf32>,
          %parallel_loop3A_897 = arith.constant 4 : i32
          %parallel_loop3A_898 = vector.broadcast %parallel_loop3A_897 : i32 to vector<16xi32>
          %parallel_loop3A_899 = arith.addi %iota3A, %parallel_loop3A_898 : vector<16xi32>
          %parallel_loop3A_900 = arith.constant 15 : i32
          %parallel_loop3A_901 = vector.broadcast %parallel_loop3A_900 : i32 to vector<16xi32>
          %parallel_loop3A_902 = arith.andi %parallel_loop3A_899, %parallel_loop3A_901 : vector<16xi32>
          %parallel_loop3A_903 = arith.constant 48 : i32
          %parallel_loop3A_904 = vector.broadcast %parallel_loop3A_903 : i32 to vector<16xi32>
          %parallel_loop3A_905 = arith.addi %parallel_loop3A_904, %parallel_loop3A_902 : vector<16xi32>
          %parallel_loop3A_906 = tpu.vector_load_idx %arg4[%parallel_loop3A_905, %parallel_loop3A_164] : memref<64x384xf32, #tpu.memory_space<vmem>>[vector<16xi32>, vector<16xi32>], vector<16xf32>,
          %parallel_loop3A_907 = arith.constant 48 : i32
          %parallel_loop3A_908 = vector.broadcast %parallel_loop3A_907 : i32 to vector<16xi32>
          %parallel_loop3A_909 = arith.addi %mul3A_151, %parallel_loop3A_908 : vector<16xi32>
          %parallel_loop3A_910 = arith.addi %parallel_loop3A_909, %parallel_loop3A_902 : vector<16xi32>
          tpu.vector_store_idx %arg5[%parallel_loop3A_168, %parallel_loop3A_910], %parallel_loop3A_906 : memref<192x128xf32, #tpu.memory_space<vmem>>[vector<16xi32>, vector<16xi32>], vector<16xf32>,
          %parallel_loop3A_911 = arith.constant 5 : i32
          %parallel_loop3A_912 = vector.broadcast %parallel_loop3A_911 : i32 to vector<16xi32>
          %parallel_loop3A_913 = arith.addi %iota3A, %parallel_loop3A_912 : vector<16xi32>
          %parallel_loop3A_914 = arith.constant 15 : i32
          %parallel_loop3A_915 = vector.broadcast %parallel_loop3A_914 : i32 to vector<16xi32>
          %parallel_loop3A_916 = arith.andi %parallel_loop3A_913, %parallel_loop3A_915 : vector<16xi32>
          %parallel_loop3A_917 = arith.constant 48 : i32
          %parallel_loop3A_918 = vector.broadcast %parallel_loop3A_917 : i32 to vector<16xi32>
          %parallel_loop3A_919 = arith.addi %parallel_loop3A_918, %parallel_loop3A_916 : vector<16xi32>
          %parallel_loop3A_920 = tpu.vector_load_idx %arg4[%parallel_loop3A_919, %parallel_loop3A_164] : memref<64x384xf32, #tpu.memory_space<vmem>>[vector<16xi32>, vector<16xi32>], vector<16xf32>,
          %parallel_loop3A_921 = arith.constant 48 : i32
          %parallel_loop3A_922 = vector.broadcast %parallel_loop3A_921 : i32 to vector<16xi32>
          %parallel_loop3A_923 = arith.addi %mul3A_151, %parallel_loop3A_922 : vector<16xi32>
          %parallel_loop3A_924 = arith.addi %parallel_loop3A_923, %parallel_loop3A_916 : vector<16xi32>
          tpu.vector_store_idx %arg5[%parallel_loop3A_168, %parallel_loop3A_924], %parallel_loop3A_920 : memref<192x128xf32, #tpu.memory_space<vmem>>[vector<16xi32>, vector<16xi32>], vector<16xf32>,
          %parallel_loop3A_925 = arith.constant 6 : i32
          %parallel_loop3A_926 = vector.broadcast %parallel_loop3A_925 : i32 to vector<16xi32>
          %parallel_loop3A_927 = arith.addi %iota3A, %parallel_loop3A_926 : vector<16xi32>
          %parallel_loop3A_928 = arith.constant 15 : i32
          %parallel_loop3A_929 = vector.broadcast %parallel_loop3A_928 : i32 to vector<16xi32>
          %parallel_loop3A_930 = arith.andi %parallel_loop3A_927, %parallel_loop3A_929 : vector<16xi32>
          %parallel_loop3A_931 = arith.constant 48 : i32
          %parallel_loop3A_932 = vector.broadcast %parallel_loop3A_931 : i32 to vector<16xi32>
          %parallel_loop3A_933 = arith.addi %parallel_loop3A_932, %parallel_loop3A_930 : vector<16xi32>
          %parallel_loop3A_934 = tpu.vector_load_idx %arg4[%parallel_loop3A_933, %parallel_loop3A_164] : memref<64x384xf32, #tpu.memory_space<vmem>>[vector<16xi32>, vector<16xi32>], vector<16xf32>,
          %parallel_loop3A_935 = arith.constant 48 : i32
          %parallel_loop3A_936 = vector.broadcast %parallel_loop3A_935 : i32 to vector<16xi32>
          %parallel_loop3A_937 = arith.addi %mul3A_151, %parallel_loop3A_936 : vector<16xi32>
          %parallel_loop3A_938 = arith.addi %parallel_loop3A_937, %parallel_loop3A_930 : vector<16xi32>
          tpu.vector_store_idx %arg5[%parallel_loop3A_168, %parallel_loop3A_938], %parallel_loop3A_934 : memref<192x128xf32, #tpu.memory_space<vmem>>[vector<16xi32>, vector<16xi32>], vector<16xf32>,
          %parallel_loop3A_939 = arith.constant 7 : i32
          %parallel_loop3A_940 = vector.broadcast %parallel_loop3A_939 : i32 to vector<16xi32>
          %parallel_loop3A_941 = arith.addi %iota3A, %parallel_loop3A_940 : vector<16xi32>
          %parallel_loop3A_942 = arith.constant 15 : i32
          %parallel_loop3A_943 = vector.broadcast %parallel_loop3A_942 : i32 to vector<16xi32>
          %parallel_loop3A_944 = arith.andi %parallel_loop3A_941, %parallel_loop3A_943 : vector<16xi32>
          %parallel_loop3A_945 = arith.constant 48 : i32
          %parallel_loop3A_946 = vector.broadcast %parallel_loop3A_945 : i32 to vector<16xi32>
          %parallel_loop3A_947 = arith.addi %parallel_loop3A_946, %parallel_loop3A_944 : vector<16xi32>
          %parallel_loop3A_948 = tpu.vector_load_idx %arg4[%parallel_loop3A_947, %parallel_loop3A_164] : memref<64x384xf32, #tpu.memory_space<vmem>>[vector<16xi32>, vector<16xi32>], vector<16xf32>,
          %parallel_loop3A_949 = arith.constant 48 : i32
          %parallel_loop3A_950 = vector.broadcast %parallel_loop3A_949 : i32 to vector<16xi32>
          %parallel_loop3A_951 = arith.addi %mul3A_151, %parallel_loop3A_950 : vector<16xi32>
          %parallel_loop3A_952 = arith.addi %parallel_loop3A_951, %parallel_loop3A_944 : vector<16xi32>
          tpu.vector_store_idx %arg5[%parallel_loop3A_168, %parallel_loop3A_952], %parallel_loop3A_948 : memref<192x128xf32, #tpu.memory_space<vmem>>[vector<16xi32>, vector<16xi32>], vector<16xf32>,
          %parallel_loop3A_953 = arith.constant 8 : i32
          %parallel_loop3A_954 = vector.broadcast %parallel_loop3A_953 : i32 to vector<16xi32>
          %parallel_loop3A_955 = arith.addi %iota3A, %parallel_loop3A_954 : vector<16xi32>
          %parallel_loop3A_956 = arith.constant 15 : i32
          %parallel_loop3A_957 = vector.broadcast %parallel_loop3A_956 : i32 to vector<16xi32>
          %parallel_loop3A_958 = arith.andi %parallel_loop3A_955, %parallel_loop3A_957 : vector<16xi32>
          %parallel_loop3A_959 = arith.constant 48 : i32
          %parallel_loop3A_960 = vector.broadcast %parallel_loop3A_959 : i32 to vector<16xi32>
          %parallel_loop3A_961 = arith.addi %parallel_loop3A_960, %parallel_loop3A_958 : vector<16xi32>
          %parallel_loop3A_962 = tpu.vector_load_idx %arg4[%parallel_loop3A_961, %parallel_loop3A_164] : memref<64x384xf32, #tpu.memory_space<vmem>>[vector<16xi32>, vector<16xi32>], vector<16xf32>,
          %parallel_loop3A_963 = arith.constant 48 : i32
          %parallel_loop3A_964 = vector.broadcast %parallel_loop3A_963 : i32 to vector<16xi32>
          %parallel_loop3A_965 = arith.addi %mul3A_151, %parallel_loop3A_964 : vector<16xi32>
          %parallel_loop3A_966 = arith.addi %parallel_loop3A_965, %parallel_loop3A_958 : vector<16xi32>
          tpu.vector_store_idx %arg5[%parallel_loop3A_168, %parallel_loop3A_966], %parallel_loop3A_962 : memref<192x128xf32, #tpu.memory_space<vmem>>[vector<16xi32>, vector<16xi32>], vector<16xf32>,
          %parallel_loop3A_967 = arith.constant 9 : i32
          %parallel_loop3A_968 = vector.broadcast %parallel_loop3A_967 : i32 to vector<16xi32>
          %parallel_loop3A_969 = arith.addi %iota3A, %parallel_loop3A_968 : vector<16xi32>
          %parallel_loop3A_970 = arith.constant 15 : i32
          %parallel_loop3A_971 = vector.broadcast %parallel_loop3A_970 : i32 to vector<16xi32>
          %parallel_loop3A_972 = arith.andi %parallel_loop3A_969, %parallel_loop3A_971 : vector<16xi32>
          %parallel_loop3A_973 = arith.constant 48 : i32
          %parallel_loop3A_974 = vector.broadcast %parallel_loop3A_973 : i32 to vector<16xi32>
          %parallel_loop3A_975 = arith.addi %parallel_loop3A_974, %parallel_loop3A_972 : vector<16xi32>
          %parallel_loop3A_976 = tpu.vector_load_idx %arg4[%parallel_loop3A_975, %parallel_loop3A_164] : memref<64x384xf32, #tpu.memory_space<vmem>>[vector<16xi32>, vector<16xi32>], vector<16xf32>,
          %parallel_loop3A_977 = arith.constant 48 : i32
          %parallel_loop3A_978 = vector.broadcast %parallel_loop3A_977 : i32 to vector<16xi32>
          %parallel_loop3A_979 = arith.addi %mul3A_151, %parallel_loop3A_978 : vector<16xi32>
          %parallel_loop3A_980 = arith.addi %parallel_loop3A_979, %parallel_loop3A_972 : vector<16xi32>
          tpu.vector_store_idx %arg5[%parallel_loop3A_168, %parallel_loop3A_980], %parallel_loop3A_976 : memref<192x128xf32, #tpu.memory_space<vmem>>[vector<16xi32>, vector<16xi32>], vector<16xf32>,
          %parallel_loop3A_981 = arith.constant 10 : i32
          %parallel_loop3A_982 = vector.broadcast %parallel_loop3A_981 : i32 to vector<16xi32>
          %parallel_loop3A_983 = arith.addi %iota3A, %parallel_loop3A_982 : vector<16xi32>
          %parallel_loop3A_984 = arith.constant 15 : i32
          %parallel_loop3A_985 = vector.broadcast %parallel_loop3A_984 : i32 to vector<16xi32>
          %parallel_loop3A_986 = arith.andi %parallel_loop3A_983, %parallel_loop3A_985 : vector<16xi32>
          %parallel_loop3A_987 = arith.constant 48 : i32
          %parallel_loop3A_988 = vector.broadcast %parallel_loop3A_987 : i32 to vector<16xi32>
          %parallel_loop3A_989 = arith.addi %parallel_loop3A_988, %parallel_loop3A_986 : vector<16xi32>
          %parallel_loop3A_990 = tpu.vector_load_idx %arg4[%parallel_loop3A_989, %parallel_loop3A_164] : memref<64x384xf32, #tpu.memory_space<vmem>>[vector<16xi32>, vector<16xi32>], vector<16xf32>,
          %parallel_loop3A_991 = arith.constant 48 : i32
          %parallel_loop3A_992 = vector.broadcast %parallel_loop3A_991 : i32 to vector<16xi32>
          %parallel_loop3A_993 = arith.addi %mul3A_151, %parallel_loop3A_992 : vector<16xi32>
          %parallel_loop3A_994 = arith.addi %parallel_loop3A_993, %parallel_loop3A_986 : vector<16xi32>
          tpu.vector_store_idx %arg5[%parallel_loop3A_168, %parallel_loop3A_994], %parallel_loop3A_990 : memref<192x128xf32, #tpu.memory_space<vmem>>[vector<16xi32>, vector<16xi32>], vector<16xf32>,
          %parallel_loop3A_995 = arith.constant 11 : i32
          %parallel_loop3A_996 = vector.broadcast %parallel_loop3A_995 : i32 to vector<16xi32>
          %parallel_loop3A_997 = arith.addi %iota3A, %parallel_loop3A_996 : vector<16xi32>
          %parallel_loop3A_998 = arith.constant 15 : i32
          %parallel_loop3A_999 = vector.broadcast %parallel_loop3A_998 : i32 to vector<16xi32>
          %parallel_loop3A_1000 = arith.andi %parallel_loop3A_997, %parallel_loop3A_999 : vector<16xi32>
          %parallel_loop3A_1001 = arith.constant 48 : i32
          %parallel_loop3A_1002 = vector.broadcast %parallel_loop3A_1001 : i32 to vector<16xi32>
          %parallel_loop3A_1003 = arith.addi %parallel_loop3A_1002, %parallel_loop3A_1000 : vector<16xi32>
          %parallel_loop3A_1004 = tpu.vector_load_idx %arg4[%parallel_loop3A_1003, %parallel_loop3A_164] : memref<64x384xf32, #tpu.memory_space<vmem>>[vector<16xi32>, vector<16xi32>], vector<16xf32>,
          %parallel_loop3A_1005 = arith.constant 48 : i32
          %parallel_loop3A_1006 = vector.broadcast %parallel_loop3A_1005 : i32 to vector<16xi32>
          %parallel_loop3A_1007 = arith.addi %mul3A_151, %parallel_loop3A_1006 : vector<16xi32>
          %parallel_loop3A_1008 = arith.addi %parallel_loop3A_1007, %parallel_loop3A_1000 : vector<16xi32>
          tpu.vector_store_idx %arg5[%parallel_loop3A_168, %parallel_loop3A_1008], %parallel_loop3A_1004 : memref<192x128xf32, #tpu.memory_space<vmem>>[vector<16xi32>, vector<16xi32>], vector<16xf32>,
          %parallel_loop3A_1009 = arith.constant 12 : i32
          %parallel_loop3A_1010 = vector.broadcast %parallel_loop3A_1009 : i32 to vector<16xi32>
          %parallel_loop3A_1011 = arith.addi %iota3A, %parallel_loop3A_1010 : vector<16xi32>
          %parallel_loop3A_1012 = arith.constant 15 : i32
          %parallel_loop3A_1013 = vector.broadcast %parallel_loop3A_1012 : i32 to vector<16xi32>
          %parallel_loop3A_1014 = arith.andi %parallel_loop3A_1011, %parallel_loop3A_1013 : vector<16xi32>
          %parallel_loop3A_1015 = arith.constant 48 : i32
          %parallel_loop3A_1016 = vector.broadcast %parallel_loop3A_1015 : i32 to vector<16xi32>
          %parallel_loop3A_1017 = arith.addi %parallel_loop3A_1016, %parallel_loop3A_1014 : vector<16xi32>
          %parallel_loop3A_1018 = tpu.vector_load_idx %arg4[%parallel_loop3A_1017, %parallel_loop3A_164] : memref<64x384xf32, #tpu.memory_space<vmem>>[vector<16xi32>, vector<16xi32>], vector<16xf32>,
          %parallel_loop3A_1019 = arith.constant 48 : i32
          %parallel_loop3A_1020 = vector.broadcast %parallel_loop3A_1019 : i32 to vector<16xi32>
          %parallel_loop3A_1021 = arith.addi %mul3A_151, %parallel_loop3A_1020 : vector<16xi32>
          %parallel_loop3A_1022 = arith.addi %parallel_loop3A_1021, %parallel_loop3A_1014 : vector<16xi32>
          tpu.vector_store_idx %arg5[%parallel_loop3A_168, %parallel_loop3A_1022], %parallel_loop3A_1018 : memref<192x128xf32, #tpu.memory_space<vmem>>[vector<16xi32>, vector<16xi32>], vector<16xf32>,
          %parallel_loop3A_1023 = arith.constant 13 : i32
          %parallel_loop3A_1024 = vector.broadcast %parallel_loop3A_1023 : i32 to vector<16xi32>
          %parallel_loop3A_1025 = arith.addi %iota3A, %parallel_loop3A_1024 : vector<16xi32>
          %parallel_loop3A_1026 = arith.constant 15 : i32
          %parallel_loop3A_1027 = vector.broadcast %parallel_loop3A_1026 : i32 to vector<16xi32>
          %parallel_loop3A_1028 = arith.andi %parallel_loop3A_1025, %parallel_loop3A_1027 : vector<16xi32>
          %parallel_loop3A_1029 = arith.constant 48 : i32
          %parallel_loop3A_1030 = vector.broadcast %parallel_loop3A_1029 : i32 to vector<16xi32>
          %parallel_loop3A_1031 = arith.addi %parallel_loop3A_1030, %parallel_loop3A_1028 : vector<16xi32>
          %parallel_loop3A_1032 = tpu.vector_load_idx %arg4[%parallel_loop3A_1031, %parallel_loop3A_164] : memref<64x384xf32, #tpu.memory_space<vmem>>[vector<16xi32>, vector<16xi32>], vector<16xf32>,
          %parallel_loop3A_1033 = arith.constant 48 : i32
          %parallel_loop3A_1034 = vector.broadcast %parallel_loop3A_1033 : i32 to vector<16xi32>
          %parallel_loop3A_1035 = arith.addi %mul3A_151, %parallel_loop3A_1034 : vector<16xi32>
          %parallel_loop3A_1036 = arith.addi %parallel_loop3A_1035, %parallel_loop3A_1028 : vector<16xi32>
          tpu.vector_store_idx %arg5[%parallel_loop3A_168, %parallel_loop3A_1036], %parallel_loop3A_1032 : memref<192x128xf32, #tpu.memory_space<vmem>>[vector<16xi32>, vector<16xi32>], vector<16xf32>,
          %parallel_loop3A_1037 = arith.constant 14 : i32
          %parallel_loop3A_1038 = vector.broadcast %parallel_loop3A_1037 : i32 to vector<16xi32>
          %parallel_loop3A_1039 = arith.addi %iota3A, %parallel_loop3A_1038 : vector<16xi32>
          %parallel_loop3A_1040 = arith.constant 15 : i32
          %parallel_loop3A_1041 = vector.broadcast %parallel_loop3A_1040 : i32 to vector<16xi32>
          %parallel_loop3A_1042 = arith.andi %parallel_loop3A_1039, %parallel_loop3A_1041 : vector<16xi32>
          %parallel_loop3A_1043 = arith.constant 48 : i32
          %parallel_loop3A_1044 = vector.broadcast %parallel_loop3A_1043 : i32 to vector<16xi32>
          %parallel_loop3A_1045 = arith.addi %parallel_loop3A_1044, %parallel_loop3A_1042 : vector<16xi32>
          %parallel_loop3A_1046 = tpu.vector_load_idx %arg4[%parallel_loop3A_1045, %parallel_loop3A_164] : memref<64x384xf32, #tpu.memory_space<vmem>>[vector<16xi32>, vector<16xi32>], vector<16xf32>,
          %parallel_loop3A_1047 = arith.constant 48 : i32
          %parallel_loop3A_1048 = vector.broadcast %parallel_loop3A_1047 : i32 to vector<16xi32>
          %parallel_loop3A_1049 = arith.addi %mul3A_151, %parallel_loop3A_1048 : vector<16xi32>
          %parallel_loop3A_1050 = arith.addi %parallel_loop3A_1049, %parallel_loop3A_1042 : vector<16xi32>
          tpu.vector_store_idx %arg5[%parallel_loop3A_168, %parallel_loop3A_1050], %parallel_loop3A_1046 : memref<192x128xf32, #tpu.memory_space<vmem>>[vector<16xi32>, vector<16xi32>], vector<16xf32>,
          %parallel_loop3A_1051 = arith.constant 15 : i32
          %parallel_loop3A_1052 = vector.broadcast %parallel_loop3A_1051 : i32 to vector<16xi32>
          %parallel_loop3A_1053 = arith.addi %iota3A, %parallel_loop3A_1052 : vector<16xi32>
          %parallel_loop3A_1054 = arith.constant 15 : i32
          %parallel_loop3A_1055 = vector.broadcast %parallel_loop3A_1054 : i32 to vector<16xi32>
          %parallel_loop3A_1056 = arith.andi %parallel_loop3A_1053, %parallel_loop3A_1055 : vector<16xi32>
          %parallel_loop3A_1057 = arith.constant 48 : i32
          %parallel_loop3A_1058 = vector.broadcast %parallel_loop3A_1057 : i32 to vector<16xi32>
          %parallel_loop3A_1059 = arith.addi %parallel_loop3A_1058, %parallel_loop3A_1056 : vector<16xi32>
          %parallel_loop3A_1060 = tpu.vector_load_idx %arg4[%parallel_loop3A_1059, %parallel_loop3A_164] : memref<64x384xf32, #tpu.memory_space<vmem>>[vector<16xi32>, vector<16xi32>], vector<16xf32>,
          %parallel_loop3A_1061 = arith.constant 48 : i32
          %parallel_loop3A_1062 = vector.broadcast %parallel_loop3A_1061 : i32 to vector<16xi32>
          %parallel_loop3A_1063 = arith.addi %mul3A_151, %parallel_loop3A_1062 : vector<16xi32>
          %parallel_loop3A_1064 = arith.addi %parallel_loop3A_1063, %parallel_loop3A_1056 : vector<16xi32>
          tpu.vector_store_idx %arg5[%parallel_loop3A_168, %parallel_loop3A_1064], %parallel_loop3A_1060 : memref<192x128xf32, #tpu.memory_space<vmem>>[vector<16xi32>, vector<16xi32>], vector<16xf32>,
        } {sc.loop_unroll_factor = 4 : i64, sc.parallel_access}
        %mul3A_154 = arith.constant 192 : i32
        %mul3A_155 = arith.muli %add3A_56, %mul3A_154 : i32
        %dma_start3A_156 = arith.constant 0 : i32
        %dma_start3A_157 = tpu.memref_slice %arg3[%mul3A_155, %dma_start3A_156] : memref<500000x128xf32, #tpu.memory_space<hbm>> -> memref<192x128xf32, #tpu.memory_space<hbm>>
        %dma_start3A_158 = arith.constant 0 : i32
        %dma_start3A_159 = tpu.memref_slice %arg3[%mul3A_155, %dma_start3A_158] : memref<500000x128xf32, #tpu.memory_space<hbm>> -> memref<192x128xf32, #tpu.memory_space<hbm>>
        tpu.enqueue_dma source(%arg5 : memref<192x128xf32, #tpu.memory_space<vmem>>) target(%dma_start3A_159 : memref<192x128xf32, #tpu.memory_space<hbm>>) target_semaphore(%arg7 : memref<!tpu.dma_semaphore, #tpu.memory_space<semaphore_mem>>)
      } else {
      }
      %add3A_62 = arith.constant 2 : i32
      %add3A_63 = arith.addi %add3A_53, %add3A_62 : i32
      %mul3A_64 = arith.constant 32 : i32
      %mul3A_65 = arith.muli %add3A_63, %mul3A_64 : i32
      %add3A_66 = arith.addi %add3A, %mul3A_65 : i32
      %lt3A_67 = arith.constant 2604 : i32
      %lt3A_68 = arith.cmpi slt, %add3A_66, %lt3A_67 : i32
      %convert_element_type3A_69 = arith.extui %lt3A_68 : i1 to i32
      %cond3A_70 = arith.constant 0 : i32
      %cond3A_71 = arith.cmpi ne, %convert_element_type3A_69, %cond3A_70 : i32
      scf.if %cond3A_71 {
        %mul3A_92 = arith.constant 384 : i32
        %mul3A_93 = arith.muli %add3A_66, %mul3A_92 : i32
        %dma_start3A_94 = arith.constant 0 : i32
        %dma_start3A_95 = arith.constant 0 : i32
        %dma_start3A_96 = tpu.memref_slice %arg4[%dma_start3A_94, %dma_start3A_95] : memref<64x384xf32, #tpu.memory_space<vmem>> -> memref<16x384xf32, #tpu.memory_space<vmem>>
        %dma_start3A_97 = arith.constant 0 : i32
        %dma_start3A_98 = tpu.memref_slice %arg2[%dma_start3A_97, %mul3A_93] : memref<64x1000000xf32, #tpu.memory_space<hbm>> -> memref<16x384xf32, #tpu.memory_space<hbm>>
        %dma_start3A_99 = arith.constant 0 : i32
        %dma_start3A_100 = arith.constant 0 : i32
        %dma_start3A_101 = tpu.memref_slice %arg4[%dma_start3A_99, %dma_start3A_100] : memref<64x384xf32, #tpu.memory_space<vmem>> -> memref<16x384xf32, #tpu.memory_space<vmem>>
        %dma_start3A_102 = arith.constant 0 : i32
        %dma_start3A_103 = tpu.memref_slice %arg2[%dma_start3A_102, %mul3A_93] : memref<64x1000000xf32, #tpu.memory_space<hbm>> -> memref<16x384xf32, #tpu.memory_space<hbm>>
        tpu.enqueue_dma source(%dma_start3A_103 : memref<16x384xf32, #tpu.memory_space<hbm>>) target(%dma_start3A_101 : memref<16x384xf32, #tpu.memory_space<vmem>>) target_semaphore(%arg6 : memref<!tpu.dma_semaphore, #tpu.memory_space<semaphore_mem>>)
        %mul3A_104 = arith.constant 384 : i32
        %mul3A_105 = arith.muli %add3A_66, %mul3A_104 : i32
        %dma_start3A_106 = arith.constant 16 : i32
        %dma_start3A_107 = arith.constant 0 : i32
        %dma_start3A_108 = tpu.memref_slice %arg4[%dma_start3A_106, %dma_start3A_107] : memref<64x384xf32, #tpu.memory_space<vmem>> -> memref<16x384xf32, #tpu.memory_space<vmem>>
        %dma_start3A_109 = arith.constant 16 : i32
        %dma_start3A_110 = tpu.memref_slice %arg2[%dma_start3A_109, %mul3A_105] : memref<64x1000000xf32, #tpu.memory_space<hbm>> -> memref<16x384xf32, #tpu.memory_space<hbm>>
        %dma_start3A_111 = arith.constant 16 : i32
        %dma_start3A_112 = arith.constant 0 : i32
        %dma_start3A_113 = tpu.memref_slice %arg4[%dma_start3A_111, %dma_start3A_112] : memref<64x384xf32, #tpu.memory_space<vmem>> -> memref<16x384xf32, #tpu.memory_space<vmem>>
        %dma_start3A_114 = arith.constant 16 : i32
        %dma_start3A_115 = tpu.memref_slice %arg2[%dma_start3A_114, %mul3A_105] : memref<64x1000000xf32, #tpu.memory_space<hbm>> -> memref<16x384xf32, #tpu.memory_space<hbm>>
        tpu.enqueue_dma source(%dma_start3A_115 : memref<16x384xf32, #tpu.memory_space<hbm>>) target(%dma_start3A_113 : memref<16x384xf32, #tpu.memory_space<vmem>>) target_semaphore(%arg6 : memref<!tpu.dma_semaphore, #tpu.memory_space<semaphore_mem>>)
        %mul3A_116 = arith.constant 384 : i32
        %mul3A_117 = arith.muli %add3A_66, %mul3A_116 : i32
        %dma_start3A_118 = arith.constant 32 : i32
        %dma_start3A_119 = arith.constant 0 : i32
        %dma_start3A_120 = tpu.memref_slice %arg4[%dma_start3A_118, %dma_start3A_119] : memref<64x384xf32, #tpu.memory_space<vmem>> -> memref<16x384xf32, #tpu.memory_space<vmem>>
        %dma_start3A_121 = arith.constant 32 : i32
        %dma_start3A_122 = tpu.memref_slice %arg2[%dma_start3A_121, %mul3A_117] : memref<64x1000000xf32, #tpu.memory_space<hbm>> -> memref<16x384xf32, #tpu.memory_space<hbm>>
        %dma_start3A_123 = arith.constant 32 : i32
        %dma_start3A_124 = arith.constant 0 : i32
        %dma_start3A_125 = tpu.memref_slice %arg4[%dma_start3A_123, %dma_start3A_124] : memref<64x384xf32, #tpu.memory_space<vmem>> -> memref<16x384xf32, #tpu.memory_space<vmem>>
        %dma_start3A_126 = arith.constant 32 : i32
        %dma_start3A_127 = tpu.memref_slice %arg2[%dma_start3A_126, %mul3A_117] : memref<64x1000000xf32, #tpu.memory_space<hbm>> -> memref<16x384xf32, #tpu.memory_space<hbm>>
        tpu.enqueue_dma source(%dma_start3A_127 : memref<16x384xf32, #tpu.memory_space<hbm>>) target(%dma_start3A_125 : memref<16x384xf32, #tpu.memory_space<vmem>>) target_semaphore(%arg6 : memref<!tpu.dma_semaphore, #tpu.memory_space<semaphore_mem>>)
        %mul3A_128 = arith.constant 384 : i32
        %mul3A_129 = arith.muli %add3A_66, %mul3A_128 : i32
        %dma_start3A_130 = arith.constant 48 : i32
        %dma_start3A_131 = arith.constant 0 : i32
        %dma_start3A_132 = tpu.memref_slice %arg4[%dma_start3A_130, %dma_start3A_131] : memref<64x384xf32, #tpu.memory_space<vmem>> -> memref<16x384xf32, #tpu.memory_space<vmem>>
        %dma_start3A_133 = arith.constant 48 : i32
        %dma_start3A_134 = tpu.memref_slice %arg2[%dma_start3A_133, %mul3A_129] : memref<64x1000000xf32, #tpu.memory_space<hbm>> -> memref<16x384xf32, #tpu.memory_space<hbm>>
        %dma_start3A_135 = arith.constant 48 : i32
        %dma_start3A_136 = arith.constant 0 : i32
        %dma_start3A_137 = tpu.memref_slice %arg4[%dma_start3A_135, %dma_start3A_136] : memref<64x384xf32, #tpu.memory_space<vmem>> -> memref<16x384xf32, #tpu.memory_space<vmem>>
        %dma_start3A_138 = arith.constant 48 : i32
        %dma_start3A_139 = tpu.memref_slice %arg2[%dma_start3A_138, %mul3A_129] : memref<64x1000000xf32, #tpu.memory_space<hbm>> -> memref<16x384xf32, #tpu.memory_space<hbm>>
        tpu.enqueue_dma source(%dma_start3A_139 : memref<16x384xf32, #tpu.memory_space<hbm>>) target(%dma_start3A_137 : memref<16x384xf32, #tpu.memory_space<vmem>>) target_semaphore(%arg6 : memref<!tpu.dma_semaphore, #tpu.memory_space<semaphore_mem>>)
      } else {
      }
      %add3A_72 = arith.constant 1 : i32
      %add3A_73 = arith.addi %add3A_53, %add3A_72 : i32
      %mul3A_74 = arith.constant 32 : i32
      %mul3A_75 = arith.muli %add3A_73, %mul3A_74 : i32
      %add3A_76 = arith.addi %add3A, %mul3A_75 : i32
      %lt3A_77 = arith.constant 2604 : i32
      %lt3A_78 = arith.cmpi slt, %add3A_76, %lt3A_77 : i32
      %convert_element_type3A_79 = arith.extui %lt3A_78 : i1 to i32
      %cond3A_80 = arith.constant 0 : i32
      %cond3A_81 = arith.cmpi ne, %convert_element_type3A_79, %cond3A_80 : i32
      scf.if %cond3A_81 {
        %dma_wait3A = arith.constant 0 : i32
        %dma_wait3A_92 = arith.constant 0 : i32
        %dma_wait3A_93 = tpu.memref_slice %arg3[%dma_wait3A, %dma_wait3A_92] : memref<500000x128xf32, #tpu.memory_space<hbm>> -> memref<192x128xf32, #tpu.memory_space<hbm>>
        %dma_wait3A_94 = arith.constant 0 : i32
        %dma_wait3A_95 = arith.constant 0 : i32
        %dma_wait3A_96 = tpu.memref_slice %arg3[%dma_wait3A_94, %dma_wait3A_95] : memref<500000x128xf32, #tpu.memory_space<hbm>> -> memref<192x128xf32, #tpu.memory_space<hbm>>
        tpu.wait_dma2 semaphore(%arg11 : memref<!tpu.dma_semaphore, #tpu.memory_space<semaphore_mem>>) src(%arg9 : memref<192x128xf32, #tpu.memory_space<vmem>>) dst(%dma_wait3A_96 : memref<192x128xf32, #tpu.memory_space<hbm>>)
        %mul3A_97 = arith.constant 384 : i32
        %mul3A_98 = arith.muli %add3A_76, %mul3A_97 : i32
        %dma_wait3A_99 = arith.constant 0 : i32
        %dma_wait3A_100 = arith.constant 0 : i32
        %dma_wait3A_101 = tpu.memref_slice %arg8[%dma_wait3A_99, %dma_wait3A_100] : memref<64x384xf32, #tpu.memory_space<vmem>> -> memref<16x384xf32, #tpu.memory_space<vmem>>
        %dma_wait3A_102 = arith.constant 0 : i32
        %dma_wait3A_103 = tpu.memref_slice %arg2[%dma_wait3A_102, %mul3A_98] : memref<64x1000000xf32, #tpu.memory_space<hbm>> -> memref<16x384xf32, #tpu.memory_space<hbm>>
        %dma_wait3A_104 = arith.constant 0 : i32
        %dma_wait3A_105 = arith.constant 0 : i32
        %dma_wait3A_106 = tpu.memref_slice %arg8[%dma_wait3A_104, %dma_wait3A_105] : memref<64x384xf32, #tpu.memory_space<vmem>> -> memref<16x384xf32, #tpu.memory_space<vmem>>
        %dma_wait3A_107 = arith.constant 0 : i32
        %dma_wait3A_108 = tpu.memref_slice %arg2[%dma_wait3A_107, %mul3A_98] : memref<64x1000000xf32, #tpu.memory_space<hbm>> -> memref<16x384xf32, #tpu.memory_space<hbm>>
        tpu.wait_dma2 semaphore(%arg10 : memref<!tpu.dma_semaphore, #tpu.memory_space<semaphore_mem>>) src(%dma_wait3A_108 : memref<16x384xf32, #tpu.memory_space<hbm>>) dst(%dma_wait3A_106 : memref<16x384xf32, #tpu.memory_space<vmem>>)
        %mul3A_109 = arith.constant 384 : i32
        %mul3A_110 = arith.muli %add3A_76, %mul3A_109 : i32
        %dma_wait3A_111 = arith.constant 16 : i32
        %dma_wait3A_112 = arith.constant 0 : i32
        %dma_wait3A_113 = tpu.memref_slice %arg8[%dma_wait3A_111, %dma_wait3A_112] : memref<64x384xf32, #tpu.memory_space<vmem>> -> memref<16x384xf32, #tpu.memory_space<vmem>>
        %dma_wait3A_114 = arith.constant 16 : i32
        %dma_wait3A_115 = tpu.memref_slice %arg2[%dma_wait3A_114, %mul3A_110] : memref<64x1000000xf32, #tpu.memory_space<hbm>> -> memref<16x384xf32, #tpu.memory_space<hbm>>
        %dma_wait3A_116 = arith.constant 16 : i32
        %dma_wait3A_117 = arith.constant 0 : i32
        %dma_wait3A_118 = tpu.memref_slice %arg8[%dma_wait3A_116, %dma_wait3A_117] : memref<64x384xf32, #tpu.memory_space<vmem>> -> memref<16x384xf32, #tpu.memory_space<vmem>>
        %dma_wait3A_119 = arith.constant 16 : i32
        %dma_wait3A_120 = tpu.memref_slice %arg2[%dma_wait3A_119, %mul3A_110] : memref<64x1000000xf32, #tpu.memory_space<hbm>> -> memref<16x384xf32, #tpu.memory_space<hbm>>
        tpu.wait_dma2 semaphore(%arg10 : memref<!tpu.dma_semaphore, #tpu.memory_space<semaphore_mem>>) src(%dma_wait3A_120 : memref<16x384xf32, #tpu.memory_space<hbm>>) dst(%dma_wait3A_118 : memref<16x384xf32, #tpu.memory_space<vmem>>)
        %mul3A_121 = arith.constant 384 : i32
        %mul3A_122 = arith.muli %add3A_76, %mul3A_121 : i32
        %dma_wait3A_123 = arith.constant 32 : i32
        %dma_wait3A_124 = arith.constant 0 : i32
        %dma_wait3A_125 = tpu.memref_slice %arg8[%dma_wait3A_123, %dma_wait3A_124] : memref<64x384xf32, #tpu.memory_space<vmem>> -> memref<16x384xf32, #tpu.memory_space<vmem>>
        %dma_wait3A_126 = arith.constant 32 : i32
        %dma_wait3A_127 = tpu.memref_slice %arg2[%dma_wait3A_126, %mul3A_122] : memref<64x1000000xf32, #tpu.memory_space<hbm>> -> memref<16x384xf32, #tpu.memory_space<hbm>>
        %dma_wait3A_128 = arith.constant 32 : i32
        %dma_wait3A_129 = arith.constant 0 : i32
        %dma_wait3A_130 = tpu.memref_slice %arg8[%dma_wait3A_128, %dma_wait3A_129] : memref<64x384xf32, #tpu.memory_space<vmem>> -> memref<16x384xf32, #tpu.memory_space<vmem>>
        %dma_wait3A_131 = arith.constant 32 : i32
        %dma_wait3A_132 = tpu.memref_slice %arg2[%dma_wait3A_131, %mul3A_122] : memref<64x1000000xf32, #tpu.memory_space<hbm>> -> memref<16x384xf32, #tpu.memory_space<hbm>>
        tpu.wait_dma2 semaphore(%arg10 : memref<!tpu.dma_semaphore, #tpu.memory_space<semaphore_mem>>) src(%dma_wait3A_132 : memref<16x384xf32, #tpu.memory_space<hbm>>) dst(%dma_wait3A_130 : memref<16x384xf32, #tpu.memory_space<vmem>>)
        %mul3A_133 = arith.constant 384 : i32
        %mul3A_134 = arith.muli %add3A_76, %mul3A_133 : i32
        %dma_wait3A_135 = arith.constant 48 : i32
        %dma_wait3A_136 = arith.constant 0 : i32
        %dma_wait3A_137 = tpu.memref_slice %arg8[%dma_wait3A_135, %dma_wait3A_136] : memref<64x384xf32, #tpu.memory_space<vmem>> -> memref<16x384xf32, #tpu.memory_space<vmem>>
        %dma_wait3A_138 = arith.constant 48 : i32
        %dma_wait3A_139 = tpu.memref_slice %arg2[%dma_wait3A_138, %mul3A_134] : memref<64x1000000xf32, #tpu.memory_space<hbm>> -> memref<16x384xf32, #tpu.memory_space<hbm>>
        %dma_wait3A_140 = arith.constant 48 : i32
        %dma_wait3A_141 = arith.constant 0 : i32
        %dma_wait3A_142 = tpu.memref_slice %arg8[%dma_wait3A_140, %dma_wait3A_141] : memref<64x384xf32, #tpu.memory_space<vmem>> -> memref<16x384xf32, #tpu.memory_space<vmem>>
        %dma_wait3A_143 = arith.constant 48 : i32
        %dma_wait3A_144 = tpu.memref_slice %arg2[%dma_wait3A_143, %mul3A_134] : memref<64x1000000xf32, #tpu.memory_space<hbm>> -> memref<16x384xf32, #tpu.memory_space<hbm>>
        tpu.wait_dma2 semaphore(%arg10 : memref<!tpu.dma_semaphore, #tpu.memory_space<semaphore_mem>>) src(%dma_wait3A_144 : memref<16x384xf32, #tpu.memory_space<hbm>>) dst(%dma_wait3A_142 : memref<16x384xf32, #tpu.memory_space<vmem>>)
        %iota3A = tpu.iota {dimensions = array<i32: 0>} : vector<16xi32>
        %shift_right_logical3A = arith.constant 1 : i32
        %shift_right_logical3A_145 = vector.broadcast %shift_right_logical3A : i32 to vector<16xi32>
        %shift_right_logical3A_146 = arith.shrui %iota3A, %shift_right_logical3A_145 : vector<16xi32>
        %and3A = arith.constant 1 : i32
        %and3A_147 = vector.broadcast %and3A : i32 to vector<16xi32>
        %and3A_148 = arith.andi %iota3A, %and3A_147 : vector<16xi32>
        %mul3A_149 = arith.constant 64 : i32
        %mul3A_150 = vector.broadcast %mul3A_149 : i32 to vector<16xi32>
        %mul3A_151 = arith.muli %mul3A_150, %and3A_148 : vector<16xi32>
        %parallel_loop3A = arith.constant 0 : i32
        %parallel_loop3A_152 = arith.constant 24 : i32
        %parallel_loop3A_153 = arith.constant 1 : i32
        scf.for %parallel_loop3A_160 = %parallel_loop3A to %parallel_loop3A_152 step %parallel_loop3A_153  : i32 {
          %parallel_loop3A_161 = arith.constant 16 : i32
          %parallel_loop3A_162 = arith.muli %parallel_loop3A_160, %parallel_loop3A_161 : i32
          %parallel_loop3A_163 = vector.broadcast %parallel_loop3A_162 : i32 to vector<16xi32>
          %parallel_loop3A_164 = arith.addi %parallel_loop3A_163, %iota3A : vector<16xi32>
          %parallel_loop3A_165 = arith.constant 8 : i32
          %parallel_loop3A_166 = arith.muli %parallel_loop3A_160, %parallel_loop3A_165 : i32
          %parallel_loop3A_167 = vector.broadcast %parallel_loop3A_166 : i32 to vector<16xi32>
          %parallel_loop3A_168 = arith.addi %parallel_loop3A_167, %shift_right_logical3A_146 : vector<16xi32>
          %parallel_loop3A_169 = arith.constant 0 : i32
          %parallel_loop3A_170 = vector.broadcast %parallel_loop3A_169 : i32 to vector<16xi32>
          %parallel_loop3A_171 = arith.addi %iota3A, %parallel_loop3A_170 : vector<16xi32>
          %parallel_loop3A_172 = arith.constant 15 : i32
          %parallel_loop3A_173 = vector.broadcast %parallel_loop3A_172 : i32 to vector<16xi32>
          %parallel_loop3A_174 = arith.andi %parallel_loop3A_171, %parallel_loop3A_173 : vector<16xi32>
          %parallel_loop3A_175 = arith.constant 0 : i32
          %parallel_loop3A_176 = vector.broadcast %parallel_loop3A_175 : i32 to vector<16xi32>
          %parallel_loop3A_177 = arith.addi %parallel_loop3A_176, %parallel_loop3A_174 : vector<16xi32>
          %parallel_loop3A_178 = tpu.vector_load_idx %arg8[%parallel_loop3A_177, %parallel_loop3A_164] : memref<64x384xf32, #tpu.memory_space<vmem>>[vector<16xi32>, vector<16xi32>], vector<16xf32>,
          %parallel_loop3A_179 = arith.constant 0 : i32
          %parallel_loop3A_180 = vector.broadcast %parallel_loop3A_179 : i32 to vector<16xi32>
          %parallel_loop3A_181 = arith.addi %mul3A_151, %parallel_loop3A_180 : vector<16xi32>
          %parallel_loop3A_182 = arith.addi %parallel_loop3A_181, %parallel_loop3A_174 : vector<16xi32>
          tpu.vector_store_idx %arg9[%parallel_loop3A_168, %parallel_loop3A_182], %parallel_loop3A_178 : memref<192x128xf32, #tpu.memory_space<vmem>>[vector<16xi32>, vector<16xi32>], vector<16xf32>,
          %parallel_loop3A_183 = arith.constant 1 : i32
          %parallel_loop3A_184 = vector.broadcast %parallel_loop3A_183 : i32 to vector<16xi32>
          %parallel_loop3A_185 = arith.addi %iota3A, %parallel_loop3A_184 : vector<16xi32>
          %parallel_loop3A_186 = arith.constant 15 : i32
          %parallel_loop3A_187 = vector.broadcast %parallel_loop3A_186 : i32 to vector<16xi32>
          %parallel_loop3A_188 = arith.andi %parallel_loop3A_185, %parallel_loop3A_187 : vector<16xi32>
          %parallel_loop3A_189 = arith.constant 0 : i32
          %parallel_loop3A_190 = vector.broadcast %parallel_loop3A_189 : i32 to vector<16xi32>
          %parallel_loop3A_191 = arith.addi %parallel_loop3A_190, %parallel_loop3A_188 : vector<16xi32>
          %parallel_loop3A_192 = tpu.vector_load_idx %arg8[%parallel_loop3A_191, %parallel_loop3A_164] : memref<64x384xf32, #tpu.memory_space<vmem>>[vector<16xi32>, vector<16xi32>], vector<16xf32>,
          %parallel_loop3A_193 = arith.constant 0 : i32
          %parallel_loop3A_194 = vector.broadcast %parallel_loop3A_193 : i32 to vector<16xi32>
          %parallel_loop3A_195 = arith.addi %mul3A_151, %parallel_loop3A_194 : vector<16xi32>
          %parallel_loop3A_196 = arith.addi %parallel_loop3A_195, %parallel_loop3A_188 : vector<16xi32>
          tpu.vector_store_idx %arg9[%parallel_loop3A_168, %parallel_loop3A_196], %parallel_loop3A_192 : memref<192x128xf32, #tpu.memory_space<vmem>>[vector<16xi32>, vector<16xi32>], vector<16xf32>,
          %parallel_loop3A_197 = arith.constant 2 : i32
          %parallel_loop3A_198 = vector.broadcast %parallel_loop3A_197 : i32 to vector<16xi32>
          %parallel_loop3A_199 = arith.addi %iota3A, %parallel_loop3A_198 : vector<16xi32>
          %parallel_loop3A_200 = arith.constant 15 : i32
          %parallel_loop3A_201 = vector.broadcast %parallel_loop3A_200 : i32 to vector<16xi32>
          %parallel_loop3A_202 = arith.andi %parallel_loop3A_199, %parallel_loop3A_201 : vector<16xi32>
          %parallel_loop3A_203 = arith.constant 0 : i32
          %parallel_loop3A_204 = vector.broadcast %parallel_loop3A_203 : i32 to vector<16xi32>
          %parallel_loop3A_205 = arith.addi %parallel_loop3A_204, %parallel_loop3A_202 : vector<16xi32>
          %parallel_loop3A_206 = tpu.vector_load_idx %arg8[%parallel_loop3A_205, %parallel_loop3A_164] : memref<64x384xf32, #tpu.memory_space<vmem>>[vector<16xi32>, vector<16xi32>], vector<16xf32>,
          %parallel_loop3A_207 = arith.constant 0 : i32
          %parallel_loop3A_208 = vector.broadcast %parallel_loop3A_207 : i32 to vector<16xi32>
          %parallel_loop3A_209 = arith.addi %mul3A_151, %parallel_loop3A_208 : vector<16xi32>
          %parallel_loop3A_210 = arith.addi %parallel_loop3A_209, %parallel_loop3A_202 : vector<16xi32>
          tpu.vector_store_idx %arg9[%parallel_loop3A_168, %parallel_loop3A_210], %parallel_loop3A_206 : memref<192x128xf32, #tpu.memory_space<vmem>>[vector<16xi32>, vector<16xi32>], vector<16xf32>,
          %parallel_loop3A_211 = arith.constant 3 : i32
          %parallel_loop3A_212 = vector.broadcast %parallel_loop3A_211 : i32 to vector<16xi32>
          %parallel_loop3A_213 = arith.addi %iota3A, %parallel_loop3A_212 : vector<16xi32>
          %parallel_loop3A_214 = arith.constant 15 : i32
          %parallel_loop3A_215 = vector.broadcast %parallel_loop3A_214 : i32 to vector<16xi32>
          %parallel_loop3A_216 = arith.andi %parallel_loop3A_213, %parallel_loop3A_215 : vector<16xi32>
          %parallel_loop3A_217 = arith.constant 0 : i32
          %parallel_loop3A_218 = vector.broadcast %parallel_loop3A_217 : i32 to vector<16xi32>
          %parallel_loop3A_219 = arith.addi %parallel_loop3A_218, %parallel_loop3A_216 : vector<16xi32>
          %parallel_loop3A_220 = tpu.vector_load_idx %arg8[%parallel_loop3A_219, %parallel_loop3A_164] : memref<64x384xf32, #tpu.memory_space<vmem>>[vector<16xi32>, vector<16xi32>], vector<16xf32>,
          %parallel_loop3A_221 = arith.constant 0 : i32
          %parallel_loop3A_222 = vector.broadcast %parallel_loop3A_221 : i32 to vector<16xi32>
          %parallel_loop3A_223 = arith.addi %mul3A_151, %parallel_loop3A_222 : vector<16xi32>
          %parallel_loop3A_224 = arith.addi %parallel_loop3A_223, %parallel_loop3A_216 : vector<16xi32>
          tpu.vector_store_idx %arg9[%parallel_loop3A_168, %parallel_loop3A_224], %parallel_loop3A_220 : memref<192x128xf32, #tpu.memory_space<vmem>>[vector<16xi32>, vector<16xi32>], vector<16xf32>,
          %parallel_loop3A_225 = arith.constant 4 : i32
          %parallel_loop3A_226 = vector.broadcast %parallel_loop3A_225 : i32 to vector<16xi32>
          %parallel_loop3A_227 = arith.addi %iota3A, %parallel_loop3A_226 : vector<16xi32>
          %parallel_loop3A_228 = arith.constant 15 : i32
          %parallel_loop3A_229 = vector.broadcast %parallel_loop3A_228 : i32 to vector<16xi32>
          %parallel_loop3A_230 = arith.andi %parallel_loop3A_227, %parallel_loop3A_229 : vector<16xi32>
          %parallel_loop3A_231 = arith.constant 0 : i32
          %parallel_loop3A_232 = vector.broadcast %parallel_loop3A_231 : i32 to vector<16xi32>
          %parallel_loop3A_233 = arith.addi %parallel_loop3A_232, %parallel_loop3A_230 : vector<16xi32>
          %parallel_loop3A_234 = tpu.vector_load_idx %arg8[%parallel_loop3A_233, %parallel_loop3A_164] : memref<64x384xf32, #tpu.memory_space<vmem>>[vector<16xi32>, vector<16xi32>], vector<16xf32>,
          %parallel_loop3A_235 = arith.constant 0 : i32
          %parallel_loop3A_236 = vector.broadcast %parallel_loop3A_235 : i32 to vector<16xi32>
          %parallel_loop3A_237 = arith.addi %mul3A_151, %parallel_loop3A_236 : vector<16xi32>
          %parallel_loop3A_238 = arith.addi %parallel_loop3A_237, %parallel_loop3A_230 : vector<16xi32>
          tpu.vector_store_idx %arg9[%parallel_loop3A_168, %parallel_loop3A_238], %parallel_loop3A_234 : memref<192x128xf32, #tpu.memory_space<vmem>>[vector<16xi32>, vector<16xi32>], vector<16xf32>,
          %parallel_loop3A_239 = arith.constant 5 : i32
          %parallel_loop3A_240 = vector.broadcast %parallel_loop3A_239 : i32 to vector<16xi32>
          %parallel_loop3A_241 = arith.addi %iota3A, %parallel_loop3A_240 : vector<16xi32>
          %parallel_loop3A_242 = arith.constant 15 : i32
          %parallel_loop3A_243 = vector.broadcast %parallel_loop3A_242 : i32 to vector<16xi32>
          %parallel_loop3A_244 = arith.andi %parallel_loop3A_241, %parallel_loop3A_243 : vector<16xi32>
          %parallel_loop3A_245 = arith.constant 0 : i32
          %parallel_loop3A_246 = vector.broadcast %parallel_loop3A_245 : i32 to vector<16xi32>
          %parallel_loop3A_247 = arith.addi %parallel_loop3A_246, %parallel_loop3A_244 : vector<16xi32>
          %parallel_loop3A_248 = tpu.vector_load_idx %arg8[%parallel_loop3A_247, %parallel_loop3A_164] : memref<64x384xf32, #tpu.memory_space<vmem>>[vector<16xi32>, vector<16xi32>], vector<16xf32>,
          %parallel_loop3A_249 = arith.constant 0 : i32
          %parallel_loop3A_250 = vector.broadcast %parallel_loop3A_249 : i32 to vector<16xi32>
          %parallel_loop3A_251 = arith.addi %mul3A_151, %parallel_loop3A_250 : vector<16xi32>
          %parallel_loop3A_252 = arith.addi %parallel_loop3A_251, %parallel_loop3A_244 : vector<16xi32>
          tpu.vector_store_idx %arg9[%parallel_loop3A_168, %parallel_loop3A_252], %parallel_loop3A_248 : memref<192x128xf32, #tpu.memory_space<vmem>>[vector<16xi32>, vector<16xi32>], vector<16xf32>,
          %parallel_loop3A_253 = arith.constant 6 : i32
          %parallel_loop3A_254 = vector.broadcast %parallel_loop3A_253 : i32 to vector<16xi32>
          %parallel_loop3A_255 = arith.addi %iota3A, %parallel_loop3A_254 : vector<16xi32>
          %parallel_loop3A_256 = arith.constant 15 : i32
          %parallel_loop3A_257 = vector.broadcast %parallel_loop3A_256 : i32 to vector<16xi32>
          %parallel_loop3A_258 = arith.andi %parallel_loop3A_255, %parallel_loop3A_257 : vector<16xi32>
          %parallel_loop3A_259 = arith.constant 0 : i32
          %parallel_loop3A_260 = vector.broadcast %parallel_loop3A_259 : i32 to vector<16xi32>
          %parallel_loop3A_261 = arith.addi %parallel_loop3A_260, %parallel_loop3A_258 : vector<16xi32>
          %parallel_loop3A_262 = tpu.vector_load_idx %arg8[%parallel_loop3A_261, %parallel_loop3A_164] : memref<64x384xf32, #tpu.memory_space<vmem>>[vector<16xi32>, vector<16xi32>], vector<16xf32>,
          %parallel_loop3A_263 = arith.constant 0 : i32
          %parallel_loop3A_264 = vector.broadcast %parallel_loop3A_263 : i32 to vector<16xi32>
          %parallel_loop3A_265 = arith.addi %mul3A_151, %parallel_loop3A_264 : vector<16xi32>
          %parallel_loop3A_266 = arith.addi %parallel_loop3A_265, %parallel_loop3A_258 : vector<16xi32>
          tpu.vector_store_idx %arg9[%parallel_loop3A_168, %parallel_loop3A_266], %parallel_loop3A_262 : memref<192x128xf32, #tpu.memory_space<vmem>>[vector<16xi32>, vector<16xi32>], vector<16xf32>,
          %parallel_loop3A_267 = arith.constant 7 : i32
          %parallel_loop3A_268 = vector.broadcast %parallel_loop3A_267 : i32 to vector<16xi32>
          %parallel_loop3A_269 = arith.addi %iota3A, %parallel_loop3A_268 : vector<16xi32>
          %parallel_loop3A_270 = arith.constant 15 : i32
          %parallel_loop3A_271 = vector.broadcast %parallel_loop3A_270 : i32 to vector<16xi32>
          %parallel_loop3A_272 = arith.andi %parallel_loop3A_269, %parallel_loop3A_271 : vector<16xi32>
          %parallel_loop3A_273 = arith.constant 0 : i32
          %parallel_loop3A_274 = vector.broadcast %parallel_loop3A_273 : i32 to vector<16xi32>
          %parallel_loop3A_275 = arith.addi %parallel_loop3A_274, %parallel_loop3A_272 : vector<16xi32>
          %parallel_loop3A_276 = tpu.vector_load_idx %arg8[%parallel_loop3A_275, %parallel_loop3A_164] : memref<64x384xf32, #tpu.memory_space<vmem>>[vector<16xi32>, vector<16xi32>], vector<16xf32>,
          %parallel_loop3A_277 = arith.constant 0 : i32
          %parallel_loop3A_278 = vector.broadcast %parallel_loop3A_277 : i32 to vector<16xi32>
          %parallel_loop3A_279 = arith.addi %mul3A_151, %parallel_loop3A_278 : vector<16xi32>
          %parallel_loop3A_280 = arith.addi %parallel_loop3A_279, %parallel_loop3A_272 : vector<16xi32>
          tpu.vector_store_idx %arg9[%parallel_loop3A_168, %parallel_loop3A_280], %parallel_loop3A_276 : memref<192x128xf32, #tpu.memory_space<vmem>>[vector<16xi32>, vector<16xi32>], vector<16xf32>,
          %parallel_loop3A_281 = arith.constant 8 : i32
          %parallel_loop3A_282 = vector.broadcast %parallel_loop3A_281 : i32 to vector<16xi32>
          %parallel_loop3A_283 = arith.addi %iota3A, %parallel_loop3A_282 : vector<16xi32>
          %parallel_loop3A_284 = arith.constant 15 : i32
          %parallel_loop3A_285 = vector.broadcast %parallel_loop3A_284 : i32 to vector<16xi32>
          %parallel_loop3A_286 = arith.andi %parallel_loop3A_283, %parallel_loop3A_285 : vector<16xi32>
          %parallel_loop3A_287 = arith.constant 0 : i32
          %parallel_loop3A_288 = vector.broadcast %parallel_loop3A_287 : i32 to vector<16xi32>
          %parallel_loop3A_289 = arith.addi %parallel_loop3A_288, %parallel_loop3A_286 : vector<16xi32>
          %parallel_loop3A_290 = tpu.vector_load_idx %arg8[%parallel_loop3A_289, %parallel_loop3A_164] : memref<64x384xf32, #tpu.memory_space<vmem>>[vector<16xi32>, vector<16xi32>], vector<16xf32>,
          %parallel_loop3A_291 = arith.constant 0 : i32
          %parallel_loop3A_292 = vector.broadcast %parallel_loop3A_291 : i32 to vector<16xi32>
          %parallel_loop3A_293 = arith.addi %mul3A_151, %parallel_loop3A_292 : vector<16xi32>
          %parallel_loop3A_294 = arith.addi %parallel_loop3A_293, %parallel_loop3A_286 : vector<16xi32>
          tpu.vector_store_idx %arg9[%parallel_loop3A_168, %parallel_loop3A_294], %parallel_loop3A_290 : memref<192x128xf32, #tpu.memory_space<vmem>>[vector<16xi32>, vector<16xi32>], vector<16xf32>,
          %parallel_loop3A_295 = arith.constant 9 : i32
          %parallel_loop3A_296 = vector.broadcast %parallel_loop3A_295 : i32 to vector<16xi32>
          %parallel_loop3A_297 = arith.addi %iota3A, %parallel_loop3A_296 : vector<16xi32>
          %parallel_loop3A_298 = arith.constant 15 : i32
          %parallel_loop3A_299 = vector.broadcast %parallel_loop3A_298 : i32 to vector<16xi32>
          %parallel_loop3A_300 = arith.andi %parallel_loop3A_297, %parallel_loop3A_299 : vector<16xi32>
          %parallel_loop3A_301 = arith.constant 0 : i32
          %parallel_loop3A_302 = vector.broadcast %parallel_loop3A_301 : i32 to vector<16xi32>
          %parallel_loop3A_303 = arith.addi %parallel_loop3A_302, %parallel_loop3A_300 : vector<16xi32>
          %parallel_loop3A_304 = tpu.vector_load_idx %arg8[%parallel_loop3A_303, %parallel_loop3A_164] : memref<64x384xf32, #tpu.memory_space<vmem>>[vector<16xi32>, vector<16xi32>], vector<16xf32>,
          %parallel_loop3A_305 = arith.constant 0 : i32
          %parallel_loop3A_306 = vector.broadcast %parallel_loop3A_305 : i32 to vector<16xi32>
          %parallel_loop3A_307 = arith.addi %mul3A_151, %parallel_loop3A_306 : vector<16xi32>
          %parallel_loop3A_308 = arith.addi %parallel_loop3A_307, %parallel_loop3A_300 : vector<16xi32>
          tpu.vector_store_idx %arg9[%parallel_loop3A_168, %parallel_loop3A_308], %parallel_loop3A_304 : memref<192x128xf32, #tpu.memory_space<vmem>>[vector<16xi32>, vector<16xi32>], vector<16xf32>,
          %parallel_loop3A_309 = arith.constant 10 : i32
          %parallel_loop3A_310 = vector.broadcast %parallel_loop3A_309 : i32 to vector<16xi32>
          %parallel_loop3A_311 = arith.addi %iota3A, %parallel_loop3A_310 : vector<16xi32>
          %parallel_loop3A_312 = arith.constant 15 : i32
          %parallel_loop3A_313 = vector.broadcast %parallel_loop3A_312 : i32 to vector<16xi32>
          %parallel_loop3A_314 = arith.andi %parallel_loop3A_311, %parallel_loop3A_313 : vector<16xi32>
          %parallel_loop3A_315 = arith.constant 0 : i32
          %parallel_loop3A_316 = vector.broadcast %parallel_loop3A_315 : i32 to vector<16xi32>
          %parallel_loop3A_317 = arith.addi %parallel_loop3A_316, %parallel_loop3A_314 : vector<16xi32>
          %parallel_loop3A_318 = tpu.vector_load_idx %arg8[%parallel_loop3A_317, %parallel_loop3A_164] : memref<64x384xf32, #tpu.memory_space<vmem>>[vector<16xi32>, vector<16xi32>], vector<16xf32>,
          %parallel_loop3A_319 = arith.constant 0 : i32
          %parallel_loop3A_320 = vector.broadcast %parallel_loop3A_319 : i32 to vector<16xi32>
          %parallel_loop3A_321 = arith.addi %mul3A_151, %parallel_loop3A_320 : vector<16xi32>
          %parallel_loop3A_322 = arith.addi %parallel_loop3A_321, %parallel_loop3A_314 : vector<16xi32>
          tpu.vector_store_idx %arg9[%parallel_loop3A_168, %parallel_loop3A_322], %parallel_loop3A_318 : memref<192x128xf32, #tpu.memory_space<vmem>>[vector<16xi32>, vector<16xi32>], vector<16xf32>,
          %parallel_loop3A_323 = arith.constant 11 : i32
          %parallel_loop3A_324 = vector.broadcast %parallel_loop3A_323 : i32 to vector<16xi32>
          %parallel_loop3A_325 = arith.addi %iota3A, %parallel_loop3A_324 : vector<16xi32>
          %parallel_loop3A_326 = arith.constant 15 : i32
          %parallel_loop3A_327 = vector.broadcast %parallel_loop3A_326 : i32 to vector<16xi32>
          %parallel_loop3A_328 = arith.andi %parallel_loop3A_325, %parallel_loop3A_327 : vector<16xi32>
          %parallel_loop3A_329 = arith.constant 0 : i32
          %parallel_loop3A_330 = vector.broadcast %parallel_loop3A_329 : i32 to vector<16xi32>
          %parallel_loop3A_331 = arith.addi %parallel_loop3A_330, %parallel_loop3A_328 : vector<16xi32>
          %parallel_loop3A_332 = tpu.vector_load_idx %arg8[%parallel_loop3A_331, %parallel_loop3A_164] : memref<64x384xf32, #tpu.memory_space<vmem>>[vector<16xi32>, vector<16xi32>], vector<16xf32>,
          %parallel_loop3A_333 = arith.constant 0 : i32
          %parallel_loop3A_334 = vector.broadcast %parallel_loop3A_333 : i32 to vector<16xi32>
          %parallel_loop3A_335 = arith.addi %mul3A_151, %parallel_loop3A_334 : vector<16xi32>
          %parallel_loop3A_336 = arith.addi %parallel_loop3A_335, %parallel_loop3A_328 : vector<16xi32>
          tpu.vector_store_idx %arg9[%parallel_loop3A_168, %parallel_loop3A_336], %parallel_loop3A_332 : memref<192x128xf32, #tpu.memory_space<vmem>>[vector<16xi32>, vector<16xi32>], vector<16xf32>,
          %parallel_loop3A_337 = arith.constant 12 : i32
          %parallel_loop3A_338 = vector.broadcast %parallel_loop3A_337 : i32 to vector<16xi32>
          %parallel_loop3A_339 = arith.addi %iota3A, %parallel_loop3A_338 : vector<16xi32>
          %parallel_loop3A_340 = arith.constant 15 : i32
          %parallel_loop3A_341 = vector.broadcast %parallel_loop3A_340 : i32 to vector<16xi32>
          %parallel_loop3A_342 = arith.andi %parallel_loop3A_339, %parallel_loop3A_341 : vector<16xi32>
          %parallel_loop3A_343 = arith.constant 0 : i32
          %parallel_loop3A_344 = vector.broadcast %parallel_loop3A_343 : i32 to vector<16xi32>
          %parallel_loop3A_345 = arith.addi %parallel_loop3A_344, %parallel_loop3A_342 : vector<16xi32>
          %parallel_loop3A_346 = tpu.vector_load_idx %arg8[%parallel_loop3A_345, %parallel_loop3A_164] : memref<64x384xf32, #tpu.memory_space<vmem>>[vector<16xi32>, vector<16xi32>], vector<16xf32>,
          %parallel_loop3A_347 = arith.constant 0 : i32
          %parallel_loop3A_348 = vector.broadcast %parallel_loop3A_347 : i32 to vector<16xi32>
          %parallel_loop3A_349 = arith.addi %mul3A_151, %parallel_loop3A_348 : vector<16xi32>
          %parallel_loop3A_350 = arith.addi %parallel_loop3A_349, %parallel_loop3A_342 : vector<16xi32>
          tpu.vector_store_idx %arg9[%parallel_loop3A_168, %parallel_loop3A_350], %parallel_loop3A_346 : memref<192x128xf32, #tpu.memory_space<vmem>>[vector<16xi32>, vector<16xi32>], vector<16xf32>,
          %parallel_loop3A_351 = arith.constant 13 : i32
          %parallel_loop3A_352 = vector.broadcast %parallel_loop3A_351 : i32 to vector<16xi32>
          %parallel_loop3A_353 = arith.addi %iota3A, %parallel_loop3A_352 : vector<16xi32>
          %parallel_loop3A_354 = arith.constant 15 : i32
          %parallel_loop3A_355 = vector.broadcast %parallel_loop3A_354 : i32 to vector<16xi32>
          %parallel_loop3A_356 = arith.andi %parallel_loop3A_353, %parallel_loop3A_355 : vector<16xi32>
          %parallel_loop3A_357 = arith.constant 0 : i32
          %parallel_loop3A_358 = vector.broadcast %parallel_loop3A_357 : i32 to vector<16xi32>
          %parallel_loop3A_359 = arith.addi %parallel_loop3A_358, %parallel_loop3A_356 : vector<16xi32>
          %parallel_loop3A_360 = tpu.vector_load_idx %arg8[%parallel_loop3A_359, %parallel_loop3A_164] : memref<64x384xf32, #tpu.memory_space<vmem>>[vector<16xi32>, vector<16xi32>], vector<16xf32>,
          %parallel_loop3A_361 = arith.constant 0 : i32
          %parallel_loop3A_362 = vector.broadcast %parallel_loop3A_361 : i32 to vector<16xi32>
          %parallel_loop3A_363 = arith.addi %mul3A_151, %parallel_loop3A_362 : vector<16xi32>
          %parallel_loop3A_364 = arith.addi %parallel_loop3A_363, %parallel_loop3A_356 : vector<16xi32>
          tpu.vector_store_idx %arg9[%parallel_loop3A_168, %parallel_loop3A_364], %parallel_loop3A_360 : memref<192x128xf32, #tpu.memory_space<vmem>>[vector<16xi32>, vector<16xi32>], vector<16xf32>,
          %parallel_loop3A_365 = arith.constant 14 : i32
          %parallel_loop3A_366 = vector.broadcast %parallel_loop3A_365 : i32 to vector<16xi32>
          %parallel_loop3A_367 = arith.addi %iota3A, %parallel_loop3A_366 : vector<16xi32>
          %parallel_loop3A_368 = arith.constant 15 : i32
          %parallel_loop3A_369 = vector.broadcast %parallel_loop3A_368 : i32 to vector<16xi32>
          %parallel_loop3A_370 = arith.andi %parallel_loop3A_367, %parallel_loop3A_369 : vector<16xi32>
          %parallel_loop3A_371 = arith.constant 0 : i32
          %parallel_loop3A_372 = vector.broadcast %parallel_loop3A_371 : i32 to vector<16xi32>
          %parallel_loop3A_373 = arith.addi %parallel_loop3A_372, %parallel_loop3A_370 : vector<16xi32>
          %parallel_loop3A_374 = tpu.vector_load_idx %arg8[%parallel_loop3A_373, %parallel_loop3A_164] : memref<64x384xf32, #tpu.memory_space<vmem>>[vector<16xi32>, vector<16xi32>], vector<16xf32>,
          %parallel_loop3A_375 = arith.constant 0 : i32
          %parallel_loop3A_376 = vector.broadcast %parallel_loop3A_375 : i32 to vector<16xi32>
          %parallel_loop3A_377 = arith.addi %mul3A_151, %parallel_loop3A_376 : vector<16xi32>
          %parallel_loop3A_378 = arith.addi %parallel_loop3A_377, %parallel_loop3A_370 : vector<16xi32>
          tpu.vector_store_idx %arg9[%parallel_loop3A_168, %parallel_loop3A_378], %parallel_loop3A_374 : memref<192x128xf32, #tpu.memory_space<vmem>>[vector<16xi32>, vector<16xi32>], vector<16xf32>,
          %parallel_loop3A_379 = arith.constant 15 : i32
          %parallel_loop3A_380 = vector.broadcast %parallel_loop3A_379 : i32 to vector<16xi32>
          %parallel_loop3A_381 = arith.addi %iota3A, %parallel_loop3A_380 : vector<16xi32>
          %parallel_loop3A_382 = arith.constant 15 : i32
          %parallel_loop3A_383 = vector.broadcast %parallel_loop3A_382 : i32 to vector<16xi32>
          %parallel_loop3A_384 = arith.andi %parallel_loop3A_381, %parallel_loop3A_383 : vector<16xi32>
          %parallel_loop3A_385 = arith.constant 0 : i32
          %parallel_loop3A_386 = vector.broadcast %parallel_loop3A_385 : i32 to vector<16xi32>
          %parallel_loop3A_387 = arith.addi %parallel_loop3A_386, %parallel_loop3A_384 : vector<16xi32>
          %parallel_loop3A_388 = tpu.vector_load_idx %arg8[%parallel_loop3A_387, %parallel_loop3A_164] : memref<64x384xf32, #tpu.memory_space<vmem>>[vector<16xi32>, vector<16xi32>], vector<16xf32>,
          %parallel_loop3A_389 = arith.constant 0 : i32
          %parallel_loop3A_390 = vector.broadcast %parallel_loop3A_389 : i32 to vector<16xi32>
          %parallel_loop3A_391 = arith.addi %mul3A_151, %parallel_loop3A_390 : vector<16xi32>
          %parallel_loop3A_392 = arith.addi %parallel_loop3A_391, %parallel_loop3A_384 : vector<16xi32>
          tpu.vector_store_idx %arg9[%parallel_loop3A_168, %parallel_loop3A_392], %parallel_loop3A_388 : memref<192x128xf32, #tpu.memory_space<vmem>>[vector<16xi32>, vector<16xi32>], vector<16xf32>,
          %parallel_loop3A_393 = arith.constant 0 : i32
          %parallel_loop3A_394 = vector.broadcast %parallel_loop3A_393 : i32 to vector<16xi32>
          %parallel_loop3A_395 = arith.addi %iota3A, %parallel_loop3A_394 : vector<16xi32>
          %parallel_loop3A_396 = arith.constant 15 : i32
          %parallel_loop3A_397 = vector.broadcast %parallel_loop3A_396 : i32 to vector<16xi32>
          %parallel_loop3A_398 = arith.andi %parallel_loop3A_395, %parallel_loop3A_397 : vector<16xi32>
          %parallel_loop3A_399 = arith.constant 16 : i32
          %parallel_loop3A_400 = vector.broadcast %parallel_loop3A_399 : i32 to vector<16xi32>
          %parallel_loop3A_401 = arith.addi %parallel_loop3A_400, %parallel_loop3A_398 : vector<16xi32>
          %parallel_loop3A_402 = tpu.vector_load_idx %arg8[%parallel_loop3A_401, %parallel_loop3A_164] : memref<64x384xf32, #tpu.memory_space<vmem>>[vector<16xi32>, vector<16xi32>], vector<16xf32>,
          %parallel_loop3A_403 = arith.constant 16 : i32
          %parallel_loop3A_404 = vector.broadcast %parallel_loop3A_403 : i32 to vector<16xi32>
          %parallel_loop3A_405 = arith.addi %mul3A_151, %parallel_loop3A_404 : vector<16xi32>
          %parallel_loop3A_406 = arith.addi %parallel_loop3A_405, %parallel_loop3A_398 : vector<16xi32>
          tpu.vector_store_idx %arg9[%parallel_loop3A_168, %parallel_loop3A_406], %parallel_loop3A_402 : memref<192x128xf32, #tpu.memory_space<vmem>>[vector<16xi32>, vector<16xi32>], vector<16xf32>,
          %parallel_loop3A_407 = arith.constant 1 : i32
          %parallel_loop3A_408 = vector.broadcast %parallel_loop3A_407 : i32 to vector<16xi32>
          %parallel_loop3A_409 = arith.addi %iota3A, %parallel_loop3A_408 : vector<16xi32>
          %parallel_loop3A_410 = arith.constant 15 : i32
          %parallel_loop3A_411 = vector.broadcast %parallel_loop3A_410 : i32 to vector<16xi32>
          %parallel_loop3A_412 = arith.andi %parallel_loop3A_409, %parallel_loop3A_411 : vector<16xi32>
          %parallel_loop3A_413 = arith.constant 16 : i32
          %parallel_loop3A_414 = vector.broadcast %parallel_loop3A_413 : i32 to vector<16xi32>
          %parallel_loop3A_415 = arith.addi %parallel_loop3A_414, %parallel_loop3A_412 : vector<16xi32>
          %parallel_loop3A_416 = tpu.vector_load_idx %arg8[%parallel_loop3A_415, %parallel_loop3A_164] : memref<64x384xf32, #tpu.memory_space<vmem>>[vector<16xi32>, vector<16xi32>], vector<16xf32>,
          %parallel_loop3A_417 = arith.constant 16 : i32
          %parallel_loop3A_418 = vector.broadcast %parallel_loop3A_417 : i32 to vector<16xi32>
          %parallel_loop3A_419 = arith.addi %mul3A_151, %parallel_loop3A_418 : vector<16xi32>
          %parallel_loop3A_420 = arith.addi %parallel_loop3A_419, %parallel_loop3A_412 : vector<16xi32>
          tpu.vector_store_idx %arg9[%parallel_loop3A_168, %parallel_loop3A_420], %parallel_loop3A_416 : memref<192x128xf32, #tpu.memory_space<vmem>>[vector<16xi32>, vector<16xi32>], vector<16xf32>,
          %parallel_loop3A_421 = arith.constant 2 : i32
          %parallel_loop3A_422 = vector.broadcast %parallel_loop3A_421 : i32 to vector<16xi32>
          %parallel_loop3A_423 = arith.addi %iota3A, %parallel_loop3A_422 : vector<16xi32>
          %parallel_loop3A_424 = arith.constant 15 : i32
          %parallel_loop3A_425 = vector.broadcast %parallel_loop3A_424 : i32 to vector<16xi32>
          %parallel_loop3A_426 = arith.andi %parallel_loop3A_423, %parallel_loop3A_425 : vector<16xi32>
          %parallel_loop3A_427 = arith.constant 16 : i32
          %parallel_loop3A_428 = vector.broadcast %parallel_loop3A_427 : i32 to vector<16xi32>
          %parallel_loop3A_429 = arith.addi %parallel_loop3A_428, %parallel_loop3A_426 : vector<16xi32>
          %parallel_loop3A_430 = tpu.vector_load_idx %arg8[%parallel_loop3A_429, %parallel_loop3A_164] : memref<64x384xf32, #tpu.memory_space<vmem>>[vector<16xi32>, vector<16xi32>], vector<16xf32>,
          %parallel_loop3A_431 = arith.constant 16 : i32
          %parallel_loop3A_432 = vector.broadcast %parallel_loop3A_431 : i32 to vector<16xi32>
          %parallel_loop3A_433 = arith.addi %mul3A_151, %parallel_loop3A_432 : vector<16xi32>
          %parallel_loop3A_434 = arith.addi %parallel_loop3A_433, %parallel_loop3A_426 : vector<16xi32>
          tpu.vector_store_idx %arg9[%parallel_loop3A_168, %parallel_loop3A_434], %parallel_loop3A_430 : memref<192x128xf32, #tpu.memory_space<vmem>>[vector<16xi32>, vector<16xi32>], vector<16xf32>,
          %parallel_loop3A_435 = arith.constant 3 : i32
          %parallel_loop3A_436 = vector.broadcast %parallel_loop3A_435 : i32 to vector<16xi32>
          %parallel_loop3A_437 = arith.addi %iota3A, %parallel_loop3A_436 : vector<16xi32>
          %parallel_loop3A_438 = arith.constant 15 : i32
          %parallel_loop3A_439 = vector.broadcast %parallel_loop3A_438 : i32 to vector<16xi32>
          %parallel_loop3A_440 = arith.andi %parallel_loop3A_437, %parallel_loop3A_439 : vector<16xi32>
          %parallel_loop3A_441 = arith.constant 16 : i32
          %parallel_loop3A_442 = vector.broadcast %parallel_loop3A_441 : i32 to vector<16xi32>
          %parallel_loop3A_443 = arith.addi %parallel_loop3A_442, %parallel_loop3A_440 : vector<16xi32>
          %parallel_loop3A_444 = tpu.vector_load_idx %arg8[%parallel_loop3A_443, %parallel_loop3A_164] : memref<64x384xf32, #tpu.memory_space<vmem>>[vector<16xi32>, vector<16xi32>], vector<16xf32>,
          %parallel_loop3A_445 = arith.constant 16 : i32
          %parallel_loop3A_446 = vector.broadcast %parallel_loop3A_445 : i32 to vector<16xi32>
          %parallel_loop3A_447 = arith.addi %mul3A_151, %parallel_loop3A_446 : vector<16xi32>
          %parallel_loop3A_448 = arith.addi %parallel_loop3A_447, %parallel_loop3A_440 : vector<16xi32>
          tpu.vector_store_idx %arg9[%parallel_loop3A_168, %parallel_loop3A_448], %parallel_loop3A_444 : memref<192x128xf32, #tpu.memory_space<vmem>>[vector<16xi32>, vector<16xi32>], vector<16xf32>,
          %parallel_loop3A_449 = arith.constant 4 : i32
          %parallel_loop3A_450 = vector.broadcast %parallel_loop3A_449 : i32 to vector<16xi32>
          %parallel_loop3A_451 = arith.addi %iota3A, %parallel_loop3A_450 : vector<16xi32>
          %parallel_loop3A_452 = arith.constant 15 : i32
          %parallel_loop3A_453 = vector.broadcast %parallel_loop3A_452 : i32 to vector<16xi32>
          %parallel_loop3A_454 = arith.andi %parallel_loop3A_451, %parallel_loop3A_453 : vector<16xi32>
          %parallel_loop3A_455 = arith.constant 16 : i32
          %parallel_loop3A_456 = vector.broadcast %parallel_loop3A_455 : i32 to vector<16xi32>
          %parallel_loop3A_457 = arith.addi %parallel_loop3A_456, %parallel_loop3A_454 : vector<16xi32>
          %parallel_loop3A_458 = tpu.vector_load_idx %arg8[%parallel_loop3A_457, %parallel_loop3A_164] : memref<64x384xf32, #tpu.memory_space<vmem>>[vector<16xi32>, vector<16xi32>], vector<16xf32>,
          %parallel_loop3A_459 = arith.constant 16 : i32
          %parallel_loop3A_460 = vector.broadcast %parallel_loop3A_459 : i32 to vector<16xi32>
          %parallel_loop3A_461 = arith.addi %mul3A_151, %parallel_loop3A_460 : vector<16xi32>
          %parallel_loop3A_462 = arith.addi %parallel_loop3A_461, %parallel_loop3A_454 : vector<16xi32>
          tpu.vector_store_idx %arg9[%parallel_loop3A_168, %parallel_loop3A_462], %parallel_loop3A_458 : memref<192x128xf32, #tpu.memory_space<vmem>>[vector<16xi32>, vector<16xi32>], vector<16xf32>,
          %parallel_loop3A_463 = arith.constant 5 : i32
          %parallel_loop3A_464 = vector.broadcast %parallel_loop3A_463 : i32 to vector<16xi32>
          %parallel_loop3A_465 = arith.addi %iota3A, %parallel_loop3A_464 : vector<16xi32>
          %parallel_loop3A_466 = arith.constant 15 : i32
          %parallel_loop3A_467 = vector.broadcast %parallel_loop3A_466 : i32 to vector<16xi32>
          %parallel_loop3A_468 = arith.andi %parallel_loop3A_465, %parallel_loop3A_467 : vector<16xi32>
          %parallel_loop3A_469 = arith.constant 16 : i32
          %parallel_loop3A_470 = vector.broadcast %parallel_loop3A_469 : i32 to vector<16xi32>
          %parallel_loop3A_471 = arith.addi %parallel_loop3A_470, %parallel_loop3A_468 : vector<16xi32>
          %parallel_loop3A_472 = tpu.vector_load_idx %arg8[%parallel_loop3A_471, %parallel_loop3A_164] : memref<64x384xf32, #tpu.memory_space<vmem>>[vector<16xi32>, vector<16xi32>], vector<16xf32>,
          %parallel_loop3A_473 = arith.constant 16 : i32
          %parallel_loop3A_474 = vector.broadcast %parallel_loop3A_473 : i32 to vector<16xi32>
          %parallel_loop3A_475 = arith.addi %mul3A_151, %parallel_loop3A_474 : vector<16xi32>
          %parallel_loop3A_476 = arith.addi %parallel_loop3A_475, %parallel_loop3A_468 : vector<16xi32>
          tpu.vector_store_idx %arg9[%parallel_loop3A_168, %parallel_loop3A_476], %parallel_loop3A_472 : memref<192x128xf32, #tpu.memory_space<vmem>>[vector<16xi32>, vector<16xi32>], vector<16xf32>,
          %parallel_loop3A_477 = arith.constant 6 : i32
          %parallel_loop3A_478 = vector.broadcast %parallel_loop3A_477 : i32 to vector<16xi32>
          %parallel_loop3A_479 = arith.addi %iota3A, %parallel_loop3A_478 : vector<16xi32>
          %parallel_loop3A_480 = arith.constant 15 : i32
          %parallel_loop3A_481 = vector.broadcast %parallel_loop3A_480 : i32 to vector<16xi32>
          %parallel_loop3A_482 = arith.andi %parallel_loop3A_479, %parallel_loop3A_481 : vector<16xi32>
          %parallel_loop3A_483 = arith.constant 16 : i32
          %parallel_loop3A_484 = vector.broadcast %parallel_loop3A_483 : i32 to vector<16xi32>
          %parallel_loop3A_485 = arith.addi %parallel_loop3A_484, %parallel_loop3A_482 : vector<16xi32>
          %parallel_loop3A_486 = tpu.vector_load_idx %arg8[%parallel_loop3A_485, %parallel_loop3A_164] : memref<64x384xf32, #tpu.memory_space<vmem>>[vector<16xi32>, vector<16xi32>], vector<16xf32>,
          %parallel_loop3A_487 = arith.constant 16 : i32
          %parallel_loop3A_488 = vector.broadcast %parallel_loop3A_487 : i32 to vector<16xi32>
          %parallel_loop3A_489 = arith.addi %mul3A_151, %parallel_loop3A_488 : vector<16xi32>
          %parallel_loop3A_490 = arith.addi %parallel_loop3A_489, %parallel_loop3A_482 : vector<16xi32>
          tpu.vector_store_idx %arg9[%parallel_loop3A_168, %parallel_loop3A_490], %parallel_loop3A_486 : memref<192x128xf32, #tpu.memory_space<vmem>>[vector<16xi32>, vector<16xi32>], vector<16xf32>,
          %parallel_loop3A_491 = arith.constant 7 : i32
          %parallel_loop3A_492 = vector.broadcast %parallel_loop3A_491 : i32 to vector<16xi32>
          %parallel_loop3A_493 = arith.addi %iota3A, %parallel_loop3A_492 : vector<16xi32>
          %parallel_loop3A_494 = arith.constant 15 : i32
          %parallel_loop3A_495 = vector.broadcast %parallel_loop3A_494 : i32 to vector<16xi32>
          %parallel_loop3A_496 = arith.andi %parallel_loop3A_493, %parallel_loop3A_495 : vector<16xi32>
          %parallel_loop3A_497 = arith.constant 16 : i32
          %parallel_loop3A_498 = vector.broadcast %parallel_loop3A_497 : i32 to vector<16xi32>
          %parallel_loop3A_499 = arith.addi %parallel_loop3A_498, %parallel_loop3A_496 : vector<16xi32>
          %parallel_loop3A_500 = tpu.vector_load_idx %arg8[%parallel_loop3A_499, %parallel_loop3A_164] : memref<64x384xf32, #tpu.memory_space<vmem>>[vector<16xi32>, vector<16xi32>], vector<16xf32>,
          %parallel_loop3A_501 = arith.constant 16 : i32
          %parallel_loop3A_502 = vector.broadcast %parallel_loop3A_501 : i32 to vector<16xi32>
          %parallel_loop3A_503 = arith.addi %mul3A_151, %parallel_loop3A_502 : vector<16xi32>
          %parallel_loop3A_504 = arith.addi %parallel_loop3A_503, %parallel_loop3A_496 : vector<16xi32>
          tpu.vector_store_idx %arg9[%parallel_loop3A_168, %parallel_loop3A_504], %parallel_loop3A_500 : memref<192x128xf32, #tpu.memory_space<vmem>>[vector<16xi32>, vector<16xi32>], vector<16xf32>,
          %parallel_loop3A_505 = arith.constant 8 : i32
          %parallel_loop3A_506 = vector.broadcast %parallel_loop3A_505 : i32 to vector<16xi32>
          %parallel_loop3A_507 = arith.addi %iota3A, %parallel_loop3A_506 : vector<16xi32>
          %parallel_loop3A_508 = arith.constant 15 : i32
          %parallel_loop3A_509 = vector.broadcast %parallel_loop3A_508 : i32 to vector<16xi32>
          %parallel_loop3A_510 = arith.andi %parallel_loop3A_507, %parallel_loop3A_509 : vector<16xi32>
          %parallel_loop3A_511 = arith.constant 16 : i32
          %parallel_loop3A_512 = vector.broadcast %parallel_loop3A_511 : i32 to vector<16xi32>
          %parallel_loop3A_513 = arith.addi %parallel_loop3A_512, %parallel_loop3A_510 : vector<16xi32>
          %parallel_loop3A_514 = tpu.vector_load_idx %arg8[%parallel_loop3A_513, %parallel_loop3A_164] : memref<64x384xf32, #tpu.memory_space<vmem>>[vector<16xi32>, vector<16xi32>], vector<16xf32>,
          %parallel_loop3A_515 = arith.constant 16 : i32
          %parallel_loop3A_516 = vector.broadcast %parallel_loop3A_515 : i32 to vector<16xi32>
          %parallel_loop3A_517 = arith.addi %mul3A_151, %parallel_loop3A_516 : vector<16xi32>
          %parallel_loop3A_518 = arith.addi %parallel_loop3A_517, %parallel_loop3A_510 : vector<16xi32>
          tpu.vector_store_idx %arg9[%parallel_loop3A_168, %parallel_loop3A_518], %parallel_loop3A_514 : memref<192x128xf32, #tpu.memory_space<vmem>>[vector<16xi32>, vector<16xi32>], vector<16xf32>,
          %parallel_loop3A_519 = arith.constant 9 : i32
          %parallel_loop3A_520 = vector.broadcast %parallel_loop3A_519 : i32 to vector<16xi32>
          %parallel_loop3A_521 = arith.addi %iota3A, %parallel_loop3A_520 : vector<16xi32>
          %parallel_loop3A_522 = arith.constant 15 : i32
          %parallel_loop3A_523 = vector.broadcast %parallel_loop3A_522 : i32 to vector<16xi32>
          %parallel_loop3A_524 = arith.andi %parallel_loop3A_521, %parallel_loop3A_523 : vector<16xi32>
          %parallel_loop3A_525 = arith.constant 16 : i32
          %parallel_loop3A_526 = vector.broadcast %parallel_loop3A_525 : i32 to vector<16xi32>
          %parallel_loop3A_527 = arith.addi %parallel_loop3A_526, %parallel_loop3A_524 : vector<16xi32>
          %parallel_loop3A_528 = tpu.vector_load_idx %arg8[%parallel_loop3A_527, %parallel_loop3A_164] : memref<64x384xf32, #tpu.memory_space<vmem>>[vector<16xi32>, vector<16xi32>], vector<16xf32>,
          %parallel_loop3A_529 = arith.constant 16 : i32
          %parallel_loop3A_530 = vector.broadcast %parallel_loop3A_529 : i32 to vector<16xi32>
          %parallel_loop3A_531 = arith.addi %mul3A_151, %parallel_loop3A_530 : vector<16xi32>
          %parallel_loop3A_532 = arith.addi %parallel_loop3A_531, %parallel_loop3A_524 : vector<16xi32>
          tpu.vector_store_idx %arg9[%parallel_loop3A_168, %parallel_loop3A_532], %parallel_loop3A_528 : memref<192x128xf32, #tpu.memory_space<vmem>>[vector<16xi32>, vector<16xi32>], vector<16xf32>,
          %parallel_loop3A_533 = arith.constant 10 : i32
          %parallel_loop3A_534 = vector.broadcast %parallel_loop3A_533 : i32 to vector<16xi32>
          %parallel_loop3A_535 = arith.addi %iota3A, %parallel_loop3A_534 : vector<16xi32>
          %parallel_loop3A_536 = arith.constant 15 : i32
          %parallel_loop3A_537 = vector.broadcast %parallel_loop3A_536 : i32 to vector<16xi32>
          %parallel_loop3A_538 = arith.andi %parallel_loop3A_535, %parallel_loop3A_537 : vector<16xi32>
          %parallel_loop3A_539 = arith.constant 16 : i32
          %parallel_loop3A_540 = vector.broadcast %parallel_loop3A_539 : i32 to vector<16xi32>
          %parallel_loop3A_541 = arith.addi %parallel_loop3A_540, %parallel_loop3A_538 : vector<16xi32>
          %parallel_loop3A_542 = tpu.vector_load_idx %arg8[%parallel_loop3A_541, %parallel_loop3A_164] : memref<64x384xf32, #tpu.memory_space<vmem>>[vector<16xi32>, vector<16xi32>], vector<16xf32>,
          %parallel_loop3A_543 = arith.constant 16 : i32
          %parallel_loop3A_544 = vector.broadcast %parallel_loop3A_543 : i32 to vector<16xi32>
          %parallel_loop3A_545 = arith.addi %mul3A_151, %parallel_loop3A_544 : vector<16xi32>
          %parallel_loop3A_546 = arith.addi %parallel_loop3A_545, %parallel_loop3A_538 : vector<16xi32>
          tpu.vector_store_idx %arg9[%parallel_loop3A_168, %parallel_loop3A_546], %parallel_loop3A_542 : memref<192x128xf32, #tpu.memory_space<vmem>>[vector<16xi32>, vector<16xi32>], vector<16xf32>,
          %parallel_loop3A_547 = arith.constant 11 : i32
          %parallel_loop3A_548 = vector.broadcast %parallel_loop3A_547 : i32 to vector<16xi32>
          %parallel_loop3A_549 = arith.addi %iota3A, %parallel_loop3A_548 : vector<16xi32>
          %parallel_loop3A_550 = arith.constant 15 : i32
          %parallel_loop3A_551 = vector.broadcast %parallel_loop3A_550 : i32 to vector<16xi32>
          %parallel_loop3A_552 = arith.andi %parallel_loop3A_549, %parallel_loop3A_551 : vector<16xi32>
          %parallel_loop3A_553 = arith.constant 16 : i32
          %parallel_loop3A_554 = vector.broadcast %parallel_loop3A_553 : i32 to vector<16xi32>
          %parallel_loop3A_555 = arith.addi %parallel_loop3A_554, %parallel_loop3A_552 : vector<16xi32>
          %parallel_loop3A_556 = tpu.vector_load_idx %arg8[%parallel_loop3A_555, %parallel_loop3A_164] : memref<64x384xf32, #tpu.memory_space<vmem>>[vector<16xi32>, vector<16xi32>], vector<16xf32>,
          %parallel_loop3A_557 = arith.constant 16 : i32
          %parallel_loop3A_558 = vector.broadcast %parallel_loop3A_557 : i32 to vector<16xi32>
          %parallel_loop3A_559 = arith.addi %mul3A_151, %parallel_loop3A_558 : vector<16xi32>
          %parallel_loop3A_560 = arith.addi %parallel_loop3A_559, %parallel_loop3A_552 : vector<16xi32>
          tpu.vector_store_idx %arg9[%parallel_loop3A_168, %parallel_loop3A_560], %parallel_loop3A_556 : memref<192x128xf32, #tpu.memory_space<vmem>>[vector<16xi32>, vector<16xi32>], vector<16xf32>,
          %parallel_loop3A_561 = arith.constant 12 : i32
          %parallel_loop3A_562 = vector.broadcast %parallel_loop3A_561 : i32 to vector<16xi32>
          %parallel_loop3A_563 = arith.addi %iota3A, %parallel_loop3A_562 : vector<16xi32>
          %parallel_loop3A_564 = arith.constant 15 : i32
          %parallel_loop3A_565 = vector.broadcast %parallel_loop3A_564 : i32 to vector<16xi32>
          %parallel_loop3A_566 = arith.andi %parallel_loop3A_563, %parallel_loop3A_565 : vector<16xi32>
          %parallel_loop3A_567 = arith.constant 16 : i32
          %parallel_loop3A_568 = vector.broadcast %parallel_loop3A_567 : i32 to vector<16xi32>
          %parallel_loop3A_569 = arith.addi %parallel_loop3A_568, %parallel_loop3A_566 : vector<16xi32>
          %parallel_loop3A_570 = tpu.vector_load_idx %arg8[%parallel_loop3A_569, %parallel_loop3A_164] : memref<64x384xf32, #tpu.memory_space<vmem>>[vector<16xi32>, vector<16xi32>], vector<16xf32>,
          %parallel_loop3A_571 = arith.constant 16 : i32
          %parallel_loop3A_572 = vector.broadcast %parallel_loop3A_571 : i32 to vector<16xi32>
          %parallel_loop3A_573 = arith.addi %mul3A_151, %parallel_loop3A_572 : vector<16xi32>
          %parallel_loop3A_574 = arith.addi %parallel_loop3A_573, %parallel_loop3A_566 : vector<16xi32>
          tpu.vector_store_idx %arg9[%parallel_loop3A_168, %parallel_loop3A_574], %parallel_loop3A_570 : memref<192x128xf32, #tpu.memory_space<vmem>>[vector<16xi32>, vector<16xi32>], vector<16xf32>,
          %parallel_loop3A_575 = arith.constant 13 : i32
          %parallel_loop3A_576 = vector.broadcast %parallel_loop3A_575 : i32 to vector<16xi32>
          %parallel_loop3A_577 = arith.addi %iota3A, %parallel_loop3A_576 : vector<16xi32>
          %parallel_loop3A_578 = arith.constant 15 : i32
          %parallel_loop3A_579 = vector.broadcast %parallel_loop3A_578 : i32 to vector<16xi32>
          %parallel_loop3A_580 = arith.andi %parallel_loop3A_577, %parallel_loop3A_579 : vector<16xi32>
          %parallel_loop3A_581 = arith.constant 16 : i32
          %parallel_loop3A_582 = vector.broadcast %parallel_loop3A_581 : i32 to vector<16xi32>
          %parallel_loop3A_583 = arith.addi %parallel_loop3A_582, %parallel_loop3A_580 : vector<16xi32>
          %parallel_loop3A_584 = tpu.vector_load_idx %arg8[%parallel_loop3A_583, %parallel_loop3A_164] : memref<64x384xf32, #tpu.memory_space<vmem>>[vector<16xi32>, vector<16xi32>], vector<16xf32>,
          %parallel_loop3A_585 = arith.constant 16 : i32
          %parallel_loop3A_586 = vector.broadcast %parallel_loop3A_585 : i32 to vector<16xi32>
          %parallel_loop3A_587 = arith.addi %mul3A_151, %parallel_loop3A_586 : vector<16xi32>
          %parallel_loop3A_588 = arith.addi %parallel_loop3A_587, %parallel_loop3A_580 : vector<16xi32>
          tpu.vector_store_idx %arg9[%parallel_loop3A_168, %parallel_loop3A_588], %parallel_loop3A_584 : memref<192x128xf32, #tpu.memory_space<vmem>>[vector<16xi32>, vector<16xi32>], vector<16xf32>,
          %parallel_loop3A_589 = arith.constant 14 : i32
          %parallel_loop3A_590 = vector.broadcast %parallel_loop3A_589 : i32 to vector<16xi32>
          %parallel_loop3A_591 = arith.addi %iota3A, %parallel_loop3A_590 : vector<16xi32>
          %parallel_loop3A_592 = arith.constant 15 : i32
          %parallel_loop3A_593 = vector.broadcast %parallel_loop3A_592 : i32 to vector<16xi32>
          %parallel_loop3A_594 = arith.andi %parallel_loop3A_591, %parallel_loop3A_593 : vector<16xi32>
          %parallel_loop3A_595 = arith.constant 16 : i32
          %parallel_loop3A_596 = vector.broadcast %parallel_loop3A_595 : i32 to vector<16xi32>
          %parallel_loop3A_597 = arith.addi %parallel_loop3A_596, %parallel_loop3A_594 : vector<16xi32>
          %parallel_loop3A_598 = tpu.vector_load_idx %arg8[%parallel_loop3A_597, %parallel_loop3A_164] : memref<64x384xf32, #tpu.memory_space<vmem>>[vector<16xi32>, vector<16xi32>], vector<16xf32>,
          %parallel_loop3A_599 = arith.constant 16 : i32
          %parallel_loop3A_600 = vector.broadcast %parallel_loop3A_599 : i32 to vector<16xi32>
          %parallel_loop3A_601 = arith.addi %mul3A_151, %parallel_loop3A_600 : vector<16xi32>
          %parallel_loop3A_602 = arith.addi %parallel_loop3A_601, %parallel_loop3A_594 : vector<16xi32>
          tpu.vector_store_idx %arg9[%parallel_loop3A_168, %parallel_loop3A_602], %parallel_loop3A_598 : memref<192x128xf32, #tpu.memory_space<vmem>>[vector<16xi32>, vector<16xi32>], vector<16xf32>,
          %parallel_loop3A_603 = arith.constant 15 : i32
          %parallel_loop3A_604 = vector.broadcast %parallel_loop3A_603 : i32 to vector<16xi32>
          %parallel_loop3A_605 = arith.addi %iota3A, %parallel_loop3A_604 : vector<16xi32>
          %parallel_loop3A_606 = arith.constant 15 : i32
          %parallel_loop3A_607 = vector.broadcast %parallel_loop3A_606 : i32 to vector<16xi32>
          %parallel_loop3A_608 = arith.andi %parallel_loop3A_605, %parallel_loop3A_607 : vector<16xi32>
          %parallel_loop3A_609 = arith.constant 16 : i32
          %parallel_loop3A_610 = vector.broadcast %parallel_loop3A_609 : i32 to vector<16xi32>
          %parallel_loop3A_611 = arith.addi %parallel_loop3A_610, %parallel_loop3A_608 : vector<16xi32>
          %parallel_loop3A_612 = tpu.vector_load_idx %arg8[%parallel_loop3A_611, %parallel_loop3A_164] : memref<64x384xf32, #tpu.memory_space<vmem>>[vector<16xi32>, vector<16xi32>], vector<16xf32>,
          %parallel_loop3A_613 = arith.constant 16 : i32
          %parallel_loop3A_614 = vector.broadcast %parallel_loop3A_613 : i32 to vector<16xi32>
          %parallel_loop3A_615 = arith.addi %mul3A_151, %parallel_loop3A_614 : vector<16xi32>
          %parallel_loop3A_616 = arith.addi %parallel_loop3A_615, %parallel_loop3A_608 : vector<16xi32>
          tpu.vector_store_idx %arg9[%parallel_loop3A_168, %parallel_loop3A_616], %parallel_loop3A_612 : memref<192x128xf32, #tpu.memory_space<vmem>>[vector<16xi32>, vector<16xi32>], vector<16xf32>,
          %parallel_loop3A_617 = arith.constant 0 : i32
          %parallel_loop3A_618 = vector.broadcast %parallel_loop3A_617 : i32 to vector<16xi32>
          %parallel_loop3A_619 = arith.addi %iota3A, %parallel_loop3A_618 : vector<16xi32>
          %parallel_loop3A_620 = arith.constant 15 : i32
          %parallel_loop3A_621 = vector.broadcast %parallel_loop3A_620 : i32 to vector<16xi32>
          %parallel_loop3A_622 = arith.andi %parallel_loop3A_619, %parallel_loop3A_621 : vector<16xi32>
          %parallel_loop3A_623 = arith.constant 32 : i32
          %parallel_loop3A_624 = vector.broadcast %parallel_loop3A_623 : i32 to vector<16xi32>
          %parallel_loop3A_625 = arith.addi %parallel_loop3A_624, %parallel_loop3A_622 : vector<16xi32>
          %parallel_loop3A_626 = tpu.vector_load_idx %arg8[%parallel_loop3A_625, %parallel_loop3A_164] : memref<64x384xf32, #tpu.memory_space<vmem>>[vector<16xi32>, vector<16xi32>], vector<16xf32>,
          %parallel_loop3A_627 = arith.constant 32 : i32
          %parallel_loop3A_628 = vector.broadcast %parallel_loop3A_627 : i32 to vector<16xi32>
          %parallel_loop3A_629 = arith.addi %mul3A_151, %parallel_loop3A_628 : vector<16xi32>
          %parallel_loop3A_630 = arith.addi %parallel_loop3A_629, %parallel_loop3A_622 : vector<16xi32>
          tpu.vector_store_idx %arg9[%parallel_loop3A_168, %parallel_loop3A_630], %parallel_loop3A_626 : memref<192x128xf32, #tpu.memory_space<vmem>>[vector<16xi32>, vector<16xi32>], vector<16xf32>,
          %parallel_loop3A_631 = arith.constant 1 : i32
          %parallel_loop3A_632 = vector.broadcast %parallel_loop3A_631 : i32 to vector<16xi32>
          %parallel_loop3A_633 = arith.addi %iota3A, %parallel_loop3A_632 : vector<16xi32>
          %parallel_loop3A_634 = arith.constant 15 : i32
          %parallel_loop3A_635 = vector.broadcast %parallel_loop3A_634 : i32 to vector<16xi32>
          %parallel_loop3A_636 = arith.andi %parallel_loop3A_633, %parallel_loop3A_635 : vector<16xi32>
          %parallel_loop3A_637 = arith.constant 32 : i32
          %parallel_loop3A_638 = vector.broadcast %parallel_loop3A_637 : i32 to vector<16xi32>
          %parallel_loop3A_639 = arith.addi %parallel_loop3A_638, %parallel_loop3A_636 : vector<16xi32>
          %parallel_loop3A_640 = tpu.vector_load_idx %arg8[%parallel_loop3A_639, %parallel_loop3A_164] : memref<64x384xf32, #tpu.memory_space<vmem>>[vector<16xi32>, vector<16xi32>], vector<16xf32>,
          %parallel_loop3A_641 = arith.constant 32 : i32
          %parallel_loop3A_642 = vector.broadcast %parallel_loop3A_641 : i32 to vector<16xi32>
          %parallel_loop3A_643 = arith.addi %mul3A_151, %parallel_loop3A_642 : vector<16xi32>
          %parallel_loop3A_644 = arith.addi %parallel_loop3A_643, %parallel_loop3A_636 : vector<16xi32>
          tpu.vector_store_idx %arg9[%parallel_loop3A_168, %parallel_loop3A_644], %parallel_loop3A_640 : memref<192x128xf32, #tpu.memory_space<vmem>>[vector<16xi32>, vector<16xi32>], vector<16xf32>,
          %parallel_loop3A_645 = arith.constant 2 : i32
          %parallel_loop3A_646 = vector.broadcast %parallel_loop3A_645 : i32 to vector<16xi32>
          %parallel_loop3A_647 = arith.addi %iota3A, %parallel_loop3A_646 : vector<16xi32>
          %parallel_loop3A_648 = arith.constant 15 : i32
          %parallel_loop3A_649 = vector.broadcast %parallel_loop3A_648 : i32 to vector<16xi32>
          %parallel_loop3A_650 = arith.andi %parallel_loop3A_647, %parallel_loop3A_649 : vector<16xi32>
          %parallel_loop3A_651 = arith.constant 32 : i32
          %parallel_loop3A_652 = vector.broadcast %parallel_loop3A_651 : i32 to vector<16xi32>
          %parallel_loop3A_653 = arith.addi %parallel_loop3A_652, %parallel_loop3A_650 : vector<16xi32>
          %parallel_loop3A_654 = tpu.vector_load_idx %arg8[%parallel_loop3A_653, %parallel_loop3A_164] : memref<64x384xf32, #tpu.memory_space<vmem>>[vector<16xi32>, vector<16xi32>], vector<16xf32>,
          %parallel_loop3A_655 = arith.constant 32 : i32
          %parallel_loop3A_656 = vector.broadcast %parallel_loop3A_655 : i32 to vector<16xi32>
          %parallel_loop3A_657 = arith.addi %mul3A_151, %parallel_loop3A_656 : vector<16xi32>
          %parallel_loop3A_658 = arith.addi %parallel_loop3A_657, %parallel_loop3A_650 : vector<16xi32>
          tpu.vector_store_idx %arg9[%parallel_loop3A_168, %parallel_loop3A_658], %parallel_loop3A_654 : memref<192x128xf32, #tpu.memory_space<vmem>>[vector<16xi32>, vector<16xi32>], vector<16xf32>,
          %parallel_loop3A_659 = arith.constant 3 : i32
          %parallel_loop3A_660 = vector.broadcast %parallel_loop3A_659 : i32 to vector<16xi32>
          %parallel_loop3A_661 = arith.addi %iota3A, %parallel_loop3A_660 : vector<16xi32>
          %parallel_loop3A_662 = arith.constant 15 : i32
          %parallel_loop3A_663 = vector.broadcast %parallel_loop3A_662 : i32 to vector<16xi32>
          %parallel_loop3A_664 = arith.andi %parallel_loop3A_661, %parallel_loop3A_663 : vector<16xi32>
          %parallel_loop3A_665 = arith.constant 32 : i32
          %parallel_loop3A_666 = vector.broadcast %parallel_loop3A_665 : i32 to vector<16xi32>
          %parallel_loop3A_667 = arith.addi %parallel_loop3A_666, %parallel_loop3A_664 : vector<16xi32>
          %parallel_loop3A_668 = tpu.vector_load_idx %arg8[%parallel_loop3A_667, %parallel_loop3A_164] : memref<64x384xf32, #tpu.memory_space<vmem>>[vector<16xi32>, vector<16xi32>], vector<16xf32>,
          %parallel_loop3A_669 = arith.constant 32 : i32
          %parallel_loop3A_670 = vector.broadcast %parallel_loop3A_669 : i32 to vector<16xi32>
          %parallel_loop3A_671 = arith.addi %mul3A_151, %parallel_loop3A_670 : vector<16xi32>
          %parallel_loop3A_672 = arith.addi %parallel_loop3A_671, %parallel_loop3A_664 : vector<16xi32>
          tpu.vector_store_idx %arg9[%parallel_loop3A_168, %parallel_loop3A_672], %parallel_loop3A_668 : memref<192x128xf32, #tpu.memory_space<vmem>>[vector<16xi32>, vector<16xi32>], vector<16xf32>,
          %parallel_loop3A_673 = arith.constant 4 : i32
          %parallel_loop3A_674 = vector.broadcast %parallel_loop3A_673 : i32 to vector<16xi32>
          %parallel_loop3A_675 = arith.addi %iota3A, %parallel_loop3A_674 : vector<16xi32>
          %parallel_loop3A_676 = arith.constant 15 : i32
          %parallel_loop3A_677 = vector.broadcast %parallel_loop3A_676 : i32 to vector<16xi32>
          %parallel_loop3A_678 = arith.andi %parallel_loop3A_675, %parallel_loop3A_677 : vector<16xi32>
          %parallel_loop3A_679 = arith.constant 32 : i32
          %parallel_loop3A_680 = vector.broadcast %parallel_loop3A_679 : i32 to vector<16xi32>
          %parallel_loop3A_681 = arith.addi %parallel_loop3A_680, %parallel_loop3A_678 : vector<16xi32>
          %parallel_loop3A_682 = tpu.vector_load_idx %arg8[%parallel_loop3A_681, %parallel_loop3A_164] : memref<64x384xf32, #tpu.memory_space<vmem>>[vector<16xi32>, vector<16xi32>], vector<16xf32>,
          %parallel_loop3A_683 = arith.constant 32 : i32
          %parallel_loop3A_684 = vector.broadcast %parallel_loop3A_683 : i32 to vector<16xi32>
          %parallel_loop3A_685 = arith.addi %mul3A_151, %parallel_loop3A_684 : vector<16xi32>
          %parallel_loop3A_686 = arith.addi %parallel_loop3A_685, %parallel_loop3A_678 : vector<16xi32>
          tpu.vector_store_idx %arg9[%parallel_loop3A_168, %parallel_loop3A_686], %parallel_loop3A_682 : memref<192x128xf32, #tpu.memory_space<vmem>>[vector<16xi32>, vector<16xi32>], vector<16xf32>,
          %parallel_loop3A_687 = arith.constant 5 : i32
          %parallel_loop3A_688 = vector.broadcast %parallel_loop3A_687 : i32 to vector<16xi32>
          %parallel_loop3A_689 = arith.addi %iota3A, %parallel_loop3A_688 : vector<16xi32>
          %parallel_loop3A_690 = arith.constant 15 : i32
          %parallel_loop3A_691 = vector.broadcast %parallel_loop3A_690 : i32 to vector<16xi32>
          %parallel_loop3A_692 = arith.andi %parallel_loop3A_689, %parallel_loop3A_691 : vector<16xi32>
          %parallel_loop3A_693 = arith.constant 32 : i32
          %parallel_loop3A_694 = vector.broadcast %parallel_loop3A_693 : i32 to vector<16xi32>
          %parallel_loop3A_695 = arith.addi %parallel_loop3A_694, %parallel_loop3A_692 : vector<16xi32>
          %parallel_loop3A_696 = tpu.vector_load_idx %arg8[%parallel_loop3A_695, %parallel_loop3A_164] : memref<64x384xf32, #tpu.memory_space<vmem>>[vector<16xi32>, vector<16xi32>], vector<16xf32>,
          %parallel_loop3A_697 = arith.constant 32 : i32
          %parallel_loop3A_698 = vector.broadcast %parallel_loop3A_697 : i32 to vector<16xi32>
          %parallel_loop3A_699 = arith.addi %mul3A_151, %parallel_loop3A_698 : vector<16xi32>
          %parallel_loop3A_700 = arith.addi %parallel_loop3A_699, %parallel_loop3A_692 : vector<16xi32>
          tpu.vector_store_idx %arg9[%parallel_loop3A_168, %parallel_loop3A_700], %parallel_loop3A_696 : memref<192x128xf32, #tpu.memory_space<vmem>>[vector<16xi32>, vector<16xi32>], vector<16xf32>,
          %parallel_loop3A_701 = arith.constant 6 : i32
          %parallel_loop3A_702 = vector.broadcast %parallel_loop3A_701 : i32 to vector<16xi32>
          %parallel_loop3A_703 = arith.addi %iota3A, %parallel_loop3A_702 : vector<16xi32>
          %parallel_loop3A_704 = arith.constant 15 : i32
          %parallel_loop3A_705 = vector.broadcast %parallel_loop3A_704 : i32 to vector<16xi32>
          %parallel_loop3A_706 = arith.andi %parallel_loop3A_703, %parallel_loop3A_705 : vector<16xi32>
          %parallel_loop3A_707 = arith.constant 32 : i32
          %parallel_loop3A_708 = vector.broadcast %parallel_loop3A_707 : i32 to vector<16xi32>
          %parallel_loop3A_709 = arith.addi %parallel_loop3A_708, %parallel_loop3A_706 : vector<16xi32>
          %parallel_loop3A_710 = tpu.vector_load_idx %arg8[%parallel_loop3A_709, %parallel_loop3A_164] : memref<64x384xf32, #tpu.memory_space<vmem>>[vector<16xi32>, vector<16xi32>], vector<16xf32>,
          %parallel_loop3A_711 = arith.constant 32 : i32
          %parallel_loop3A_712 = vector.broadcast %parallel_loop3A_711 : i32 to vector<16xi32>
          %parallel_loop3A_713 = arith.addi %mul3A_151, %parallel_loop3A_712 : vector<16xi32>
          %parallel_loop3A_714 = arith.addi %parallel_loop3A_713, %parallel_loop3A_706 : vector<16xi32>
          tpu.vector_store_idx %arg9[%parallel_loop3A_168, %parallel_loop3A_714], %parallel_loop3A_710 : memref<192x128xf32, #tpu.memory_space<vmem>>[vector<16xi32>, vector<16xi32>], vector<16xf32>,
          %parallel_loop3A_715 = arith.constant 7 : i32
          %parallel_loop3A_716 = vector.broadcast %parallel_loop3A_715 : i32 to vector<16xi32>
          %parallel_loop3A_717 = arith.addi %iota3A, %parallel_loop3A_716 : vector<16xi32>
          %parallel_loop3A_718 = arith.constant 15 : i32
          %parallel_loop3A_719 = vector.broadcast %parallel_loop3A_718 : i32 to vector<16xi32>
          %parallel_loop3A_720 = arith.andi %parallel_loop3A_717, %parallel_loop3A_719 : vector<16xi32>
          %parallel_loop3A_721 = arith.constant 32 : i32
          %parallel_loop3A_722 = vector.broadcast %parallel_loop3A_721 : i32 to vector<16xi32>
          %parallel_loop3A_723 = arith.addi %parallel_loop3A_722, %parallel_loop3A_720 : vector<16xi32>
          %parallel_loop3A_724 = tpu.vector_load_idx %arg8[%parallel_loop3A_723, %parallel_loop3A_164] : memref<64x384xf32, #tpu.memory_space<vmem>>[vector<16xi32>, vector<16xi32>], vector<16xf32>,
          %parallel_loop3A_725 = arith.constant 32 : i32
          %parallel_loop3A_726 = vector.broadcast %parallel_loop3A_725 : i32 to vector<16xi32>
          %parallel_loop3A_727 = arith.addi %mul3A_151, %parallel_loop3A_726 : vector<16xi32>
          %parallel_loop3A_728 = arith.addi %parallel_loop3A_727, %parallel_loop3A_720 : vector<16xi32>
          tpu.vector_store_idx %arg9[%parallel_loop3A_168, %parallel_loop3A_728], %parallel_loop3A_724 : memref<192x128xf32, #tpu.memory_space<vmem>>[vector<16xi32>, vector<16xi32>], vector<16xf32>,
          %parallel_loop3A_729 = arith.constant 8 : i32
          %parallel_loop3A_730 = vector.broadcast %parallel_loop3A_729 : i32 to vector<16xi32>
          %parallel_loop3A_731 = arith.addi %iota3A, %parallel_loop3A_730 : vector<16xi32>
          %parallel_loop3A_732 = arith.constant 15 : i32
          %parallel_loop3A_733 = vector.broadcast %parallel_loop3A_732 : i32 to vector<16xi32>
          %parallel_loop3A_734 = arith.andi %parallel_loop3A_731, %parallel_loop3A_733 : vector<16xi32>
          %parallel_loop3A_735 = arith.constant 32 : i32
          %parallel_loop3A_736 = vector.broadcast %parallel_loop3A_735 : i32 to vector<16xi32>
          %parallel_loop3A_737 = arith.addi %parallel_loop3A_736, %parallel_loop3A_734 : vector<16xi32>
          %parallel_loop3A_738 = tpu.vector_load_idx %arg8[%parallel_loop3A_737, %parallel_loop3A_164] : memref<64x384xf32, #tpu.memory_space<vmem>>[vector<16xi32>, vector<16xi32>], vector<16xf32>,
          %parallel_loop3A_739 = arith.constant 32 : i32
          %parallel_loop3A_740 = vector.broadcast %parallel_loop3A_739 : i32 to vector<16xi32>
          %parallel_loop3A_741 = arith.addi %mul3A_151, %parallel_loop3A_740 : vector<16xi32>
          %parallel_loop3A_742 = arith.addi %parallel_loop3A_741, %parallel_loop3A_734 : vector<16xi32>
          tpu.vector_store_idx %arg9[%parallel_loop3A_168, %parallel_loop3A_742], %parallel_loop3A_738 : memref<192x128xf32, #tpu.memory_space<vmem>>[vector<16xi32>, vector<16xi32>], vector<16xf32>,
          %parallel_loop3A_743 = arith.constant 9 : i32
          %parallel_loop3A_744 = vector.broadcast %parallel_loop3A_743 : i32 to vector<16xi32>
          %parallel_loop3A_745 = arith.addi %iota3A, %parallel_loop3A_744 : vector<16xi32>
          %parallel_loop3A_746 = arith.constant 15 : i32
          %parallel_loop3A_747 = vector.broadcast %parallel_loop3A_746 : i32 to vector<16xi32>
          %parallel_loop3A_748 = arith.andi %parallel_loop3A_745, %parallel_loop3A_747 : vector<16xi32>
          %parallel_loop3A_749 = arith.constant 32 : i32
          %parallel_loop3A_750 = vector.broadcast %parallel_loop3A_749 : i32 to vector<16xi32>
          %parallel_loop3A_751 = arith.addi %parallel_loop3A_750, %parallel_loop3A_748 : vector<16xi32>
          %parallel_loop3A_752 = tpu.vector_load_idx %arg8[%parallel_loop3A_751, %parallel_loop3A_164] : memref<64x384xf32, #tpu.memory_space<vmem>>[vector<16xi32>, vector<16xi32>], vector<16xf32>,
          %parallel_loop3A_753 = arith.constant 32 : i32
          %parallel_loop3A_754 = vector.broadcast %parallel_loop3A_753 : i32 to vector<16xi32>
          %parallel_loop3A_755 = arith.addi %mul3A_151, %parallel_loop3A_754 : vector<16xi32>
          %parallel_loop3A_756 = arith.addi %parallel_loop3A_755, %parallel_loop3A_748 : vector<16xi32>
          tpu.vector_store_idx %arg9[%parallel_loop3A_168, %parallel_loop3A_756], %parallel_loop3A_752 : memref<192x128xf32, #tpu.memory_space<vmem>>[vector<16xi32>, vector<16xi32>], vector<16xf32>,
          %parallel_loop3A_757 = arith.constant 10 : i32
          %parallel_loop3A_758 = vector.broadcast %parallel_loop3A_757 : i32 to vector<16xi32>
          %parallel_loop3A_759 = arith.addi %iota3A, %parallel_loop3A_758 : vector<16xi32>
          %parallel_loop3A_760 = arith.constant 15 : i32
          %parallel_loop3A_761 = vector.broadcast %parallel_loop3A_760 : i32 to vector<16xi32>
          %parallel_loop3A_762 = arith.andi %parallel_loop3A_759, %parallel_loop3A_761 : vector<16xi32>
          %parallel_loop3A_763 = arith.constant 32 : i32
          %parallel_loop3A_764 = vector.broadcast %parallel_loop3A_763 : i32 to vector<16xi32>
          %parallel_loop3A_765 = arith.addi %parallel_loop3A_764, %parallel_loop3A_762 : vector<16xi32>
          %parallel_loop3A_766 = tpu.vector_load_idx %arg8[%parallel_loop3A_765, %parallel_loop3A_164] : memref<64x384xf32, #tpu.memory_space<vmem>>[vector<16xi32>, vector<16xi32>], vector<16xf32>,
          %parallel_loop3A_767 = arith.constant 32 : i32
          %parallel_loop3A_768 = vector.broadcast %parallel_loop3A_767 : i32 to vector<16xi32>
          %parallel_loop3A_769 = arith.addi %mul3A_151, %parallel_loop3A_768 : vector<16xi32>
          %parallel_loop3A_770 = arith.addi %parallel_loop3A_769, %parallel_loop3A_762 : vector<16xi32>
          tpu.vector_store_idx %arg9[%parallel_loop3A_168, %parallel_loop3A_770], %parallel_loop3A_766 : memref<192x128xf32, #tpu.memory_space<vmem>>[vector<16xi32>, vector<16xi32>], vector<16xf32>,
          %parallel_loop3A_771 = arith.constant 11 : i32
          %parallel_loop3A_772 = vector.broadcast %parallel_loop3A_771 : i32 to vector<16xi32>
          %parallel_loop3A_773 = arith.addi %iota3A, %parallel_loop3A_772 : vector<16xi32>
          %parallel_loop3A_774 = arith.constant 15 : i32
          %parallel_loop3A_775 = vector.broadcast %parallel_loop3A_774 : i32 to vector<16xi32>
          %parallel_loop3A_776 = arith.andi %parallel_loop3A_773, %parallel_loop3A_775 : vector<16xi32>
          %parallel_loop3A_777 = arith.constant 32 : i32
          %parallel_loop3A_778 = vector.broadcast %parallel_loop3A_777 : i32 to vector<16xi32>
          %parallel_loop3A_779 = arith.addi %parallel_loop3A_778, %parallel_loop3A_776 : vector<16xi32>
          %parallel_loop3A_780 = tpu.vector_load_idx %arg8[%parallel_loop3A_779, %parallel_loop3A_164] : memref<64x384xf32, #tpu.memory_space<vmem>>[vector<16xi32>, vector<16xi32>], vector<16xf32>,
          %parallel_loop3A_781 = arith.constant 32 : i32
          %parallel_loop3A_782 = vector.broadcast %parallel_loop3A_781 : i32 to vector<16xi32>
          %parallel_loop3A_783 = arith.addi %mul3A_151, %parallel_loop3A_782 : vector<16xi32>
          %parallel_loop3A_784 = arith.addi %parallel_loop3A_783, %parallel_loop3A_776 : vector<16xi32>
          tpu.vector_store_idx %arg9[%parallel_loop3A_168, %parallel_loop3A_784], %parallel_loop3A_780 : memref<192x128xf32, #tpu.memory_space<vmem>>[vector<16xi32>, vector<16xi32>], vector<16xf32>,
          %parallel_loop3A_785 = arith.constant 12 : i32
          %parallel_loop3A_786 = vector.broadcast %parallel_loop3A_785 : i32 to vector<16xi32>
          %parallel_loop3A_787 = arith.addi %iota3A, %parallel_loop3A_786 : vector<16xi32>
          %parallel_loop3A_788 = arith.constant 15 : i32
          %parallel_loop3A_789 = vector.broadcast %parallel_loop3A_788 : i32 to vector<16xi32>
          %parallel_loop3A_790 = arith.andi %parallel_loop3A_787, %parallel_loop3A_789 : vector<16xi32>
          %parallel_loop3A_791 = arith.constant 32 : i32
          %parallel_loop3A_792 = vector.broadcast %parallel_loop3A_791 : i32 to vector<16xi32>
          %parallel_loop3A_793 = arith.addi %parallel_loop3A_792, %parallel_loop3A_790 : vector<16xi32>
          %parallel_loop3A_794 = tpu.vector_load_idx %arg8[%parallel_loop3A_793, %parallel_loop3A_164] : memref<64x384xf32, #tpu.memory_space<vmem>>[vector<16xi32>, vector<16xi32>], vector<16xf32>,
          %parallel_loop3A_795 = arith.constant 32 : i32
          %parallel_loop3A_796 = vector.broadcast %parallel_loop3A_795 : i32 to vector<16xi32>
          %parallel_loop3A_797 = arith.addi %mul3A_151, %parallel_loop3A_796 : vector<16xi32>
          %parallel_loop3A_798 = arith.addi %parallel_loop3A_797, %parallel_loop3A_790 : vector<16xi32>
          tpu.vector_store_idx %arg9[%parallel_loop3A_168, %parallel_loop3A_798], %parallel_loop3A_794 : memref<192x128xf32, #tpu.memory_space<vmem>>[vector<16xi32>, vector<16xi32>], vector<16xf32>,
          %parallel_loop3A_799 = arith.constant 13 : i32
          %parallel_loop3A_800 = vector.broadcast %parallel_loop3A_799 : i32 to vector<16xi32>
          %parallel_loop3A_801 = arith.addi %iota3A, %parallel_loop3A_800 : vector<16xi32>
          %parallel_loop3A_802 = arith.constant 15 : i32
          %parallel_loop3A_803 = vector.broadcast %parallel_loop3A_802 : i32 to vector<16xi32>
          %parallel_loop3A_804 = arith.andi %parallel_loop3A_801, %parallel_loop3A_803 : vector<16xi32>
          %parallel_loop3A_805 = arith.constant 32 : i32
          %parallel_loop3A_806 = vector.broadcast %parallel_loop3A_805 : i32 to vector<16xi32>
          %parallel_loop3A_807 = arith.addi %parallel_loop3A_806, %parallel_loop3A_804 : vector<16xi32>
          %parallel_loop3A_808 = tpu.vector_load_idx %arg8[%parallel_loop3A_807, %parallel_loop3A_164] : memref<64x384xf32, #tpu.memory_space<vmem>>[vector<16xi32>, vector<16xi32>], vector<16xf32>,
          %parallel_loop3A_809 = arith.constant 32 : i32
          %parallel_loop3A_810 = vector.broadcast %parallel_loop3A_809 : i32 to vector<16xi32>
          %parallel_loop3A_811 = arith.addi %mul3A_151, %parallel_loop3A_810 : vector<16xi32>
          %parallel_loop3A_812 = arith.addi %parallel_loop3A_811, %parallel_loop3A_804 : vector<16xi32>
          tpu.vector_store_idx %arg9[%parallel_loop3A_168, %parallel_loop3A_812], %parallel_loop3A_808 : memref<192x128xf32, #tpu.memory_space<vmem>>[vector<16xi32>, vector<16xi32>], vector<16xf32>,
          %parallel_loop3A_813 = arith.constant 14 : i32
          %parallel_loop3A_814 = vector.broadcast %parallel_loop3A_813 : i32 to vector<16xi32>
          %parallel_loop3A_815 = arith.addi %iota3A, %parallel_loop3A_814 : vector<16xi32>
          %parallel_loop3A_816 = arith.constant 15 : i32
          %parallel_loop3A_817 = vector.broadcast %parallel_loop3A_816 : i32 to vector<16xi32>
          %parallel_loop3A_818 = arith.andi %parallel_loop3A_815, %parallel_loop3A_817 : vector<16xi32>
          %parallel_loop3A_819 = arith.constant 32 : i32
          %parallel_loop3A_820 = vector.broadcast %parallel_loop3A_819 : i32 to vector<16xi32>
          %parallel_loop3A_821 = arith.addi %parallel_loop3A_820, %parallel_loop3A_818 : vector<16xi32>
          %parallel_loop3A_822 = tpu.vector_load_idx %arg8[%parallel_loop3A_821, %parallel_loop3A_164] : memref<64x384xf32, #tpu.memory_space<vmem>>[vector<16xi32>, vector<16xi32>], vector<16xf32>,
          %parallel_loop3A_823 = arith.constant 32 : i32
          %parallel_loop3A_824 = vector.broadcast %parallel_loop3A_823 : i32 to vector<16xi32>
          %parallel_loop3A_825 = arith.addi %mul3A_151, %parallel_loop3A_824 : vector<16xi32>
          %parallel_loop3A_826 = arith.addi %parallel_loop3A_825, %parallel_loop3A_818 : vector<16xi32>
          tpu.vector_store_idx %arg9[%parallel_loop3A_168, %parallel_loop3A_826], %parallel_loop3A_822 : memref<192x128xf32, #tpu.memory_space<vmem>>[vector<16xi32>, vector<16xi32>], vector<16xf32>,
          %parallel_loop3A_827 = arith.constant 15 : i32
          %parallel_loop3A_828 = vector.broadcast %parallel_loop3A_827 : i32 to vector<16xi32>
          %parallel_loop3A_829 = arith.addi %iota3A, %parallel_loop3A_828 : vector<16xi32>
          %parallel_loop3A_830 = arith.constant 15 : i32
          %parallel_loop3A_831 = vector.broadcast %parallel_loop3A_830 : i32 to vector<16xi32>
          %parallel_loop3A_832 = arith.andi %parallel_loop3A_829, %parallel_loop3A_831 : vector<16xi32>
          %parallel_loop3A_833 = arith.constant 32 : i32
          %parallel_loop3A_834 = vector.broadcast %parallel_loop3A_833 : i32 to vector<16xi32>
          %parallel_loop3A_835 = arith.addi %parallel_loop3A_834, %parallel_loop3A_832 : vector<16xi32>
          %parallel_loop3A_836 = tpu.vector_load_idx %arg8[%parallel_loop3A_835, %parallel_loop3A_164] : memref<64x384xf32, #tpu.memory_space<vmem>>[vector<16xi32>, vector<16xi32>], vector<16xf32>,
          %parallel_loop3A_837 = arith.constant 32 : i32
          %parallel_loop3A_838 = vector.broadcast %parallel_loop3A_837 : i32 to vector<16xi32>
          %parallel_loop3A_839 = arith.addi %mul3A_151, %parallel_loop3A_838 : vector<16xi32>
          %parallel_loop3A_840 = arith.addi %parallel_loop3A_839, %parallel_loop3A_832 : vector<16xi32>
          tpu.vector_store_idx %arg9[%parallel_loop3A_168, %parallel_loop3A_840], %parallel_loop3A_836 : memref<192x128xf32, #tpu.memory_space<vmem>>[vector<16xi32>, vector<16xi32>], vector<16xf32>,
          %parallel_loop3A_841 = arith.constant 0 : i32
          %parallel_loop3A_842 = vector.broadcast %parallel_loop3A_841 : i32 to vector<16xi32>
          %parallel_loop3A_843 = arith.addi %iota3A, %parallel_loop3A_842 : vector<16xi32>
          %parallel_loop3A_844 = arith.constant 15 : i32
          %parallel_loop3A_845 = vector.broadcast %parallel_loop3A_844 : i32 to vector<16xi32>
          %parallel_loop3A_846 = arith.andi %parallel_loop3A_843, %parallel_loop3A_845 : vector<16xi32>
          %parallel_loop3A_847 = arith.constant 48 : i32
          %parallel_loop3A_848 = vector.broadcast %parallel_loop3A_847 : i32 to vector<16xi32>
          %parallel_loop3A_849 = arith.addi %parallel_loop3A_848, %parallel_loop3A_846 : vector<16xi32>
          %parallel_loop3A_850 = tpu.vector_load_idx %arg8[%parallel_loop3A_849, %parallel_loop3A_164] : memref<64x384xf32, #tpu.memory_space<vmem>>[vector<16xi32>, vector<16xi32>], vector<16xf32>,
          %parallel_loop3A_851 = arith.constant 48 : i32
          %parallel_loop3A_852 = vector.broadcast %parallel_loop3A_851 : i32 to vector<16xi32>
          %parallel_loop3A_853 = arith.addi %mul3A_151, %parallel_loop3A_852 : vector<16xi32>
          %parallel_loop3A_854 = arith.addi %parallel_loop3A_853, %parallel_loop3A_846 : vector<16xi32>
          tpu.vector_store_idx %arg9[%parallel_loop3A_168, %parallel_loop3A_854], %parallel_loop3A_850 : memref<192x128xf32, #tpu.memory_space<vmem>>[vector<16xi32>, vector<16xi32>], vector<16xf32>,
          %parallel_loop3A_855 = arith.constant 1 : i32
          %parallel_loop3A_856 = vector.broadcast %parallel_loop3A_855 : i32 to vector<16xi32>
          %parallel_loop3A_857 = arith.addi %iota3A, %parallel_loop3A_856 : vector<16xi32>
          %parallel_loop3A_858 = arith.constant 15 : i32
          %parallel_loop3A_859 = vector.broadcast %parallel_loop3A_858 : i32 to vector<16xi32>
          %parallel_loop3A_860 = arith.andi %parallel_loop3A_857, %parallel_loop3A_859 : vector<16xi32>
          %parallel_loop3A_861 = arith.constant 48 : i32
          %parallel_loop3A_862 = vector.broadcast %parallel_loop3A_861 : i32 to vector<16xi32>
          %parallel_loop3A_863 = arith.addi %parallel_loop3A_862, %parallel_loop3A_860 : vector<16xi32>
          %parallel_loop3A_864 = tpu.vector_load_idx %arg8[%parallel_loop3A_863, %parallel_loop3A_164] : memref<64x384xf32, #tpu.memory_space<vmem>>[vector<16xi32>, vector<16xi32>], vector<16xf32>,
          %parallel_loop3A_865 = arith.constant 48 : i32
          %parallel_loop3A_866 = vector.broadcast %parallel_loop3A_865 : i32 to vector<16xi32>
          %parallel_loop3A_867 = arith.addi %mul3A_151, %parallel_loop3A_866 : vector<16xi32>
          %parallel_loop3A_868 = arith.addi %parallel_loop3A_867, %parallel_loop3A_860 : vector<16xi32>
          tpu.vector_store_idx %arg9[%parallel_loop3A_168, %parallel_loop3A_868], %parallel_loop3A_864 : memref<192x128xf32, #tpu.memory_space<vmem>>[vector<16xi32>, vector<16xi32>], vector<16xf32>,
          %parallel_loop3A_869 = arith.constant 2 : i32
          %parallel_loop3A_870 = vector.broadcast %parallel_loop3A_869 : i32 to vector<16xi32>
          %parallel_loop3A_871 = arith.addi %iota3A, %parallel_loop3A_870 : vector<16xi32>
          %parallel_loop3A_872 = arith.constant 15 : i32
          %parallel_loop3A_873 = vector.broadcast %parallel_loop3A_872 : i32 to vector<16xi32>
          %parallel_loop3A_874 = arith.andi %parallel_loop3A_871, %parallel_loop3A_873 : vector<16xi32>
          %parallel_loop3A_875 = arith.constant 48 : i32
          %parallel_loop3A_876 = vector.broadcast %parallel_loop3A_875 : i32 to vector<16xi32>
          %parallel_loop3A_877 = arith.addi %parallel_loop3A_876, %parallel_loop3A_874 : vector<16xi32>
          %parallel_loop3A_878 = tpu.vector_load_idx %arg8[%parallel_loop3A_877, %parallel_loop3A_164] : memref<64x384xf32, #tpu.memory_space<vmem>>[vector<16xi32>, vector<16xi32>], vector<16xf32>,
          %parallel_loop3A_879 = arith.constant 48 : i32
          %parallel_loop3A_880 = vector.broadcast %parallel_loop3A_879 : i32 to vector<16xi32>
          %parallel_loop3A_881 = arith.addi %mul3A_151, %parallel_loop3A_880 : vector<16xi32>
          %parallel_loop3A_882 = arith.addi %parallel_loop3A_881, %parallel_loop3A_874 : vector<16xi32>
          tpu.vector_store_idx %arg9[%parallel_loop3A_168, %parallel_loop3A_882], %parallel_loop3A_878 : memref<192x128xf32, #tpu.memory_space<vmem>>[vector<16xi32>, vector<16xi32>], vector<16xf32>,
          %parallel_loop3A_883 = arith.constant 3 : i32
          %parallel_loop3A_884 = vector.broadcast %parallel_loop3A_883 : i32 to vector<16xi32>
          %parallel_loop3A_885 = arith.addi %iota3A, %parallel_loop3A_884 : vector<16xi32>
          %parallel_loop3A_886 = arith.constant 15 : i32
          %parallel_loop3A_887 = vector.broadcast %parallel_loop3A_886 : i32 to vector<16xi32>
          %parallel_loop3A_888 = arith.andi %parallel_loop3A_885, %parallel_loop3A_887 : vector<16xi32>
          %parallel_loop3A_889 = arith.constant 48 : i32
          %parallel_loop3A_890 = vector.broadcast %parallel_loop3A_889 : i32 to vector<16xi32>
          %parallel_loop3A_891 = arith.addi %parallel_loop3A_890, %parallel_loop3A_888 : vector<16xi32>
          %parallel_loop3A_892 = tpu.vector_load_idx %arg8[%parallel_loop3A_891, %parallel_loop3A_164] : memref<64x384xf32, #tpu.memory_space<vmem>>[vector<16xi32>, vector<16xi32>], vector<16xf32>,
          %parallel_loop3A_893 = arith.constant 48 : i32
          %parallel_loop3A_894 = vector.broadcast %parallel_loop3A_893 : i32 to vector<16xi32>
          %parallel_loop3A_895 = arith.addi %mul3A_151, %parallel_loop3A_894 : vector<16xi32>
          %parallel_loop3A_896 = arith.addi %parallel_loop3A_895, %parallel_loop3A_888 : vector<16xi32>
          tpu.vector_store_idx %arg9[%parallel_loop3A_168, %parallel_loop3A_896], %parallel_loop3A_892 : memref<192x128xf32, #tpu.memory_space<vmem>>[vector<16xi32>, vector<16xi32>], vector<16xf32>,
          %parallel_loop3A_897 = arith.constant 4 : i32
          %parallel_loop3A_898 = vector.broadcast %parallel_loop3A_897 : i32 to vector<16xi32>
          %parallel_loop3A_899 = arith.addi %iota3A, %parallel_loop3A_898 : vector<16xi32>
          %parallel_loop3A_900 = arith.constant 15 : i32
          %parallel_loop3A_901 = vector.broadcast %parallel_loop3A_900 : i32 to vector<16xi32>
          %parallel_loop3A_902 = arith.andi %parallel_loop3A_899, %parallel_loop3A_901 : vector<16xi32>
          %parallel_loop3A_903 = arith.constant 48 : i32
          %parallel_loop3A_904 = vector.broadcast %parallel_loop3A_903 : i32 to vector<16xi32>
          %parallel_loop3A_905 = arith.addi %parallel_loop3A_904, %parallel_loop3A_902 : vector<16xi32>
          %parallel_loop3A_906 = tpu.vector_load_idx %arg8[%parallel_loop3A_905, %parallel_loop3A_164] : memref<64x384xf32, #tpu.memory_space<vmem>>[vector<16xi32>, vector<16xi32>], vector<16xf32>,
          %parallel_loop3A_907 = arith.constant 48 : i32
          %parallel_loop3A_908 = vector.broadcast %parallel_loop3A_907 : i32 to vector<16xi32>
          %parallel_loop3A_909 = arith.addi %mul3A_151, %parallel_loop3A_908 : vector<16xi32>
          %parallel_loop3A_910 = arith.addi %parallel_loop3A_909, %parallel_loop3A_902 : vector<16xi32>
          tpu.vector_store_idx %arg9[%parallel_loop3A_168, %parallel_loop3A_910], %parallel_loop3A_906 : memref<192x128xf32, #tpu.memory_space<vmem>>[vector<16xi32>, vector<16xi32>], vector<16xf32>,
          %parallel_loop3A_911 = arith.constant 5 : i32
          %parallel_loop3A_912 = vector.broadcast %parallel_loop3A_911 : i32 to vector<16xi32>
          %parallel_loop3A_913 = arith.addi %iota3A, %parallel_loop3A_912 : vector<16xi32>
          %parallel_loop3A_914 = arith.constant 15 : i32
          %parallel_loop3A_915 = vector.broadcast %parallel_loop3A_914 : i32 to vector<16xi32>
          %parallel_loop3A_916 = arith.andi %parallel_loop3A_913, %parallel_loop3A_915 : vector<16xi32>
          %parallel_loop3A_917 = arith.constant 48 : i32
          %parallel_loop3A_918 = vector.broadcast %parallel_loop3A_917 : i32 to vector<16xi32>
          %parallel_loop3A_919 = arith.addi %parallel_loop3A_918, %parallel_loop3A_916 : vector<16xi32>
          %parallel_loop3A_920 = tpu.vector_load_idx %arg8[%parallel_loop3A_919, %parallel_loop3A_164] : memref<64x384xf32, #tpu.memory_space<vmem>>[vector<16xi32>, vector<16xi32>], vector<16xf32>,
          %parallel_loop3A_921 = arith.constant 48 : i32
          %parallel_loop3A_922 = vector.broadcast %parallel_loop3A_921 : i32 to vector<16xi32>
          %parallel_loop3A_923 = arith.addi %mul3A_151, %parallel_loop3A_922 : vector<16xi32>
          %parallel_loop3A_924 = arith.addi %parallel_loop3A_923, %parallel_loop3A_916 : vector<16xi32>
          tpu.vector_store_idx %arg9[%parallel_loop3A_168, %parallel_loop3A_924], %parallel_loop3A_920 : memref<192x128xf32, #tpu.memory_space<vmem>>[vector<16xi32>, vector<16xi32>], vector<16xf32>,
          %parallel_loop3A_925 = arith.constant 6 : i32
          %parallel_loop3A_926 = vector.broadcast %parallel_loop3A_925 : i32 to vector<16xi32>
          %parallel_loop3A_927 = arith.addi %iota3A, %parallel_loop3A_926 : vector<16xi32>
          %parallel_loop3A_928 = arith.constant 15 : i32
          %parallel_loop3A_929 = vector.broadcast %parallel_loop3A_928 : i32 to vector<16xi32>
          %parallel_loop3A_930 = arith.andi %parallel_loop3A_927, %parallel_loop3A_929 : vector<16xi32>
          %parallel_loop3A_931 = arith.constant 48 : i32
          %parallel_loop3A_932 = vector.broadcast %parallel_loop3A_931 : i32 to vector<16xi32>
          %parallel_loop3A_933 = arith.addi %parallel_loop3A_932, %parallel_loop3A_930 : vector<16xi32>
          %parallel_loop3A_934 = tpu.vector_load_idx %arg8[%parallel_loop3A_933, %parallel_loop3A_164] : memref<64x384xf32, #tpu.memory_space<vmem>>[vector<16xi32>, vector<16xi32>], vector<16xf32>,
          %parallel_loop3A_935 = arith.constant 48 : i32
          %parallel_loop3A_936 = vector.broadcast %parallel_loop3A_935 : i32 to vector<16xi32>
          %parallel_loop3A_937 = arith.addi %mul3A_151, %parallel_loop3A_936 : vector<16xi32>
          %parallel_loop3A_938 = arith.addi %parallel_loop3A_937, %parallel_loop3A_930 : vector<16xi32>
          tpu.vector_store_idx %arg9[%parallel_loop3A_168, %parallel_loop3A_938], %parallel_loop3A_934 : memref<192x128xf32, #tpu.memory_space<vmem>>[vector<16xi32>, vector<16xi32>], vector<16xf32>,
          %parallel_loop3A_939 = arith.constant 7 : i32
          %parallel_loop3A_940 = vector.broadcast %parallel_loop3A_939 : i32 to vector<16xi32>
          %parallel_loop3A_941 = arith.addi %iota3A, %parallel_loop3A_940 : vector<16xi32>
          %parallel_loop3A_942 = arith.constant 15 : i32
          %parallel_loop3A_943 = vector.broadcast %parallel_loop3A_942 : i32 to vector<16xi32>
          %parallel_loop3A_944 = arith.andi %parallel_loop3A_941, %parallel_loop3A_943 : vector<16xi32>
          %parallel_loop3A_945 = arith.constant 48 : i32
          %parallel_loop3A_946 = vector.broadcast %parallel_loop3A_945 : i32 to vector<16xi32>
          %parallel_loop3A_947 = arith.addi %parallel_loop3A_946, %parallel_loop3A_944 : vector<16xi32>
          %parallel_loop3A_948 = tpu.vector_load_idx %arg8[%parallel_loop3A_947, %parallel_loop3A_164] : memref<64x384xf32, #tpu.memory_space<vmem>>[vector<16xi32>, vector<16xi32>], vector<16xf32>,
          %parallel_loop3A_949 = arith.constant 48 : i32
          %parallel_loop3A_950 = vector.broadcast %parallel_loop3A_949 : i32 to vector<16xi32>
          %parallel_loop3A_951 = arith.addi %mul3A_151, %parallel_loop3A_950 : vector<16xi32>
          %parallel_loop3A_952 = arith.addi %parallel_loop3A_951, %parallel_loop3A_944 : vector<16xi32>
          tpu.vector_store_idx %arg9[%parallel_loop3A_168, %parallel_loop3A_952], %parallel_loop3A_948 : memref<192x128xf32, #tpu.memory_space<vmem>>[vector<16xi32>, vector<16xi32>], vector<16xf32>,
          %parallel_loop3A_953 = arith.constant 8 : i32
          %parallel_loop3A_954 = vector.broadcast %parallel_loop3A_953 : i32 to vector<16xi32>
          %parallel_loop3A_955 = arith.addi %iota3A, %parallel_loop3A_954 : vector<16xi32>
          %parallel_loop3A_956 = arith.constant 15 : i32
          %parallel_loop3A_957 = vector.broadcast %parallel_loop3A_956 : i32 to vector<16xi32>
          %parallel_loop3A_958 = arith.andi %parallel_loop3A_955, %parallel_loop3A_957 : vector<16xi32>
          %parallel_loop3A_959 = arith.constant 48 : i32
          %parallel_loop3A_960 = vector.broadcast %parallel_loop3A_959 : i32 to vector<16xi32>
          %parallel_loop3A_961 = arith.addi %parallel_loop3A_960, %parallel_loop3A_958 : vector<16xi32>
          %parallel_loop3A_962 = tpu.vector_load_idx %arg8[%parallel_loop3A_961, %parallel_loop3A_164] : memref<64x384xf32, #tpu.memory_space<vmem>>[vector<16xi32>, vector<16xi32>], vector<16xf32>,
          %parallel_loop3A_963 = arith.constant 48 : i32
          %parallel_loop3A_964 = vector.broadcast %parallel_loop3A_963 : i32 to vector<16xi32>
          %parallel_loop3A_965 = arith.addi %mul3A_151, %parallel_loop3A_964 : vector<16xi32>
          %parallel_loop3A_966 = arith.addi %parallel_loop3A_965, %parallel_loop3A_958 : vector<16xi32>
          tpu.vector_store_idx %arg9[%parallel_loop3A_168, %parallel_loop3A_966], %parallel_loop3A_962 : memref<192x128xf32, #tpu.memory_space<vmem>>[vector<16xi32>, vector<16xi32>], vector<16xf32>,
          %parallel_loop3A_967 = arith.constant 9 : i32
          %parallel_loop3A_968 = vector.broadcast %parallel_loop3A_967 : i32 to vector<16xi32>
          %parallel_loop3A_969 = arith.addi %iota3A, %parallel_loop3A_968 : vector<16xi32>
          %parallel_loop3A_970 = arith.constant 15 : i32
          %parallel_loop3A_971 = vector.broadcast %parallel_loop3A_970 : i32 to vector<16xi32>
          %parallel_loop3A_972 = arith.andi %parallel_loop3A_969, %parallel_loop3A_971 : vector<16xi32>
          %parallel_loop3A_973 = arith.constant 48 : i32
          %parallel_loop3A_974 = vector.broadcast %parallel_loop3A_973 : i32 to vector<16xi32>
          %parallel_loop3A_975 = arith.addi %parallel_loop3A_974, %parallel_loop3A_972 : vector<16xi32>
          %parallel_loop3A_976 = tpu.vector_load_idx %arg8[%parallel_loop3A_975, %parallel_loop3A_164] : memref<64x384xf32, #tpu.memory_space<vmem>>[vector<16xi32>, vector<16xi32>], vector<16xf32>,
          %parallel_loop3A_977 = arith.constant 48 : i32
          %parallel_loop3A_978 = vector.broadcast %parallel_loop3A_977 : i32 to vector<16xi32>
          %parallel_loop3A_979 = arith.addi %mul3A_151, %parallel_loop3A_978 : vector<16xi32>
          %parallel_loop3A_980 = arith.addi %parallel_loop3A_979, %parallel_loop3A_972 : vector<16xi32>
          tpu.vector_store_idx %arg9[%parallel_loop3A_168, %parallel_loop3A_980], %parallel_loop3A_976 : memref<192x128xf32, #tpu.memory_space<vmem>>[vector<16xi32>, vector<16xi32>], vector<16xf32>,
          %parallel_loop3A_981 = arith.constant 10 : i32
          %parallel_loop3A_982 = vector.broadcast %parallel_loop3A_981 : i32 to vector<16xi32>
          %parallel_loop3A_983 = arith.addi %iota3A, %parallel_loop3A_982 : vector<16xi32>
          %parallel_loop3A_984 = arith.constant 15 : i32
          %parallel_loop3A_985 = vector.broadcast %parallel_loop3A_984 : i32 to vector<16xi32>
          %parallel_loop3A_986 = arith.andi %parallel_loop3A_983, %parallel_loop3A_985 : vector<16xi32>
          %parallel_loop3A_987 = arith.constant 48 : i32
          %parallel_loop3A_988 = vector.broadcast %parallel_loop3A_987 : i32 to vector<16xi32>
          %parallel_loop3A_989 = arith.addi %parallel_loop3A_988, %parallel_loop3A_986 : vector<16xi32>
          %parallel_loop3A_990 = tpu.vector_load_idx %arg8[%parallel_loop3A_989, %parallel_loop3A_164] : memref<64x384xf32, #tpu.memory_space<vmem>>[vector<16xi32>, vector<16xi32>], vector<16xf32>,
          %parallel_loop3A_991 = arith.constant 48 : i32
          %parallel_loop3A_992 = vector.broadcast %parallel_loop3A_991 : i32 to vector<16xi32>
          %parallel_loop3A_993 = arith.addi %mul3A_151, %parallel_loop3A_992 : vector<16xi32>
          %parallel_loop3A_994 = arith.addi %parallel_loop3A_993, %parallel_loop3A_986 : vector<16xi32>
          tpu.vector_store_idx %arg9[%parallel_loop3A_168, %parallel_loop3A_994], %parallel_loop3A_990 : memref<192x128xf32, #tpu.memory_space<vmem>>[vector<16xi32>, vector<16xi32>], vector<16xf32>,
          %parallel_loop3A_995 = arith.constant 11 : i32
          %parallel_loop3A_996 = vector.broadcast %parallel_loop3A_995 : i32 to vector<16xi32>
          %parallel_loop3A_997 = arith.addi %iota3A, %parallel_loop3A_996 : vector<16xi32>
          %parallel_loop3A_998 = arith.constant 15 : i32
          %parallel_loop3A_999 = vector.broadcast %parallel_loop3A_998 : i32 to vector<16xi32>
          %parallel_loop3A_1000 = arith.andi %parallel_loop3A_997, %parallel_loop3A_999 : vector<16xi32>
          %parallel_loop3A_1001 = arith.constant 48 : i32
          %parallel_loop3A_1002 = vector.broadcast %parallel_loop3A_1001 : i32 to vector<16xi32>
          %parallel_loop3A_1003 = arith.addi %parallel_loop3A_1002, %parallel_loop3A_1000 : vector<16xi32>
          %parallel_loop3A_1004 = tpu.vector_load_idx %arg8[%parallel_loop3A_1003, %parallel_loop3A_164] : memref<64x384xf32, #tpu.memory_space<vmem>>[vector<16xi32>, vector<16xi32>], vector<16xf32>,
          %parallel_loop3A_1005 = arith.constant 48 : i32
          %parallel_loop3A_1006 = vector.broadcast %parallel_loop3A_1005 : i32 to vector<16xi32>
          %parallel_loop3A_1007 = arith.addi %mul3A_151, %parallel_loop3A_1006 : vector<16xi32>
          %parallel_loop3A_1008 = arith.addi %parallel_loop3A_1007, %parallel_loop3A_1000 : vector<16xi32>
          tpu.vector_store_idx %arg9[%parallel_loop3A_168, %parallel_loop3A_1008], %parallel_loop3A_1004 : memref<192x128xf32, #tpu.memory_space<vmem>>[vector<16xi32>, vector<16xi32>], vector<16xf32>,
          %parallel_loop3A_1009 = arith.constant 12 : i32
          %parallel_loop3A_1010 = vector.broadcast %parallel_loop3A_1009 : i32 to vector<16xi32>
          %parallel_loop3A_1011 = arith.addi %iota3A, %parallel_loop3A_1010 : vector<16xi32>
          %parallel_loop3A_1012 = arith.constant 15 : i32
          %parallel_loop3A_1013 = vector.broadcast %parallel_loop3A_1012 : i32 to vector<16xi32>
          %parallel_loop3A_1014 = arith.andi %parallel_loop3A_1011, %parallel_loop3A_1013 : vector<16xi32>
          %parallel_loop3A_1015 = arith.constant 48 : i32
          %parallel_loop3A_1016 = vector.broadcast %parallel_loop3A_1015 : i32 to vector<16xi32>
          %parallel_loop3A_1017 = arith.addi %parallel_loop3A_1016, %parallel_loop3A_1014 : vector<16xi32>
          %parallel_loop3A_1018 = tpu.vector_load_idx %arg8[%parallel_loop3A_1017, %parallel_loop3A_164] : memref<64x384xf32, #tpu.memory_space<vmem>>[vector<16xi32>, vector<16xi32>], vector<16xf32>,
          %parallel_loop3A_1019 = arith.constant 48 : i32
          %parallel_loop3A_1020 = vector.broadcast %parallel_loop3A_1019 : i32 to vector<16xi32>
          %parallel_loop3A_1021 = arith.addi %mul3A_151, %parallel_loop3A_1020 : vector<16xi32>
          %parallel_loop3A_1022 = arith.addi %parallel_loop3A_1021, %parallel_loop3A_1014 : vector<16xi32>
          tpu.vector_store_idx %arg9[%parallel_loop3A_168, %parallel_loop3A_1022], %parallel_loop3A_1018 : memref<192x128xf32, #tpu.memory_space<vmem>>[vector<16xi32>, vector<16xi32>], vector<16xf32>,
          %parallel_loop3A_1023 = arith.constant 13 : i32
          %parallel_loop3A_1024 = vector.broadcast %parallel_loop3A_1023 : i32 to vector<16xi32>
          %parallel_loop3A_1025 = arith.addi %iota3A, %parallel_loop3A_1024 : vector<16xi32>
          %parallel_loop3A_1026 = arith.constant 15 : i32
          %parallel_loop3A_1027 = vector.broadcast %parallel_loop3A_1026 : i32 to vector<16xi32>
          %parallel_loop3A_1028 = arith.andi %parallel_loop3A_1025, %parallel_loop3A_1027 : vector<16xi32>
          %parallel_loop3A_1029 = arith.constant 48 : i32
          %parallel_loop3A_1030 = vector.broadcast %parallel_loop3A_1029 : i32 to vector<16xi32>
          %parallel_loop3A_1031 = arith.addi %parallel_loop3A_1030, %parallel_loop3A_1028 : vector<16xi32>
          %parallel_loop3A_1032 = tpu.vector_load_idx %arg8[%parallel_loop3A_1031, %parallel_loop3A_164] : memref<64x384xf32, #tpu.memory_space<vmem>>[vector<16xi32>, vector<16xi32>], vector<16xf32>,
          %parallel_loop3A_1033 = arith.constant 48 : i32
          %parallel_loop3A_1034 = vector.broadcast %parallel_loop3A_1033 : i32 to vector<16xi32>
          %parallel_loop3A_1035 = arith.addi %mul3A_151, %parallel_loop3A_1034 : vector<16xi32>
          %parallel_loop3A_1036 = arith.addi %parallel_loop3A_1035, %parallel_loop3A_1028 : vector<16xi32>
          tpu.vector_store_idx %arg9[%parallel_loop3A_168, %parallel_loop3A_1036], %parallel_loop3A_1032 : memref<192x128xf32, #tpu.memory_space<vmem>>[vector<16xi32>, vector<16xi32>], vector<16xf32>,
          %parallel_loop3A_1037 = arith.constant 14 : i32
          %parallel_loop3A_1038 = vector.broadcast %parallel_loop3A_1037 : i32 to vector<16xi32>
          %parallel_loop3A_1039 = arith.addi %iota3A, %parallel_loop3A_1038 : vector<16xi32>
          %parallel_loop3A_1040 = arith.constant 15 : i32
          %parallel_loop3A_1041 = vector.broadcast %parallel_loop3A_1040 : i32 to vector<16xi32>
          %parallel_loop3A_1042 = arith.andi %parallel_loop3A_1039, %parallel_loop3A_1041 : vector<16xi32>
          %parallel_loop3A_1043 = arith.constant 48 : i32
          %parallel_loop3A_1044 = vector.broadcast %parallel_loop3A_1043 : i32 to vector<16xi32>
          %parallel_loop3A_1045 = arith.addi %parallel_loop3A_1044, %parallel_loop3A_1042 : vector<16xi32>
          %parallel_loop3A_1046 = tpu.vector_load_idx %arg8[%parallel_loop3A_1045, %parallel_loop3A_164] : memref<64x384xf32, #tpu.memory_space<vmem>>[vector<16xi32>, vector<16xi32>], vector<16xf32>,
          %parallel_loop3A_1047 = arith.constant 48 : i32
          %parallel_loop3A_1048 = vector.broadcast %parallel_loop3A_1047 : i32 to vector<16xi32>
          %parallel_loop3A_1049 = arith.addi %mul3A_151, %parallel_loop3A_1048 : vector<16xi32>
          %parallel_loop3A_1050 = arith.addi %parallel_loop3A_1049, %parallel_loop3A_1042 : vector<16xi32>
          tpu.vector_store_idx %arg9[%parallel_loop3A_168, %parallel_loop3A_1050], %parallel_loop3A_1046 : memref<192x128xf32, #tpu.memory_space<vmem>>[vector<16xi32>, vector<16xi32>], vector<16xf32>,
          %parallel_loop3A_1051 = arith.constant 15 : i32
          %parallel_loop3A_1052 = vector.broadcast %parallel_loop3A_1051 : i32 to vector<16xi32>
          %parallel_loop3A_1053 = arith.addi %iota3A, %parallel_loop3A_1052 : vector<16xi32>
          %parallel_loop3A_1054 = arith.constant 15 : i32
          %parallel_loop3A_1055 = vector.broadcast %parallel_loop3A_1054 : i32 to vector<16xi32>
          %parallel_loop3A_1056 = arith.andi %parallel_loop3A_1053, %parallel_loop3A_1055 : vector<16xi32>
          %parallel_loop3A_1057 = arith.constant 48 : i32
          %parallel_loop3A_1058 = vector.broadcast %parallel_loop3A_1057 : i32 to vector<16xi32>
          %parallel_loop3A_1059 = arith.addi %parallel_loop3A_1058, %parallel_loop3A_1056 : vector<16xi32>
          %parallel_loop3A_1060 = tpu.vector_load_idx %arg8[%parallel_loop3A_1059, %parallel_loop3A_164] : memref<64x384xf32, #tpu.memory_space<vmem>>[vector<16xi32>, vector<16xi32>], vector<16xf32>,
          %parallel_loop3A_1061 = arith.constant 48 : i32
          %parallel_loop3A_1062 = vector.broadcast %parallel_loop3A_1061 : i32 to vector<16xi32>
          %parallel_loop3A_1063 = arith.addi %mul3A_151, %parallel_loop3A_1062 : vector<16xi32>
          %parallel_loop3A_1064 = arith.addi %parallel_loop3A_1063, %parallel_loop3A_1056 : vector<16xi32>
          tpu.vector_store_idx %arg9[%parallel_loop3A_168, %parallel_loop3A_1064], %parallel_loop3A_1060 : memref<192x128xf32, #tpu.memory_space<vmem>>[vector<16xi32>, vector<16xi32>], vector<16xf32>,
        } {sc.loop_unroll_factor = 4 : i64, sc.parallel_access}
        %mul3A_154 = arith.constant 192 : i32
        %mul3A_155 = arith.muli %add3A_76, %mul3A_154 : i32
        %dma_start3A_156 = arith.constant 0 : i32
        %dma_start3A_157 = tpu.memref_slice %arg3[%mul3A_155, %dma_start3A_156] : memref<500000x128xf32, #tpu.memory_space<hbm>> -> memref<192x128xf32, #tpu.memory_space<hbm>>
        %dma_start3A_158 = arith.constant 0 : i32
        %dma_start3A_159 = tpu.memref_slice %arg3[%mul3A_155, %dma_start3A_158] : memref<500000x128xf32, #tpu.memory_space<hbm>> -> memref<192x128xf32, #tpu.memory_space<hbm>>
        tpu.enqueue_dma source(%arg9 : memref<192x128xf32, #tpu.memory_space<vmem>>) target(%dma_start3A_159 : memref<192x128xf32, #tpu.memory_space<hbm>>) target_semaphore(%arg11 : memref<!tpu.dma_semaphore, #tpu.memory_space<semaphore_mem>>)
      } else {
      }
      %add3A_82 = arith.constant 3 : i32
      %add3A_83 = arith.addi %add3A_53, %add3A_82 : i32
      %mul3A_84 = arith.constant 32 : i32
      %mul3A_85 = arith.muli %add3A_83, %mul3A_84 : i32
      %add3A_86 = arith.addi %add3A, %mul3A_85 : i32
      %lt3A_87 = arith.constant 2604 : i32
      %lt3A_88 = arith.cmpi slt, %add3A_86, %lt3A_87 : i32
      %convert_element_type3A_89 = arith.extui %lt3A_88 : i1 to i32
      %cond3A_90 = arith.constant 0 : i32
      %cond3A_91 = arith.cmpi ne, %convert_element_type3A_89, %cond3A_90 : i32
      scf.if %cond3A_91 {
        %mul3A_92 = arith.constant 384 : i32
        %mul3A_93 = arith.muli %add3A_86, %mul3A_92 : i32
        %dma_start3A_94 = arith.constant 0 : i32
        %dma_start3A_95 = arith.constant 0 : i32
        %dma_start3A_96 = tpu.memref_slice %arg8[%dma_start3A_94, %dma_start3A_95] : memref<64x384xf32, #tpu.memory_space<vmem>> -> memref<16x384xf32, #tpu.memory_space<vmem>>
        %dma_start3A_97 = arith.constant 0 : i32
        %dma_start3A_98 = tpu.memref_slice %arg2[%dma_start3A_97, %mul3A_93] : memref<64x1000000xf32, #tpu.memory_space<hbm>> -> memref<16x384xf32, #tpu.memory_space<hbm>>
        %dma_start3A_99 = arith.constant 0 : i32
        %dma_start3A_100 = arith.constant 0 : i32
        %dma_start3A_101 = tpu.memref_slice %arg8[%dma_start3A_99, %dma_start3A_100] : memref<64x384xf32, #tpu.memory_space<vmem>> -> memref<16x384xf32, #tpu.memory_space<vmem>>
        %dma_start3A_102 = arith.constant 0 : i32
        %dma_start3A_103 = tpu.memref_slice %arg2[%dma_start3A_102, %mul3A_93] : memref<64x1000000xf32, #tpu.memory_space<hbm>> -> memref<16x384xf32, #tpu.memory_space<hbm>>
        tpu.enqueue_dma source(%dma_start3A_103 : memref<16x384xf32, #tpu.memory_space<hbm>>) target(%dma_start3A_101 : memref<16x384xf32, #tpu.memory_space<vmem>>) target_semaphore(%arg10 : memref<!tpu.dma_semaphore, #tpu.memory_space<semaphore_mem>>)
        %mul3A_104 = arith.constant 384 : i32
        %mul3A_105 = arith.muli %add3A_86, %mul3A_104 : i32
        %dma_start3A_106 = arith.constant 16 : i32
        %dma_start3A_107 = arith.constant 0 : i32
        %dma_start3A_108 = tpu.memref_slice %arg8[%dma_start3A_106, %dma_start3A_107] : memref<64x384xf32, #tpu.memory_space<vmem>> -> memref<16x384xf32, #tpu.memory_space<vmem>>
        %dma_start3A_109 = arith.constant 16 : i32
        %dma_start3A_110 = tpu.memref_slice %arg2[%dma_start3A_109, %mul3A_105] : memref<64x1000000xf32, #tpu.memory_space<hbm>> -> memref<16x384xf32, #tpu.memory_space<hbm>>
        %dma_start3A_111 = arith.constant 16 : i32
        %dma_start3A_112 = arith.constant 0 : i32
        %dma_start3A_113 = tpu.memref_slice %arg8[%dma_start3A_111, %dma_start3A_112] : memref<64x384xf32, #tpu.memory_space<vmem>> -> memref<16x384xf32, #tpu.memory_space<vmem>>
        %dma_start3A_114 = arith.constant 16 : i32
        %dma_start3A_115 = tpu.memref_slice %arg2[%dma_start3A_114, %mul3A_105] : memref<64x1000000xf32, #tpu.memory_space<hbm>> -> memref<16x384xf32, #tpu.memory_space<hbm>>
        tpu.enqueue_dma source(%dma_start3A_115 : memref<16x384xf32, #tpu.memory_space<hbm>>) target(%dma_start3A_113 : memref<16x384xf32, #tpu.memory_space<vmem>>) target_semaphore(%arg10 : memref<!tpu.dma_semaphore, #tpu.memory_space<semaphore_mem>>)
        %mul3A_116 = arith.constant 384 : i32
        %mul3A_117 = arith.muli %add3A_86, %mul3A_116 : i32
        %dma_start3A_118 = arith.constant 32 : i32
        %dma_start3A_119 = arith.constant 0 : i32
        %dma_start3A_120 = tpu.memref_slice %arg8[%dma_start3A_118, %dma_start3A_119] : memref<64x384xf32, #tpu.memory_space<vmem>> -> memref<16x384xf32, #tpu.memory_space<vmem>>
        %dma_start3A_121 = arith.constant 32 : i32
        %dma_start3A_122 = tpu.memref_slice %arg2[%dma_start3A_121, %mul3A_117] : memref<64x1000000xf32, #tpu.memory_space<hbm>> -> memref<16x384xf32, #tpu.memory_space<hbm>>
        %dma_start3A_123 = arith.constant 32 : i32
        %dma_start3A_124 = arith.constant 0 : i32
        %dma_start3A_125 = tpu.memref_slice %arg8[%dma_start3A_123, %dma_start3A_124] : memref<64x384xf32, #tpu.memory_space<vmem>> -> memref<16x384xf32, #tpu.memory_space<vmem>>
        %dma_start3A_126 = arith.constant 32 : i32
        %dma_start3A_127 = tpu.memref_slice %arg2[%dma_start3A_126, %mul3A_117] : memref<64x1000000xf32, #tpu.memory_space<hbm>> -> memref<16x384xf32, #tpu.memory_space<hbm>>
        tpu.enqueue_dma source(%dma_start3A_127 : memref<16x384xf32, #tpu.memory_space<hbm>>) target(%dma_start3A_125 : memref<16x384xf32, #tpu.memory_space<vmem>>) target_semaphore(%arg10 : memref<!tpu.dma_semaphore, #tpu.memory_space<semaphore_mem>>)
        %mul3A_128 = arith.constant 384 : i32
        %mul3A_129 = arith.muli %add3A_86, %mul3A_128 : i32
        %dma_start3A_130 = arith.constant 48 : i32
        %dma_start3A_131 = arith.constant 0 : i32
        %dma_start3A_132 = tpu.memref_slice %arg8[%dma_start3A_130, %dma_start3A_131] : memref<64x384xf32, #tpu.memory_space<vmem>> -> memref<16x384xf32, #tpu.memory_space<vmem>>
        %dma_start3A_133 = arith.constant 48 : i32
        %dma_start3A_134 = tpu.memref_slice %arg2[%dma_start3A_133, %mul3A_129] : memref<64x1000000xf32, #tpu.memory_space<hbm>> -> memref<16x384xf32, #tpu.memory_space<hbm>>
        %dma_start3A_135 = arith.constant 48 : i32
        %dma_start3A_136 = arith.constant 0 : i32
        %dma_start3A_137 = tpu.memref_slice %arg8[%dma_start3A_135, %dma_start3A_136] : memref<64x384xf32, #tpu.memory_space<vmem>> -> memref<16x384xf32, #tpu.memory_space<vmem>>
        %dma_start3A_138 = arith.constant 48 : i32
        %dma_start3A_139 = tpu.memref_slice %arg2[%dma_start3A_138, %mul3A_129] : memref<64x1000000xf32, #tpu.memory_space<hbm>> -> memref<16x384xf32, #tpu.memory_space<hbm>>
        tpu.enqueue_dma source(%dma_start3A_139 : memref<16x384xf32, #tpu.memory_space<hbm>>) target(%dma_start3A_137 : memref<16x384xf32, #tpu.memory_space<vmem>>) target_semaphore(%arg10 : memref<!tpu.dma_semaphore, #tpu.memory_space<semaphore_mem>>)
      } else {
      }
    }
    %scan3A_30 = arith.constant 41 : i32
    %add3A_31 = arith.constant 2560 : i32
    %add3A_32 = arith.addi %add3A, %add3A_31 : i32
    %lt3A_33 = arith.constant 2604 : i32
    %lt3A_34 = arith.cmpi slt, %add3A_32, %lt3A_33 : i32
    %convert_element_type3A_35 = arith.extui %lt3A_34 : i1 to i32
    %cond3A_36 = arith.constant 0 : i32
    %cond3A_37 = arith.cmpi ne, %convert_element_type3A_35, %cond3A_36 : i32
    scf.if %cond3A_37 {
      %dma_wait3A = arith.constant 0 : i32
      %dma_wait3A_49 = arith.constant 0 : i32
      %dma_wait3A_50 = tpu.memref_slice %arg3[%dma_wait3A, %dma_wait3A_49] : memref<500000x128xf32, #tpu.memory_space<hbm>> -> memref<192x128xf32, #tpu.memory_space<hbm>>
      %dma_wait3A_51 = arith.constant 0 : i32
      %dma_wait3A_52 = arith.constant 0 : i32
      %dma_wait3A_53 = tpu.memref_slice %arg3[%dma_wait3A_51, %dma_wait3A_52] : memref<500000x128xf32, #tpu.memory_space<hbm>> -> memref<192x128xf32, #tpu.memory_space<hbm>>
      tpu.wait_dma2 semaphore(%arg7 : memref<!tpu.dma_semaphore, #tpu.memory_space<semaphore_mem>>) src(%arg5 : memref<192x128xf32, #tpu.memory_space<vmem>>) dst(%dma_wait3A_53 : memref<192x128xf32, #tpu.memory_space<hbm>>)
    } else {
    }
    %add3A_38 = arith.constant 2592 : i32
    %add3A_39 = arith.addi %add3A, %add3A_38 : i32
    %lt3A_40 = arith.constant 2604 : i32
    %lt3A_41 = arith.cmpi slt, %add3A_39, %lt3A_40 : i32
    %convert_element_type3A_42 = arith.extui %lt3A_41 : i1 to i32
    %cond3A_43 = arith.constant 0 : i32
    %cond3A_44 = arith.cmpi ne, %convert_element_type3A_42, %cond3A_43 : i32
    scf.if %cond3A_44 {
      %dma_wait3A = arith.constant 0 : i32
      %dma_wait3A_49 = arith.constant 0 : i32
      %dma_wait3A_50 = tpu.memref_slice %arg3[%dma_wait3A, %dma_wait3A_49] : memref<500000x128xf32, #tpu.memory_space<hbm>> -> memref<192x128xf32, #tpu.memory_space<hbm>>
      %dma_wait3A_51 = arith.constant 0 : i32
      %dma_wait3A_52 = arith.constant 0 : i32
      %dma_wait3A_53 = tpu.memref_slice %arg3[%dma_wait3A_51, %dma_wait3A_52] : memref<500000x128xf32, #tpu.memory_space<hbm>> -> memref<192x128xf32, #tpu.memory_space<hbm>>
      tpu.wait_dma2 semaphore(%arg11 : memref<!tpu.dma_semaphore, #tpu.memory_space<semaphore_mem>>) src(%arg9 : memref<192x128xf32, #tpu.memory_space<vmem>>) dst(%dma_wait3A_53 : memref<192x128xf32, #tpu.memory_space<hbm>>)
    } else {
    }
    %eq3A = arith.constant 0 : i32
    %eq3A_45 = arith.cmpi eq, %add3A, %eq3A : i32
    %convert_element_type3A_46 = arith.extui %eq3A_45 : i1 to i32
    %cond3A_47 = arith.constant 0 : i32
    %cond3A_48 = arith.cmpi ne, %convert_element_type3A_46, %cond3A_47 : i32
    scf.if %cond3A_48 {
      "tpu.region"() ({
        %run_scoped3A = tpu.sem_alloc : memref<!tpu.dma_semaphore, #tpu.memory_space<semaphore_mem>>
        %dma_start3A_57 = arith.constant 0 : i32
        %dma_start3A_58 = arith.constant 999808 : i32
        %dma_start3A_59 = tpu.memref_slice %arg2[%dma_start3A_57, %dma_start3A_58] : memref<64x1000000xf32, #tpu.memory_space<hbm>> -> memref<64x192xf32, #tpu.memory_space<hbm>>
        %dma_start3A_60 = arith.constant 0 : i32
        %dma_start3A_61 = arith.constant 999808 : i32
        %dma_start3A_62 = tpu.memref_slice %arg2[%dma_start3A_60, %dma_start3A_61] : memref<64x1000000xf32, #tpu.memory_space<hbm>> -> memref<64x192xf32, #tpu.memory_space<hbm>>
        tpu.enqueue_dma source(%dma_start3A_62 : memref<64x192xf32, #tpu.memory_space<hbm>>) target(%arg12 : memref<64x192xf32, #tpu.memory_space<vmem>>) target_semaphore(%run_scoped3A : memref<!tpu.dma_semaphore, #tpu.memory_space<semaphore_mem>>)
        %dma_wait3A = arith.constant 0 : i32
        %dma_wait3A_63 = arith.constant 999808 : i32
        %dma_wait3A_64 = tpu.memref_slice %arg2[%dma_wait3A, %dma_wait3A_63] : memref<64x1000000xf32, #tpu.memory_space<hbm>> -> memref<64x192xf32, #tpu.memory_space<hbm>>
        %dma_wait3A_65 = arith.constant 0 : i32
        %dma_wait3A_66 = arith.constant 999808 : i32
        %dma_wait3A_67 = tpu.memref_slice %arg2[%dma_wait3A_65, %dma_wait3A_66] : memref<64x1000000xf32, #tpu.memory_space<hbm>> -> memref<64x192xf32, #tpu.memory_space<hbm>>
        tpu.wait_dma2 semaphore(%run_scoped3A : memref<!tpu.dma_semaphore, #tpu.memory_space<semaphore_mem>>) src(%dma_wait3A_67 : memref<64x192xf32, #tpu.memory_space<hbm>>) dst(%arg12 : memref<64x192xf32, #tpu.memory_space<vmem>>)
        tpu.yield
      }) : () -> ()
      %iota3A = tpu.iota {dimensions = array<i32: 0>} : vector<16xi32>
      %mul3A_49 = arith.constant 2 : i32
      %mul3A_50 = vector.broadcast %mul3A_49 : i32 to vector<16xi32>
      %mul3A_51 = arith.muli %mul3A_50, %iota3A : vector<16xi32>
      %scan3A_52 = arith.constant 0 : i32
      %scan3A_53 = arith.constant 6 : i32
      %scan3A_54 = arith.addi %scan3A_52, %scan3A_53 : i32
      %scan3A_55 = arith.constant 1 : i32
      scf.for %scan3A_57 = %scan3A_52 to %scan3A_54 step %scan3A_55  : i32 {
        %mul3A_58 = arith.constant 1 : i32
        %mul3A_59 = arith.muli %scan3A_57, %mul3A_58 : i32
        %add3A_60 = arith.constant 0 : i32
        %add3A_61 = arith.addi %add3A_60, %mul3A_59 : i32
        %mul3A_62 = arith.constant 16 : i32
        %mul3A_63 = arith.muli %add3A_61, %mul3A_62 : i32
        %add3A_64 = vector.broadcast %mul3A_63 : i32 to vector<16xi32>
        %add3A_65 = arith.addi %iota3A, %add3A_64 : vector<16xi32>
        %scan3A_66 = arith.constant 0 : i32
        %scan3A_67 = arith.constant 8 : i32
        %scan3A_68 = arith.addi %scan3A_66, %scan3A_67 : i32
        %scan3A_69 = arith.constant 1 : i32
        scf.for %scan3A_71 = %scan3A_66 to %scan3A_68 step %scan3A_69  : i32 {
          %mul3A_72 = arith.constant 1 : i32
          %mul3A_73 = arith.muli %scan3A_71, %mul3A_72 : i32
          %add3A_74 = arith.constant 0 : i32
          %add3A_75 = arith.addi %add3A_74, %mul3A_73 : i32
          %mul3A_76 = arith.constant 32 : i32
          %mul3A_77 = arith.muli %mul3A_76, %add3A_61 : i32
          %shift_right_logical3A = arith.constant 2 : i32
          %shift_right_logical3A_78 = arith.shrui %add3A_75, %shift_right_logical3A : i32
          %add3A_79 = arith.addi %mul3A_77, %shift_right_logical3A_78 : i32
          %add3A_80 = vector.broadcast %add3A_79 : i32 to vector<16xi32>
          %add3A_81 = arith.addi %add3A_80, %mul3A_51 : vector<16xi32>
          %and3A = arith.constant 3 : i32
          %and3A_82 = arith.andi %add3A_75, %and3A : i32
          %mul3A_83 = arith.constant 16 : i32
          %mul3A_84 = arith.muli %and3A_82, %mul3A_83 : i32
          %add3A_85 = arith.constant 0 : i32
          %add3A_86 = vector.broadcast %add3A_85 : i32 to vector<16xi32>
          %add3A_87 = arith.addi %iota3A, %add3A_86 : vector<16xi32>
          %and3A_88 = arith.constant 15 : i32
          %and3A_89 = vector.broadcast %and3A_88 : i32 to vector<16xi32>
          %and3A_90 = arith.andi %add3A_87, %and3A_89 : vector<16xi32>
          %add3A_91 = vector.broadcast %mul3A_84 : i32 to vector<16xi32>
          %add3A_92 = arith.addi %add3A_91, %and3A_90 : vector<16xi32>
          %gather3A = tpu.vector_load_idx %arg12[%add3A_92, %add3A_81] : memref<64x192xf32, #tpu.memory_space<vmem>>[vector<16xi32>, vector<16xi32>], vector<16xf32>,
          %mul3A_93 = arith.constant 16 : i32
          %mul3A_94 = arith.muli %add3A_75, %mul3A_93 : i32
          %add3A_95 = vector.broadcast %mul3A_94 : i32 to vector<16xi32>
          %add3A_96 = arith.addi %add3A_95, %and3A_90 : vector<16xi32>
          tpu.vector_store_idx %arg5[%add3A_65, %add3A_96], %gather3A : memref<192x128xf32, #tpu.memory_space<vmem>>[vector<16xi32>, vector<16xi32>], vector<16xf32>,
          %add3A_97 = arith.constant 1 : i32
          %add3A_98 = vector.broadcast %add3A_97 : i32 to vector<16xi32>
          %add3A_99 = arith.addi %iota3A, %add3A_98 : vector<16xi32>
          %and3A_100 = arith.constant 15 : i32
          %and3A_101 = vector.broadcast %and3A_100 : i32 to vector<16xi32>
          %and3A_102 = arith.andi %add3A_99, %and3A_101 : vector<16xi32>
          %add3A_103 = vector.broadcast %mul3A_84 : i32 to vector<16xi32>
          %add3A_104 = arith.addi %add3A_103, %and3A_102 : vector<16xi32>
          %gather3A_105 = tpu.vector_load_idx %arg12[%add3A_104, %add3A_81] : memref<64x192xf32, #tpu.memory_space<vmem>>[vector<16xi32>, vector<16xi32>], vector<16xf32>,
          %mul3A_106 = arith.constant 16 : i32
          %mul3A_107 = arith.muli %add3A_75, %mul3A_106 : i32
          %add3A_108 = vector.broadcast %mul3A_107 : i32 to vector<16xi32>
          %add3A_109 = arith.addi %add3A_108, %and3A_102 : vector<16xi32>
          tpu.vector_store_idx %arg5[%add3A_65, %add3A_109], %gather3A_105 : memref<192x128xf32, #tpu.memory_space<vmem>>[vector<16xi32>, vector<16xi32>], vector<16xf32>,
          %add3A_110 = arith.constant 2 : i32
          %add3A_111 = vector.broadcast %add3A_110 : i32 to vector<16xi32>
          %add3A_112 = arith.addi %iota3A, %add3A_111 : vector<16xi32>
          %and3A_113 = arith.constant 15 : i32
          %and3A_114 = vector.broadcast %and3A_113 : i32 to vector<16xi32>
          %and3A_115 = arith.andi %add3A_112, %and3A_114 : vector<16xi32>
          %add3A_116 = vector.broadcast %mul3A_84 : i32 to vector<16xi32>
          %add3A_117 = arith.addi %add3A_116, %and3A_115 : vector<16xi32>
          %gather3A_118 = tpu.vector_load_idx %arg12[%add3A_117, %add3A_81] : memref<64x192xf32, #tpu.memory_space<vmem>>[vector<16xi32>, vector<16xi32>], vector<16xf32>,
          %mul3A_119 = arith.constant 16 : i32
          %mul3A_120 = arith.muli %add3A_75, %mul3A_119 : i32
          %add3A_121 = vector.broadcast %mul3A_120 : i32 to vector<16xi32>
          %add3A_122 = arith.addi %add3A_121, %and3A_115 : vector<16xi32>
          tpu.vector_store_idx %arg5[%add3A_65, %add3A_122], %gather3A_118 : memref<192x128xf32, #tpu.memory_space<vmem>>[vector<16xi32>, vector<16xi32>], vector<16xf32>,
          %add3A_123 = arith.constant 3 : i32
          %add3A_124 = vector.broadcast %add3A_123 : i32 to vector<16xi32>
          %add3A_125 = arith.addi %iota3A, %add3A_124 : vector<16xi32>
          %and3A_126 = arith.constant 15 : i32
          %and3A_127 = vector.broadcast %and3A_126 : i32 to vector<16xi32>
          %and3A_128 = arith.andi %add3A_125, %and3A_127 : vector<16xi32>
          %add3A_129 = vector.broadcast %mul3A_84 : i32 to vector<16xi32>
          %add3A_130 = arith.addi %add3A_129, %and3A_128 : vector<16xi32>
          %gather3A_131 = tpu.vector_load_idx %arg12[%add3A_130, %add3A_81] : memref<64x192xf32, #tpu.memory_space<vmem>>[vector<16xi32>, vector<16xi32>], vector<16xf32>,
          %mul3A_132 = arith.constant 16 : i32
          %mul3A_133 = arith.muli %add3A_75, %mul3A_132 : i32
          %add3A_134 = vector.broadcast %mul3A_133 : i32 to vector<16xi32>
          %add3A_135 = arith.addi %add3A_134, %and3A_128 : vector<16xi32>
          tpu.vector_store_idx %arg5[%add3A_65, %add3A_135], %gather3A_131 : memref<192x128xf32, #tpu.memory_space<vmem>>[vector<16xi32>, vector<16xi32>], vector<16xf32>,
          %add3A_136 = arith.constant 4 : i32
          %add3A_137 = vector.broadcast %add3A_136 : i32 to vector<16xi32>
          %add3A_138 = arith.addi %iota3A, %add3A_137 : vector<16xi32>
          %and3A_139 = arith.constant 15 : i32
          %and3A_140 = vector.broadcast %and3A_139 : i32 to vector<16xi32>
          %and3A_141 = arith.andi %add3A_138, %and3A_140 : vector<16xi32>
          %add3A_142 = vector.broadcast %mul3A_84 : i32 to vector<16xi32>
          %add3A_143 = arith.addi %add3A_142, %and3A_141 : vector<16xi32>
          %gather3A_144 = tpu.vector_load_idx %arg12[%add3A_143, %add3A_81] : memref<64x192xf32, #tpu.memory_space<vmem>>[vector<16xi32>, vector<16xi32>], vector<16xf32>,
          %mul3A_145 = arith.constant 16 : i32
          %mul3A_146 = arith.muli %add3A_75, %mul3A_145 : i32
          %add3A_147 = vector.broadcast %mul3A_146 : i32 to vector<16xi32>
          %add3A_148 = arith.addi %add3A_147, %and3A_141 : vector<16xi32>
          tpu.vector_store_idx %arg5[%add3A_65, %add3A_148], %gather3A_144 : memref<192x128xf32, #tpu.memory_space<vmem>>[vector<16xi32>, vector<16xi32>], vector<16xf32>,
          %add3A_149 = arith.constant 5 : i32
          %add3A_150 = vector.broadcast %add3A_149 : i32 to vector<16xi32>
          %add3A_151 = arith.addi %iota3A, %add3A_150 : vector<16xi32>
          %and3A_152 = arith.constant 15 : i32
          %and3A_153 = vector.broadcast %and3A_152 : i32 to vector<16xi32>
          %and3A_154 = arith.andi %add3A_151, %and3A_153 : vector<16xi32>
          %add3A_155 = vector.broadcast %mul3A_84 : i32 to vector<16xi32>
          %add3A_156 = arith.addi %add3A_155, %and3A_154 : vector<16xi32>
          %gather3A_157 = tpu.vector_load_idx %arg12[%add3A_156, %add3A_81] : memref<64x192xf32, #tpu.memory_space<vmem>>[vector<16xi32>, vector<16xi32>], vector<16xf32>,
          %mul3A_158 = arith.constant 16 : i32
          %mul3A_159 = arith.muli %add3A_75, %mul3A_158 : i32
          %add3A_160 = vector.broadcast %mul3A_159 : i32 to vector<16xi32>
          %add3A_161 = arith.addi %add3A_160, %and3A_154 : vector<16xi32>
          tpu.vector_store_idx %arg5[%add3A_65, %add3A_161], %gather3A_157 : memref<192x128xf32, #tpu.memory_space<vmem>>[vector<16xi32>, vector<16xi32>], vector<16xf32>,
          %add3A_162 = arith.constant 6 : i32
          %add3A_163 = vector.broadcast %add3A_162 : i32 to vector<16xi32>
          %add3A_164 = arith.addi %iota3A, %add3A_163 : vector<16xi32>
          %and3A_165 = arith.constant 15 : i32
          %and3A_166 = vector.broadcast %and3A_165 : i32 to vector<16xi32>
          %and3A_167 = arith.andi %add3A_164, %and3A_166 : vector<16xi32>
          %add3A_168 = vector.broadcast %mul3A_84 : i32 to vector<16xi32>
          %add3A_169 = arith.addi %add3A_168, %and3A_167 : vector<16xi32>
          %gather3A_170 = tpu.vector_load_idx %arg12[%add3A_169, %add3A_81] : memref<64x192xf32, #tpu.memory_space<vmem>>[vector<16xi32>, vector<16xi32>], vector<16xf32>,
          %mul3A_171 = arith.constant 16 : i32
          %mul3A_172 = arith.muli %add3A_75, %mul3A_171 : i32
          %add3A_173 = vector.broadcast %mul3A_172 : i32 to vector<16xi32>
          %add3A_174 = arith.addi %add3A_173, %and3A_167 : vector<16xi32>
          tpu.vector_store_idx %arg5[%add3A_65, %add3A_174], %gather3A_170 : memref<192x128xf32, #tpu.memory_space<vmem>>[vector<16xi32>, vector<16xi32>], vector<16xf32>,
          %add3A_175 = arith.constant 7 : i32
          %add3A_176 = vector.broadcast %add3A_175 : i32 to vector<16xi32>
          %add3A_177 = arith.addi %iota3A, %add3A_176 : vector<16xi32>
          %and3A_178 = arith.constant 15 : i32
          %and3A_179 = vector.broadcast %and3A_178 : i32 to vector<16xi32>
          %and3A_180 = arith.andi %add3A_177, %and3A_179 : vector<16xi32>
          %add3A_181 = vector.broadcast %mul3A_84 : i32 to vector<16xi32>
          %add3A_182 = arith.addi %add3A_181, %and3A_180 : vector<16xi32>
          %gather3A_183 = tpu.vector_load_idx %arg12[%add3A_182, %add3A_81] : memref<64x192xf32, #tpu.memory_space<vmem>>[vector<16xi32>, vector<16xi32>], vector<16xf32>,
          %mul3A_184 = arith.constant 16 : i32
          %mul3A_185 = arith.muli %add3A_75, %mul3A_184 : i32
          %add3A_186 = vector.broadcast %mul3A_185 : i32 to vector<16xi32>
          %add3A_187 = arith.addi %add3A_186, %and3A_180 : vector<16xi32>
          tpu.vector_store_idx %arg5[%add3A_65, %add3A_187], %gather3A_183 : memref<192x128xf32, #tpu.memory_space<vmem>>[vector<16xi32>, vector<16xi32>], vector<16xf32>,
          %add3A_188 = arith.constant 8 : i32
          %add3A_189 = vector.broadcast %add3A_188 : i32 to vector<16xi32>
          %add3A_190 = arith.addi %iota3A, %add3A_189 : vector<16xi32>
          %and3A_191 = arith.constant 15 : i32
          %and3A_192 = vector.broadcast %and3A_191 : i32 to vector<16xi32>
          %and3A_193 = arith.andi %add3A_190, %and3A_192 : vector<16xi32>
          %add3A_194 = vector.broadcast %mul3A_84 : i32 to vector<16xi32>
          %add3A_195 = arith.addi %add3A_194, %and3A_193 : vector<16xi32>
          %gather3A_196 = tpu.vector_load_idx %arg12[%add3A_195, %add3A_81] : memref<64x192xf32, #tpu.memory_space<vmem>>[vector<16xi32>, vector<16xi32>], vector<16xf32>,
          %mul3A_197 = arith.constant 16 : i32
          %mul3A_198 = arith.muli %add3A_75, %mul3A_197 : i32
          %add3A_199 = vector.broadcast %mul3A_198 : i32 to vector<16xi32>
          %add3A_200 = arith.addi %add3A_199, %and3A_193 : vector<16xi32>
          tpu.vector_store_idx %arg5[%add3A_65, %add3A_200], %gather3A_196 : memref<192x128xf32, #tpu.memory_space<vmem>>[vector<16xi32>, vector<16xi32>], vector<16xf32>,
          %add3A_201 = arith.constant 9 : i32
          %add3A_202 = vector.broadcast %add3A_201 : i32 to vector<16xi32>
          %add3A_203 = arith.addi %iota3A, %add3A_202 : vector<16xi32>
          %and3A_204 = arith.constant 15 : i32
          %and3A_205 = vector.broadcast %and3A_204 : i32 to vector<16xi32>
          %and3A_206 = arith.andi %add3A_203, %and3A_205 : vector<16xi32>
          %add3A_207 = vector.broadcast %mul3A_84 : i32 to vector<16xi32>
          %add3A_208 = arith.addi %add3A_207, %and3A_206 : vector<16xi32>
          %gather3A_209 = tpu.vector_load_idx %arg12[%add3A_208, %add3A_81] : memref<64x192xf32, #tpu.memory_space<vmem>>[vector<16xi32>, vector<16xi32>], vector<16xf32>,
          %mul3A_210 = arith.constant 16 : i32
          %mul3A_211 = arith.muli %add3A_75, %mul3A_210 : i32
          %add3A_212 = vector.broadcast %mul3A_211 : i32 to vector<16xi32>
          %add3A_213 = arith.addi %add3A_212, %and3A_206 : vector<16xi32>
          tpu.vector_store_idx %arg5[%add3A_65, %add3A_213], %gather3A_209 : memref<192x128xf32, #tpu.memory_space<vmem>>[vector<16xi32>, vector<16xi32>], vector<16xf32>,
          %add3A_214 = arith.constant 10 : i32
          %add3A_215 = vector.broadcast %add3A_214 : i32 to vector<16xi32>
          %add3A_216 = arith.addi %iota3A, %add3A_215 : vector<16xi32>
          %and3A_217 = arith.constant 15 : i32
          %and3A_218 = vector.broadcast %and3A_217 : i32 to vector<16xi32>
          %and3A_219 = arith.andi %add3A_216, %and3A_218 : vector<16xi32>
          %add3A_220 = vector.broadcast %mul3A_84 : i32 to vector<16xi32>
          %add3A_221 = arith.addi %add3A_220, %and3A_219 : vector<16xi32>
          %gather3A_222 = tpu.vector_load_idx %arg12[%add3A_221, %add3A_81] : memref<64x192xf32, #tpu.memory_space<vmem>>[vector<16xi32>, vector<16xi32>], vector<16xf32>,
          %mul3A_223 = arith.constant 16 : i32
          %mul3A_224 = arith.muli %add3A_75, %mul3A_223 : i32
          %add3A_225 = vector.broadcast %mul3A_224 : i32 to vector<16xi32>
          %add3A_226 = arith.addi %add3A_225, %and3A_219 : vector<16xi32>
          tpu.vector_store_idx %arg5[%add3A_65, %add3A_226], %gather3A_222 : memref<192x128xf32, #tpu.memory_space<vmem>>[vector<16xi32>, vector<16xi32>], vector<16xf32>,
          %add3A_227 = arith.constant 11 : i32
          %add3A_228 = vector.broadcast %add3A_227 : i32 to vector<16xi32>
          %add3A_229 = arith.addi %iota3A, %add3A_228 : vector<16xi32>
          %and3A_230 = arith.constant 15 : i32
          %and3A_231 = vector.broadcast %and3A_230 : i32 to vector<16xi32>
          %and3A_232 = arith.andi %add3A_229, %and3A_231 : vector<16xi32>
          %add3A_233 = vector.broadcast %mul3A_84 : i32 to vector<16xi32>
          %add3A_234 = arith.addi %add3A_233, %and3A_232 : vector<16xi32>
          %gather3A_235 = tpu.vector_load_idx %arg12[%add3A_234, %add3A_81] : memref<64x192xf32, #tpu.memory_space<vmem>>[vector<16xi32>, vector<16xi32>], vector<16xf32>,
          %mul3A_236 = arith.constant 16 : i32
          %mul3A_237 = arith.muli %add3A_75, %mul3A_236 : i32
          %add3A_238 = vector.broadcast %mul3A_237 : i32 to vector<16xi32>
          %add3A_239 = arith.addi %add3A_238, %and3A_232 : vector<16xi32>
          tpu.vector_store_idx %arg5[%add3A_65, %add3A_239], %gather3A_235 : memref<192x128xf32, #tpu.memory_space<vmem>>[vector<16xi32>, vector<16xi32>], vector<16xf32>,
          %add3A_240 = arith.constant 12 : i32
          %add3A_241 = vector.broadcast %add3A_240 : i32 to vector<16xi32>
          %add3A_242 = arith.addi %iota3A, %add3A_241 : vector<16xi32>
          %and3A_243 = arith.constant 15 : i32
          %and3A_244 = vector.broadcast %and3A_243 : i32 to vector<16xi32>
          %and3A_245 = arith.andi %add3A_242, %and3A_244 : vector<16xi32>
          %add3A_246 = vector.broadcast %mul3A_84 : i32 to vector<16xi32>
          %add3A_247 = arith.addi %add3A_246, %and3A_245 : vector<16xi32>
          %gather3A_248 = tpu.vector_load_idx %arg12[%add3A_247, %add3A_81] : memref<64x192xf32, #tpu.memory_space<vmem>>[vector<16xi32>, vector<16xi32>], vector<16xf32>,
          %mul3A_249 = arith.constant 16 : i32
          %mul3A_250 = arith.muli %add3A_75, %mul3A_249 : i32
          %add3A_251 = vector.broadcast %mul3A_250 : i32 to vector<16xi32>
          %add3A_252 = arith.addi %add3A_251, %and3A_245 : vector<16xi32>
          tpu.vector_store_idx %arg5[%add3A_65, %add3A_252], %gather3A_248 : memref<192x128xf32, #tpu.memory_space<vmem>>[vector<16xi32>, vector<16xi32>], vector<16xf32>,
          %add3A_253 = arith.constant 13 : i32
          %add3A_254 = vector.broadcast %add3A_253 : i32 to vector<16xi32>
          %add3A_255 = arith.addi %iota3A, %add3A_254 : vector<16xi32>
          %and3A_256 = arith.constant 15 : i32
          %and3A_257 = vector.broadcast %and3A_256 : i32 to vector<16xi32>
          %and3A_258 = arith.andi %add3A_255, %and3A_257 : vector<16xi32>
          %add3A_259 = vector.broadcast %mul3A_84 : i32 to vector<16xi32>
          %add3A_260 = arith.addi %add3A_259, %and3A_258 : vector<16xi32>
          %gather3A_261 = tpu.vector_load_idx %arg12[%add3A_260, %add3A_81] : memref<64x192xf32, #tpu.memory_space<vmem>>[vector<16xi32>, vector<16xi32>], vector<16xf32>,
          %mul3A_262 = arith.constant 16 : i32
          %mul3A_263 = arith.muli %add3A_75, %mul3A_262 : i32
          %add3A_264 = vector.broadcast %mul3A_263 : i32 to vector<16xi32>
          %add3A_265 = arith.addi %add3A_264, %and3A_258 : vector<16xi32>
          tpu.vector_store_idx %arg5[%add3A_65, %add3A_265], %gather3A_261 : memref<192x128xf32, #tpu.memory_space<vmem>>[vector<16xi32>, vector<16xi32>], vector<16xf32>,
          %add3A_266 = arith.constant 14 : i32
          %add3A_267 = vector.broadcast %add3A_266 : i32 to vector<16xi32>
          %add3A_268 = arith.addi %iota3A, %add3A_267 : vector<16xi32>
          %and3A_269 = arith.constant 15 : i32
          %and3A_270 = vector.broadcast %and3A_269 : i32 to vector<16xi32>
          %and3A_271 = arith.andi %add3A_268, %and3A_270 : vector<16xi32>
          %add3A_272 = vector.broadcast %mul3A_84 : i32 to vector<16xi32>
          %add3A_273 = arith.addi %add3A_272, %and3A_271 : vector<16xi32>
          %gather3A_274 = tpu.vector_load_idx %arg12[%add3A_273, %add3A_81] : memref<64x192xf32, #tpu.memory_space<vmem>>[vector<16xi32>, vector<16xi32>], vector<16xf32>,
          %mul3A_275 = arith.constant 16 : i32
          %mul3A_276 = arith.muli %add3A_75, %mul3A_275 : i32
          %add3A_277 = vector.broadcast %mul3A_276 : i32 to vector<16xi32>
          %add3A_278 = arith.addi %add3A_277, %and3A_271 : vector<16xi32>
          tpu.vector_store_idx %arg5[%add3A_65, %add3A_278], %gather3A_274 : memref<192x128xf32, #tpu.memory_space<vmem>>[vector<16xi32>, vector<16xi32>], vector<16xf32>,
          %add3A_279 = arith.constant 15 : i32
          %add3A_280 = vector.broadcast %add3A_279 : i32 to vector<16xi32>
          %add3A_281 = arith.addi %iota3A, %add3A_280 : vector<16xi32>
          %and3A_282 = arith.constant 15 : i32
          %and3A_283 = vector.broadcast %and3A_282 : i32 to vector<16xi32>
          %and3A_284 = arith.andi %add3A_281, %and3A_283 : vector<16xi32>
          %add3A_285 = vector.broadcast %mul3A_84 : i32 to vector<16xi32>
          %add3A_286 = arith.addi %add3A_285, %and3A_284 : vector<16xi32>
          %gather3A_287 = tpu.vector_load_idx %arg12[%add3A_286, %add3A_81] : memref<64x192xf32, #tpu.memory_space<vmem>>[vector<16xi32>, vector<16xi32>], vector<16xf32>,
          %mul3A_288 = arith.constant 16 : i32
          %mul3A_289 = arith.muli %add3A_75, %mul3A_288 : i32
          %add3A_290 = vector.broadcast %mul3A_289 : i32 to vector<16xi32>
          %add3A_291 = arith.addi %add3A_290, %and3A_284 : vector<16xi32>
          tpu.vector_store_idx %arg5[%add3A_65, %add3A_291], %gather3A_287 : memref<192x128xf32, #tpu.memory_space<vmem>>[vector<16xi32>, vector<16xi32>], vector<16xf32>,
        }
        %scan3A_70 = arith.constant 8 : i32
      }
      %scan3A_56 = arith.constant 6 : i32
      "tpu.region"() ({
        %run_scoped3A = tpu.sem_alloc : memref<!tpu.dma_semaphore, #tpu.memory_space<semaphore_mem>>
        %dma_start3A_57 = arith.constant 0 : i32
        %dma_start3A_58 = arith.constant 0 : i32
        %dma_start3A_59 = tpu.memref_slice %arg5[%dma_start3A_57, %dma_start3A_58] : memref<192x128xf32, #tpu.memory_space<vmem>> -> memref<96x128xf32, #tpu.memory_space<vmem>>
        %dma_start3A_60 = arith.constant 499904 : i32
        %dma_start3A_61 = arith.constant 0 : i32
        %dma_start3A_62 = tpu.memref_slice %arg3[%dma_start3A_60, %dma_start3A_61] : memref<500000x128xf32, #tpu.memory_space<hbm>> -> memref<96x128xf32, #tpu.memory_space<hbm>>
        %dma_start3A_63 = arith.constant 499904 : i32
        %dma_start3A_64 = arith.constant 0 : i32
        %dma_start3A_65 = tpu.memref_slice %arg3[%dma_start3A_63, %dma_start3A_64] : memref<500000x128xf32, #tpu.memory_space<hbm>> -> memref<96x128xf32, #tpu.memory_space<hbm>>
        %dma_start3A_66 = arith.constant 0 : i32
        %dma_start3A_67 = arith.constant 0 : i32
        %dma_start3A_68 = tpu.memref_slice %arg5[%dma_start3A_66, %dma_start3A_67] : memref<192x128xf32, #tpu.memory_space<vmem>> -> memref<96x128xf32, #tpu.memory_space<vmem>>
        tpu.enqueue_dma source(%dma_start3A_68 : memref<96x128xf32, #tpu.memory_space<vmem>>) target(%dma_start3A_65 : memref<96x128xf32, #tpu.memory_space<hbm>>) target_semaphore(%run_scoped3A : memref<!tpu.dma_semaphore, #tpu.memory_space<semaphore_mem>>)
        %dma_wait3A = arith.constant 0 : i32
        %dma_wait3A_69 = arith.constant 0 : i32
        %dma_wait3A_70 = tpu.memref_slice %arg5[%dma_wait3A, %dma_wait3A_69] : memref<192x128xf32, #tpu.memory_space<vmem>> -> memref<96x128xf32, #tpu.memory_space<vmem>>
        %dma_wait3A_71 = arith.constant 499904 : i32
        %dma_wait3A_72 = arith.constant 0 : i32
        %dma_wait3A_73 = tpu.memref_slice %arg3[%dma_wait3A_71, %dma_wait3A_72] : memref<500000x128xf32, #tpu.memory_space<hbm>> -> memref<96x128xf32, #tpu.memory_space<hbm>>
        %dma_wait3A_74 = arith.constant 499904 : i32
        %dma_wait3A_75 = arith.constant 0 : i32
        %dma_wait3A_76 = tpu.memref_slice %arg3[%dma_wait3A_74, %dma_wait3A_75] : memref<500000x128xf32, #tpu.memory_space<hbm>> -> memref<96x128xf32, #tpu.memory_space<hbm>>
        %dma_wait3A_77 = arith.constant 0 : i32
        %dma_wait3A_78 = arith.constant 0 : i32
        %dma_wait3A_79 = tpu.memref_slice %arg5[%dma_wait3A_77, %dma_wait3A_78] : memref<192x128xf32, #tpu.memory_space<vmem>> -> memref<96x128xf32, #tpu.memory_space<vmem>>
        tpu.wait_dma2 semaphore(%run_scoped3A : memref<!tpu.dma_semaphore, #tpu.memory_space<semaphore_mem>>) src(%dma_wait3A_79 : memref<96x128xf32, #tpu.memory_space<vmem>>) dst(%dma_wait3A_76 : memref<96x128xf32, #tpu.memory_space<hbm>>)
        tpu.yield
      }) : () -> ()
    } else {
    }
    return
  }
}

</mosaic_0001>

<sc_bundles>
// kernel: _repack.3.cloned.1.call-start
scs
__scs_entry_jumppad:
0x0: {  	(pc) =	sbr.rel $0x88, $3  }
0x1: {  	(tag) =	ssettag $0x0;
	lr =	simm.s32 $0x1  }
0x2: {  	[smem:$0x3FA0] =	sst lr;
	_ =	strace $0xD0000000  }
0x3: {  	_ = 	snop  }
0x4: {  	_ = 	snop  }
0x5: {  	_ = 	snop  }
0x6: {  	_ = 	snop  }
0x7: {  	_ = 	snop  }
__scs_overlays_trampoline_lowered:
0x8: {  	[smem:$0x3FAF] =	sst s0  }
0x9: {  	[smem:$0x3FB0] =	sst s1  }
0xa: {  	[smem:$0x3FB1] =	sst s2  }
0xb: {  	[smem:$0x3FB2] =	sst s3  }
0xc: {  	[smem:$0x3FB3] =	sst s4  }
0xd: {  	[smem:$0x3FB4] =	sst s5  }
0xe: {  	[smem:$0x3FB5] =	sst s6  }
0xf: {  	[smem:$0x3FB6] =	sst s7  }
0x10: {  	[smem:$0x3FB7] =	sst s8  }
0x11: {  	[smem:$0x3FB8] =	sst s9;
	s0 =	simm.s32 @!p0 $0x0  }
0x12: {  	s1 =	sld [smem:$0x3F9E];
	s0 =	simm.s32 @p0 $0x1  }
0x13: {  	[smem:$0x3FB9] =	sst s0;
	s0 =	simm.s32 @!p1 $0x0  }
0x14: {  	s2 =	sld [smem:$0x3F9D];
	s0 =	simm.s32 @p1 $0x1  }
0x15: {  	[smem:$0x3FBA] =	sst s0;
	s0 =	simm.s32 @!p2 $0x0  }
0x16: {  	s3 =	sld [smem:$0x3FDB];
	s0 =	simm.s32 @p2 $0x1  }
0x17: {  	s4 =	simm.s32 $0x1BF5;
	[smem:$0x3FBC] =	sst s0  }
0x18: {  	s0 =	sld [smem:$0x3F9F];
	_ =	swait.ge [sflag:s4], $0x0  }
0x19: {  	s7 =	sld [smem:$0x3FA0]  }
0x1a: {  	s8 =	sadd.s32 $0xFFFFE003, lr  }
0x1b: {  	s9 =	sadd.s32 $0xFFFFFEF7, lr;
	s5 =	simm.s32 $0xFFFFFFFF;
	p2 =	slt.u32 s8, $0xFFFFF086  }
0x1c: {  	p1 =	slt.u32 s9, $0xF7A;
	s5 =	simm.s32 @!p2 $0x0  }
0x1d: {  	s5 =	simm.s32 @p1 $0x1;
	p0 =	seq.s32 s7, s2  }
0x1e: {  	s7 =	smul.u32 @!p0 $0xF7A, s2;
	p2 =	seq.s32 @!p0 s5, $0x0  }
0x1f: {  	s9 =	smul.u32 $0xF7A, s1;
	s8 =	simm.s32 @!p0 $0x1BF5;
	p2 =	por !p2, p0  }
0x20: {  	[sflag:s8] =	ssyncset.s32 @!p0 $0xFFFFF086;
	s6 =	sadd.s32 @!p0 s3, s7;
	s7 =	simm.s32 @!p0 $0x108  }
0x21: {  	s3 =	sadd.s32 s3, s9;
	s6 =	sadd.s32 @!p0 $0x88, s6;
	s7 =	simm.s32 @p2 $0x1082  }
0x22: {  	[simem:s7], [sflag:s8] =	dma.local @!p0 [hbm:s6], $0xF7A  }
0x23: {  	s9 =	sor.u32 $0xD0000000, s2;
	s6 =	simm.s32 $0x108;
	_ =	swait.ge @!p0 [sflag:s8], $0x0  }
0x24: {  	s3 =	sadd.s32 $0x88, s3;
	s6 =	simm.s32 @!p1 $0x1082;
	[sflag:s4] =	ssyncset.s32 $0xFFFFF086  }
0x25: {  	[simem:s6], [sflag:s4] =	dma.local [hbm:s3], $0xF7A  }
0x26: {  	[smem:$0x3FA0] =	sst s1;
	(tag) =	ssettag s2;
	_ =	strace s9  }
0x27: {  	s1 =	sld [smem:$0x3FB0]  }
0x28: {  	s2 =	sld [smem:$0x3FB1]  }
0x29: {  	s4 =	sld [smem:$0x3FB3]  }
0x2a: {  	p0 =	seq.s32 s5, $0x0;
	s5 =	sld [smem:$0x3FB4]  }
0x2b: {  	s6 =	sld [smem:$0x3FB5]  }
0x2c: {  	s7 =	sld [smem:$0x3FB6]  }
0x2d: {  	s3 =	simm.s32 $0x108;
	s8 =	sld [smem:$0x3FB7]  }
0x2e: {  	s3 =	simm.s32 @!p0 $0x1082;
	s9 =	sld [smem:$0x3FB8]  }
0x2f: {  	lr =	sadd.s32 s0, s3;
	s0 =	sld [smem:$0x3FAF]  }
0x30: {  	s3 =	sld [smem:$0x3FB2]  }
0x31: {  	[smem:$0x3FBB] =	sst s10  }
0x32: {  	s10 =	sld [smem:$0x3FB9];
	_ =	sdelay $0x3  }
0x33: {  	p0 =	seq.s32 s10, $0x1;
	s10 =	sld [smem:$0x3FBB];
	_ =	sdelay $0x3  }
0x34: {  	[smem:$0x3FBB] =	sst s10  }
0x35: {  	s10 =	sld [smem:$0x3FBA];
	_ =	sdelay $0x3  }
0x36: {  	p1 =	seq.s32 s10, $0x1;
	s10 =	sld [smem:$0x3FBB];
	_ =	sdelay $0x3  }
0x37: {  	[smem:$0x3FBB] =	sst s10  }
0x38: {  	s10 =	sld [smem:$0x3FBC]  }
0x39: {  	_ = 	snop;
	(pc) =	sbr.ind lr, $3  }
0x3a: {  	_ = 	snop  }
0x3b: {  	_ = 	snop  }
0x3c: {  	p2 =	seq.s32 s10, $0x1;
	s10 =	sld [smem:$0x3FBB]  }
0x3d: {  	_ =	shalt  }
0x3e: {  	_ =	shalt  }
0x3f: {  	_ =	shalt  }
0x40: {  	_ =	shalt  }
0x41: {  	_ =	shalt  }
0x42: {  	_ =	shalt  }
0x43: {  	_ =	shalt  }
0x44: {  	_ =	shalt  }
0x45: {  	_ =	shalt  }
0x46: {  	_ =	shalt  }
0x47: {  	_ =	shalt  }
0x48: {  	_ =	shalt  }
0x49: {  	_ =	shalt  }
0x4a: {  	_ =	shalt  }
0x4b: {  	_ =	shalt  }
0x4c: {  	_ =	shalt  }
0x4d: {  	_ =	shalt  }
0x4e: {  	_ =	shalt  }
0x4f: {  	_ =	shalt  }
0x50: {  	_ =	shalt  }
0x51: {  	_ =	shalt  }
0x52: {  	_ =	shalt  }
0x53: {  	_ =	shalt  }
0x54: {  	_ =	shalt  }
0x55: {  	_ =	shalt  }
0x56: {  	_ =	shalt  }
0x57: {  	_ =	shalt  }
0x58: {  	_ =	shalt  }
0x59: {  	_ =	shalt  }
0x5a: {  	_ =	shalt  }
0x5b: {  	_ =	shalt  }
0x5c: {  	_ =	shalt  }
0x5d: {  	_ =	shalt  }
0x5e: {  	_ =	shalt  }
0x5f: {  	_ =	shalt  }
0x60: {  	_ =	shalt  }
0x61: {  	_ =	shalt  }
0x62: {  	_ =	shalt  }
0x63: {  	_ =	shalt  }
0x64: {  	_ =	shalt  }
0x65: {  	_ =	shalt  }
0x66: {  	_ =	shalt  }
0x67: {  	_ =	shalt  }
0x68: {  	_ =	shalt  }
0x69: {  	_ =	shalt  }
0x6a: {  	_ =	shalt  }
0x6b: {  	_ =	shalt  }
0x6c: {  	_ =	shalt  }
0x6d: {  	_ =	shalt  }
0x6e: {  	_ =	shalt  }
0x6f: {  	_ =	shalt  }
0x70: {  	_ =	shalt  }
0x71: {  	_ =	shalt  }
0x72: {  	_ =	shalt  }
0x73: {  	_ =	shalt  }
0x74: {  	_ =	shalt  }
0x75: {  	_ =	shalt  }
0x76: {  	_ =	shalt  }
0x77: {  	_ =	shalt  }
0x78: {  	_ =	shalt  }
0x79: {  	_ =	shalt  }
0x7a: {  	_ =	shalt  }
0x7b: {  	_ =	shalt  }
0x7c: {  	_ =	shalt  }
0x7d: {  	_ =	shalt  }
0x7e: {  	_ =	shalt  }
0x7f: {  	_ =	shalt  }
0x80: {  	_ =	shalt  }
0x81: {  	_ =	shalt  }
0x82: {  	_ =	shalt  }
0x83: {  	_ =	shalt  }
0x84: {  	_ =	shalt  }
0x85: {  	_ =	shalt  }
0x86: {  	_ =	shalt  }
0x87: {  	_ =	shalt  }
.Lfunc_end0:
.L_simem_size_0:
called_computation_lowered:
.L_overlay_start_0:
0x88: {  	s2 =	sld [smem:$0x3FD9]  }
0x89: {  	s3 =	sld [smem:$0x3FFE];
	_ =	sdelay $0x1  }
0x8a: {  	s1 =	srdreg.scid  }
0x8b: {  	s0 =	sand.u32 $0x1, s1  }
0x8c: {  	s18 =	sshll.u32 s0, $0xA;
	s2 =	sadd.s32 s3, s2  }
0x8d: {  	s2 =	sadd.s32 s2, s18  }
0x8e: {  	[smem:$0x3FC7] =	sst s2  }
0x8f: {  	_ = 	snop  }
0x90: {  	s2 =	sld [smem:$0x3FC9]  }
0x91: {  	s19 =	sld [smem:$0x3FD0];
	(tm) =	ssettm $0x1  }
0x92: {  	s4 =	sld [smem:$0x3FFB];
	_ =	sdelay $0x3  }
0x93: {  	_ =	strace s4  }
0x94: {  	s4 =	sld [smem:$0x3FFC];
	_ =	sdelay $0x3  }
0x95: {  	_ =	strace s4  }
0x96: {  	s4 =	sld [smem:$0x3FFD];
	_ =	sdelay $0x3  }
0x97: {  	_ =	strace s4  }
0x98: {  	_ =	strace $0x8FFFFFFF  }
0x99: {  	s20 =	sld [smem:$0x3FDB];
	_ =	sdelay $0x1  }
0x9a: {  	s5 =	simm.s32 $_scs_section_size  }
0x9b: {  	s6 =	simm.s32 $_size__tile_overlayer_lowered;
	s7 =	simm.s32 $_tile_overlayer_lowered  }
0x9c: {  	s23 =	simm.s32 $0x1BFF;
	s22 =	sshll.u32 s7, $0x1;
	s4 =	sadd.s32 s5, s20  }
0x9d: {  	s8 =	simm.s32 $0x0;
	s21 =	sshll.u32 s6, $0x1;
	s6 =	sadd.s32 s22, s4  }
0x9e: {  	[timem:s8], [sflag:s23] =	dma.local [hbm:s6], s21  }
0x9f: {  	_ =	swait.ge [sflag:s23], s21  }
0xa0: {  	s5 =	ssub.s32 $0x0, s21;
	[sflag:s23] =	ssyncset.done $0x0  }
0xa1: {  	[sflag:s23] =	ssyncadd.s32 s5;
	_ =	sdelay $0x1  }
0xa2: {  	s24 =	simm.s32 $0x1B8B  }
0xa3: {  	_ =	swait.ge [sflag:s24], $0x1  }
0xa4: {  	[sflag:s24] =	ssyncset.done $0x0  }
0xa5: {  	s25 =	simm.s32 $0x1B8E;
	[sflag:s24] =	ssyncadd.s32 $0xFFFFFFFF  }
0xa6: {  	s26 =	simm.s32 $execute0_lowered;
	[smem:$0x3FD2] =	sst s25  }
0xa7: {  	s5 =	sshll.u32 s26, $0x1;
	_ =	strace $0x80000046;
	[dreg:$0x1] =	wrdreg $0xFFFFFFFF  }
0xa8: {  	s28 =	simm.s32 $_size_execute0_lowered;
	s4 =	sadd.s32 s4, s5;
	[dreg:$0x0] =	wrdreg $0x0  }
0xa9: {  	s5 =	sshll.u32 s28, $0x1;
	[dreg:$0x2] =	wrdreg s4  }
0xaa: {  	[dreg:$0x3] =	wrdreg s5  }
0xab: {  	[dreg:$0x4] =	wrdreg $0xC0  }
0xac: {  	_ =	task [dreg:s8], $0x5FFFF  }
0xad: {  	[dreg:$0x1] =	wrdreg $0xFFFFFFFF  }
0xae: {  	[dreg:$0x0] =	wrdreg $0x60  }
0xaf: {  	[dreg:$0x2] =	wrdreg s2  }
0xb0: {  	[dreg:$0x3] =	wrdreg s19  }
0xb1: {  	[dreg:$0x4] =	wrdreg $0x9  }
0xb2: {  	_ =	task.clear_ibuf [dreg:s8], $0x5FFFF;
	_ =	strace $0x90000046  }
0xb3: {  	s29 =	simm.s32 $0x9;
	_ =	strace $0x80000048  }
0xb4: {  	_ =	swait.ge [sflag:s29], $0x1  }
0xb5: {  	[sflag:s29] =	ssyncadd.s32 $0xFFFFFFFF  }
0xb6: {  	_ =	strace $0x90000048  }
0xb7: {  	_ =	sfence  }
0xb8: {  	s30 =	sld [smem:$0x0];
	_ =	sdelay $0x2  }
0xb9: {  	s31 =	sshll.u32 s1, $0xD;
	s1 =	sshrl.u32 s1, $0x2  }
0xba: {  	s3 =	sand.u32 $0x4000, s31;
	s1 =	sadd.s32 s1, s30  }
0xbb: {  	s0 =	sor.u32 s3, s0;
	s1 =	sshll.u32 s1, $0x11  }
0xbc: {  	s0 =	sor.u32 s1, s0  }
0xbd: {  	s0 =	sadd.s32 $0x8F2B, s0  }
0xbe: {  	[sflag:s0] =	ssyncadd.remote.s32 $0x1  }
0xbf: {  	_ =	sfence.sel $0xFFFF  }
0xc0: {  	[dreg:$0x0] =	wrdreg $0xFFFFFFFF;
	(pc) =	sbr.abs _section_cstart, $3  }
0xc1: {  	[dreg:$0x1] =	wrdreg $0xFFFFFFFF  }
0xc2: {  	_ =	task.clear_ibuf [dreg:s8], $0x2FFFF;
	_ =	strace $0x9FFFFFFF  }
0xc3: {  	(tm) =	ssettm $0x7FFFFFFF  }
tec
execute0_lowered:
.L_overlay_start_1:
0x0: {  	(tag) =	ssettag $0x1  }
0x1: {  	vm0 =	vcmask $0x300;
	v0 =	vimm.s32 $0xF80  }
0x2: {  	vm1 =	vcmask $0x704;
	vm2 =	vcmask $0xB08;
	vm3 =	vcmask $0xF0C  }
0x3: {  	vm4 =	vcmask $0x1310;
	vm5 =	vcmask $0x1714;
	vm6 =	vcmask $0x1B18  }
0x4: {  	vm7 =	vcmask $0x1F1C;
	vm8 =	vcmask $0x2320;
	v58 =	vlaneseq.u32  }
0x5: {  	vm9 =	vcmask $0x2724;
	vm10 =	vcmask $0x2B28;
	v1 =	vimm.s32 $0x0  }
0x6: {  	vm11 =	vcmask $0x2F2C;
	vm12 =	vcmask $0x3330;
	vm13 =	vcmask $0x3734  }
0x7: {  	vm14 =	vcmask $0x3B38;
	v15 =	vimm.s32 $0x80;
	vm15 =	vcmask $0x1F10  }
0x8: {  	v2 =	vimm.s32 $0x4B0A4908;
	v16 =	vimm.s32 $0x4F0E4D0C;
	v18 =	vimm.s32 $0x43024100  }
0x9: {  	v20 =	vimm.s32 $0x47064504;
	v23 =	vimm.s32 $0x4C0B4A09;
	v32 =	vimm.s32 $0x400F4E0D  }
0xa: {  	v34 =	vimm.s32 $0x44034201;
	v35 =	vimm.s32 $0x100;
	v37 =	vimm.s32 $0x48074605  }
0xb: {  	v40 =	vimm.s32 $0x4D0C4B0A;
	v8 =	vimm.s32 $0x41004F0E;
	v41 =	vimm.s32 $0x45044302  }
0xc: {  	v42 =	vimm.s32 $0x180;
	v50 =	vimm.s32 $0x49084706;
	v0 =	vsel vm0, $0x0, v0  }
0xd: {  	v54 =	vimm.s32 $0x4E0D4C0B;
	v55 =	vimm.s32 $0x46054403;
	v0 =	vsel vm1, $0x80, v0  }
0xe: {  	v57 =	vimm.s32 $0x4A094807;
	v63 =	vimm.s32 $0x380;
	v0 =	vsel vm2, $0x100, v0  }
0xf: {  	v1 =	vsel vm0, $0x80, v1;
	v14 =	vshrl.u32 v58, $0x1;
	v0 =	vsel vm3, $0x180, v0  }
0x10: {  	v5 =	vunpack.c.0.s8.s32 v2;
	v4 =	vunpack.c.0.s8.s32 v16;
	v0 =	vsel vm4, $0x200, v0  }
0x11: {  	v10 =	vunpack.c.0.s8.s32 v18;
	v11 =	vunpack.c.0.s8.s32 v20;
	v0 =	vsel vm5, $0x280, v0  }
0x12: {  	v13 =	vunpack.c.0.s8.s32 v23;
	v12 =	vunpack.c.0.s8.s32 v32;
	v0 =	vsel vm6, $0x300, v0  }
0x13: {  	v36 =	vsel vm0, $0x180, v35;
	v16 =	vunpack.c.0.s8.s32 v40;
	v0 =	vsel vm7, $0x380, v0  }
0x14: {  	v18 =	vunpack.c.0.s8.s32 v41;
	v1 =	vsel vm1, $0x100, v1;
	v0 =	vsel vm8, $0xC00, v0  }
0x15: {  	v49 =	vsel vm0, $0x200, v42;
	v1 =	vsel vm2, $0x180, v1;
	v0 =	vsel vm9, $0xC80, v0  }
0x16: {  	v20 =	vimm.s32 $0x4201400F;
	v1 =	vsel vm3, $0x200, v1;
	v0 =	vsel vm10, $0xD00, v0  }
0x17: {  	v23 =	vimm.s32 $0x200;
	v1 =	vsel vm4, $0x280, v1;
	v0 =	vsel vm11, $0xD80, v0  }
0x18: {  	v44 =	vmul.u32 $0x80, v14;
	v1 =	vsel vm5, $0x300, v1;
	v0 =	vsel vm12, $0xE00, v0  }
0x19: {  	v14 =	vunpack.c.0.s8.s32 v34;
	v3 =	vsel vm6, $0x380, v1;
	v0 =	vsel vm13, $0xE80, v0  }
0x1a: {  	v17 =	vsel vm7, $0xC00, v3;
	v43 =	vsel vm14, $0xF00, v0;
	v0 =	vsel vm0, $0x100, v15  }
0x1b: {  	v20 =	vunpack.c.0.s8.s32 v20;
	v2 =	vsel vm8, $0xC80, v17;
	v0 =	vsel vm1, $0x180, v0  }
0x1c: {  	v56 =	vsel vm0, $0x280, v23;
	v19 =	vsel vm9, $0xD00, v2;
	v21 =	vsel vm2, $0x200, v0  }
0x1d: {  	v23 =	vunpack.c.0.s8.s32 v57;
	v1 =	vsel vm10, $0xD80, v19;
	v2 =	vsel vm3, $0x280, v21  }
0x1e: {  	v17 =	vunpack.c.0.s8.s32 v8;
	v1 =	vsel vm11, $0xE00, v1;
	v2 =	vsel vm4, $0x300, v2  }
0x1f: {  	[tilespmem:$0x1F600] =	vst v3;
	v19 =	vunpack.c.0.s8.s32 v50;
	v22 =	vsel vm12, $0xE80, v1;
	v6 =	vsel vm5, $0x380, v2  }
0x20: {  	v1 =	vsel vm15, v11, v10;
	v3 =	vsel vm13, $0xF00, v22;
	[tilespmem:$0x1F610] =	vst v6;
	v6 =	vsel vm6, $0xC00, v6  }
0x21: {  	v22 =	vunpack.c.0.s8.s32 v55;
	v46 =	vsel vm14, $0xF80, v3;
	v33 =	vsel vm7, $0xC80, v6  }
0x22: {  	v3 =	vsel vm1, $0x200, v36;
	v15 =	vunpack.c.0.s8.s32 v37;
	v2 =	vsel vm8, $0xD00, v33  }
0x23: {  	v3 =	vsel vm2, $0x280, v3;
	v37 =	vsel vm15, v22, v20;
	v2 =	vsel vm9, $0xD80, v2  }
0x24: {  	v0 =	vsel vm15, v4, v5;
	v7 =	vsel vm3, $0x300, v3;
	v2 =	vsel vm10, $0xE00, v2  }
0x25: {  	v3 =	vsel vm15, v15, v14;
	v4 =	vsel vm15, v10, v4;
	v38 =	vsel vm11, $0xE80, v2  }
0x26: {  	v5 =	vsel vm15, v5, v11;
	v7 =	vsel vm4, $0x380, v7;
	v6 =	vsel vm12, $0xF00, v38  }
0x27: {  	v45 =	vcombine.low v1, v0;
	v39 =	vsel vm5, $0xC00, v7;
	v6 =	vsel vm13, $0xF80, v6  }
0x28: {  	v21 =	vunpack.c.0.s8.s32 v54;
	v48 =	vsel vm14, $0x0, v6;
	v6 =	vsel vm6, $0xC80, v39  }
0x29: {  	v31 =	vcombine.low v5, v4;
	[tilespmem:$0x1F620] =	vst v7;
	v7 =	vsel vm1, $0x280, v49;
	v6 =	vsel vm7, $0xD00, v6  }
0x2a: {  	v0 =	vcombine.low v0, v1;
	v7 =	vsel vm2, $0x300, v7;
	v6 =	vsel vm8, $0xD80, v6  }
0x2b: {  	v54 =	vimm.s32 $0xD80;
	v9 =	vsel vm3, $0x380, v7;
	v6 =	vsel vm9, $0xE00, v6  }
0x2c: {  	v49 =	vimm.s32 $0xD00;
	[tilespmem:$0x1F630] =	vst v9;
	v9 =	vsel vm4, $0xC00, v9;
	v6 =	vsel vm10, $0xE80, v6  }
0x2d: {  	v52 =	vsel vm5, $0xC80, v9;
	v9 =	vsel vm1, $0x300, v56;
	v51 =	vsel vm11, $0xF00, v6  }
0x2e: {  	v7 =	vsel vm15, v19, v18;
	v9 =	vsel vm2, $0x380, v9;
	v8 =	vsel vm12, $0xF80, v51  }
0x2f: {  	v56 =	vimm.s32 $0xE00;
	v25 =	vsel vm3, $0xC00, v9;
	v8 =	vsel vm13, $0x0, v8  }
0x30: {  	[tilespmem:$0x1F640] =	vst v9;
	v9 =	vsel vm15, v23, v22;
	v41 =	vsel vm14, $0x80, v8;
	v8 =	vsel vm6, $0xD00, v52  }
0x31: {  	v2 =	vsel vm15, v12, v13;
	v25 =	vsel vm4, $0xC80, v25;
	v8 =	vsel vm7, $0xD80, v8  }
0x32: {  	v12 =	vsel vm15, v14, v12;
	v13 =	vsel vm15, v13, v15;
	v8 =	vsel vm8, $0xE00, v8  }
0x33: {  	v14 =	vsel vm0, $0xC00, v63;
	v47 =	vcombine.low v3, v2;
	v8 =	vsel vm9, $0xE80, v8  }
0x34: {  	v33 =	vcombine.low v13, v12;
	v14 =	vsel vm1, $0xC80, v14;
	v8 =	vsel vm10, $0xF00, v8  }
0x35: {  	v2 =	vcombine.low v2, v3;
	v14 =	vsel vm2, $0xD00, v14;
	v24 =	vsel vm11, $0xF80, v8  }
0x36: {  	v38 =	vsel vm15, v21, v23;
	v14 =	vsel vm3, $0xD80, v14;
	v24 =	vsel vm12, $0x0, v24  }
0x37: {  	[tilespmem:$0x1F690] =	vst v2;
	v2 =	vsel vm0, $0xE80, v56;
	v56 =	vimm.s32 $0xFEDCBA98;
	v24 =	vsel vm13, $0x80, v24  }
0x38: {  	v14 =	vsel vm4, $0xE00, v14;
	v27 =	vsel vm14, $0x100, v24;
	v24 =	vsel vm5, $0xD00, v25  }
0x39: {  	v2 =	vsel vm1, $0xF00, v2;
	v59 =	vsel vm6, $0xD80, v24;
	v24 =	vimm.s32 $0x280  }
0x3a: {  	v14 =	vsel vm5, $0xE80, v14;
	v2 =	vsel vm2, $0xF80, v2;
	v60 =	vsel vm0, $0x300, v24  }
0x3b: {  	v10 =	vsel vm7, $0xE00, v59;
	v24 =	vimm.s32 $0x300;
	v11 =	vsel vm1, $0x380, v60  }
0x3c: {  	v10 =	vsel vm8, $0xE80, v10;
	v24 =	vsel vm0, $0x380, v24;
	[tilespmem:$0x1F650] =	vst v11;
	v11 =	vsel vm2, $0xC00, v11  }
0x3d: {  	v10 =	vsel vm9, $0xF00, v10;
	[tilespmem:$0x1F660] =	vst v24;
	v24 =	vsel vm1, $0xC00, v24;
	v11 =	vsel vm3, $0xC80, v11  }
0x3e: {  	v10 =	vsel vm10, $0xF80, v10;
	v24 =	vsel vm2, $0xC80, v24;
	v11 =	vsel vm4, $0xD00, v11  }
0x3f: {  	v10 =	vsel vm11, $0x0, v10;
	v24 =	vsel vm3, $0xD00, v24;
	v11 =	vsel vm5, $0xD80, v11  }
0x40: {  	v10 =	vsel vm12, $0x80, v10;
	v62 =	vsel vm4, $0xD80, v24;
	v11 =	vsel vm6, $0xE00, v11  }
0x41: {  	v10 =	vsel vm13, $0x100, v10;
	v61 =	vsel vm7, $0xE80, v11;
	v11 =	vsel vm5, $0xE00, v62  }
0x42: {  	v32 =	vsel vm14, $0x180, v10;
	v10 =	vsel vm8, $0xF00, v61;
	v11 =	vsel vm6, $0xE80, v11  }
0x43: {  	v14 =	vsel vm6, $0xF00, v14;
	v10 =	vsel vm9, $0xF80, v10;
	v11 =	vsel vm7, $0xF00, v11  }
0x44: {  	v2 =	vsel vm3, $0x0, v2;
	v10 =	vsel vm10, $0x0, v10;
	v11 =	vsel vm8, $0xF80, v11  }
0x45: {  	v14 =	vsel vm7, $0xF80, v14;
	v10 =	vsel vm11, $0x80, v10;
	v11 =	vsel vm9, $0x0, v11  }
0x46: {  	v2 =	vsel vm4, $0x80, v2;
	v10 =	vsel vm12, $0x100, v10;
	v11 =	vsel vm10, $0x80, v11  }
0x47: {  	v6 =	vsel vm15, v17, v16;
	v10 =	vsel vm13, $0x180, v10;
	v11 =	vsel vm11, $0x100, v11  }
0x48: {  	v34 =	vsel vm14, $0x200, v10;
	v10 =	vsel vm15, v18, v17;
	v18 =	vsel vm12, $0x180, v11  }
0x49: {  	v11 =	vsel vm15, v16, v19;
	v19 =	vimm.s32 $0xC00;
	v15 =	vsel vm13, $0x200, v18  }
0x4a: {  	v14 =	vsel vm8, $0x0, v14;
	v36 =	vsel vm14, $0x280, v15;
	v15 =	vsel vm0, $0xC80, v19  }
0x4b: {  	v8 =	vsel vm15, v20, v21;
	v20 =	vimm.s32 $0xC80;
	v15 =	vsel vm1, $0xD00, v15  }
0x4c: {  	v53 =	vcombine.low v7, v6;
	v16 =	vsel vm0, $0xD00, v20;
	v15 =	vsel vm2, $0xD80, v15  }
0x4d: {  	v14 =	vsel vm9, $0x80, v14;
	v16 =	vsel vm1, $0xD80, v16;
	v15 =	vsel vm3, $0xE00, v15  }
0x4e: {  	v55 =	vcombine.low v6, v7;
	v16 =	vsel vm2, $0xE00, v16;
	v15 =	vsel vm4, $0xE80, v15  }
0x4f: {  	v14 =	vsel vm10, $0x100, v14;
	v16 =	vsel vm3, $0xE80, v16;
	v15 =	vsel vm5, $0xF00, v15  }
0x50: {  	v14 =	vsel vm11, $0x180, v14;
	v16 =	vsel vm4, $0xF00, v16;
	v15 =	vsel vm6, $0xF80, v15  }
0x51: {  	v14 =	vsel vm12, $0x200, v14;
	v22 =	vsel vm5, $0xF80, v16;
	v21 =	vsel vm7, $0x0, v15  }
0x52: {  	v14 =	vsel vm13, $0x280, v14;
	v40 =	vsel vm6, $0x0, v22;
	v23 =	vsel vm8, $0x80, v21  }
0x53: {  	[tilespmem:$0x1F670] =	vst v0;
	v39 =	vsel vm14, $0x300, v14;
	v1 =	vsel vm7, $0x80, v40;
	v0 =	vsel vm9, $0x100, v23  }
0x54: {  	v14 =	vsel vm0, $0xD80, v49;
	v1 =	vsel vm8, $0x100, v1;
	v0 =	vsel vm10, $0x180, v0  }
0x55: {  	v14 =	vsel vm1, $0xE00, v14;
	v1 =	vsel vm9, $0x180, v1;
	v0 =	vsel vm11, $0x200, v0  }
0x56: {  	v14 =	vsel vm2, $0xE80, v14;
	v1 =	vsel vm10, $0x200, v1;
	v0 =	vsel vm12, $0x280, v0  }
0x57: {  	v14 =	vsel vm3, $0xF00, v14;
	v1 =	vsel vm11, $0x280, v1;
	v0 =	vsel vm13, $0x300, v0  }
0x58: {  	v51 =	vsel vm4, $0xF80, v14;
	v50 =	vsel vm12, $0x300, v1;
	v0 =	vsel vm14, $0x380, v0  }
0x59: {  	v6 =	vcombine.low v4, v5;
	v1 =	vsel vm5, $0x0, v51;
	[tilespmem:$0x1F680] =	vst v0;
	v0 =	vsel vm13, $0x380, v50  }
0x5a: {  	v7 =	vcombine.low v12, v13;
	v52 =	vsel vm6, $0x80, v1;
	v0 =	vsel vm14, $0xC00, v0  }
0x5b: {  	v12 =	vimm.s32 $0x2780;
	v1 =	vsel vm0, $0xE00, v54;
	[tilespmem:$0x1F6A0] =	vst v0;
	v0 =	vsel vm7, $0x100, v52  }
0x5c: {  	v5 =	vimm.s32 $0x55145312;
	v1 =	vsel vm1, $0xE80, v1;
	v0 =	vsel vm8, $0x180, v0  }
0x5d: {  	[tilespmem:$0x1F6B0] =	vst v55;
	v55 =	vimm.s32 $0x1900;
	v1 =	vsel vm2, $0xF00, v1;
	v0 =	vsel vm9, $0x200, v0  }
0x5e: {  	[tilespmem:$0x1F6F0] =	vst v6;
	v6 =	vimm.s32 $0x59185716;
	v1 =	vsel vm3, $0xF80, v1;
	v0 =	vsel vm10, $0x280, v0  }
0x5f: {  	[tilespmem:$0x1F710] =	vst v7;
	v7 =	vimm.s32 $0x5E1D5C1B;
	v1 =	vsel vm4, $0x0, v1;
	v0 =	vsel vm11, $0x300, v0  }
0x60: {  	v49 =	vimm.s32 $0x5C1B5A19;
	v1 =	vsel vm5, $0x80, v1;
	v0 =	vsel vm12, $0x380, v0  }
0x61: {  	v42 =	vcombine.low v9, v8;
	v1 =	vsel vm6, $0x100, v1;
	v0 =	vsel vm13, $0xC00, v0  }
0x62: {  	v59 =	vsel vm5, $0x100, v2;
	v57 =	vsel vm7, $0x180, v1;
	v0 =	vsel vm14, $0xC80, v0  }
0x63: {  	v60 =	vcombine.low v8, v9;
	v1 =	vsel vm6, $0x180, v59;
	[tilespmem:$0x1F6C0] =	vst v0;
	v0 =	vsel vm8, $0x200, v57  }
0x64: {  	v61 =	vimm.s32 $0xE80;
	v1 =	vsel vm7, $0x200, v1;
	v0 =	vsel vm9, $0x280, v0  }
0x65: {  	v2 =	vsel vm0, $0xF00, v61;
	v1 =	vsel vm8, $0x280, v1;
	v0 =	vsel vm10, $0x300, v0  }
0x66: {  	v2 =	vsel vm1, $0xF80, v2;
	v1 =	vsel vm9, $0x300, v1;
	v0 =	vsel vm11, $0x380, v0  }
0x67: {  	v2 =	vsel vm2, $0x0, v2;
	v1 =	vsel vm10, $0x380, v1;
	v0 =	vsel vm12, $0xC00, v0  }
0x68: {  	v2 =	vsel vm3, $0x80, v2;
	v1 =	vsel vm11, $0xC00, v1;
	v0 =	vsel vm13, $0xC80, v0  }
0x69: {  	v63 =	vsel vm4, $0x100, v2;
	v62 =	vsel vm12, $0xC80, v1;
	v0 =	vsel vm14, $0xD00, v0  }
0x6a: {  	v9 =	vimm.s32 $0xF00;
	v1 =	vsel vm5, $0x180, v63;
	[tilespmem:$0x1F6E0] =	vst v0;
	v0 =	vsel vm13, $0xD00, v62  }
0x6b: {  	v2 =	vsel vm0, $0x1800, v12;
	v8 =	vsel vm6, $0x200, v1;
	v0 =	vsel vm14, $0xD80, v0  }
0x6c: {  	v61 =	vimm.s32 $0x5D1C5B1A;
	v2 =	vsel vm1, $0x1880, v2;
	[tilespmem:$0x1F700] =	vst v0;
	v0 =	vsel vm7, $0x280, v8  }
0x6d: {  	v20 =	vimm.s32 $0x1880;
	v1 =	vsel vm0, $0xF80, v9;
	v0 =	vsel vm8, $0x300, v0  }
0x6e: {  	v35 =	vcombine.low v11, v10;
	v1 =	vsel vm1, $0x0, v1;
	v0 =	vsel vm9, $0x380, v0  }
0x6f: {  	v2 =	vsel vm2, $0x1900, v2;
	v1 =	vsel vm2, $0x80, v1;
	v0 =	vsel vm10, $0xC00, v0  }
0x70: {  	v2 =	vsel vm3, $0x1980, v2;
	v1 =	vsel vm3, $0x100, v1;
	v0 =	vsel vm11, $0xC80, v0  }
0x71: {  	v19 =	vimm.s32 $0x5B1A5918;
	v1 =	vsel vm4, $0x180, v1;
	v0 =	vsel vm12, $0xD00, v0  }
0x72: {  	v2 =	vsel vm4, $0x1A00, v2;
	v1 =	vsel vm5, $0x200, v1;
	v0 =	vsel vm13, $0xD80, v0  }
0x73: {  	v2 =	vsel vm5, $0x1A80, v2;
	v13 =	vsel vm6, $0x280, v1;
	v0 =	vsel vm14, $0xE00, v0  }
0x74: {  	v14 =	vsel vm6, $0x1B00, v2;
	v16 =	vimm.s32 $0x1800;
	[tilespmem:$0x1F720] =	vst v0;
	v0 =	vsel vm7, $0x300, v13  }
0x75: {  	v2 =	vsel vm0, $0x1880, v16;
	v22 =	vimm.s32 $0x5F1E5D1C;
	v0 =	vsel vm8, $0x380, v0  }
0x76: {  	v16 =	vimm.s32 $0x1A80;
	v2 =	vsel vm1, $0x1900, v2;
	v0 =	vsel vm9, $0xC00, v0  }
0x77: {  	v40 =	vimm.s32 $0x57165514;
	v2 =	vsel vm2, $0x1980, v2;
	v0 =	vsel vm10, $0xC80, v0  }
0x78: {  	v15 =	vcombine.low v10, v11;
	v2 =	vsel vm3, $0x1A00, v2;
	v0 =	vsel vm11, $0xD00, v0  }
0x79: {  	v10 =	vimm.s32 $0x5211501F;
	v1 =	vsel vm7, $0x1B80, v14;
	v0 =	vsel vm12, $0xD80, v0  }
0x7a: {  	v2 =	vsel vm4, $0x1A80, v2;
	v1 =	vsel vm8, $0x2400, v1;
	v0 =	vsel vm13, $0xE00, v0  }
0x7b: {  	v18 =	vsel vm5, $0x1B00, v2;
	v1 =	vsel vm9, $0x2480, v1;
	v0 =	vsel vm14, $0xE80, v0  }
0x7c: {  	v11 =	vimm.s32 $0x1A00;
	v1 =	vsel vm10, $0x2500, v1;
	[tilespmem:$0x1F740] =	vst v0;
	v0 =	vsel vm6, $0x1B80, v18  }
0x7d: {  	v21 =	vsel vm0, $0x1900, v20;
	v1 =	vsel vm11, $0x2580, v1;
	v0 =	vsel vm7, $0x2400, v0  }
0x7e: {  	v12 =	vsel vm0, $0x1A80, v11;
	v1 =	vsel vm12, $0x2600, v1;
	v0 =	vsel vm8, $0x2480, v0  }
0x7f: {  	v2 =	vunpack.c.0.s8.s32 v22;
	v1 =	vsel vm13, $0x2680, v1;
	v0 =	vsel vm9, $0x2500, v0  }
0x80: {  	v17 =	vsel vm14, $0x2700, v1;
	v1 =	vunpack.c.0.s8.s32 v19;
	v0 =	vsel vm10, $0x2580, v0  }
0x81: {  	v20 =	vimm.s32 $0x1B80;
	v23 =	vimm.s32 $0x53125110;
	[tilespmem:$0x1F770] =	vst v2;
	v0 =	vsel vm11, $0x2600, v0  }
0x82: {  	v2 =	vunpack.c.0.s8.s32 v23;
	[tilespmem:$0x1F760] =	vst v1;
	v1 =	vsel vm1, $0x1980, v21;
	v0 =	vsel vm12, $0x2680, v0  }
0x83: {  	v51 =	vimm.s32 $0x54135211;
	v1 =	vsel vm2, $0x1A00, v1;
	v0 =	vsel vm13, $0x2700, v0  }
0x84: {  	[tilespmem:$0x1F780] =	vst v2;
	v2 =	vunpack.c.0.s8.s32 v40;
	v1 =	vsel vm3, $0x1A80, v1;
	v0 =	vsel vm14, $0x2780, v0  }
0x85: {  	v40 =	vimm.s32 $0x2400;
	v1 =	vsel vm4, $0x1B00, v1;
	[tilespmem:$0x1F7A0] =	vst v0;
	v0 =	vunpack.c.0.s8.s32 v49  }
0x86: {  	[tilespmem:$0x1F790] =	vst v2;
	v50 =	vimm.s32 $0x501F5E1D;
	v2 =	vunpack.c.l.s4.s8 v56;
	v1 =	vsel vm5, $0x1B80, v1  }
0x87: {  	v52 =	vimm.s32 $0x58175615;
	v1 =	vsel vm6, $0x2400, v1;
	[tilespmem:$0x1F7B0] =	vst v0;
	v0 =	vunpack.c.0.s8.s32 v50  }
0x88: {  	[tilespmem:$0x1F6D0] =	vst v60;
	v60 =	vunpack.c.0.s8.s32 v2;
	v2 =	vunpack.c.0.s8.s32 v61;
	v1 =	vsel vm7, $0x2480, v1  }
0x89: {  	v57 =	vimm.s32 $0x76543210;
	v1 =	vsel vm8, $0x2500, v1;
	[tilespmem:$0x1F7C0] =	vst v0;
	v0 =	vunpack.c.0.s8.s32 v51  }
0x8a: {  	v63 =	vimm.s32 $0x51105F1E;
	v3 =	vunpack.c.l.s4.s8 v57;
	v1 =	vsel vm9, $0x2580, v1  }
0x8b: {  	v57 =	vimm.s32 $0x2580;
	v1 =	vsel vm10, $0x2600, v1;
	[tilespmem:$0x1F7D0] =	vst v0;
	v0 =	vunpack.c.0.s8.s32 v52  }
0x8c: {  	v3 =	vunpack.c.0.s8.s32 v3;
	v54 =	vsel vm11, $0x2680, v1;
	v1 =	vsel vm0, $0x1980, v55  }
0x8d: {  	v14 =	vimm.s32 $0x5A195817;
	v1 =	vsel vm1, $0x1A00, v1;
	[tilespmem:$0x1F7E0] =	vst v0;
	v0 =	vsel vm12, $0x2700, v54  }
0x8e: {  	v62 =	vimm.s32 $0x1980;
	v1 =	vsel vm2, $0x1A80, v1;
	v0 =	vsel vm13, $0x2780, v0  }
0x8f: {  	[tilespmem:$0x1F800] =	vst v2;
	v2 =	vsel vm0, $0x1A00, v62;
	v59 =	vsel vm3, $0x1B00, v1;
	v0 =	vsel vm14, $0x1800, v0  }
0x90: {  	v62 =	vimm.s32 $0x2680;
	v1 =	vand.u32 $0xF, v60;
	[tilespmem:$0x1F7F0] =	vst v0;
	v0 =	vsel vm4, $0x1B80, v59  }
0x91: {  	v4 =	vsel vm1, $0x1A80, v2;
	v1 =	vcombine.low v1, v3;
	v0 =	vsel vm5, $0x2400, v0  }
0x92: {  	v2 =	vunpack.c.0.s8.s32 v5;
	v8 =	vunpack.c.0.s8.s32 v7;
	v0 =	vsel vm6, $0x2480, v0  }
0x93: {  	v7 =	vimm.s32 $0x3F80;
	[tilespmem:$0x1F810] =	vst v1;
	v1 =	vunpack.c.0.s8.s32 v63;
	v0 =	vsel vm7, $0x2500, v0  }
0x94: {  	[tilespmem:$0x1F830] =	vst v2;
	v2 =	vunpack.c.0.s8.s32 v6;
	v6 =	vimm.s32 $0x2700;
	v0 =	vsel vm8, $0x2580, v0  }
0x95: {  	v13 =	vimm.s32 $0x56155413;
	[tilespmem:$0x1F820] =	vst v1;
	v1 =	vsel vm2, $0x1B00, v4;
	v0 =	vsel vm9, $0x2600, v0  }
0x96: {  	[tilespmem:$0x1F840] =	vst v2;
	v2 =	vunpack.c.0.s8.s32 v13;
	v1 =	vsel vm3, $0x1B80, v1;
	v0 =	vsel vm10, $0x2680, v0  }
0x97: {  	[tilespmem:$0x1F750] =	vst v17;
	v17 =	vimm.s32 $0x1B00;
	v1 =	vsel vm4, $0x2400, v1;
	v0 =	vsel vm11, $0x2700, v0  }
0x98: {  	[tilespmem:$0x1F880] =	vst v2;
	v2 =	vunpack.c.0.s8.s32 v14;
	v1 =	vsel vm5, $0x2480, v1;
	v0 =	vsel vm12, $0x2780, v0  }
0x99: {  	v14 =	vimm.s32 $0x6B2A6928;
	v1 =	vsel vm6, $0x2500, v1;
	v0 =	vsel vm13, $0x1800, v0  }
0x9a: {  	[tilespmem:$0x1F890] =	vst v2;
	v2 =	vsel vm0, $0x1B80, v17;
	v9 =	vsel vm7, $0x2580, v1;
	v0 =	vsel vm14, $0x1880, v0  }
0x9b: {  	v2 =	vsel vm1, $0x2400, v2;
	v1 =	vunpack.c.0.s8.s32 v10;
	[tilespmem:$0x1F850] =	vst v0;
	v0 =	vsel vm8, $0x2600, v9  }
0x9c: {  	v17 =	vimm.s32 $0x63226120;
	v2 =	vsel vm2, $0x2480, v2;
	v0 =	vsel vm9, $0x2680, v0  }
0x9d: {  	v2 =	vsel vm3, $0x2500, v2;
	[tilespmem:$0x1F870] =	vst v1;
	v1 =	vsel vm1, $0x1B00, v12;
	v0 =	vsel vm10, $0x2700, v0  }
0x9e: {  	v2 =	vsel vm4, $0x2580, v2;
	v1 =	vsel vm2, $0x1B80, v1;
	v0 =	vsel vm11, $0x2780, v0  }
0x9f: {  	v2 =	vsel vm5, $0x2600, v2;
	v1 =	vsel vm3, $0x2400, v1;
	v0 =	vsel vm12, $0x1800, v0  }
0xa0: {  	v2 =	vsel vm6, $0x2680, v2;
	v1 =	vsel vm4, $0x2480, v1;
	v0 =	vsel vm13, $0x1880, v0  }
0xa1: {  	[tilespmem:$0x1F730] =	vst v15;
	v19 =	vsel vm7, $0x2700, v2;
	v15 =	vsel vm5, $0x2500, v1;
	v0 =	vsel vm14, $0x1900, v0  }
0xa2: {  	v2 =	vsel vm0, $0x2400, v20;
	v1 =	vsel vm0, $0x1B00, v16;
	[tilespmem:$0x1F8A0] =	vst v0;
	v0 =	vsel vm6, $0x2580, v15  }
0xa3: {  	v2 =	vsel vm1, $0x2480, v2;
	v1 =	vsel vm1, $0x1B80, v1;
	v0 =	vsel vm7, $0x2600, v0  }
0xa4: {  	v2 =	vsel vm2, $0x2500, v2;
	v1 =	vsel vm2, $0x2400, v1;
	v0 =	vsel vm8, $0x2680, v0  }
0xa5: {  	v2 =	vsel vm3, $0x2580, v2;
	v1 =	vsel vm3, $0x2480, v1;
	v0 =	vsel vm9, $0x2700, v0  }
0xa6: {  	v22 =	vsel vm4, $0x2600, v2;
	v1 =	vsel vm4, $0x2500, v1;
	v0 =	vsel vm10, $0x2780, v0  }
0xa7: {  	v23 =	vsel vm5, $0x2680, v22;
	v1 =	vsel vm5, $0x2580, v1;
	v0 =	vsel vm11, $0x1800, v0  }
0xa8: {  	v49 =	vimm.s32 $0x2480;
	v1 =	vsel vm6, $0x2600, v1;
	v0 =	vsel vm12, $0x1880, v0  }
0xa9: {  	v22 =	vimm.s32 $0x602F6E2D;
	v1 =	vsel vm7, $0x2680, v1;
	v0 =	vsel vm13, $0x1900, v0  }
0xaa: {  	v2 =	vsel vm0, $0x2500, v49;
	v18 =	vsel vm8, $0x2700, v1;
	v0 =	vsel vm14, $0x1980, v0  }
0xab: {  	v49 =	vimm.s32 $0x64236221;
	v1 =	vsel vm8, $0x2780, v19;
	[tilespmem:$0x1F8B0] =	vst v0;
	v0 =	vsel vm9, $0x2780, v18  }
0xac: {  	v2 =	vsel vm1, $0x2580, v2;
	v1 =	vsel vm9, $0x1800, v1;
	v0 =	vsel vm10, $0x1800, v0  }
0xad: {  	v2 =	vsel vm2, $0x2600, v2;
	v1 =	vsel vm10, $0x1880, v1;
	v0 =	vsel vm11, $0x1880, v0  }
0xae: {  	v2 =	vsel vm3, $0x2680, v2;
	v1 =	vsel vm11, $0x1900, v1;
	v0 =	vsel vm12, $0x1900, v0  }
0xaf: {  	v10 =	vimm.s32 $0x3000;
	v1 =	vsel vm12, $0x1980, v1;
	v0 =	vsel vm13, $0x1980, v0  }
0xb0: {  	v2 =	vsel vm4, $0x2700, v2;
	v21 =	vsel vm13, $0x1A00, v1;
	v0 =	vsel vm14, $0x1A00, v0  }
0xb1: {  	v2 =	vsel vm5, $0x2780, v2;
	v52 =	vimm.s32 $0x2500;
	[tilespmem:$0x1F8C0] =	vst v0;
	v0 =	vsel vm14, $0x1A80, v21  }
0xb2: {  	v2 =	vsel vm6, $0x1800, v2;
	v1 =	vsel vm0, $0x2480, v40;
	[tilespmem:$0x1F8D0] =	vst v0;
	v0 =	vsel vm6, $0x2700, v23  }
0xb3: {  	v51 =	vsel vm7, $0x1880, v2;
	v1 =	vsel vm1, $0x2500, v1;
	v0 =	vsel vm7, $0x2780, v0  }
0xb4: {  	v2 =	vsel vm0, $0x2580, v52;
	v1 =	vsel vm2, $0x2580, v1;
	v0 =	vsel vm8, $0x1800, v0  }
0xb5: {  	v52 =	vimm.s32 $0x6D2C6B2A;
	v1 =	vsel vm3, $0x2600, v1;
	v0 =	vsel vm9, $0x1880, v0  }
0xb6: {  	v2 =	vsel vm1, $0x2600, v2;
	v1 =	vsel vm4, $0x2680, v1;
	v0 =	vsel vm10, $0x1900, v0  }
0xb7: {  	v2 =	vsel vm2, $0x2680, v2;
	v1 =	vsel vm5, $0x2700, v1;
	v0 =	vsel vm11, $0x1980, v0  }
0xb8: {  	v16 =	vimm.s32 $0x6F2E6D2C;
	v1 =	vsel vm6, $0x2780, v1;
	v0 =	vsel vm12, $0x1A00, v0  }
0xb9: {  	v2 =	vsel vm3, $0x2700, v2;
	v1 =	vsel vm7, $0x1800, v1;
	v0 =	vsel vm13, $0x1A80, v0  }
0xba: {  	v59 =	vimm.s32 $0x2600;
	v50 =	vsel vm8, $0x1880, v1;
	v0 =	vsel vm14, $0x1B00, v0  }
0xbb: {  	v55 =	vsel vm4, $0x2780, v2;
	v1 =	vsel vm8, $0x1900, v51;
	[tilespmem:$0x1F8E0] =	vst v0;
	v0 =	vsel vm9, $0x1900, v50  }
0xbc: {  	v2 =	vsel vm0, $0x2680, v59;
	v1 =	vsel vm9, $0x1980, v1;
	v0 =	vsel vm10, $0x1980, v0  }
0xbd: {  	v59 =	vimm.s32 $0x6E2D6C2B;
	v1 =	vsel vm10, $0x1A00, v1;
	v0 =	vsel vm11, $0x1A00, v0  }
0xbe: {  	v56 =	vsel vm5, $0x1800, v55;
	v1 =	vsel vm11, $0x1A80, v1;
	v0 =	vsel vm12, $0x1A80, v0  }
0xbf: {  	v2 =	vsel vm1, $0x2700, v2;
	v1 =	vsel vm12, $0x1B00, v1;
	v0 =	vsel vm13, $0x1B00, v0  }
0xc0: {  	v2 =	vsel vm2, $0x2780, v2;
	v54 =	vsel vm13, $0x1B80, v1;
	v0 =	vsel vm14, $0x1B80, v0  }
0xc1: {  	v55 =	vimm.s32 $0x61206F2E;
	v2 =	vsel vm3, $0x1800, v2;
	[tilespmem:$0x1F8F0] =	vst v0;
	v0 =	vsel vm14, $0x2400, v54  }
0xc2: {  	v2 =	vsel vm4, $0x1880, v2;
	v1 =	vsel vm0, $0x2600, v57;
	[tilespmem:$0x1F900] =	vst v0;
	v0 =	vsel vm6, $0x1880, v56  }
0xc3: {  	v2 =	vsel vm5, $0x1900, v2;
	v1 =	vsel vm1, $0x2680, v1;
	v0 =	vsel vm7, $0x1900, v0  }
0xc4: {  	v2 =	vsel vm6, $0x1980, v2;
	v1 =	vsel vm2, $0x2700, v1;
	v0 =	vsel vm8, $0x1980, v0  }
0xc5: {  	v19 =	vimm.s32 $0x6C2B6A29;
	v1 =	vsel vm3, $0x2780, v1;
	v0 =	vsel vm9, $0x1A00, v0  }
0xc6: {  	v61 =	vsel vm7, $0x1A00, v2;
	v1 =	vsel vm4, $0x1800, v1;
	v0 =	vsel vm10, $0x1A80, v0  }
0xc7: {  	v2 =	vsel vm0, $0x2700, v62;
	v1 =	vsel vm5, $0x1880, v1;
	v0 =	vsel vm11, $0x1B00, v0  }
0xc8: {  	v20 =	vunpack.c.0.s8.s32 v19;
	v1 =	vsel vm6, $0x1900, v1;
	v0 =	vsel vm12, $0x1B80, v0  }
0xc9: {  	v62 =	vimm.s32 $0x6221602F;
	v1 =	vsel vm7, $0x1980, v1;
	v0 =	vsel vm13, $0x2400, v0  }
0xca: {  	v2 =	vsel vm1, $0x2780, v2;
	v60 =	vsel vm8, $0x1A00, v1;
	v0 =	vsel vm14, $0x2480, v0  }
0xcb: {  	v2 =	vsel vm2, $0x1800, v2;
	v1 =	vsel vm8, $0x1A80, v61;
	[tilespmem:$0x1F910] =	vst v0;
	v0 =	vsel vm9, $0x1A80, v60  }
0xcc: {  	[tilespmem:$0x1F9C0] =	vst v20;
	v20 =	vimm.s32 $0x3D00;
	v1 =	vsel vm9, $0x1B00, v1;
	v0 =	vsel vm10, $0x1B00, v0  }
0xcd: {  	v2 =	vsel vm3, $0x1880, v2;
	v1 =	vsel vm10, $0x1B80, v1;
	v0 =	vsel vm11, $0x1B80, v0  }
0xce: {  	v4 =	vsel vm4, $0x1900, v2;
	v1 =	vsel vm11, $0x2400, v1;
	v0 =	vsel vm12, $0x2400, v0  }
0xcf: {  	v2 =	vsel vm0, $0x3000, v7;
	v1 =	vsel vm12, $0x2480, v1;
	v0 =	vsel vm13, $0x2480, v0  }
0xd0: {  	v2 =	vsel vm1, $0x3080, v2;
	v63 =	vsel vm13, $0x2500, v1;
	v0 =	vsel vm14, $0x2500, v0  }
0xd1: {  	v5 =	vsel vm5, $0x1980, v4;
	v2 =	vsel vm2, $0x3100, v2;
	[tilespmem:$0x1F920] =	vst v0;
	v0 =	vsel vm14, $0x2580, v63  }
0xd2: {  	v2 =	vsel vm3, $0x3180, v2;
	v1 =	vsel vm0, $0x2780, v6;
	[tilespmem:$0x1F930] =	vst v0;
	v0 =	vsel vm6, $0x1A00, v5  }
0xd3: {  	v2 =	vsel vm4, $0x3200, v2;
	v1 =	vsel vm1, $0x1800, v1;
	v0 =	vsel vm7, $0x1A80, v0  }
0xd4: {  	v2 =	vsel vm5, $0x3280, v2;
	v1 =	vsel vm2, $0x1880, v1;
	v0 =	vsel vm8, $0x1B00, v0  }
0xd5: {  	v2 =	vsel vm6, $0x3300, v2;
	v1 =	vsel vm3, $0x1900, v1;
	v0 =	vsel vm9, $0x1B80, v0  }
0xd6: {  	v9 =	vsel vm7, $0x3380, v2;
	v1 =	vsel vm4, $0x1980, v1;
	v0 =	vsel vm10, $0x2400, v0  }
0xd7: {  	v2 =	vsel vm0, $0x3080, v10;
	v1 =	vsel vm5, $0x1A00, v1;
	v0 =	vsel vm11, $0x2480, v0  }
0xd8: {  	v2 =	vsel vm1, $0x3100, v2;
	v1 =	vsel vm6, $0x1A80, v1;
	v0 =	vsel vm12, $0x2500, v0  }
0xd9: {  	v2 =	vsel vm2, $0x3180, v2;
	v1 =	vsel vm7, $0x1B00, v1;
	v0 =	vsel vm13, $0x2580, v0  }
0xda: {  	[tilespmem:$0x1F860] =	vst v8;
	v2 =	vsel vm3, $0x3200, v2;
	v8 =	vsel vm8, $0x1B80, v1;
	v0 =	vsel vm14, $0x2600, v0  }
0xdb: {  	v12 =	vsel vm4, $0x3280, v2;
	v1 =	vsel vm8, $0x3C00, v9;
	[tilespmem:$0x1F940] =	vst v0;
	v0 =	vsel vm9, $0x2400, v8  }
0xdc: {  	v2 =	vunpack.c.0.s8.s32 v16;
	v1 =	vsel vm9, $0x3C80, v1;
	v0 =	vsel vm10, $0x2480, v0  }
0xdd: {  	v15 =	vimm.s32 $0x3080;
	v1 =	vsel vm10, $0x3D00, v1;
	v0 =	vsel vm11, $0x2500, v0  }
0xde: {  	[tilespmem:$0x1F980] =	vst v2;
	v2 =	vunpack.c.0.s8.s32 v17;
	v1 =	vsel vm11, $0x3D80, v1;
	v0 =	vsel vm12, $0x2580, v0  }
0xdf: {  	v16 =	vimm.s32 $0x3C00;
	v1 =	vsel vm12, $0x3E00, v1;
	v0 =	vsel vm13, $0x2600, v0  }
0xe0: {  	v13 =	vsel vm5, $0x3300, v12;
	[tilespmem:$0x1F990] =	vst v2;
	v11 =	vsel vm13, $0x3E80, v1;
	v0 =	vsel vm14, $0x2680, v0  }
0xe1: {  	v12 =	vimm.s32 $0x3380;
	v1 =	vunpack.c.0.s8.s32 v14;
	[tilespmem:$0x1F950] =	vst v0;
	v0 =	vsel vm14, $0x3F00, v11  }
0xe2: {  	v57 =	vimm.s32 $0x69286726;
	v18 =	vimm.s32 $0x67266524;
	[tilespmem:$0x1F960] =	vst v0;
	v0 =	vsel vm6, $0x3380, v13  }
0xe3: {  	v2 =	vunpack.c.0.s8.s32 v18;
	[tilespmem:$0x1F970] =	vst v1;
	v1 =	vsel vm0, $0x3100, v15;
	v0 =	vsel vm7, $0x3C00, v0  }
0xe4: {  	v17 =	vimm.s32 $0x3C80;
	v1 =	vsel vm1, $0x3180, v1;
	v0 =	vsel vm8, $0x3C80, v0  }
0xe5: {  	[tilespmem:$0x1F9A0] =	vst v2;
	v2 =	vunpack.c.0.s8.s32 v49;
	v1 =	vsel vm2, $0x3200, v1;
	v0 =	vsel vm9, $0x3D00, v0  }
0xe6: {  	v49 =	vimm.s32 $0x3E00;
	v1 =	vsel vm3, $0x3280, v1;
	v0 =	vsel vm10, $0x3D80, v0  }
0xe7: {  	v23 =	vimm.s32 $0x3100;
	v1 =	vsel vm4, $0x3300, v1;
	v0 =	vsel vm11, $0x3E00, v0  }
0xe8: {  	v40 =	vsel vm0, $0x3180, v23;
	v1 =	vsel vm5, $0x3380, v1;
	v0 =	vsel vm12, $0x3E80, v0  }
0xe9: {  	v50 =	vimm.s32 $0x68276625;
	v1 =	vsel vm6, $0x3C00, v1;
	v0 =	vsel vm13, $0x3F00, v0  }
0xea: {  	[tilespmem:$0x1F9E0] =	vst v2;
	v2 =	vunpack.c.0.s8.s32 v50;
	v21 =	vsel vm7, $0x3C80, v1;
	v0 =	vsel vm14, $0x3F80, v0  }
0xeb: {  	v6 =	vimm.s32 $0x6A296827;
	v1 =	vunpack.c.0.s8.s32 v22;
	[tilespmem:$0x1F9B0] =	vst v0;
	v0 =	vsel vm8, $0x3D00, v21  }
0xec: {  	[tilespmem:$0x1F9F0] =	vst v2;
	v2 =	vunpack.c.0.s8.s32 v55;
	v9 =	vimm.s32 $0x3300;
	v0 =	vsel vm9, $0x3D80, v0  }
0xed: {  	v56 =	vimm.s32 $0x65246322;
	[tilespmem:$0x1F9D0] =	vst v1;
	v1 =	vsel vm1, $0x3200, v40;
	v0 =	vsel vm10, $0x3E00, v0  }
0xee: {  	[tilespmem:$0x1FA20] =	vst v2;
	v2 =	vunpack.c.0.s8.s32 v56;
	v1 =	vsel vm2, $0x3280, v1;
	v0 =	vsel vm11, $0x3E80, v0  }
0xef: {  	v54 =	vimm.s32 $0x3180;
	v1 =	vsel vm3, $0x3300, v1;
	v0 =	vsel vm12, $0x3F00, v0  }
0xf0: {  	[tilespmem:$0x1FA30] =	vst v2;
	v2 =	vunpack.c.0.s8.s32 v57;
	v1 =	vsel vm4, $0x3380, v1;
	v0 =	vsel vm13, $0x3F80, v0  }
0xf1: {  	v51 =	vsel vm5, $0x3C00, v1;
	v1 =	vunpack.c.0.s8.s32 v52;
	v0 =	vsel vm14, $0x3000, v0  }
0xf2: {  	v57 =	vimm.s32 $0x3F00;
	v60 =	vunpack.c.0.s8.s32 v59;
	[tilespmem:$0x1FA00] =	vst v0;
	v0 =	vsel vm6, $0x3C80, v51  }
0xf3: {  	v59 =	vimm.s32 $0x5780;
	[tilespmem:$0x1FA10] =	vst v1;
	v1 =	vsel vm0, $0x3200, v54;
	v0 =	vsel vm7, $0x3D00, v0  }
0xf4: {  	v40 =	vimm.s32 $0x3D80;
	v1 =	vsel vm1, $0x3280, v1;
	v0 =	vsel vm8, $0x3D80, v0  }
0xf5: {  	v63 =	vimm.s32 $0x3200;
	v1 =	vsel vm2, $0x3300, v1;
	v0 =	vsel vm9, $0x3E00, v0  }
0xf6: {  	v4 =	vsel vm0, $0x3280, v63;
	v1 =	vsel vm3, $0x3380, v1;
	v0 =	vsel vm10, $0x3E80, v0  }
0xf7: {  	v5 =	vimm.s32 $0x66256423;
	v1 =	vsel vm4, $0x3C00, v1;
	v0 =	vsel vm11, $0x3F00, v0  }
0xf8: {  	[tilespmem:$0x1FA40] =	vst v2;
	v2 =	vunpack.c.0.s8.s32 v5;
	v1 =	vsel vm5, $0x3C80, v1;
	v0 =	vsel vm12, $0x3F80, v0  }
0xf9: {  	v52 =	vimm.s32 $0x3E80;
	v1 =	vsel vm6, $0x3D00, v1;
	v0 =	vsel vm13, $0x3000, v0  }
0xfa: {  	[tilespmem:$0x1FA80] =	vst v2;
	v2 =	vunpack.c.0.s8.s32 v6;
	v61 =	vsel vm7, $0x3D80, v1;
	v0 =	vsel vm14, $0x3080, v0  }
0xfb: {  	v6 =	vimm.s32 $0x7B3A7938;
	v1 =	vunpack.c.0.s8.s32 v62;
	[tilespmem:$0x1FA50] =	vst v0;
	v0 =	vsel vm8, $0x3E00, v61  }
0xfc: {  	[tilespmem:$0x1FA90] =	vst v2;
	v2 =	vsel vm0, $0x3380, v9;
	v9 =	vimm.s32 $0x73327130;
	v0 =	vsel vm9, $0x3E80, v0  }
0xfd: {  	v2 =	vsel vm1, $0x3C00, v2;
	[tilespmem:$0x1FA70] =	vst v1;
	v1 =	vsel vm1, $0x3300, v4;
	v0 =	vsel vm10, $0x3F00, v0  }
0xfe: {  	v2 =	vsel vm2, $0x3C80, v2;
	v1 =	vsel vm2, $0x3380, v1;
	v0 =	vsel vm11, $0x3F80, v0  }
0xff: {  	v2 =	vsel vm3, $0x3D00, v2;
	v1 =	vsel vm3, $0x3C00, v1;
	v0 =	vsel vm12, $0x3000, v0  }
0x100: {  	v8 =	vimm.s32 $0x3280;
	v1 =	vsel vm4, $0x3C80, v1;
	v0 =	vsel vm13, $0x3080, v0  }
0x101: {  	v2 =	vsel vm4, $0x3D80, v2;
	v7 =	vsel vm5, $0x3D00, v1;
	v0 =	vsel vm14, $0x3100, v0  }
0x102: {  	v62 =	vimm.s32 $0x4800;
	v1 =	vsel vm0, $0x3300, v8;
	[tilespmem:$0x1FAA0] =	vst v0;
	v0 =	vsel vm6, $0x3D80, v7  }
0x103: {  	v2 =	vsel vm5, $0x3E00, v2;
	v1 =	vsel vm1, $0x3380, v1;
	v0 =	vsel vm7, $0x3E00, v0  }
0x104: {  	v2 =	vsel vm6, $0x3E80, v2;
	v1 =	vsel vm2, $0x3C00, v1;
	v0 =	vsel vm8, $0x3E80, v0  }
0x105: {  	v11 =	vsel vm7, $0x3F00, v2;
	v1 =	vsel vm3, $0x3C80, v1;
	v0 =	vsel vm9, $0x3F00, v0  }
0x106: {  	v2 =	vsel vm0, $0x3C00, v12;
	v1 =	vsel vm4, $0x3D00, v1;
	v0 =	vsel vm10, $0x3F80, v0  }
0x107: {  	v8 =	vimm.s32 $0x4880;
	v1 =	vsel vm5, $0x3D80, v1;
	v0 =	vsel vm11, $0x3000, v0  }
0x108: {  	v2 =	vsel vm1, $0x3C80, v2;
	v1 =	vsel vm6, $0x3E00, v1;
	v0 =	vsel vm12, $0x3080, v0  }
0x109: {  	v2 =	vsel vm2, $0x3D00, v2;
	v1 =	vsel vm7, $0x3E80, v1;
	v0 =	vsel vm13, $0x3100, v0  }
0x10a: {  	v2 =	vsel vm3, $0x3D80, v2;
	v10 =	vsel vm8, $0x3F00, v1;
	v0 =	vsel vm14, $0x3180, v0  }
0x10b: {  	v14 =	vsel vm4, $0x3E00, v2;
	v1 =	vsel vm8, $0x3F80, v11;
	[tilespmem:$0x1FAB0] =	vst v0;
	v0 =	vsel vm9, $0x3F80, v10  }
0x10c: {  	v2 =	vsel vm0, $0x3D00, v17;
	v1 =	vsel vm9, $0x3000, v1;
	v0 =	vsel vm10, $0x3000, v0  }
0x10d: {  	v17 =	vimm.s32 $0x78377635;
	v1 =	vsel vm10, $0x3080, v1;
	v0 =	vsel vm11, $0x3080, v0  }
0x10e: {  	v15 =	vsel vm5, $0x3E80, v14;
	v1 =	vsel vm11, $0x3100, v1;
	v0 =	vsel vm12, $0x3100, v0  }
0x10f: {  	v2 =	vsel vm1, $0x3D80, v2;
	v1 =	vsel vm12, $0x3180, v1;
	v0 =	vsel vm13, $0x3180, v0  }
0x110: {  	v2 =	vsel vm2, $0x3E00, v2;
	v13 =	vsel vm13, $0x3200, v1;
	v0 =	vsel vm14, $0x3200, v0  }
0x111: {  	v14 =	vimm.s32 $0x7C3B7A39;
	v2 =	vsel vm3, $0x3E80, v2;
	[tilespmem:$0x1FAC0] =	vst v0;
	v0 =	vsel vm14, $0x3280, v13  }
0x112: {  	v2 =	vsel vm4, $0x3F00, v2;
	v1 =	vsel vm0, $0x3C80, v16;
	[tilespmem:$0x1FAD0] =	vst v0;
	v0 =	vsel vm6, $0x3F00, v15  }
0x113: {  	v11 =	vimm.s32 $0x4900;
	v1 =	vsel vm1, $0x3D00, v1;
	v0 =	vsel vm7, $0x3F80, v0  }
0x114: {  	v2 =	vsel vm5, $0x3F80, v2;
	v1 =	vsel vm2, $0x3D80, v1;
	v0 =	vsel vm8, $0x3000, v0  }
0x115: {  	v2 =	vsel vm6, $0x3000, v2;
	v1 =	vsel vm3, $0x3E00, v1;
	v0 =	vsel vm9, $0x3080, v0  }
0x116: {  	v19 =	vsel vm7, $0x3080, v2;
	v1 =	vsel vm4, $0x3E80, v1;
	v0 =	vsel vm10, $0x3100, v0  }
0x117: {  	v2 =	vsel vm0, $0x3D80, v20;
	v1 =	vsel vm5, $0x3F00, v1;
	v0 =	vsel vm11, $0x3180, v0  }
0x118: {  	v20 =	vimm.s32 $0x71307F3E;
	v1 =	vsel vm6, $0x3F80, v1;
	v0 =	vsel vm12, $0x3200, v0  }
0x119: {  	v2 =	vsel vm1, $0x3E00, v2;
	v1 =	vsel vm7, $0x3000, v1;
	v0 =	vsel vm13, $0x3280, v0  }
0x11a: {  	v2 =	vsel vm2, $0x3E80, v2;
	v18 =	vsel vm8, $0x3080, v1;
	v0 =	vsel vm14, $0x3300, v0  }
0x11b: {  	v16 =	vimm.s32 $0x74337231;
	v1 =	vsel vm8, $0x3100, v19;
	[tilespmem:$0x1FAE0] =	vst v0;
	v0 =	vsel vm9, $0x3100, v18  }
0x11c: {  	v2 =	vsel vm3, $0x3F00, v2;
	v1 =	vsel vm9, $0x3180, v1;
	v0 =	vsel vm10, $0x3180, v0  }
0x11d: {  	v22 =	vsel vm4, $0x3F80, v2;
	v1 =	vsel vm10, $0x3200, v1;
	v0 =	vsel vm11, $0x3200, v0  }
0x11e: {  	v2 =	vsel vm0, $0x3E80, v49;
	v1 =	vsel vm11, $0x3280, v1;
	v0 =	vsel vm12, $0x3280, v0  }
0x11f: {  	v49 =	vimm.s32 $0x7E3D7C3B;
	v1 =	vsel vm12, $0x3300, v1;
	v0 =	vsel vm13, $0x3300, v0  }
0x120: {  	v23 =	vsel vm5, $0x3000, v22;
	v21 =	vsel vm13, $0x3380, v1;
	v0 =	vsel vm14, $0x3380, v0  }
0x121: {  	v2 =	vsel vm1, $0x3F00, v2;
	v22 =	vimm.s32 $0x75347332;
	[tilespmem:$0x1FAF0] =	vst v0;
	v0 =	vsel vm14, $0x3C00, v21  }
0x122: {  	v2 =	vsel vm2, $0x3F80, v2;
	v1 =	vsel vm0, $0x3E00, v40;
	[tilespmem:$0x1FB00] =	vst v0;
	v0 =	vsel vm6, $0x3080, v23  }
0x123: {  	v2 =	vsel vm3, $0x3000, v2;
	v1 =	vsel vm1, $0x3E80, v1;
	v0 =	vsel vm7, $0x3100, v0  }
0x124: {  	v2 =	vsel vm4, $0x3080, v2;
	v1 =	vsel vm2, $0x3F00, v1;
	v0 =	vsel vm8, $0x3180, v0  }
0x125: {  	v2 =	vsel vm5, $0x3100, v2;
	v1 =	vsel vm3, $0x3F80, v1;
	v0 =	vsel vm9, $0x3200, v0  }
0x126: {  	v2 =	vsel vm6, $0x3180, v2;
	v1 =	vsel vm4, $0x3000, v1;
	v0 =	vsel vm10, $0x3280, v0  }
0x127: {  	v19 =	vimm.s32 $0x7D3C7B3A;
	v1 =	vsel vm5, $0x3080, v1;
	v0 =	vsel vm11, $0x3300, v0  }
0x128: {  	v51 =	vsel vm7, $0x3200, v2;
	v1 =	vsel vm6, $0x3100, v1;
	v0 =	vsel vm12, $0x3380, v0  }
0x129: {  	v2 =	vsel vm0, $0x3F00, v52;
	v1 =	vsel vm7, $0x3180, v1;
	v0 =	vsel vm13, $0x3C00, v0  }
0x12a: {  	v2 =	vsel vm1, $0x3F80, v2;
	v50 =	vsel vm8, $0x3200, v1;
	v0 =	vsel vm14, $0x3C80, v0  }
0x12b: {  	v2 =	vsel vm2, $0x3000, v2;
	v1 =	vsel vm8, $0x3280, v51;
	[tilespmem:$0x1FB10] =	vst v0;
	v0 =	vsel vm9, $0x3280, v50  }
0x12c: {  	v2 =	vsel vm3, $0x3080, v2;
	v1 =	vsel vm9, $0x3300, v1;
	v0 =	vsel vm10, $0x3300, v0  }
0x12d: {  	v55 =	vsel vm4, $0x3100, v2;
	v1 =	vsel vm10, $0x3380, v1;
	v0 =	vsel vm11, $0x3380, v0  }
0x12e: {  	v2 =	vsel vm0, $0x4800, v59;
	v1 =	vsel vm11, $0x3C00, v1;
	v0 =	vsel vm12, $0x3C00, v0  }
0x12f: {  	v56 =	vsel vm5, $0x3180, v55;
	v1 =	vsel vm12, $0x3C80, v1;
	v0 =	vsel vm13, $0x3C80, v0  }
0x130: {  	v2 =	vsel vm1, $0x4880, v2;
	v54 =	vsel vm13, $0x3D00, v1;
	v0 =	vsel vm14, $0x3D00, v0  }
0x131: {  	v2 =	vsel vm2, $0x4900, v2;
	v1 =	vsel vm0, $0x3F80, v57;
	[tilespmem:$0x1FB20] =	vst v0;
	v0 =	vsel vm14, $0x3D80, v54  }
0x132: {  	v2 =	vsel vm3, $0x4980, v2;
	v1 =	vsel vm1, $0x3000, v1;
	[tilespmem:$0x1FB30] =	vst v0;
	v0 =	vsel vm6, $0x3200, v56  }
0x133: {  	v2 =	vsel vm4, $0x4A00, v2;
	v1 =	vsel vm2, $0x3080, v1;
	v0 =	vsel vm7, $0x3280, v0  }
0x134: {  	v2 =	vsel vm5, $0x4A80, v2;
	v1 =	vsel vm3, $0x3100, v1;
	v0 =	vsel vm8, $0x3300, v0  }
0x135: {  	v2 =	vsel vm6, $0x4B00, v2;
	v1 =	vsel vm4, $0x3180, v1;
	v0 =	vsel vm9, $0x3380, v0  }
0x136: {  	v61 =	vsel vm7, $0x4B80, v2;
	v1 =	vsel vm5, $0x3200, v1;
	v0 =	vsel vm10, $0x3C00, v0  }
0x137: {  	v2 =	vsel vm0, $0x4880, v62;
	v1 =	vsel vm6, $0x3280, v1;
	v0 =	vsel vm11, $0x3C80, v0  }
0x138: {  	v2 =	vsel vm1, $0x4900, v2;
	v1 =	vsel vm7, $0x3300, v1;
	v0 =	vsel vm12, $0x3D00, v0  }
0x139: {  	[tilespmem:$0x1FA60] =	vst v60;
	v60 =	vsel vm8, $0x3380, v1;
	v1 =	vsel vm8, $0x5400, v61;
	v0 =	vsel vm13, $0x3D80, v0  }
0x13a: {  	v2 =	vsel vm2, $0x4980, v2;
	v1 =	vsel vm9, $0x5480, v1;
	v0 =	vsel vm14, $0x3E00, v0  }
0x13b: {  	v2 =	vsel vm3, $0x4A00, v2;
	v1 =	vsel vm10, $0x5500, v1;
	[tilespmem:$0x1FB40] =	vst v0;
	v0 =	vsel vm9, $0x3C00, v60  }
0x13c: {  	v4 =	vsel vm4, $0x4A80, v2;
	v1 =	vsel vm11, $0x5580, v1;
	v0 =	vsel vm10, $0x3C80, v0  }
0x13d: {  	v2 =	vunpack.c.0.s8.s32 v9;
	v1 =	vsel vm12, $0x5600, v1;
	v0 =	vsel vm11, $0x3D00, v0  }
0x13e: {  	v63 =	vsel vm13, $0x5680, v1;
	v1 =	vunpack.c.0.s8.s32 v6;
	v0 =	vsel vm12, $0x3D80, v0  }
0x13f: {  	v52 =	vimm.s32 $0x76357433;
	v59 =	vimm.s32 $0x4A80;
	[tilespmem:$0x1FB90] =	vst v2;
	v0 =	vsel vm13, $0x3E00, v0  }
0x140: {  	v7 =	vimm.s32 $0x7F3E7D3C;
	v10 =	vimm.s32 $0x77367534;
	[tilespmem:$0x1FB70] =	vst v1;
	v0 =	vsel vm14, $0x3E80, v0  }
0x141: {  	v5 =	vsel vm5, $0x4B00, v4;
	v2 =	vunpack.c.0.s8.s32 v10;
	[tilespmem:$0x1FB50] =	vst v0;
	v0 =	vsel vm14, $0x5700, v63  }
0x142: {  	v55 =	vimm.s32 $0x4980;
	v1 =	vunpack.c.0.s8.s32 v7;
	[tilespmem:$0x1FB60] =	vst v0;
	v0 =	vsel vm6, $0x4B80, v5  }
0x143: {  	v57 =	vimm.s32 $0x4A00;
	v10 =	vimm.s32 $0x5480;
	[tilespmem:$0x1FBA0] =	vst v2;
	v0 =	vsel vm7, $0x5400, v0  }
0x144: {  	v2 =	vsel vm0, $0x4980, v11;
	[tilespmem:$0x1FB80] =	vst v1;
	v1 =	vsel vm0, $0x4900, v8;
	v0 =	vsel vm8, $0x5480, v0  }
0x145: {  	v13 =	vsel vm1, $0x4A00, v2;
	v1 =	vsel vm1, $0x4980, v1;
	v0 =	vsel vm9, $0x5500, v0  }
0x146: {  	v2 =	vunpack.c.0.s8.s32 v14;
	v1 =	vsel vm2, $0x4A00, v1;
	v0 =	vsel vm10, $0x5580, v0  }
0x147: {  	v15 =	vimm.s32 $0x703F7E3D;
	v1 =	vsel vm3, $0x4A80, v1;
	v0 =	vsel vm11, $0x5600, v0  }
0x148: {  	[tilespmem:$0x1FBC0] =	vst v2;
	v2 =	vunpack.c.0.s8.s32 v15;
	v1 =	vsel vm4, $0x4B00, v1;
	v0 =	vsel vm12, $0x5680, v0  }
0x149: {  	v11 =	vsel vm0, $0x5500, v10;
	v1 =	vsel vm5, $0x4B80, v1;
	v0 =	vsel vm13, $0x5700, v0  }
0x14a: {  	[tilespmem:$0x1FBD0] =	vst v2;
	v2 =	vunpack.c.0.s8.s32 v16;
	v12 =	vsel vm6, $0x5400, v1;
	v0 =	vsel vm14, $0x5780, v0  }
0x14b: {  	v10 =	vimm.s32 $0xA00;
	v1 =	vsel vm2, $0x4A80, v13;
	[tilespmem:$0x1FBB0] =	vst v0;
	v0 =	vsel vm7, $0x5480, v12  }
0x14c: {  	[tilespmem:$0x1FBE0] =	vst v2;
	v2 =	vunpack.c.0.s8.s32 v17;
	v1 =	vsel vm3, $0x4B00, v1;
	v0 =	vsel vm8, $0x5500, v0  }
0x14d: {  	v6 =	vimm.s32 $0x5400;
	v1 =	vsel vm4, $0x4B80, v1;
	v0 =	vsel vm9, $0x5580, v0  }
0x14e: {  	[tilespmem:$0x1FBF0] =	vst v2;
	v2 =	vsel vm0, $0x4B00, v59;
	v1 =	vsel vm5, $0x5400, v1;
	v0 =	vsel vm10, $0x5600, v0  }
0x14f: {  	v2 =	vsel vm1, $0x4B80, v2;
	v1 =	vsel vm6, $0x5480, v1;
	v0 =	vsel vm11, $0x5680, v0  }
0x150: {  	v2 =	vsel vm2, $0x5400, v2;
	v1 =	vsel vm7, $0x5500, v1;
	v0 =	vsel vm12, $0x5700, v0  }
0x151: {  	v2 =	vsel vm3, $0x5480, v2;
	v1 =	vsel vm8, $0x5580, v1;
	v0 =	vsel vm13, $0x5780, v0  }
0x152: {  	v2 =	vsel vm4, $0x5500, v2;
	v18 =	vsel vm9, $0x5600, v1;
	v0 =	vsel vm14, $0x4800, v0  }
0x153: {  	v17 =	vimm.s32 $0x5600;
	v2 =	vsel vm5, $0x5580, v2;
	[tilespmem:$0x1FC00] =	vst v0;
	v0 =	vsel vm10, $0x5680, v18  }
0x154: {  	v59 =	vimm.s32 $0xA9876543;
	v2 =	vsel vm6, $0x5600, v2;
	v0 =	vsel vm11, $0x5700, v0  }
0x155: {  	v13 =	vimm.s32 $0x5580;
	v2 =	vsel vm7, $0x5680, v2;
	v0 =	vsel vm12, $0x5780, v0  }
0x156: {  	v2 =	vsel vm8, $0x5700, v2;
	v23 =	vimm.s32 $0x79387736;
	v0 =	vsel vm13, $0x4800, v0  }
0x157: {  	v2 =	vsel vm9, $0x5780, v2;
	v40 =	vunpack.c.0.s8.s32 v23;
	v0 =	vsel vm14, $0x4880, v0  }
0x158: {  	v21 =	vunpack.c.0.s8.s32 v20;
	v2 =	vsel vm10, $0x4800, v2;
	[tilespmem:$0x1FC50] =	vst v0;
	v0 =	vunpack.c.0.s8.s32 v49  }
0x159: {  	v20 =	vimm.s32 $0x5700;
	v2 =	vsel vm11, $0x4880, v2;
	[tilespmem:$0x1FC40] =	vst v40;
	v1 =	vunpack.c.0.s8.s32 v19  }
0x15a: {  	v23 =	vimm.s32 $0xFEDCBA9;
	v61 =	vsel vm12, $0x4900, v2;
	[tilespmem:$0x1FC60] =	vst v0;
	v0 =	vunpack.c.0.s8.s32 v52  }
0x15b: {  	v2 =	vsel vm0, $0x5480, v6;
	[tilespmem:$0x1FC10] =	vst v1;
	v1 =	vunpack.c.0.s8.s32 v22;
	v54 =	vimm.s32 $0x7A397837  }
0x15c: {  	v40 =	vimm.s32 $0x87654321;
	v6 =	vimm.s32 $0x43210FED;
	[tilespmem:$0x1FC80] =	vst v0;
	v0 =	vunpack.c.0.s8.s32 v54  }
0x15d: {  	v62 =	vsel vm13, $0x4980, v61;
	v2 =	vsel vm1, $0x5500, v2;
	[tilespmem:$0x1FC30] =	vst v1;
	v56 =	vsel vm0, $0x4A00, v55  }
0x15e: {  	v19 =	vimm.s32 $0x5680;
	v1 =	vsel vm0, $0x4A80, v57;
	[tilespmem:$0x1FC90] =	vst v0;
	v0 =	vsel vm1, $0x4A80, v56  }
0x15f: {  	v3 =	vunpack.c.l.s4.s8 v40;
	v1 =	vsel vm1, $0x4B00, v1;
	v0 =	vsel vm2, $0x4B00, v0  }
0x160: {  	v61 =	vimm.s32 $0xBA987654;
	v1 =	vsel vm2, $0x4B80, v1;
	v0 =	vsel vm3, $0x4B80, v0  }
0x161: {  	v2 =	vsel vm2, $0x5580, v2;
	v1 =	vsel vm3, $0x5400, v1;
	v0 =	vsel vm4, $0x5400, v0  }
0x162: {  	v2 =	vsel vm3, $0x5600, v2;
	v1 =	vsel vm4, $0x5480, v1;
	v0 =	vsel vm5, $0x5480, v0  }
0x163: {  	v2 =	vsel vm4, $0x5680, v2;
	v1 =	vsel vm5, $0x5500, v1;
	v0 =	vsel vm6, $0x5500, v0  }
0x164: {  	v2 =	vsel vm5, $0x5700, v2;
	v1 =	vsel vm6, $0x5580, v1;
	v0 =	vsel vm7, $0x5580, v0  }
0x165: {  	v57 =	vimm.s32 $0x210FEDCB;
	v1 =	vsel vm7, $0x5600, v1;
	v0 =	vsel vm8, $0x5600, v0  }
0x166: {  	v50 =	vimm.s32 $0x7231703F;
	v1 =	vsel vm8, $0x5680, v1;
	v0 =	vsel vm9, $0x5680, v0  }
0x167: {  	v2 =	vsel vm6, $0x5780, v2;
	v1 =	vsel vm9, $0x5700, v1;
	v0 =	vsel vm10, $0x5700, v0  }
0x168: {  	v51 =	vunpack.c.0.s8.s32 v50;
	v1 =	vsel vm10, $0x5780, v1;
	v0 =	vsel vm11, $0x5780, v0  }
0x169: {  	v2 =	vsel vm7, $0x4800, v2;
	v1 =	vsel vm11, $0x4800, v1;
	v0 =	vsel vm12, $0x4800, v0  }
0x16a: {  	v2 =	vsel vm8, $0x4880, v2;
	v1 =	vsel vm12, $0x4880, v1;
	v0 =	vsel vm13, $0x4880, v0  }
0x16b: {  	v2 =	vsel vm9, $0x4900, v2;
	v60 =	vsel vm13, $0x4900, v1;
	v0 =	vsel vm14, $0x4900, v0  }
0x16c: {  	v2 =	vsel vm10, $0x4980, v2;
	v63 =	vimm.s32 $0x4B00;
	[tilespmem:$0x1FCA0] =	vst v0;
	v0 =	vsel vm14, $0x4980, v60  }
0x16d: {  	v4 =	vsel vm0, $0x4B80, v63;
	v5 =	vimm.s32 $0x4B80;
	[tilespmem:$0x1FCB0] =	vst v0;
	v0 =	vsel vm14, $0x4A00, v62  }
0x16e: {  	v2 =	vsel vm11, $0x4A00, v2;
	v1 =	vsel vm0, $0x5400, v5;
	[tilespmem:$0x1FCC0] =	vst v0;
	v0 =	vsel vm1, $0x5400, v4  }
0x16f: {  	v8 =	vsel vm12, $0x4A80, v2;
	v1 =	vsel vm1, $0x5480, v1;
	v0 =	vsel vm2, $0x5480, v0  }
0x170: {  	v2 =	vsel vm0, $0x5600, v13;
	v1 =	vsel vm2, $0x5500, v1;
	v0 =	vsel vm3, $0x5500, v0  }
0x171: {  	v9 =	vsel vm13, $0x4B00, v8;
	v1 =	vsel vm3, $0x5580, v1;
	v0 =	vsel vm4, $0x5580, v0  }
0x172: {  	v2 =	vsel vm1, $0x5680, v2;
	v1 =	vsel vm4, $0x5600, v1;
	v0 =	vsel vm5, $0x5600, v0  }
0x173: {  	v55 =	vimm.s32 $0x98765432;
	v1 =	vsel vm5, $0x5680, v1;
	v0 =	vsel vm6, $0x5680, v0  }
0x174: {  	v8 =	vimm.s32 $0xCBA98765;
	v1 =	vsel vm6, $0x5700, v1;
	v0 =	vsel vm7, $0x5700, v0  }
0x175: {  	v2 =	vsel vm2, $0x5700, v2;
	v1 =	vsel vm7, $0x5780, v1;
	v0 =	vsel vm8, $0x5780, v0  }
0x176: {  	v2 =	vsel vm3, $0x5780, v2;
	v1 =	vsel vm8, $0x4800, v1;
	v0 =	vsel vm9, $0x4800, v0  }
0x177: {  	v2 =	vsel vm4, $0x4800, v2;
	v1 =	vsel vm9, $0x4880, v1;
	v0 =	vsel vm10, $0x4880, v0  }
0x178: {  	v2 =	vsel vm5, $0x4880, v2;
	v1 =	vsel vm10, $0x4900, v1;
	v0 =	vsel vm11, $0x4900, v0  }
0x179: {  	v2 =	vsel vm6, $0x4900, v2;
	v1 =	vsel vm11, $0x4980, v1;
	v0 =	vsel vm12, $0x4980, v0  }
0x17a: {  	v2 =	vsel vm7, $0x4980, v2;
	v1 =	vsel vm12, $0x4A00, v1;
	v0 =	vsel vm13, $0x4A00, v0  }
0x17b: {  	v2 =	vsel vm8, $0x4A00, v2;
	v7 =	vsel vm13, $0x4A80, v1;
	v0 =	vsel vm14, $0x4A80, v0  }
0x17c: {  	v2 =	vsel vm9, $0x4A80, v2;
	v12 =	vimm.s32 $0x5500;
	[tilespmem:$0x1FCD0] =	vst v0;
	v0 =	vsel vm14, $0x4B00, v7  }
0x17d: {  	v2 =	vsel vm10, $0x4B00, v2;
	v1 =	vsel vm0, $0x5580, v12;
	[tilespmem:$0x1FCE0] =	vst v0;
	v0 =	vsel vm14, $0x4B80, v9  }
0x17e: {  	v2 =	vsel vm11, $0x4B80, v2;
	v1 =	vsel vm1, $0x5600, v1;
	[tilespmem:$0x1FCF0] =	vst v0;
	v0 =	vsel vm1, $0x5580, v11  }
0x17f: {  	v15 =	vsel vm12, $0x5400, v2;
	v1 =	vsel vm2, $0x5680, v1;
	v0 =	vsel vm2, $0x5600, v0  }
0x180: {  	v2 =	vsel vm0, $0x5780, v20;
	v1 =	vsel vm3, $0x5700, v1;
	v0 =	vsel vm3, $0x5680, v0  }
0x181: {  	v20 =	vimm.s32 $0x900;
	v1 =	vsel vm4, $0x5780, v1;
	v0 =	vsel vm4, $0x5700, v0  }
0x182: {  	v16 =	vsel vm13, $0x5480, v15;
	v1 =	vsel vm5, $0x4800, v1;
	v0 =	vsel vm5, $0x5780, v0  }
0x183: {  	v2 =	vsel vm1, $0x4800, v2;
	v1 =	vsel vm6, $0x4880, v1;
	v0 =	vsel vm6, $0x4800, v0  }
0x184: {  	v15 =	vimm.s32 $0xDCBA9876;
	v1 =	vsel vm7, $0x4900, v1;
	v0 =	vsel vm7, $0x4880, v0  }
0x185: {  	v2 =	vsel vm2, $0x4880, v2;
	v1 =	vsel vm8, $0x4980, v1;
	v0 =	vsel vm8, $0x4900, v0  }
0x186: {  	v2 =	vsel vm3, $0x4900, v2;
	v1 =	vsel vm9, $0x4A00, v1;
	v0 =	vsel vm9, $0x4980, v0  }
0x187: {  	v2 =	vsel vm4, $0x4980, v2;
	v1 =	vsel vm10, $0x4A80, v1;
	v0 =	vsel vm10, $0x4A00, v0  }
0x188: {  	v2 =	vsel vm5, $0x4A00, v2;
	v1 =	vsel vm11, $0x4B00, v1;
	v0 =	vsel vm11, $0x4A80, v0  }
0x189: {  	v63 =	vunpack.c.l.s4.s8 v61;
	v1 =	vsel vm12, $0x4B80, v1;
	v0 =	vsel vm12, $0x4B00, v0  }
0x18a: {  	v14 =	vsel vm13, $0x5400, v1;
	v1 =	vsel vm0, $0x5700, v19;
	v0 =	vsel vm13, $0x4B80, v0  }
0x18b: {  	v2 =	vsel vm6, $0x4A80, v2;
	v1 =	vsel vm1, $0x5780, v1;
	v0 =	vsel vm14, $0x5400, v0  }
0x18c: {  	v2 =	vsel vm7, $0x4B00, v2;
	v1 =	vsel vm2, $0x4800, v1;
	[tilespmem:$0x1FD00] =	vst v0;
	v0 =	vsel vm14, $0x5480, v14  }
0x18d: {  	v18 =	vsel vm0, $0x5680, v17;
	v1 =	vsel vm3, $0x4880, v1;
	[tilespmem:$0x1FD10] =	vst v0;
	v0 =	vsel vm14, $0x5500, v16  }
0x18e: {  	v2 =	vsel vm8, $0x4B80, v2;
	v1 =	vsel vm4, $0x4900, v1;
	[tilespmem:$0x1FD20] =	vst v0;
	v0 =	vsel vm1, $0x5700, v18  }
0x18f: {  	v2 =	vsel vm9, $0x5400, v2;
	v1 =	vsel vm5, $0x4980, v1;
	v0 =	vsel vm2, $0x5780, v0  }
0x190: {  	v2 =	vsel vm10, $0x5480, v2;
	v1 =	vsel vm6, $0x4A00, v1;
	v0 =	vsel vm3, $0x4800, v0  }
0x191: {  	v2 =	vsel vm11, $0x5500, v2;
	v1 =	vsel vm7, $0x4A80, v1;
	v0 =	vsel vm4, $0x4880, v0  }
0x192: {  	v22 =	vsel vm12, $0x5580, v2;
	v1 =	vsel vm8, $0x4B00, v1;
	v0 =	vsel vm5, $0x4900, v0  }
0x193: {  	v2 =	vunpack.c.l.s4.s8 v23;
	v1 =	vsel vm9, $0x4B80, v1;
	v0 =	vsel vm6, $0x4980, v0  }
0x194: {  	v12 =	vsel vm0, $0xB00, v10;
	v1 =	vsel vm10, $0x5400, v1;
	v0 =	vsel vm7, $0x4A00, v0  }
0x195: {  	v13 =	vsel vm1, $0xC00, v12;
	v1 =	vsel vm11, $0x5480, v1;
	v0 =	vsel vm8, $0x4A80, v0  }
0x196: {  	v49 =	vimm.s32 $0x10FEDCBA;
	v1 =	vsel vm12, $0x5500, v1;
	v0 =	vsel vm9, $0x4B00, v0  }
0x197: {  	[tilespmem:$0x1FC20] =	vst v21;
	v21 =	vsel vm13, $0x5580, v1;
	v1 =	vsel vm13, $0x5600, v22;
	v0 =	vsel vm10, $0x4B80, v0  }
0x198: {  	v50 =	vsel vm14, $0x5680, v1;
	v1 =	vunpack.c.l.s4.s8 v57;
	v0 =	vsel vm11, $0x5400, v0  }
0x199: {  	[tilespmem:$0x1FC70] =	vst v51;
	v17 =	vimm.s32 $0x6543210F;
	v51 =	vunpack.c.l.s4.s8 v49;
	v0 =	vsel vm12, $0x5480, v0  }
0x19a: {  	v62 =	vunpack.c.0.s8.s32 v1;
	v1 =	vunpack.c.l.s4.s8 v8;
	v0 =	vsel vm13, $0x5500, v0  }
0x19b: {  	v49 =	vimm.s32 $0x600;
	v52 =	vunpack.c.0.s8.s32 v2;
	v0 =	vsel vm14, $0x5580, v0  }
0x19c: {  	v2 =	vunpack.c.l.s4.s8 v59;
	v1 =	vunpack.c.0.s8.s32 v1;
	[tilespmem:$0x1FD30] =	vst v0;
	v0 =	vsel vm14, $0x5600, v21  }
0x19d: {  	v54 =	vunpack.c.0.s8.s32 v3;
	v56 =	vunpack.c.l.s4.s8 v55;
	[tilespmem:$0x1FD40] =	vst v0;
	v0 =	vunpack.c.0.s8.s32 v51  }
0x19e: {  	v22 =	vimm.s32 $0x700;
	v57 =	vcombine.low v38, v37;
	v60 =	vimm.s32 $0x3210FEDC;
	[tilespmem:$0x1FDF0] =	vst v1  }
0x19f: {  	v1 =	vsel vm2, $0xD00, v13;
	v14 =	vimm.s32 $0x543210FE;
	[tilespmem:$0x1FD80] =	vst v0;
	v0 =	vunpack.c.0.s8.s32 v56  }
0x1a0: {  	v4 =	vunpack.c.0.s8.s32 v2;
	v1 =	vsel vm3, $0xE00, v1;
	v2 =	vunpack.c.l.s4.s8 v14  }
0x1a1: {  	v1 =	vsel vm4, $0xF00, v1;
	v7 =	vunpack.c.l.s4.s8 v6;
	[tilespmem:$0x1FD90] =	vst v0;
	v0 =	vunpack.c.0.s8.s32 v63  }
0x1a2: {  	[tilespmem:$0x1FD50] =	vst v50;
	v50 =	vimm.s32 $0x500;
	v1 =	vsel vm5, $0x0, v1;
	v2 =	vunpack.c.0.s8.s32 v2  }
0x1a3: {  	v1 =	vsel vm6, $0x100, v1;
	v9 =	vimm.s32 $0xB00;
	[tilespmem:$0x1FDD0] =	vst v0;
	v0 =	vunpack.c.0.s8.s32 v7  }
0x1a4: {  	v3 =	vunpack.c.l.s4.s8 v60;
	v1 =	vsel vm7, $0x200, v1;
	v11 =	vsel vm0, $0xC00, v9;
	[tilespmem:$0x1FE00] =	vst v2  }
0x1a5: {  	v1 =	vsel vm8, $0x300, v1;
	v2 =	vunpack.c.l.s4.s8 v17;
	[tilespmem:$0x1FDE0] =	vst v0;
	v0 =	vsel vm1, $0xD00, v11  }
0x1a6: {  	v5 =	vunpack.c.0.s8.s32 v3;
	v1 =	vsel vm9, $0x400, v1;
	v0 =	vsel vm2, $0xE00, v0  }
0x1a7: {  	v1 =	vsel vm10, $0x500, v1;
	v2 =	vunpack.c.0.s8.s32 v2;
	v0 =	vsel vm3, $0xF00, v0  }
0x1a8: {  	v3 =	vunpack.c.l.s4.s8 v15;
	v1 =	vsel vm11, $0x600, v1;
	v0 =	vsel vm4, $0x0, v0  }
0x1a9: {  	v1 =	vsel vm12, $0x700, v1;
	[tilespmem:$0x1FE20] =	vst v2;
	v2 =	vsel vm0, $0x800, v22;
	v0 =	vsel vm5, $0x100, v0  }
0x1aa: {  	v1 =	vsel vm13, $0x800, v1;
	v2 =	vsel vm1, $0x900, v2;
	v0 =	vsel vm6, $0x200, v0  }
0x1ab: {  	v16 =	vunpack.c.0.s8.s32 v3;
	v2 =	vsel vm2, $0xA00, v2;
	v0 =	vsel vm7, $0x300, v0  }
0x1ac: {  	v18 =	vimm.s32 $0xEDCBA987;
	v2 =	vsel vm3, $0xB00, v2;
	v0 =	vsel vm8, $0x400, v0  }
0x1ad: {  	[tilespmem:$0x1FD60] =	vst v52;
	v3 =	vunpack.c.l.s4.s8 v18;
	v2 =	vsel vm4, $0xC00, v2;
	v0 =	vsel vm9, $0x500, v0  }
0x1ae: {  	[tilespmem:$0x1FD70] =	vst v54;
	v60 =	vsel vm14, $0x900, v1;
	v2 =	vsel vm5, $0xD00, v2;
	v0 =	vsel vm10, $0x600, v0  }
0x1af: {  	[tilespmem:$0x1FDA0] =	vst v62;
	v19 =	vunpack.c.0.s8.s32 v3;
	v2 =	vsel vm6, $0xE00, v2;
	v0 =	vsel vm11, $0x700, v0  }
0x1b0: {  	[tilespmem:$0x1FDB0] =	vst v4;
	v21 =	vimm.s32 $0x800;
	v2 =	vsel vm7, $0xF00, v2;
	v0 =	vsel vm12, $0x800, v0  }
0x1b1: {  	[tilespmem:$0x1FDC0] =	vst v5;
	v1 =	vsel vm0, $0x900, v21;
	v2 =	vsel vm8, $0x0, v2;
	v0 =	vsel vm13, $0x900, v0  }
0x1b2: {  	s1 =	rddreg [dreg:$0x0];
	s5 =	simm.s32 $0x0;
	[tilespmem:$0x1FE10] =	vst v16;
	v51 =	vimm.s32 $0x400;
	v52 =	vsel vm14, $0xA00, v0;
	v0 =	vsel vm0, $0xA00, v20  }
0x1b3: {  	[smem:$0x7FF] =	sst s5;
	[tilespmem:$0x1FE30] =	vst v19;
	v1 =	vsel vm1, $0xA00, v1;
	v2 =	vsel vm9, $0x100, v2;
	v0 =	vsel vm1, $0xB00, v0  }
0x1b4: {  	s4 =	rddreg [dreg:$0x1];
	v1 =	vsel vm2, $0xB00, v1;
	v2 =	vsel vm10, $0x200, v2;
	_ =	strace $0x80000047;
	[tilespmem:$0x1FE50] =	vst v57;
	v0 =	vsel vm2, $0xC00, v0  }
0x1b5: {  	v1 =	vsel vm3, $0xC00, v1;
	v2 =	vsel vm11, $0x300, v2;
	[tilespmem:$0x1FE60] =	vst v43;
	v0 =	vsel vm3, $0xD00, v0  }
0x1b6: {  	v1 =	vsel vm4, $0xD00, v1;
	v2 =	vsel vm12, $0x400, v2;
	[tilespmem:$0x1FE70] =	vst v44;
	v0 =	vsel vm4, $0xE00, v0  }
0x1b7: {  	v1 =	vsel vm5, $0xE00, v1;
	v40 =	vsel vm13, $0x500, v2;
	[tilespmem:$0x1FE80] =	vst v45;
	v0 =	vsel vm5, $0xF00, v0  }
0x1b8: {  	v2 =	vsel vm0, $0x500, v51;
	v1 =	vsel vm6, $0xF00, v1;
	[tilespmem:$0x1FE90] =	vst v46;
	v0 =	vsel vm6, $0x0, v0  }
0x1b9: {  	v59 =	vsel vm14, $0x600, v40;
	v1 =	vsel vm7, $0x0, v1;
	[tilespmem:$0x1FEA0] =	vst v47;
	v0 =	vsel vm7, $0x100, v0  }
0x1ba: {  	v2 =	vsel vm1, $0x600, v2;
	v1 =	vsel vm8, $0x100, v1;
	[tilespmem:$0x1FEB0] =	vst v48;
	v0 =	vsel vm8, $0x200, v0  }
0x1bb: {  	v2 =	vsel vm2, $0x700, v2;
	v1 =	vsel vm9, $0x200, v1;
	[tilespmem:$0x1FEC0] =	vst v53;
	v0 =	vsel vm9, $0x300, v0  }
0x1bc: {  	v2 =	vsel vm3, $0x800, v2;
	[tilespmem:$0x1FED0] =	vst v41;
	v1 =	vsel vm10, $0x300, v1;
	v0 =	vsel vm10, $0x400, v0  }
0x1bd: {  	v2 =	vsel vm4, $0x900, v2;
	[tilespmem:$0x1FEE0] =	vst v42;
	v1 =	vsel vm11, $0x400, v1;
	v0 =	vsel vm11, $0x500, v0  }
0x1be: {  	[tilespmem:$0x1FEF0] =	vst v27;
	v2 =	vsel vm5, $0xA00, v2;
	v1 =	vsel vm12, $0x500, v1;
	v0 =	vsel vm12, $0x600, v0  }
0x1bf: {  	s0 =	srdreg.scid;
	s9 =	stileid.u32;
	[tilespmem:$0x1FF00] =	vst v31;
	v23 =	vsel vm13, $0x600, v1;
	v1 =	vsel vm0, $0x600, v50;
	v0 =	vsel vm13, $0x700, v0  }
0x1c0: {  	s21 =	simm.s32 $0xC00;
	s31 =	simm.s32 $0x6000;
	s18 =	simm.s32 $0x1;
	[tilespmem:$0x1FF10] =	vst v32;
	v1 =	vsel vm1, $0x700, v1;
	v61 =	vsel vm14, $0x800, v0;
	v0 =	vsel vm0, $0x700, v49  }
0x1c1: {  	s19 =	simm.s32 $0x4;
	s0 =	sand.u32 $0x1, s0;
	s2 =	sshll.u32 s9, $0x1;
	[tilespmem:$0x1FF20] =	vst v33;
	v2 =	vsel vm6, $0xB00, v2;
	v1 =	vsel vm2, $0x800, v1;
	v0 =	vsel vm1, $0x800, v0  }
0x1c2: {  	s28 =	simm.s32 $0x0;
	s29 =	sadd.s32 $0xF4180, s1;
	s2 =	sor.u32 s0, s2;
	[tilespmem:$0x1FF30] =	vst v34;
	v2 =	vsel vm7, $0xC00, v2;
	v1 =	vsel vm3, $0x900, v1;
	v0 =	vsel vm2, $0x900, v0  }
0x1c3: {  	s30 =	sadd.s32 $0x7A0C00, s4;
	s0 =	ssub.s32 $0x2, s0;
	s3 =	smul.u32 $0xC00, s2;
	[tilespmem:$0x1FF40] =	vst v35;
	v2 =	vsel vm8, $0xD00, v2;
	v1 =	vsel vm4, $0xA00, v1;
	v0 =	vsel vm3, $0xA00, v0  }
0x1c4: {  	p0 =	sgt.u32 s9, $0x5;
	s24 =	sshrl.u32 s0, $0x1;
	s16 =	sor.u32 $0x40, s2;
	[tilespmem:$0x1FF50] =	vst v36;
	v63 =	vsel vm14, $0x700, v23;
	v1 =	vsel vm5, $0xB00, v1;
	v0 =	vsel vm4, $0xB00, v0  }
0x1c5: {  	s17 =	sor.u32 $0x60, s2;
	p1 =	sne.s32 s2, $0x0;
	s6 =	sshrl.u32 s3, $0x3;
	[tilespmem:$0x1FF60] =	vst v37;
	v2 =	vsel vm9, $0xE00, v2;
	v1 =	vsel vm6, $0xC00, v1;
	v0 =	vsel vm5, $0xC00, v0  }
0x1c6: {  	s0 =	ssub.s32 s0, s24;
	s24 =	simm.s32 $0x18000;
	s6 =	sadd.s32 s1, s6;
	[tilespmem:$0x1FF70] =	vst v38;
	v2 =	vsel vm10, $0xF00, v2;
	v1 =	vsel vm7, $0xD00, v1;
	v0 =	vsel vm6, $0xD00, v0  }
0x1c7: {  	s8 =	sadd.s32 $0x18000, s3;
	s14 =	sadd.s32 s4, s3;
	s7 =	sadd.s32 $0x1E8500, s6;
	[tilespmem:$0x1FF80] =	vst v39;
	v2 =	vsel vm11, $0x0, v2;
	v1 =	vsel vm8, $0xE00, v1;
	v0 =	vsel vm7, $0xE00, v0  }
0x1c8: {  	s20 =	smax.u32 s0, $0x1;
	s22 =	sadd.s32 $0x3D0A00, s6;
	[dreg:$0x3] =	wrdreg s7;
	[tilespmem:$0x1FFA0] =	vst v60;
	v2 =	vsel vm12, $0x100, v2;
	v1 =	vsel vm9, $0xF00, v1;
	v0 =	vsel vm8, $0xF00, v0  }
0x1c9: {  	s3 =	simm.s32 $0x12000;
	s23 =	sadd.s32 $0x5B8F00, s6;
	[dreg:$0x4] =	wrdreg s22;
	[tilespmem:$0x1FFD0] =	vst v59;
	v55 =	vsel vm13, $0x200, v2;
	v1 =	vsel vm10, $0x0, v1;
	v0 =	vsel vm9, $0x0, v0  }
0x1ca: {  	s0 =	simm.s32 $0x2;
	s10 =	sadd.s32 $0x1EB500, s6;
	[dreg:$0x5] =	wrdreg s23;
	[tilespmem:$0x1FFC0] =	vst v63;
	v56 =	vsel vm14, $0x300, v55;
	v1 =	vsel vm11, $0x100, v1;
	v0 =	vsel vm10, $0x100, v0  }
.Ltmp0:
0x1cb: {  	s26 =	sadd.s32 $0x3D3A00, s6;
	[dreg:$0x6] =	wrdreg s10;
	[tilespmem:$0x1FE40] =	vst v56;
	v1 =	vsel vm12, $0x200, v1;
	v0 =	vsel vm11, $0x200, v0;
	(pc) =	sbr.rel .LBB2_1-.Ltmp0, $4  }
0x1cc: {  	s25 =	sshrl.u32 s8, $0x3;
	s15 =	sadd.s32 s4, s8;
	[dreg:$0x7] =	wrdreg s26;
	[tilespmem:$0x1FF90] =	vst v52;
	v54 =	vsel vm13, $0x300, v1;
	v0 =	vsel vm12, $0x300, v0  }
0x1cd: {  	s13 =	sadd.s32 $0x5BBF00, s6;
	s7 =	sadd.s32 s1, s25;
	[dreg:$0x9] =	wrdreg s29;
	v49 =	vsel vm14, $0x400, v54;
	[tilespmem:$0x1FFB0] =	vst v61;
	v0 =	vsel vm13, $0x400, v0  }
0x1ce: {  	[dreg:$0xa] =	wrdreg s30;
	s22 =	simm.s32 $0x7A1400;
	s26 =	simm.s32 $0xC000;
	[tilespmem:$0x1FFF0] =	vst v49;
	v62 =	vsel vm14, $0x500, v0  }
0x1cf: {  	s23 =	simm.s32 $0x3;
	s25 =	simm.s32 $0x5;
	[dreg:$0x8] =	wrdreg s7;
	[tilespmem:$0x1FFE0] =	vst v62  }
.LBB2_9:
0x1d0: {  	_ =	swait.ge [sflag:s0], $0x6000  }
0x1d1: {  	[sflag:s0] =	ssyncset.done $0x0  }
0x1d2: {  	s7 =	simm.s32 @!p0 $0x4;
	[sflag:s0] =	ssyncadd.s32 $0xFFFFA000  }
0x1d3: {  	_ =	swait.ge @!p0 [sflag:s7], $0x6000  }
0x1d4: {  	v60 =	vld [tilespmem:$0x1FFA0]  }
.Ltmp1:
0x1d5: {  	v61 =	vld [tilespmem:$0x1FFB0];
	(pc) =	sbr.rel @!p1 .LBB2_10-.Ltmp1, $4  }
0x1d6: {  	v63 =	vld [tilespmem:$0x1FFC0]  }
0x1d7: {  	v59 =	vld [tilespmem:$0x1FFD0]  }
0x1d8: {  	[sflag:s7] =	ssyncset.done @!p0 $0x0;
	v62 =	vld [tilespmem:$0x1FFE0]  }
0x1d9: {  	v6 =	vimm.s32 $0x100;
	v49 =	vld [tilespmem:$0x1FFF0];
	[sflag:s7] =	ssyncadd.s32 @!p0 $0xFFFFA000  }
.LBB2_15:
0x1da: {  	s28 =	sadd.s32 $0x1, s28  }
0x1db: {  	p2 =	sne.s32 s28, s20  }
.Ltmp2:
0x1dc: {  	_ = 	snop;
	(pc) =	sbr.rel @!p2 .LBB2_16-.Ltmp2, $1  }
0x1dd: {  	_ =	sdelay $0x3  }
.LBB2_1:
0x1de: {  	[tilespmem:s5], [sflag:$0x1] =	stream.strided.gather [hbm4b:s6+s21], $0x1800, s22, s21, $0x38;
	[tilespmem:$0x1C000] =	vst v63  }
0x1df: {  	s7 =	rddreg [dreg:$0x3];
	s8 =	simm.s32 $0x1800  }
0x1e0: {  	[tilespmem:s8], [sflag:$0x1] =	stream.strided.gather [hbm4b:s7+s21], $0x1800, s22, s21, $0x38;
	[tilespmem:$0x1C000] =	vst v63  }
0x1e1: {  	s10 =	rddreg [dreg:$0x4];
	s11 =	simm.s32 $0x3000  }
0x1e2: {  	[tilespmem:s11], [sflag:$0x1] =	stream.strided.gather [hbm4b:s10+s21], $0x1800, s22, s21, $0x38;
	[tilespmem:$0x1C000] =	vst v63  }
0x1e3: {  	s12 =	rddreg [dreg:$0x5];
	s30 =	simm.s32 $0x4800  }
0x1e4: {  	[tilespmem:s30], [sflag:$0x1] =	stream.strided.gather [hbm4b:s12+s21], $0x1800, s22, s21, $0x38;
	[tilespmem:$0x1C000] =	vst v63  }
0x1e5: {  	s8 =	rddreg [dreg:$0x8]  }
0x1e6: {  	[tilespmem:s26], [sflag:$0x3] =	stream.strided.gather [hbm4b:s8+s21], $0x1800, s22, s21, $0x38;
	[tilespmem:$0x1C000] =	vst v63  }
0x1e7: {  	s9 =	rddreg [dreg:$0x6];
	s10 =	simm.s32 $0xD800  }
0x1e8: {  	[tilespmem:s10], [sflag:$0x3] =	stream.strided.gather [hbm4b:s9+s21], $0x1800, s22, s21, $0x38;
	[tilespmem:$0x1C000] =	vst v63  }
0x1e9: {  	s11 =	rddreg [dreg:$0x7];
	s12 =	simm.s32 $0xF000  }
0x1ea: {  	[tilespmem:s12], [sflag:$0x3] =	stream.strided.gather [hbm4b:s11+s21], $0x1800, s22, s21, $0x38;
	[tilespmem:$0x1C000] =	vst v63  }
0x1eb: {  	s30 =	simm.s32 $0x10800  }
0x1ec: {  	[tilespmem:s30], [sflag:$0x3] =	stream.strided.gather [hbm4b:s13+s21], $0x1800, s22, s21, $0x38;
	[tilespmem:$0x1C000] =	vst v63  }
.Ltmp3:
0x1ed: {  	_ = 	snop;
	(pc) =	sbr.rel .LBB2_2-.Ltmp3, $4  }
0x1ee: {  	_ = 	snop  }
0x1ef: {  	[hbm4b:s14+s5] =	stream.linear.scatter [tilespmem:s31], [sflag:$0x2], $0x6000, $0x38;
	[tilespmem:$0x1C000] =	vst v63  }
0x1f0: {  	s29 =	simm.s32 $0x0  }
0x1f1: {  	[hbm4b:s15+s5] =	stream.linear.scatter [tilespmem:s3], [sflag:$0x4], $0x6000, $0x38;
	[tilespmem:$0x1C000] =	vst v63  }
.LBB2_8:
0x1f2: {  	s7 =	sadd.s32 s17, s30  }
0x1f3: {  	p2 =	sgt.u32 s7, $0xA2B  }
0x1f4: {  	s7 =	smul.u32 @!p2 $0xC00, s7;
	_ =	sdelay $0x1  }
0x1f5: {  	s8 =	simm.s32 @!p2 $0xC00;
	s7 =	sshrl.u32 @!p2 s7, $0x3  }
0x1f6: {  	s9 =	simm.s32 @!p2 $0x7A1400;
	s10 =	simm.s32 @!p2 $0xC000;
	s7 =	sadd.s32 @!p2 s1, s7  }
0x1f7: {  	[tilespmem:s10], [sflag:$0x3] =	stream.strided.gather @!p2 [hbm4b:s7+s8], $0x1800, s9, s8, $0x38;
	[tilespmem:$0x1C000] =	vst v63  }
0x1f8: {  	s11 =	simm.s32 @!p2 $0xD800;
	s10 =	sadd.s32 @!p2 $0x1E8500, s7  }
0x1f9: {  	[tilespmem:s11], [sflag:$0x3] =	stream.strided.gather @!p2 [hbm4b:s10+s8], $0x1800, s9, s8, $0x38;
	[tilespmem:$0x1C000] =	vst v63  }
0x1fa: {  	s10 =	sadd.s32 @!p2 $0x3D0A00, s7;
	s11 =	simm.s32 @!p2 $0xF000  }
0x1fb: {  	[tilespmem:s11], [sflag:$0x3] =	stream.strided.gather @!p2 [hbm4b:s10+s8], $0x1800, s9, s8, $0x38;
	[tilespmem:$0x1C000] =	vst v63  }
0x1fc: {  	s29 =	sadd.s32 $0x1, s29;
	s7 =	sadd.s32 @!p2 $0x5B8F00, s7;
	s10 =	simm.s32 @!p2 $0x10800  }
0x1fd: {  	[tilespmem:s10], [sflag:$0x3] =	stream.strided.gather @!p2 [hbm4b:s7+s8], $0x1800, s9, s8, $0x38;
	[tilespmem:$0x1C000] =	vst v63  }
0x1fe: {  	p2 =	sne.s32 s29, $0x29  }
.Ltmp4:
0x1ff: {  	_ = 	snop;
	(pc) =	sbr.rel @!p2 .LBB2_9-.Ltmp4, $1  }
0x200: {  	_ =	sdelay $0x3  }
.LBB2_2:
0x201: {  	_ =	swait.ge [sflag:s0], $0x6000  }
0x202: {  	[sflag:s0] =	ssyncset.done $0x0  }
0x203: {  	[sflag:s0] =	ssyncadd.s32 $0xFFFFA000  }
0x204: {  	_ =	swait.ge [sflag:s18], $0x1800  }
0x205: {  	[sflag:s18] =	ssyncset.done $0x0  }
0x206: {  	[sflag:s18] =	ssyncadd.s32 $0xFFFFE800  }
0x207: {  	_ =	swait.ge [sflag:s18], $0x1800  }
0x208: {  	[sflag:s18] =	ssyncset.done $0x0  }
0x209: {  	[sflag:s18] =	ssyncadd.s32 $0xFFFFE800  }
0x20a: {  	_ =	swait.ge [sflag:s18], $0x1800  }
0x20b: {  	[sflag:s18] =	ssyncset.done $0x0  }
0x20c: {  	[sflag:s18] =	ssyncadd.s32 $0xFFFFE800  }
0x20d: {  	s30 =	sshll.u32 s29, $0x6;
	_ =	swait.ge [sflag:s18], $0x1800  }
0x20e: {  	s8 =	simm.s32 $0xFFFFFFFC;
	s9 =	simm.s32 $0x18;
	[sflag:s18] =	ssyncset.done $0x0  }
0x20f: {  	s10 =	simm.s32 $0x30;
	s7 =	sor.u32 s2, s30;
	[sflag:s18] =	ssyncadd.s32 $0xFFFFE800  }
.LBB2_3:
0x210: {  	s11 =	sadd.s32 $0xFFFFFFD0, s10  }
0x211: {  	v0 =	vmov s11  }
0x212: {  	v1 =	vor.u32 s11, v58;
	v0 =	vshll.u32 v0, $0x3  }
0x213: {  	v1 =	vand.u32 $0x4F, v1;
	v0 =	vand.u32 $0xC00, v0  }
0x214: {  	v17 =	vor.u32 v1, v0  }
0x215: {  	v0 =	vadd.s32 v43, v17  }
0x216: {  	s12 =	sadd.s32 $0xFFFFFFE8, s9  }
0x217: {  	v1 =	vmov s12  }
0x218: {  	v1 =	vshll.u32 v1, $0x7  }
0x219: {  	v18 =	vor.u32 v44, v1  }
0x21a: {  	v1 =	vor.u32 v45, v18;
	v0 =	vld.idx.msk [tilespmem:v0+s5+$0x0], $0xffff  }
0x21b: {  	v2 =	vadd.s32 v46, v17;
	_ =	sdelay $0x3  }
0x21c: {  	[tilespmem:v1+s31+$0x0] =	vst.idx.msk $0xffff, v0  }
0x21d: {  	v1 =	vor.u32 v47, v18;
	v0 =	vld.idx.msk [tilespmem:v2+s5+$0x0], $0xffff  }
0x21e: {  	v2 =	vadd.s32 v48, v17;
	_ =	sdelay $0x3  }
0x21f: {  	[tilespmem:v1+s31+$0x0] =	vst.idx.msk $0xffff, v0  }
0x220: {  	v1 =	vor.u32 v53, v18;
	v0 =	vld.idx.msk [tilespmem:v2+s5+$0x0], $0xffff  }
0x221: {  	v2 =	vadd.s32 v41, v17;
	_ =	sdelay $0x3  }
0x222: {  	[tilespmem:v1+s31+$0x0] =	vst.idx.msk $0xffff, v0  }
0x223: {  	v1 =	vor.u32 v42, v18;
	v0 =	vld.idx.msk [tilespmem:v2+s5+$0x0], $0xffff  }
0x224: {  	v2 =	vadd.s32 v27, v17;
	_ =	sdelay $0x3  }
0x225: {  	[tilespmem:v1+s31+$0x0] =	vst.idx.msk $0xffff, v0  }
0x226: {  	v1 =	vor.u32 v31, v18;
	v0 =	vld.idx.msk [tilespmem:v2+s5+$0x0], $0xffff  }
0x227: {  	s12 =	sadd.s32 $0xFFFFFFE0, s10;
	v2 =	vadd.s32 v32, v17  }
0x228: {  	v3 =	vmov s12  }
0x229: {  	v4 =	vor.u32 s12, v58;
	v3 =	vshll.u32 v3, $0x3  }
0x22a: {  	v7 =	vor.u32 s10, v58;
	s12 =	sadd.s32 $0xFFFFFFF0, s10;
	v4 =	vand.u32 $0x5F, v4;
	v3 =	vand.u32 $0xC00, v3  }
0x22b: {  	v5 =	vor.u32 v33, v18;
	v19 =	vor.u32 v4, v3;
	[tilespmem:v1+s31+$0x0] =	vst.idx.msk $0xffff, v0;
	v1 =	vmov s12  }
0x22c: {  	v3 =	vor.u32 s12, v58;
	v4 =	vmov s10;
	v2 =	vld.idx.msk [tilespmem:v2+s5+$0x0], $0xffff;
	v1 =	vshll.u32 v1, $0x3  }
0x22d: {  	v3 =	vand.u32 $0x6F, v3;
	v0 =	vadd.s32 v43, v19;
	v1 =	vand.u32 $0xC00, v1  }
0x22e: {  	v6 =	vadd.s32 v34, v17;
	v4 =	vshll.u32 v4, $0x3;
	v23 =	vor.u32 v3, v1  }
0x22f: {  	s12 =	sadd.s32 $0xFFFFFFF0, s9;
	v1 =	vand.u32 $0x7F, v7;
	v3 =	vand.u32 $0xC00, v4;
	v4 =	vadd.s32 v43, v23  }
0x230: {  	v24 =	vor.u32 v1, v3;
	v1 =	vmov s12;
	s12 =	sadd.s32 $0xFFFFFFF8, s9  }
0x231: {  	v3 =	vadd.s32 v43, v24;
	v1 =	vshll.u32 v1, $0x7;
	[tilespmem:v5+s31+$0x0] =	vst.idx.msk $0xffff, v2;
	v2 =	vmov s12  }
0x232: {  	v0 =	vld.idx.msk [tilespmem:v0+s5+$0x0], $0xffff;
	v25 =	vor.u32 v44, v1;
	v1 =	vshll.u32 v2, $0x7  }
0x233: {  	v5 =	vld.idx.msk [tilespmem:v6+s5+$0x0], $0xffff;
	v2 =	vmov s9;
	v6 =	vor.u32 v45, v25;
	v26 =	vor.u32 v44, v1  }
0x234: {  	v1 =	vshll.u32 v2, $0x7;
	v2 =	vadd.s32 v46, v19;
	v4 =	vld.idx.msk [tilespmem:v4+s5+$0x0], $0xffff;
	v7 =	vor.u32 v45, v26  }
0x235: {  	v40 =	vor.u32 v44, v1;
	v1 =	vadd.s32 v46, v23  }
0x236: {  	v3 =	vld.idx.msk [tilespmem:v3+s5+$0x0], $0xffff;
	v8 =	vor.u32 v45, v40  }
0x237: {  	v9 =	vadd.s32 v46, v24  }
0x238: {  	[tilespmem:v6+s31+$0x0] =	vst.idx.msk $0xffff, v0  }
0x239: {  	v0 =	vld.idx.msk [tilespmem:v2+s5+$0x0], $0xffff;
	v2 =	vor.u32 v47, v25;
	[tilespmem:v7+s31+$0x0] =	vst.idx.msk $0xffff, v4  }
0x23a: {  	v6 =	vor.u32 v47, v26;
	v4 =	vadd.s32 v48, v19;
	v1 =	vld.idx.msk [tilespmem:v1+s5+$0x0], $0xffff  }
0x23b: {  	[tilespmem:v8+s31+$0x0] =	vst.idx.msk $0xffff, v3;
	v3 =	vadd.s32 v48, v23  }
0x23c: {  	v8 =	vor.u32 v47, v40;
	v7 =	vld.idx.msk [tilespmem:v9+s5+$0x0], $0xffff  }
0x23d: {  	v9 =	vadd.s32 v48, v24  }
0x23e: {  	[tilespmem:v2+s31+$0x0] =	vst.idx.msk $0xffff, v0  }
0x23f: {  	v2 =	vor.u32 v53, v25;
	v0 =	vld.idx.msk [tilespmem:v4+s5+$0x0], $0xffff;
	[tilespmem:v6+s31+$0x0] =	vst.idx.msk $0xffff, v1  }
0x240: {  	v4 =	vor.u32 v53, v26;
	v1 =	vadd.s32 v41, v19;
	v3 =	vld.idx.msk [tilespmem:v3+s5+$0x0], $0xffff  }
0x241: {  	v6 =	vadd.s32 v41, v23;
	[tilespmem:v8+s31+$0x0] =	vst.idx.msk $0xffff, v7  }
0x242: {  	v8 =	vor.u32 v53, v40;
	v7 =	vld.idx.msk [tilespmem:v9+s5+$0x0], $0xffff  }
0x243: {  	v9 =	vadd.s32 v41, v24  }
0x244: {  	[tilespmem:v2+s31+$0x0] =	vst.idx.msk $0xffff, v0  }
0x245: {  	v0 =	vld.idx.msk [tilespmem:v1+s5+$0x0], $0xffff;
	v1 =	vor.u32 v42, v25;
	[tilespmem:v4+s31+$0x0] =	vst.idx.msk $0xffff, v3  }
0x246: {  	v2 =	vadd.s32 v27, v19;
	v4 =	vor.u32 v42, v26;
	v3 =	vld.idx.msk [tilespmem:v6+s5+$0x0], $0xffff  }
0x247: {  	[tilespmem:v8+s31+$0x0] =	vst.idx.msk $0xffff, v7;
	v6 =	vadd.s32 v27, v23  }
0x248: {  	v8 =	vor.u32 v42, v40;
	v7 =	vld.idx.msk [tilespmem:v9+s5+$0x0], $0xffff  }
0x249: {  	v9 =	vadd.s32 v27, v24  }
0x24a: {  	[tilespmem:v1+s31+$0x0] =	vst.idx.msk $0xffff, v0  }
0x24b: {  	v1 =	vor.u32 v31, v25;
	v0 =	vld.idx.msk [tilespmem:v2+s5+$0x0], $0xffff;
	[tilespmem:v4+s31+$0x0] =	vst.idx.msk $0xffff, v3  }
0x24c: {  	v2 =	vadd.s32 v32, v19;
	v4 =	vor.u32 v31, v26;
	v3 =	vld.idx.msk [tilespmem:v6+s5+$0x0], $0xffff  }
0x24d: {  	[tilespmem:v8+s31+$0x0] =	vst.idx.msk $0xffff, v7;
	v6 =	vadd.s32 v32, v23  }
0x24e: {  	v8 =	vor.u32 v31, v40;
	v7 =	vld.idx.msk [tilespmem:v9+s5+$0x0], $0xffff  }
0x24f: {  	v9 =	vadd.s32 v32, v24  }
0x250: {  	v10 =	vor.u32 v35, v18;
	[tilespmem:v1+s31+$0x0] =	vst.idx.msk $0xffff, v0  }
0x251: {  	v1 =	vor.u32 v33, v25;
	v0 =	vld.idx.msk [tilespmem:v2+s5+$0x0], $0xffff;
	[tilespmem:v4+s31+$0x0] =	vst.idx.msk $0xffff, v3  }
0x252: {  	v2 =	vadd.s32 v34, v19;
	v4 =	vor.u32 v33, v26;
	v3 =	vld.idx.msk [tilespmem:v6+s5+$0x0], $0xffff  }
0x253: {  	[tilespmem:v8+s31+$0x0] =	vst.idx.msk $0xffff, v7;
	v6 =	vadd.s32 v34, v23  }
0x254: {  	v8 =	vor.u32 v33, v40;
	v7 =	vld.idx.msk [tilespmem:v9+s5+$0x0], $0xffff  }
0x255: {  	[tilespmem:v10+s31+$0x0] =	vst.idx.msk $0xffff, v5;
	v9 =	vadd.s32 v34, v24  }
0x256: {  	v10 =	vld [tilespmem:$0x1FE50];
	[tilespmem:v1+s31+$0x0] =	vst.idx.msk $0xffff, v0  }
0x257: {  	v0 =	vadd.s32 v36, v17;
	v1 =	vld.idx.msk [tilespmem:v2+s5+$0x0], $0xffff;
	v2 =	vor.u32 v35, v25;
	[tilespmem:v4+s31+$0x0] =	vst.idx.msk $0xffff, v3  }
0x258: {  	v3 =	vadd.s32 v36, v19;
	v4 =	vld.idx.msk [tilespmem:v6+s5+$0x0], $0xffff;
	v6 =	vor.u32 v35, v26  }
0x259: {  	[tilespmem:v8+s31+$0x0] =	vst.idx.msk $0xffff, v7;
	v7 =	vadd.s32 v36, v23  }
0x25a: {  	v8 =	vld.idx.msk [tilespmem:v9+s5+$0x0], $0xffff;
	v9 =	vor.u32 v35, v40  }
0x25b: {  	v12 =	vld [tilespmem:$0x1F670];
	v11 =	vadd.s32 v36, v24  }
0x25c: {  	v5 =	vor.u32 v10, v18;
	v0 =	vld.idx.msk [tilespmem:v0+s5+$0x0], $0xffff;
	[tilespmem:v2+s31+$0x0] =	vst.idx.msk $0xffff, v1  }
0x25d: {  	v1 =	vadd.s32 v39, v17;
	v2 =	vld.idx.msk [tilespmem:v3+s5+$0x0], $0xffff;
	v3 =	vor.u32 v10, v25;
	[tilespmem:v6+s31+$0x0] =	vst.idx.msk $0xffff, v4  }
0x25e: {  	v4 =	vadd.s32 v39, v19;
	v6 =	vld.idx.msk [tilespmem:v7+s5+$0x0], $0xffff;
	v7 =	vor.u32 v10, v26  }
0x25f: {  	v13 =	vld [tilespmem:$0x1F680];
	[tilespmem:v9+s31+$0x0] =	vst.idx.msk $0xffff, v8;
	v8 =	vadd.s32 v39, v23  }
0x260: {  	v10 =	vor.u32 v10, v40;
	v9 =	vld.idx.msk [tilespmem:v11+s5+$0x0], $0xffff  }
0x261: {  	v11 =	vadd.s32 v39, v24;
	[tilespmem:v5+s31+$0x0] =	vst.idx.msk $0xffff, v0  }
0x262: {  	v0 =	vld.idx.msk [tilespmem:v1+s5+$0x0], $0xffff;
	[tilespmem:v3+s31+$0x0] =	vst.idx.msk $0xffff, v2  }
0x263: {  	v3 =	vld.idx.msk [tilespmem:v4+s5+$0x0], $0xffff;
	[tilespmem:v7+s31+$0x0] =	vst.idx.msk $0xffff, v6  }
0x264: {  	v1 =	vor.u32 v12, v18;
	v2 =	vadd.s32 v13, v17;
	v4 =	vor.u32 v12, v25;
	v6 =	vld.idx.msk [tilespmem:v8+s5+$0x0], $0xffff  }
0x265: {  	v7 =	vor.u32 v12, v26;
	[tilespmem:v10+s31+$0x0] =	vst.idx.msk $0xffff, v9;
	v10 =	vor.u32 v12, v40;
	v12 =	vld [tilespmem:$0x1F690]  }
0x266: {  	v5 =	vadd.s32 v13, v19;
	v9 =	vld.idx.msk [tilespmem:v11+s5+$0x0], $0xffff  }
0x267: {  	v8 =	vadd.s32 v13, v23;
	v11 =	vadd.s32 v13, v24;
	v13 =	vld [tilespmem:$0x1F6A0];
	_ =	sdelay $0x1  }
0x268: {  	[tilespmem:v1+s31+$0x0] =	vst.idx.msk $0xffff, v0  }
0x269: {  	v0 =	vld.idx.msk [tilespmem:v2+s5+$0x0], $0xffff;
	[tilespmem:v4+s31+$0x0] =	vst.idx.msk $0xffff, v3  }
0x26a: {  	v3 =	vld.idx.msk [tilespmem:v5+s5+$0x0], $0xffff;
	v1 =	vor.u32 v12, v18;
	[tilespmem:v7+s31+$0x0] =	vst.idx.msk $0xffff, v6  }
0x26b: {  	v4 =	vor.u32 v12, v25;
	v7 =	vor.u32 v12, v26;
	v2 =	vadd.s32 v13, v17;
	v6 =	vld.idx.msk [tilespmem:v8+s5+$0x0], $0xffff  }
0x26c: {  	v5 =	vadd.s32 v13, v19;
	[tilespmem:v10+s31+$0x0] =	vst.idx.msk $0xffff, v9;
	v10 =	vor.u32 v12, v40;
	v12 =	vld [tilespmem:$0x1F6B0]  }
0x26d: {  	v8 =	vadd.s32 v13, v23;
	v9 =	vld.idx.msk [tilespmem:v11+s5+$0x0], $0xffff  }
0x26e: {  	v11 =	vadd.s32 v13, v24;
	v13 =	vld [tilespmem:$0x1F6C0]  }
0x26f: {  	[tilespmem:v1+s31+$0x0] =	vst.idx.msk $0xffff, v0  }
0x270: {  	[tilespmem:v4+s31+$0x0] =	vst.idx.msk $0xffff, v3;
	v0 =	vld.idx.msk [tilespmem:v2+s5+$0x0], $0xffff  }
0x271: {  	v3 =	vld.idx.msk [tilespmem:v5+s5+$0x0], $0xffff;
	[tilespmem:v7+s31+$0x0] =	vst.idx.msk $0xffff, v6  }
0x272: {  	v1 =	vor.u32 v12, v18;
	v4 =	vor.u32 v12, v25;
	v7 =	vor.u32 v12, v26;
	v6 =	vld.idx.msk [tilespmem:v8+s5+$0x0], $0xffff  }
0x273: {  	v2 =	vadd.s32 v13, v17;
	[tilespmem:v10+s31+$0x0] =	vst.idx.msk $0xffff, v9;
	v10 =	vor.u32 v12, v40;
	v12 =	vld [tilespmem:$0x1F6D0]  }
0x274: {  	v5 =	vadd.s32 v13, v19;
	v9 =	vld.idx.msk [tilespmem:v11+s5+$0x0], $0xffff  }
0x275: {  	v8 =	vadd.s32 v13, v23;
	v11 =	vadd.s32 v13, v24;
	v13 =	vld [tilespmem:$0x1F6E0];
	_ =	sdelay $0x1  }
0x276: {  	[tilespmem:v1+s31+$0x0] =	vst.idx.msk $0xffff, v0  }
0x277: {  	[tilespmem:v4+s31+$0x0] =	vst.idx.msk $0xffff, v3;
	v0 =	vld.idx.msk [tilespmem:v2+s5+$0x0], $0xffff  }
0x278: {  	v1 =	vor.u32 v12, v18;
	v3 =	vld.idx.msk [tilespmem:v5+s5+$0x0], $0xffff;
	[tilespmem:v7+s31+$0x0] =	vst.idx.msk $0xffff, v6  }
0x279: {  	v4 =	vor.u32 v12, v25;
	v7 =	vor.u32 v12, v26;
	v2 =	vadd.s32 v13, v17;
	v6 =	vld.idx.msk [tilespmem:v8+s5+$0x0], $0xffff  }
0x27a: {  	v5 =	vadd.s32 v13, v19;
	[tilespmem:v10+s31+$0x0] =	vst.idx.msk $0xffff, v9;
	v10 =	vor.u32 v12, v40;
	v12 =	vld [tilespmem:$0x1F6F0]  }
0x27b: {  	v8 =	vadd.s32 v13, v23;
	v9 =	vld.idx.msk [tilespmem:v11+s5+$0x0], $0xffff  }
0x27c: {  	v11 =	vadd.s32 v13, v24;
	v13 =	vld [tilespmem:$0x1F700]  }
0x27d: {  	[tilespmem:v1+s31+$0x0] =	vst.idx.msk $0xffff, v0  }
0x27e: {  	[tilespmem:v4+s31+$0x0] =	vst.idx.msk $0xffff, v3;
	v0 =	vld.idx.msk [tilespmem:v2+s5+$0x0], $0xffff  }
0x27f: {  	v3 =	vld.idx.msk [tilespmem:v5+s5+$0x0], $0xffff;
	[tilespmem:v7+s31+$0x0] =	vst.idx.msk $0xffff, v6  }
0x280: {  	v1 =	vor.u32 v12, v18;
	v4 =	vor.u32 v12, v25;
	v7 =	vor.u32 v12, v26;
	v6 =	vld.idx.msk [tilespmem:v8+s5+$0x0], $0xffff  }
0x281: {  	v2 =	vadd.s32 v13, v17;
	[tilespmem:v10+s31+$0x0] =	vst.idx.msk $0xffff, v9;
	v10 =	vor.u32 v12, v40;
	v12 =	vld [tilespmem:$0x1F710]  }
0x282: {  	v5 =	vadd.s32 v13, v19;
	v9 =	vld.idx.msk [tilespmem:v11+s5+$0x0], $0xffff  }
0x283: {  	v8 =	vadd.s32 v13, v23;
	v11 =	vadd.s32 v13, v24;
	v13 =	vld [tilespmem:$0x1F720]  }
0x284: {  	v28 =	vld [tilespmem:$0x1F760]  }
0x285: {  	v29 =	vld [tilespmem:$0x1F770];
	[tilespmem:v1+s31+$0x0] =	vst.idx.msk $0xffff, v0  }
0x286: {  	[tilespmem:v4+s31+$0x0] =	vst.idx.msk $0xffff, v3;
	v0 =	vld.idx.msk [tilespmem:v2+s5+$0x0], $0xffff  }
0x287: {  	v1 =	vor.u32 v12, v18;
	v3 =	vld.idx.msk [tilespmem:v5+s5+$0x0], $0xffff;
	[tilespmem:v7+s31+$0x0] =	vst.idx.msk $0xffff, v6  }
0x288: {  	v4 =	vor.u32 v12, v25;
	v7 =	vor.u32 v12, v26;
	v2 =	vadd.s32 v13, v17;
	v6 =	vld.idx.msk [tilespmem:v8+s5+$0x0], $0xffff  }
0x289: {  	v5 =	vadd.s32 v13, v19;
	[tilespmem:v10+s31+$0x0] =	vst.idx.msk $0xffff, v9;
	v10 =	vor.u32 v12, v40;
	v12 =	vld [tilespmem:$0x1F730]  }
0x28a: {  	v8 =	vadd.s32 v13, v23;
	v9 =	vld.idx.msk [tilespmem:v11+s5+$0x0], $0xffff  }
0x28b: {  	v11 =	vadd.s32 v13, v24;
	v13 =	vld [tilespmem:$0x1F740]  }
0x28c: {  	v30 =	vld [tilespmem:$0x1F780];
	[tilespmem:v1+s31+$0x0] =	vst.idx.msk $0xffff, v0  }
0x28d: {  	[tilespmem:v4+s31+$0x0] =	vst.idx.msk $0xffff, v3;
	v0 =	vld.idx.msk [tilespmem:v2+s5+$0x0], $0xffff  }
0x28e: {  	v3 =	vld.idx.msk [tilespmem:v5+s5+$0x0], $0xffff;
	[tilespmem:v7+s31+$0x0] =	vst.idx.msk $0xffff, v6  }
0x28f: {  	v1 =	vor.u32 v12, v18;
	v6 =	vld.idx.msk [tilespmem:v8+s5+$0x0], $0xffff;
	[tilespmem:v10+s31+$0x0] =	vst.idx.msk $0xffff, v9  }
0x290: {  	v2 =	vadd.s32 v13, v17;
	v9 =	vld.idx.msk [tilespmem:v11+s5+$0x0], $0xffff  }
0x291: {  	v5 =	vadd.s32 v13, v19;
	v8 =	vadd.s32 v13, v23;
	v11 =	vadd.s32 v13, v24;
	v13 =	vld [tilespmem:$0x1F750]  }
0x292: {  	v31 =	vld [tilespmem:$0x1F790];
	v4 =	vor.u32 v12, v25  }
0x293: {  	v14 =	vcombine.low v37, v38;
	v7 =	vor.u32 v12, v26  }
0x294: {  	v15 =	vld [tilespmem:$0x1F7A0];
	v10 =	vor.u32 v12, v40;
	[tilespmem:v1+s31+$0x0] =	vst.idx.msk $0xffff, v0  }
0x295: {  	v1 =	vld.idx.msk [tilespmem:v2+s5+$0x0], $0xffff;
	v2 =	vor.u32 v14, v18  }
0x296: {  	v52 =	vld [tilespmem:$0x1F7B0];
	v12 =	vadd.s32 v13, v17  }
0x297: {  	v54 =	vld [tilespmem:$0x1F7D0];
	[tilespmem:v4+s31+$0x0] =	vst.idx.msk $0xffff, v3;
	v0 =	vsel vm15, v29, v28;
	v4 =	vsel vm15, v31, v30  }
0x298: {  	v3 =	vld.idx.msk [tilespmem:v5+s5+$0x0], $0xffff;
	v5 =	vor.u32 v14, v25;
	[tilespmem:v7+s31+$0x0] =	vst.idx.msk $0xffff, v6;
	v16 =	vcombine.low v4, v0  }
0x299: {  	v6 =	vadd.s32 v13, v19;
	v7 =	vld.idx.msk [tilespmem:v8+s5+$0x0], $0xffff;
	v8 =	vor.u32 v14, v26;
	[tilespmem:v10+s31+$0x0] =	vst.idx.msk $0xffff, v9  }
0x29a: {  	v9 =	vadd.s32 v13, v23;
	v10 =	vld.idx.msk [tilespmem:v11+s5+$0x0], $0xffff;
	v11 =	vor.u32 v14, v40;
	[tilespmem:v2+s31+$0x0] =	vst.idx.msk $0xffff, v1  }
0x29b: {  	v13 =	vadd.s32 v13, v24;
	v2 =	vld.idx.msk [tilespmem:v12+s5+$0x0], $0xffff;
	v12 =	vor.u32 v16, v18  }
0x29c: {  	v55 =	vld [tilespmem:$0x1F7E0];
	[tilespmem:$0x1F4D0] =	vst v14;
	v14 =	vadd.s32 v15, v17  }
0x29d: {  	v53 =	vld [tilespmem:$0x1F7C0];
	[tilespmem:v5+s31+$0x0] =	vst.idx.msk $0xffff, v3  }
0x29e: {  	v3 =	vld.idx.msk [tilespmem:v6+s5+$0x0], $0xffff;
	[tilespmem:v8+s31+$0x0] =	vst.idx.msk $0xffff, v7  }
0x29f: {  	v8 =	vld.idx.msk [tilespmem:v9+s5+$0x0], $0xffff;
	[tilespmem:v11+s31+$0x0] =	vst.idx.msk $0xffff, v10  }
0x2a0: {  	v11 =	vld.idx.msk [tilespmem:v13+s5+$0x0], $0xffff;
	[tilespmem:v12+s31+$0x0] =	vst.idx.msk $0xffff, v2  }
0x2a1: {  	[tilespmem:$0x1F4E0] =	vst v16;
	v12 =	vld.idx.msk [tilespmem:v14+s5+$0x0], $0xffff  }
0x2a2: {  	v20 =	vld [tilespmem:$0x1F7F0]  }
0x2a3: {  	v56 =	vld [tilespmem:$0x1F800]  }
0x2a4: {  	v5 =	vor.u32 v16, v25;
	v57 =	vld [tilespmem:$0x1F820]  }
0x2a5: {  	v7 =	vadd.s32 v15, v19;
	v9 =	vor.u32 v16, v26;
	v58 =	vld [tilespmem:$0x1F830]  }
0x2a6: {  	v1 =	vsel vm15, v53, v52;
	v6 =	vsel vm15, v55, v54;
	v10 =	vadd.s32 v15, v23;
	v59 =	vld [tilespmem:$0x1F840]  }
0x2a7: {  	v21 =	vcombine.low v6, v1;
	v13 =	vor.u32 v16, v40;
	v22 =	vld [tilespmem:$0x1F850]  }
0x2a8: {  	v15 =	vadd.s32 v15, v24;
	v60 =	vld [tilespmem:$0x1F860]  }
0x2a9: {  	v14 =	vor.u32 v21, v18;
	[tilespmem:v5+s31+$0x0] =	vst.idx.msk $0xffff, v3;
	v61 =	vld [tilespmem:$0x1F870]  }
0x2aa: {  	v5 =	vor.u32 v21, v25;
	[tilespmem:v9+s31+$0x0] =	vst.idx.msk $0xffff, v8;
	v3 =	vld.idx.msk [tilespmem:v7+s5+$0x0], $0xffff;
	v16 =	vadd.s32 v20, v17  }
0x2ab: {  	v9 =	vld.idx.msk [tilespmem:v10+s5+$0x0], $0xffff;
	v10 =	vor.u32 v21, v26;
	v7 =	vadd.s32 v20, v19  }
0x2ac: {  	v62 =	vld [tilespmem:$0x1F880];
	[tilespmem:v13+s31+$0x0] =	vst.idx.msk $0xffff, v11;
	v2 =	vsel vm15, v57, v56;
	v8 =	vsel vm15, v59, v58  }
0x2ad: {  	v13 =	vld.idx.msk [tilespmem:v15+s5+$0x0], $0xffff;
	v15 =	vor.u32 v21, v40;
	v11 =	vadd.s32 v20, v23;
	v27 =	vcombine.low v8, v2  }
0x2ae: {  	v63 =	vld [tilespmem:$0x1F890];
	v20 =	vadd.s32 v20, v24;
	[tilespmem:v14+s31+$0x0] =	vst.idx.msk $0xffff, v12  }
0x2af: {  	[tilespmem:v5+s31+$0x0] =	vst.idx.msk $0xffff, v3;
	v14 =	vor.u32 v27, v18;
	v12 =	vld.idx.msk [tilespmem:v16+s5+$0x0], $0xffff  }
0x2b0: {  	[tilespmem:$0x1F4F0] =	vst v21;
	v5 =	vld.idx.msk [tilespmem:v7+s5+$0x0], $0xffff;
	v7 =	vor.u32 v27, v25  }
0x2b1: {  	v49 =	vld [tilespmem:$0x1F8A0];
	v3 =	vsel vm15, v61, v60;
	[tilespmem:v10+s31+$0x0] =	vst.idx.msk $0xffff, v9;
	v16 =	vadd.s32 v22, v17  }
0x2b2: {  	v9 =	vadd.s32 v22, v19;
	[tilespmem:v15+s31+$0x0] =	vst.idx.msk $0xffff, v13;
	v21 =	vor.u32 v27, v26;
	v11 =	vld.idx.msk [tilespmem:v11+s5+$0x0], $0xffff  }
0x2b3: {  	v10 =	vsel vm15, v63, v62;
	v13 =	vadd.s32 v22, v23;
	v15 =	vld.idx.msk [tilespmem:v20+s5+$0x0], $0xffff;
	v20 =	vor.u32 v27, v40  }
0x2b4: {  	v48 =	vcombine.low v10, v3;
	v22 =	vadd.s32 v22, v24;
	[tilespmem:v14+s31+$0x0] =	vst.idx.msk $0xffff, v12  }
0x2b5: {  	[tilespmem:v7+s31+$0x0] =	vst.idx.msk $0xffff, v5;
	v5 =	vsel vm15, v30, v29;
	v30 =	vld [tilespmem:$0x1F8B0]  }
0x2b6: {  	[tilespmem:$0x1F500] =	vst v27;
	v14 =	vld.idx.msk [tilespmem:v16+s5+$0x0], $0xffff;
	v16 =	vor.u32 v48, v18  }
0x2b7: {  	v27 =	vadd.s32 v49, v17;
	[tilespmem:v21+s31+$0x0] =	vst.idx.msk $0xffff, v11;
	v7 =	vld.idx.msk [tilespmem:v9+s5+$0x0], $0xffff;
	v9 =	vor.u32 v48, v25  }
0x2b8: {  	v11 =	vadd.s32 v49, v19;
	v21 =	vor.u32 v48, v26;
	[tilespmem:v20+s31+$0x0] =	vst.idx.msk $0xffff, v15;
	v13 =	vld.idx.msk [tilespmem:v13+s5+$0x0], $0xffff  }
0x2b9: {  	v12 =	vsel vm15, v28, v31;
	v15 =	vadd.s32 v49, v23;
	v20 =	vld.idx.msk [tilespmem:v22+s5+$0x0], $0xffff;
	v22 =	vor.u32 v48, v40  }
0x2ba: {  	v28 =	vadd.s32 v49, v24;
	v31 =	vcombine.low v12, v5  }
0x2bb: {  	v50 =	vld [tilespmem:$0x1F8C0];
	[tilespmem:v16+s31+$0x0] =	vst.idx.msk $0xffff, v14  }
0x2bc: {  	v29 =	vor.u32 v31, v26;
	v16 =	vor.u32 v31, v18;
	[tilespmem:v9+s31+$0x0] =	vst.idx.msk $0xffff, v7;
	v14 =	vld.idx.msk [tilespmem:v27+s5+$0x0], $0xffff  }
0x2bd: {  	[tilespmem:v21+s31+$0x0] =	vst.idx.msk $0xffff, v13;
	v27 =	vadd.s32 v30, v17;
	v9 =	vld.idx.msk [tilespmem:v11+s5+$0x0], $0xffff;
	v11 =	vor.u32 v31, v25  }
0x2be: {  	v7 =	vsel vm15, v54, v53;
	v21 =	vadd.s32 v30, v19;
	[tilespmem:v22+s31+$0x0] =	vst.idx.msk $0xffff, v20;
	v15 =	vld.idx.msk [tilespmem:v15+s5+$0x0], $0xffff  }
0x2bf: {  	v13 =	vsel vm15, v52, v55;
	v20 =	vadd.s32 v30, v23;
	v22 =	vld.idx.msk [tilespmem:v28+s5+$0x0], $0xffff;
	v28 =	vor.u32 v31, v40  }
0x2c0: {  	[tilespmem:$0x1F520] =	vst v31;
	v33 =	vcombine.low v13, v7;
	v30 =	vadd.s32 v30, v24  }
0x2c1: {  	v52 =	vld [tilespmem:$0x1F8D0];
	[tilespmem:v16+s31+$0x0] =	vst.idx.msk $0xffff, v14  }
0x2c2: {  	v31 =	vadd.s32 v50, v17;
	[tilespmem:v11+s31+$0x0] =	vst.idx.msk $0xffff, v9;
	v16 =	vld.idx.msk [tilespmem:v27+s5+$0x0], $0xffff;
	v27 =	vor.u32 v33, v18  }
0x2c3: {  	v9 =	vsel vm15, v58, v57;
	[tilespmem:v29+s31+$0x0] =	vst.idx.msk $0xffff, v15;
	v11 =	vld.idx.msk [tilespmem:v21+s5+$0x0], $0xffff;
	v21 =	vor.u32 v33, v25  }
0x2c4: {  	v15 =	vadd.s32 v50, v19;
	v29 =	vor.u32 v33, v26;
	[tilespmem:v28+s31+$0x0] =	vst.idx.msk $0xffff, v22;
	v20 =	vld.idx.msk [tilespmem:v20+s5+$0x0], $0xffff  }
0x2c5: {  	v14 =	vsel vm15, v56, v59;
	v22 =	vadd.s32 v50, v23;
	v28 =	vld.idx.msk [tilespmem:v30+s5+$0x0], $0xffff;
	v30 =	vor.u32 v33, v40  }
0x2c6: {  	v32 =	vadd.s32 v50, v24;
	v51 =	vcombine.low v14, v9  }
0x2c7: {  	v56 =	vld [tilespmem:$0x1F8E0];
	[tilespmem:v27+s31+$0x0] =	vst.idx.msk $0xffff, v16  }
0x2c8: {  	v53 =	vor.u32 v51, v25;
	v27 =	vor.u32 v51, v18;
	[tilespmem:v21+s31+$0x0] =	vst.idx.msk $0xffff, v11;
	v16 =	vld.idx.msk [tilespmem:v31+s5+$0x0], $0xffff  }
0x2c9: {  	v54 =	vor.u32 v51, v40;
	[tilespmem:v29+s31+$0x0] =	vst.idx.msk $0xffff, v20;
	v31 =	vadd.s32 v52, v17;
	v21 =	vld.idx.msk [tilespmem:v15+s5+$0x0], $0xffff  }
0x2ca: {  	v20 =	vadd.s32 v52, v19;
	v29 =	vor.u32 v51, v26;
	[tilespmem:v30+s31+$0x0] =	vst.idx.msk $0xffff, v28;
	v22 =	vld.idx.msk [tilespmem:v22+s5+$0x0], $0xffff  }
0x2cb: {  	v11 =	vsel vm15, v62, v61;
	v28 =	vadd.s32 v52, v23;
	v15 =	vsel vm15, v60, v63;
	v30 =	vld.idx.msk [tilespmem:v32+s5+$0x0], $0xffff  }
0x2cc: {  	v34 =	vadd.s32 v52, v24;
	v55 =	vcombine.low v15, v11  }
0x2cd: {  	v59 =	vld [tilespmem:$0x1F8F0];
	[tilespmem:v27+s31+$0x0] =	vst.idx.msk $0xffff, v16  }
0x2ce: {  	v27 =	vor.u32 v55, v18;
	[tilespmem:v53+s31+$0x0] =	vst.idx.msk $0xffff, v21;
	v16 =	vld.idx.msk [tilespmem:v31+s5+$0x0], $0xffff  }
0x2cf: {  	v21 =	vadd.s32 v56, v17;
	[tilespmem:v29+s31+$0x0] =	vst.idx.msk $0xffff, v22;
	v20 =	vld.idx.msk [tilespmem:v20+s5+$0x0], $0xffff;
	v31 =	vor.u32 v55, v25  }
0x2d0: {  	v22 =	vadd.s32 v56, v19;
	v29 =	vor.u32 v55, v26;
	[tilespmem:v54+s31+$0x0] =	vst.idx.msk $0xffff, v30;
	v28 =	vld.idx.msk [tilespmem:v28+s5+$0x0], $0xffff  }
0x2d1: {  	v57 =	vor.u32 v55, v40;
	v30 =	vadd.s32 v56, v23;
	v32 =	vld.idx.msk [tilespmem:v34+s5+$0x0], $0xffff  }
0x2d2: {  	v58 =	vcombine.low v0, v4;
	v0 =	vadd.s32 v56, v24  }
0x2d3: {  	[tilespmem:v27+s31+$0x0] =	vst.idx.msk $0xffff, v16  }
0x2d4: {  	v16 =	vor.u32 v58, v18;
	[tilespmem:v31+s31+$0x0] =	vst.idx.msk $0xffff, v20;
	v4 =	vld.idx.msk [tilespmem:v21+s5+$0x0], $0xffff  }
0x2d5: {  	v20 =	vadd.s32 v59, v17;
	[tilespmem:v29+s31+$0x0] =	vst.idx.msk $0xffff, v28;
	v21 =	vld.idx.msk [tilespmem:v22+s5+$0x0], $0xffff;
	v22 =	vor.u32 v58, v25  }
0x2d6: {  	v27 =	vadd.s32 v59, v19;
	v29 =	vor.u32 v58, v26;
	[tilespmem:v57+s31+$0x0] =	vst.idx.msk $0xffff, v32;
	v28 =	vld.idx.msk [tilespmem:v30+s5+$0x0], $0xffff  }
0x2d7: {  	v31 =	vor.u32 v58, v40;
	v30 =	vadd.s32 v59, v23;
	v0 =	vld.idx.msk [tilespmem:v0+s5+$0x0], $0xffff  }
0x2d8: {  	v60 =	vcombine.low v1, v6;
	v6 =	vadd.s32 v59, v24;
	v1 =	vld [tilespmem:$0x1F900]  }
0x2d9: {  	[tilespmem:v16+s31+$0x0] =	vst.idx.msk $0xffff, v4  }
0x2da: {  	[tilespmem:v22+s31+$0x0] =	vst.idx.msk $0xffff, v21;
	v4 =	vld.idx.msk [tilespmem:v20+s5+$0x0], $0xffff  }
0x2db: {  	v16 =	vor.u32 v60, v18;
	[tilespmem:v29+s31+$0x0] =	vst.idx.msk $0xffff, v28;
	v21 =	vld.idx.msk [tilespmem:v27+s5+$0x0], $0xffff  }
0x2dc: {  	v22 =	vor.u32 v60, v25;
	v29 =	vor.u32 v60, v26;
	[tilespmem:v31+s31+$0x0] =	vst.idx.msk $0xffff, v0;
	v28 =	vld.idx.msk [tilespmem:v30+s5+$0x0], $0xffff  }
0x2dd: {  	v0 =	vadd.s32 v1, v23;
	v31 =	vcombine.low v2, v8;
	v2 =	vadd.s32 v1, v24;
	v6 =	vld.idx.msk [tilespmem:v6+s5+$0x0], $0xffff  }
0x2de: {  	v20 =	vadd.s32 v1, v17;
	v27 =	vadd.s32 v1, v19;
	v30 =	vor.u32 v60, v40;
	v1 =	vld [tilespmem:$0x1F910];
	_ =	sdelay $0x1  }
0x2df: {  	[tilespmem:v16+s31+$0x0] =	vst.idx.msk $0xffff, v4  }
0x2e0: {  	[tilespmem:v22+s31+$0x0] =	vst.idx.msk $0xffff, v21  }
0x2e1: {  	[tilespmem:v29+s31+$0x0] =	vst.idx.msk $0xffff, v28  }
0x2e2: {  	v16 =	vadd.s32 v1, v17;
	v22 =	vadd.s32 v1, v19;
	[tilespmem:v30+s31+$0x0] =	vst.idx.msk $0xffff, v6  }
0x2e3: {  	v6 =	vadd.s32 v1, v23;
	v29 =	vcombine.low v3, v10;
	v3 =	vadd.s32 v1, v24;
	v1 =	vld [tilespmem:$0x1F920]  }
0x2e4: {  	v8 =	vor.u32 v31, v18;
	v4 =	vld.idx.msk [tilespmem:v20+s5+$0x0], $0xffff  }
0x2e5: {  	v21 =	vor.u32 v31, v25;
	v20 =	vld.idx.msk [tilespmem:v27+s5+$0x0], $0xffff  }
0x2e6: {  	v0 =	vld.idx.msk [tilespmem:v0+s5+$0x0], $0xffff;
	v27 =	vor.u32 v31, v26  }
0x2e7: {  	v28 =	vor.u32 v31, v40;
	v2 =	vld.idx.msk [tilespmem:v2+s5+$0x0], $0xffff;
	_ =	sdelay $0x1  }
0x2e8: {  	[tilespmem:v8+s31+$0x0] =	vst.idx.msk $0xffff, v4  }
0x2e9: {  	[tilespmem:v21+s31+$0x0] =	vst.idx.msk $0xffff, v20  }
0x2ea: {  	v10 =	vor.u32 v29, v18;
	v21 =	vor.u32 v29, v25;
	[tilespmem:v27+s31+$0x0] =	vst.idx.msk $0xffff, v0;
	v8 =	vld.idx.msk [tilespmem:v16+s5+$0x0], $0xffff  }
0x2eb: {  	v0 =	vadd.s32 v1, v19;
	[tilespmem:v28+s31+$0x0] =	vst.idx.msk $0xffff, v2;
	v2 =	vadd.s32 v1, v23;
	v20 =	vld.idx.msk [tilespmem:v22+s5+$0x0], $0xffff  }
0x2ec: {  	v4 =	vcombine.low v5, v12;
	v5 =	vadd.s32 v1, v24;
	v16 =	vadd.s32 v1, v17;
	v1 =	vld [tilespmem:$0x1F930]  }
0x2ed: {  	v6 =	vld.idx.msk [tilespmem:v6+s5+$0x0], $0xffff;
	v22 =	vor.u32 v29, v26  }
0x2ee: {  	v27 =	vor.u32 v29, v40;
	v3 =	vld.idx.msk [tilespmem:v3+s5+$0x0], $0xffff;
	_ =	sdelay $0x1  }
0x2ef: {  	[tilespmem:v10+s31+$0x0] =	vst.idx.msk $0xffff, v8  }
0x2f0: {  	v10 =	vor.u32 v4, v18;
	[tilespmem:v21+s31+$0x0] =	vst.idx.msk $0xffff, v20;
	v12 =	vadd.s32 v1, v17  }
0x2f1: {  	[tilespmem:v22+s31+$0x0] =	vst.idx.msk $0xffff, v6;
	v6 =	vadd.s32 v1, v19;
	v20 =	vor.u32 v4, v26;
	v8 =	vld.idx.msk [tilespmem:v16+s5+$0x0], $0xffff  }
0x2f2: {  	[tilespmem:v27+s31+$0x0] =	vst.idx.msk $0xffff, v3;
	v3 =	vadd.s32 v1, v23;
	v21 =	vor.u32 v4, v40;
	v0 =	vld.idx.msk [tilespmem:v0+s5+$0x0], $0xffff  }
0x2f3: {  	[tilespmem:$0x1F5A0] =	vst v4;
	v16 =	vor.u32 v4, v25;
	v4 =	vcombine.low v7, v13;
	v13 =	vadd.s32 v1, v24;
	v1 =	vld [tilespmem:$0x1F940]  }
0x2f4: {  	v2 =	vld.idx.msk [tilespmem:v2+s5+$0x0], $0xffff  }
0x2f5: {  	v5 =	vld.idx.msk [tilespmem:v5+s5+$0x0], $0xffff;
	_ =	sdelay $0x1  }
0x2f6: {  	v42 =	vld [tilespmem:$0x1F9C0];
	[tilespmem:v10+s31+$0x0] =	vst.idx.msk $0xffff, v8  }
0x2f7: {  	v41 =	vld [tilespmem:$0x1F9D0];
	v10 =	vor.u32 v4, v18;
	[tilespmem:v16+s31+$0x0] =	vst.idx.msk $0xffff, v0;
	v0 =	vadd.s32 v1, v17  }
0x2f8: {  	[tilespmem:v20+s31+$0x0] =	vst.idx.msk $0xffff, v2;
	v2 =	vadd.s32 v1, v19;
	v16 =	vor.u32 v4, v26;
	v8 =	vld.idx.msk [tilespmem:v12+s5+$0x0], $0xffff  }
0x2f9: {  	[tilespmem:v21+s31+$0x0] =	vst.idx.msk $0xffff, v5;
	v5 =	vadd.s32 v1, v23;
	v20 =	vor.u32 v4, v40;
	v6 =	vld.idx.msk [tilespmem:v6+s5+$0x0], $0xffff  }
0x2fa: {  	[tilespmem:$0x1F5B0] =	vst v4;
	v12 =	vor.u32 v4, v25;
	v4 =	vcombine.low v9, v14;
	v14 =	vadd.s32 v1, v24;
	v1 =	vld [tilespmem:$0x1F950]  }
0x2fb: {  	v3 =	vld.idx.msk [tilespmem:v3+s5+$0x0], $0xffff  }
0x2fc: {  	v13 =	vld.idx.msk [tilespmem:v13+s5+$0x0], $0xffff  }
0x2fd: {  	v43 =	vld [tilespmem:$0x1F9E0];
	[tilespmem:$0x1F530] =	vst v33  }
0x2fe: {  	v44 =	vld [tilespmem:$0x1F9F0];
	[tilespmem:v10+s31+$0x0] =	vst.idx.msk $0xffff, v8  }
0x2ff: {  	v45 =	vld [tilespmem:$0x1FA10];
	v8 =	vor.u32 v4, v18;
	[tilespmem:v12+s31+$0x0] =	vst.idx.msk $0xffff, v6;
	v6 =	vadd.s32 v1, v17  }
0x300: {  	v46 =	vld [tilespmem:$0x1FA20];
	v10 =	vor.u32 v4, v25;
	[tilespmem:v16+s31+$0x0] =	vst.idx.msk $0xffff, v3;
	v3 =	vadd.s32 v1, v19  }
0x301: {  	v33 =	vld [tilespmem:$0x1F970];
	v16 =	vor.u32 v4, v26;
	[tilespmem:v20+s31+$0x0] =	vst.idx.msk $0xffff, v13;
	v13 =	vadd.s32 v1, v23  }
0x302: {  	[tilespmem:$0x1F5C0] =	vst v4;
	v20 =	vor.u32 v4, v40;
	v4 =	vcombine.low v11, v15;
	v11 =	vadd.s32 v1, v24;
	v1 =	vld [tilespmem:$0x1F960]  }
0x303: {  	v0 =	vld.idx.msk [tilespmem:v0+s5+$0x0], $0xffff  }
0x304: {  	v2 =	vld.idx.msk [tilespmem:v2+s5+$0x0], $0xffff  }
0x305: {  	v5 =	vld.idx.msk [tilespmem:v5+s5+$0x0], $0xffff  }
0x306: {  	v14 =	vld.idx.msk [tilespmem:v14+s5+$0x0], $0xffff  }
0x307: {  	v61 =	vld [tilespmem:$0x1F980]  }
0x308: {  	v62 =	vld [tilespmem:$0x1F990];
	[tilespmem:v8+s31+$0x0] =	vst.idx.msk $0xffff, v0  }
0x309: {  	v63 =	vld [tilespmem:$0x1F9A0];
	[tilespmem:v10+s31+$0x0] =	vst.idx.msk $0xffff, v2  }
0x30a: {  	v15 =	vor.u32 v4, v18;
	[tilespmem:v16+s31+$0x0] =	vst.idx.msk $0xffff, v5;
	v8 =	vld.idx.msk [tilespmem:v6+s5+$0x0], $0xffff  }
0x30b: {  	v21 =	vadd.s32 v1, v17;
	[tilespmem:v20+s31+$0x0] =	vst.idx.msk $0xffff, v14;
	v10 =	vld.idx.msk [tilespmem:v13+s5+$0x0], $0xffff;
	v13 =	vor.u32 v4, v26  }
0x30c: {  	v14 =	vadd.s32 v1, v23;
	v20 =	vor.u32 v4, v40;
	v11 =	vld.idx.msk [tilespmem:v11+s5+$0x0], $0xffff  }
0x30d: {  	[tilespmem:$0x1F510] =	vst v48;
	v22 =	vadd.s32 v1, v24;
	v5 =	vadd.s32 v1, v19;
	v1 =	vld [tilespmem:$0x1F9B0]  }
0x30e: {  	v47 =	vld [tilespmem:$0x1FA30];
	[tilespmem:$0x1F5D0] =	vst v4;
	v0 =	vsel vm15, v61, v33;
	v6 =	vsel vm15, v63, v62  }
0x30f: {  	v2 =	vld.idx.msk [tilespmem:v3+s5+$0x0], $0xffff;
	v3 =	vor.u32 v4, v25;
	v4 =	vcombine.low v6, v0;
	[tilespmem:v15+s31+$0x0] =	vst.idx.msk $0xffff, v8  }
0x310: {  	[tilespmem:v13+s31+$0x0] =	vst.idx.msk $0xffff, v10;
	v8 =	vld.idx.msk [tilespmem:v21+s5+$0x0], $0xffff  }
0x311: {  	v15 =	vor.u32 v4, v18;
	[tilespmem:v20+s31+$0x0] =	vst.idx.msk $0xffff, v11;
	v14 =	vld.idx.msk [tilespmem:v14+s5+$0x0], $0xffff  }
0x312: {  	v27 =	vor.u32 v4, v26;
	v28 =	vor.u32 v4, v40;
	v21 =	vadd.s32 v1, v17;
	v22 =	vld.idx.msk [tilespmem:v22+s5+$0x0], $0xffff  }
0x313: {  	[tilespmem:$0x1F590] =	vst v29;
	v29 =	vadd.s32 v1, v24;
	v13 =	vadd.s32 v1, v19;
	v11 =	vadd.s32 v1, v23;
	v1 =	vld [tilespmem:$0x1FA00]  }
0x314: {  	v48 =	vld [tilespmem:$0x1FA40];
	[tilespmem:v3+s31+$0x0] =	vst.idx.msk $0xffff, v2;
	v2 =	vsel vm15, v41, v42;
	v10 =	vsel vm15, v44, v43  }
0x315: {  	[tilespmem:$0x1F5E0] =	vst v4;
	v3 =	vld.idx.msk [tilespmem:v5+s5+$0x0], $0xffff;
	v5 =	vor.u32 v4, v25;
	v4 =	vcombine.low v10, v2  }
0x316: {  	v53 =	vld [tilespmem:$0x1FA60];
	[tilespmem:v15+s31+$0x0] =	vst.idx.msk $0xffff, v8  }
0x317: {  	v15 =	vor.u32 v4, v18;
	[tilespmem:v27+s31+$0x0] =	vst.idx.msk $0xffff, v14;
	v8 =	vld.idx.msk [tilespmem:v21+s5+$0x0], $0xffff  }
0x318: {  	v14 =	vadd.s32 v1, v19;
	v27 =	vor.u32 v4, v26;
	[tilespmem:v28+s31+$0x0] =	vst.idx.msk $0xffff, v22;
	v11 =	vld.idx.msk [tilespmem:v11+s5+$0x0], $0xffff  }
0x319: {  	[tilespmem:$0x1F580] =	vst v31;
	v28 =	vadd.s32 v1, v23;
	v49 =	vadd.s32 v1, v24;
	v21 =	vadd.s32 v1, v17;
	v1 =	vld [tilespmem:$0x1FA50]  }
0x31a: {  	v31 =	vor.u32 v4, v40;
	[tilespmem:v5+s31+$0x0] =	vst.idx.msk $0xffff, v3;
	v29 =	vld.idx.msk [tilespmem:v29+s5+$0x0], $0xffff  }
0x31b: {  	[tilespmem:$0x1F560] =	vst v58;
	v30 =	vor.u32 v4, v25;
	v5 =	vld.idx.msk [tilespmem:v13+s5+$0x0], $0xffff  }
0x31c: {  	[tilespmem:$0x1F550] =	vst v55;
	v55 =	vld [tilespmem:$0x1FA70];
	v3 =	vsel vm15, v46, v45;
	v13 =	vsel vm15, v48, v47  }
0x31d: {  	v58 =	vld [tilespmem:$0x1FA80];
	v22 =	vcombine.low v13, v3;
	[tilespmem:v15+s31+$0x0] =	vst.idx.msk $0xffff, v8  }
0x31e: {  	v59 =	vld [tilespmem:$0x1FA90];
	v50 =	vadd.s32 v1, v17;
	[tilespmem:v27+s31+$0x0] =	vst.idx.msk $0xffff, v11;
	v11 =	vadd.s32 v1, v19  }
0x31f: {  	[tilespmem:v31+s31+$0x0] =	vst.idx.msk $0xffff, v29;
	v29 =	vadd.s32 v1, v23;
	v56 =	vadd.s32 v1, v24;
	v1 =	vld [tilespmem:$0x1FAA0]  }
0x320: {  	[tilespmem:v30+s31+$0x0] =	vst.idx.msk $0xffff, v5;
	v8 =	vld.idx.msk [tilespmem:v21+s5+$0x0], $0xffff;
	v21 =	vor.u32 v22, v18  }
0x321: {  	v30 =	vor.u32 v22, v25;
	v14 =	vld.idx.msk [tilespmem:v14+s5+$0x0], $0xffff  }
0x322: {  	v27 =	vld.idx.msk [tilespmem:v28+s5+$0x0], $0xffff;
	v28 =	vor.u32 v22, v26  }
0x323: {  	v54 =	vor.u32 v22, v40;
	v31 =	vld.idx.msk [tilespmem:v49+s5+$0x0], $0xffff  }
0x324: {  	[tilespmem:$0x1F570] =	vst v60  }
0x325: {  	[tilespmem:v21+s31+$0x0] =	vst.idx.msk $0xffff, v8  }
0x326: {  	v5 =	vsel vm15, v55, v53;
	v15 =	vsel vm15, v59, v58;
	[tilespmem:v30+s31+$0x0] =	vst.idx.msk $0xffff, v14  }
0x327: {  	v20 =	vcombine.low v15, v5;
	[tilespmem:v28+s31+$0x0] =	vst.idx.msk $0xffff, v27  }
0x328: {  	v60 =	vadd.s32 v1, v17;
	v30 =	vadd.s32 v1, v19;
	[tilespmem:v54+s31+$0x0] =	vst.idx.msk $0xffff, v31  }
0x329: {  	v27 =	vsel vm15, v33, v63;
	v31 =	vadd.s32 v1, v23;
	v63 =	vadd.s32 v1, v24;
	v1 =	vld [tilespmem:$0x1FAB0]  }
0x32a: {  	v57 =	vor.u32 v20, v18;
	v21 =	vld.idx.msk [tilespmem:v50+s5+$0x0], $0xffff  }
0x32b: {  	v14 =	vor.u32 v20, v25;
	v11 =	vld.idx.msk [tilespmem:v11+s5+$0x0], $0xffff  }
0x32c: {  	v8 =	vsel vm15, v62, v61;
	v61 =	vor.u32 v20, v26;
	v29 =	vld.idx.msk [tilespmem:v29+s5+$0x0], $0xffff;
	_ =	sdelay $0x1  }
0x32d: {  	v28 =	vcombine.low v27, v8  }
0x32e: {  	v62 =	vor.u32 v20, v40;
	v32 =	vld.idx.msk [tilespmem:v56+s5+$0x0], $0xffff;
	[tilespmem:v57+s31+$0x0] =	vst.idx.msk $0xffff, v21  }
0x32f: {  	v52 =	vor.u32 v28, v18;
	[tilespmem:v14+s31+$0x0] =	vst.idx.msk $0xffff, v11;
	v21 =	vld.idx.msk [tilespmem:v60+s5+$0x0], $0xffff  }
0x330: {  	v56 =	vor.u32 v28, v25;
	v54 =	vadd.s32 v1, v17;
	[tilespmem:v61+s31+$0x0] =	vst.idx.msk $0xffff, v29;
	v14 =	vld.idx.msk [tilespmem:v30+s5+$0x0], $0xffff  }
0x331: {  	v49 =	vor.u32 v28, v26;
	v29 =	vadd.s32 v1, v19;
	v37 =	vld.idx.msk [tilespmem:v31+s5+$0x0], $0xffff  }
0x332: {  	[tilespmem:$0x1F540] =	vst v51;
	v50 =	vadd.s32 v1, v24;
	v57 =	vadd.s32 v1, v23;
	v1 =	vld [tilespmem:$0x1FAC0]  }
0x333: {  	v11 =	vsel vm15, v43, v41;
	[tilespmem:v62+s31+$0x0] =	vst.idx.msk $0xffff, v32;
	v31 =	vsel vm15, v42, v44  }
0x334: {  	v35 =	vld.idx.msk [tilespmem:v63+s5+$0x0], $0xffff;
	v30 =	vcombine.low v31, v11;
	[tilespmem:v52+s31+$0x0] =	vst.idx.msk $0xffff, v21  }
0x335: {  	v60 =	vor.u32 v28, v40;
	[tilespmem:v56+s31+$0x0] =	vst.idx.msk $0xffff, v14;
	v21 =	vld.idx.msk [tilespmem:v54+s5+$0x0], $0xffff  }
0x336: {  	v61 =	vor.u32 v30, v18;
	v63 =	vor.u32 v30, v25;
	[tilespmem:v49+s31+$0x0] =	vst.idx.msk $0xffff, v37;
	v29 =	vld.idx.msk [tilespmem:v29+s5+$0x0], $0xffff  }
0x337: {  	v62 =	vadd.s32 v1, v17;
	v44 =	vadd.s32 v1, v19;
	v14 =	vsel vm15, v47, v46;
	v51 =	vld.idx.msk [tilespmem:v57+s5+$0x0], $0xffff  }
0x338: {  	v52 =	vor.u32 v30, v26;
	v46 =	vadd.s32 v1, v23;
	v54 =	vadd.s32 v1, v24;
	v1 =	vld [tilespmem:$0x1FAD0]  }
0x339: {  	v32 =	vsel vm15, v45, v48  }
0x33a: {  	[tilespmem:v60+s31+$0x0] =	vst.idx.msk $0xffff, v35;
	v49 =	vcombine.low v32, v14  }
0x33b: {  	v47 =	vor.u32 v30, v40;
	v39 =	vld.idx.msk [tilespmem:v50+s5+$0x0], $0xffff;
	[tilespmem:v61+s31+$0x0] =	vst.idx.msk $0xffff, v21  }
0x33c: {  	v56 =	vor.u32 v49, v18;
	[tilespmem:v63+s31+$0x0] =	vst.idx.msk $0xffff, v29;
	v36 =	vld.idx.msk [tilespmem:v62+s5+$0x0], $0xffff  }
0x33d: {  	v60 =	vor.u32 v49, v25;
	v57 =	vadd.s32 v1, v17;
	[tilespmem:v52+s31+$0x0] =	vst.idx.msk $0xffff, v51;
	v29 =	vld.idx.msk [tilespmem:v44+s5+$0x0], $0xffff  }
0x33e: {  	v61 =	vadd.s32 v1, v19;
	v35 =	vld.idx.msk [tilespmem:v46+s5+$0x0], $0xffff;
	v62 =	vor.u32 v49, v26  }
0x33f: {  	v63 =	vadd.s32 v1, v23;
	v45 =	vadd.s32 v1, v24;
	v1 =	vld [tilespmem:$0x1FAE0]  }
0x340: {  	v34 =	vsel vm15, v53, v59;
	v21 =	vsel vm15, v58, v55;
	[tilespmem:v47+s31+$0x0] =	vst.idx.msk $0xffff, v39  }
0x341: {  	v50 =	vld.idx.msk [tilespmem:v54+s5+$0x0], $0xffff;
	v55 =	vcombine.low v34, v21;
	[tilespmem:v56+s31+$0x0] =	vst.idx.msk $0xffff, v36  }
0x342: {  	v44 =	vor.u32 v49, v40;
	[tilespmem:v60+s31+$0x0] =	vst.idx.msk $0xffff, v29;
	v36 =	vld.idx.msk [tilespmem:v57+s5+$0x0], $0xffff  }
0x343: {  	v46 =	vor.u32 v55, v18;
	v47 =	vor.u32 v55, v25;
	[tilespmem:v62+s31+$0x0] =	vst.idx.msk $0xffff, v35;
	v37 =	vld.idx.msk [tilespmem:v61+s5+$0x0], $0xffff  }
0x344: {  	v29 =	vadd.s32 v1, v17;
	v60 =	vadd.s32 v1, v19;
	v62 =	vadd.s32 v1, v23;
	v39 =	vld.idx.msk [tilespmem:v63+s5+$0x0], $0xffff  }
0x345: {  	v61 =	vor.u32 v55, v26;
	v57 =	vcombine.low v0, v6;
	v0 =	vadd.s32 v1, v24;
	v1 =	vld [tilespmem:$0x1FAF0];
	_ =	sdelay $0x1  }
0x346: {  	[tilespmem:v44+s31+$0x0] =	vst.idx.msk $0xffff, v50  }
0x347: {  	[tilespmem:v46+s31+$0x0] =	vst.idx.msk $0xffff, v36  }
0x348: {  	v52 =	vld.idx.msk [tilespmem:v45+s5+$0x0], $0xffff;
	v63 =	vor.u32 v55, v40;
	[tilespmem:v47+s31+$0x0] =	vst.idx.msk $0xffff, v37  }
0x349: {  	v56 =	vcombine.low v2, v10;
	v45 =	vadd.s32 v1, v17;
	[tilespmem:v61+s31+$0x0] =	vst.idx.msk $0xffff, v39  }
0x34a: {  	v47 =	vadd.s32 v1, v19;
	v61 =	vadd.s32 v1, v23;
	v2 =	vadd.s32 v1, v24;
	v1 =	vld [tilespmem:$0x1FB00]  }
0x34b: {  	v6 =	vld.idx.msk [tilespmem:v29+s5+$0x0], $0xffff  }
0x34c: {  	v44 =	vor.u32 v57, v18;
	v35 =	vld.idx.msk [tilespmem:v60+s5+$0x0], $0xffff  }
0x34d: {  	v46 =	vor.u32 v57, v25;
	[tilespmem:v63+s31+$0x0] =	vst.idx.msk $0xffff, v52;
	v50 =	vld.idx.msk [tilespmem:v62+s5+$0x0], $0xffff  }
0x34e: {  	v0 =	vld.idx.msk [tilespmem:v0+s5+$0x0], $0xffff;
	v62 =	vor.u32 v57, v40;
	_ =	sdelay $0x2  }
0x34f: {  	v60 =	vor.u32 v57, v26;
	v29 =	vcombine.low v3, v13;
	[tilespmem:v44+s31+$0x0] =	vst.idx.msk $0xffff, v6  }
0x350: {  	v63 =	vadd.s32 v1, v17;
	v3 =	vadd.s32 v1, v24;
	[tilespmem:v46+s31+$0x0] =	vst.idx.msk $0xffff, v35  }
0x351: {  	v46 =	vadd.s32 v1, v19;
	[tilespmem:v62+s31+$0x0] =	vst.idx.msk $0xffff, v0;
	v0 =	vadd.s32 v1, v23;
	v1 =	vld [tilespmem:$0x1FB10]  }
0x352: {  	v10 =	vor.u32 v56, v18;
	v6 =	vld.idx.msk [tilespmem:v45+s5+$0x0], $0xffff  }
0x353: {  	v59 =	vor.u32 v56, v40;
	v2 =	vld.idx.msk [tilespmem:v2+s5+$0x0], $0xffff  }
0x354: {  	[tilespmem:v60+s31+$0x0] =	vst.idx.msk $0xffff, v50;
	v44 =	vld.idx.msk [tilespmem:v47+s5+$0x0], $0xffff;
	v45 =	vor.u32 v56, v25  }
0x355: {  	v58 =	vor.u32 v56, v26;
	v47 =	vld.idx.msk [tilespmem:v61+s5+$0x0], $0xffff  }
0x356: {  	v50 =	vcombine.low v5, v15  }
0x357: {  	v13 =	vadd.s32 v1, v17;
	v62 =	vadd.s32 v1, v19;
	[tilespmem:v10+s31+$0x0] =	vst.idx.msk $0xffff, v6  }
0x358: {  	v5 =	vadd.s32 v1, v24;
	[tilespmem:v59+s31+$0x0] =	vst.idx.msk $0xffff, v2;
	v2 =	vadd.s32 v1, v23;
	v1 =	vld [tilespmem:$0x1FB20]  }
0x359: {  	v10 =	vor.u32 v29, v18;
	[tilespmem:v45+s31+$0x0] =	vst.idx.msk $0xffff, v44;
	v6 =	vld.idx.msk [tilespmem:v63+s5+$0x0], $0xffff  }
0x35a: {  	v61 =	vor.u32 v29, v25;
	[tilespmem:v58+s31+$0x0] =	vst.idx.msk $0xffff, v47;
	v60 =	vld.idx.msk [tilespmem:v46+s5+$0x0], $0xffff  }
0x35b: {  	v0 =	vld.idx.msk [tilespmem:v0+s5+$0x0], $0xffff;
	v63 =	vor.u32 v29, v26  }
0x35c: {  	v44 =	vor.u32 v29, v40;
	v3 =	vld.idx.msk [tilespmem:v3+s5+$0x0], $0xffff  }
0x35d: {  	v38 =	vld [tilespmem:$0x1FB80]  }
0x35e: {  	v7 =	vld [tilespmem:$0x1FC60];
	[tilespmem:v10+s31+$0x0] =	vst.idx.msk $0xffff, v6  }
0x35f: {  	[tilespmem:v61+s31+$0x0] =	vst.idx.msk $0xffff, v60;
	v6 =	vld.idx.msk [tilespmem:v13+s5+$0x0], $0xffff  }
0x360: {  	v10 =	vor.u32 v50, v18;
	[tilespmem:v63+s31+$0x0] =	vst.idx.msk $0xffff, v0;
	v15 =	vld.idx.msk [tilespmem:v62+s5+$0x0], $0xffff  }
0x361: {  	v45 =	vor.u32 v50, v25;
	[tilespmem:v44+s31+$0x0] =	vst.idx.msk $0xffff, v3;
	v13 =	vadd.s32 v1, v17;
	v2 =	vld.idx.msk [tilespmem:v2+s5+$0x0], $0xffff  }
0x362: {  	v51 =	vcombine.low v8, v27;
	v46 =	vor.u32 v50, v26;
	v0 =	vadd.s32 v1, v19;
	v5 =	vld.idx.msk [tilespmem:v5+s5+$0x0], $0xffff  }
0x363: {  	v47 =	vor.u32 v50, v40;
	v8 =	vadd.s32 v1, v24;
	v3 =	vadd.s32 v1, v23;
	v1 =	vld [tilespmem:$0x1FB30]  }
0x364: {  	v9 =	vld [tilespmem:$0x1FC70]  }
0x365: {  	v12 =	vld [tilespmem:$0x1FC80];
	[tilespmem:v10+s31+$0x0] =	vst.idx.msk $0xffff, v6  }
0x366: {  	v27 =	vor.u32 v51, v26;
	[tilespmem:v45+s31+$0x0] =	vst.idx.msk $0xffff, v15;
	v6 =	vld.idx.msk [tilespmem:v13+s5+$0x0], $0xffff  }
0x367: {  	v62 =	vcombine.low v11, v31;
	v10 =	vor.u32 v51, v18;
	[tilespmem:v46+s31+$0x0] =	vst.idx.msk $0xffff, v2;
	v0 =	vld.idx.msk [tilespmem:v0+s5+$0x0], $0xffff  }
0x368: {  	v15 =	vor.u32 v51, v25;
	v2 =	vadd.s32 v1, v19;
	[tilespmem:v47+s31+$0x0] =	vst.idx.msk $0xffff, v5;
	v3 =	vld.idx.msk [tilespmem:v3+s5+$0x0], $0xffff  }
0x369: {  	v5 =	vadd.s32 v1, v23;
	v11 =	vadd.s32 v1, v24;
	v13 =	vadd.s32 v1, v17;
	v1 =	vld [tilespmem:$0x1FB40]  }
0x36a: {  	v53 =	vor.u32 v51, v40;
	v8 =	vld.idx.msk [tilespmem:v8+s5+$0x0], $0xffff  }
0x36b: {  	[tilespmem:$0x1F5F0] =	vst v4;
	v4 =	vld [tilespmem:$0x1FC40]  }
0x36c: {  	v33 =	vld [tilespmem:$0x1FB70];
	[tilespmem:v10+s31+$0x0] =	vst.idx.msk $0xffff, v6  }
0x36d: {  	v43 =	vld [tilespmem:$0x1FB90];
	v59 =	vcombine.low v14, v32;
	[tilespmem:v15+s31+$0x0] =	vst.idx.msk $0xffff, v0  }
0x36e: {  	v48 =	vld [tilespmem:$0x1FBF0];
	v0 =	vadd.s32 v1, v17;
	[tilespmem:v27+s31+$0x0] =	vst.idx.msk $0xffff, v3;
	v3 =	vadd.s32 v1, v19  }
0x36f: {  	[tilespmem:v53+s31+$0x0] =	vst.idx.msk $0xffff, v8;
	v8 =	vadd.s32 v1, v23;
	v14 =	vadd.s32 v1, v24;
	v1 =	vld [tilespmem:$0x1FB50]  }
0x370: {  	v10 =	vor.u32 v62, v18;
	v6 =	vld.idx.msk [tilespmem:v13+s5+$0x0], $0xffff  }
0x371: {  	v2 =	vld.idx.msk [tilespmem:v2+s5+$0x0], $0xffff;
	v13 =	vor.u32 v62, v25  }
0x372: {  	v15 =	vor.u32 v62, v26;
	v5 =	vld.idx.msk [tilespmem:v5+s5+$0x0], $0xffff  }
0x373: {  	v27 =	vor.u32 v62, v40;
	v11 =	vld.idx.msk [tilespmem:v11+s5+$0x0], $0xffff  }
0x374: {  	v44 =	vld [tilespmem:$0x1FBA0]  }
0x375: {  	v45 =	vld [tilespmem:$0x1FBC0];
	[tilespmem:v10+s31+$0x0] =	vst.idx.msk $0xffff, v6  }
0x376: {  	v6 =	vor.u32 v59, v18;
	[tilespmem:v13+s31+$0x0] =	vst.idx.msk $0xffff, v2;
	v0 =	vld.idx.msk [tilespmem:v0+s5+$0x0], $0xffff  }
0x377: {  	v2 =	vadd.s32 v1, v17;
	v10 =	vor.u32 v59, v25;
	[tilespmem:v15+s31+$0x0] =	vst.idx.msk $0xffff, v5;
	v3 =	vld.idx.msk [tilespmem:v3+s5+$0x0], $0xffff  }
0x378: {  	v5 =	vadd.s32 v1, v19;
	v15 =	vor.u32 v59, v26;
	[tilespmem:v27+s31+$0x0] =	vst.idx.msk $0xffff, v11;
	v13 =	vld.idx.msk [tilespmem:v8+s5+$0x0], $0xffff  }
0x379: {  	v11 =	vadd.s32 v1, v23;
	v8 =	vcombine.low v21, v34;
	v21 =	vadd.s32 v1, v24;
	v1 =	vld [tilespmem:$0x1FB60]  }
0x37a: {  	v46 =	vld [tilespmem:$0x1FBD0]  }
0x37b: {  	v27 =	vor.u32 v59, v40;
	v14 =	vld.idx.msk [tilespmem:v14+s5+$0x0], $0xffff  }
0x37c: {  	v47 =	vld [tilespmem:$0x1FBE0];
	[tilespmem:v6+s31+$0x0] =	vst.idx.msk $0xffff, v0  }
0x37d: {  	[tilespmem:v10+s31+$0x0] =	vst.idx.msk $0xffff, v3;
	v0 =	vld.idx.msk [tilespmem:v2+s5+$0x0], $0xffff;
	v2 =	vor.u32 v8, v18  }
0x37e: {  	v6 =	vadd.s32 v1, v17;
	v10 =	vor.u32 v8, v25;
	[tilespmem:v15+s31+$0x0] =	vst.idx.msk $0xffff, v13;
	v5 =	vld.idx.msk [tilespmem:v5+s5+$0x0], $0xffff  }
0x37f: {  	v54 =	vor.u32 v8, v26;
	v13 =	vadd.s32 v1, v19;
	v31 =	vld.idx.msk [tilespmem:v11+s5+$0x0], $0xffff  }
0x380: {  	[tilespmem:v27+s31+$0x0] =	vst.idx.msk $0xffff, v14;
	v14 =	vadd.s32 v1, v23;
	v58 =	vadd.s32 v1, v24;
	v1 =	vld [tilespmem:$0x1FBB0]  }
0x381: {  	v3 =	vsel vm15, v38, v33;
	v27 =	vor.u32 v8, v40;
	v11 =	vsel vm15, v44, v43;
	v21 =	vld.idx.msk [tilespmem:v21+s5+$0x0], $0xffff  }
0x382: {  	v53 =	vld [tilespmem:$0x1FC10];
	v15 =	vcombine.low v11, v3;
	[tilespmem:v2+s31+$0x0] =	vst.idx.msk $0xffff, v0  }
0x383: {  	[tilespmem:v10+s31+$0x0] =	vst.idx.msk $0xffff, v5;
	v0 =	vld.idx.msk [tilespmem:v6+s5+$0x0], $0xffff  }
0x384: {  	v60 =	vor.u32 v15, v25;
	[tilespmem:v54+s31+$0x0] =	vst.idx.msk $0xffff, v31;
	v10 =	vld.idx.msk [tilespmem:v13+s5+$0x0], $0xffff  }
0x385: {  	v42 =	vadd.s32 v1, v24;
	v2 =	vor.u32 v15, v18;
	v31 =	vadd.s32 v1, v19;
	v14 =	vld.idx.msk [tilespmem:v14+s5+$0x0], $0xffff  }
0x386: {  	[tilespmem:v27+s31+$0x0] =	vst.idx.msk $0xffff, v21;
	v27 =	vadd.s32 v1, v23;
	v6 =	vadd.s32 v1, v17;
	v1 =	vld [tilespmem:$0x1FC00]  }
0x387: {  	v63 =	vor.u32 v15, v40;
	v34 =	vld.idx.msk [tilespmem:v58+s5+$0x0], $0xffff  }
0x388: {  	v61 =	vor.u32 v15, v26;
	v5 =	vsel vm15, v46, v45;
	v13 =	vsel vm15, v48, v47;
	v58 =	vld [tilespmem:$0x1FC20]  }
0x389: {  	v21 =	vcombine.low v13, v5;
	[tilespmem:v60+s31+$0x0] =	vst.idx.msk $0xffff, v10;
	v60 =	vld [tilespmem:$0x1FC30]  }
0x38a: {  	v16 =	vld [tilespmem:$0x1FC90];
	[tilespmem:v2+s31+$0x0] =	vst.idx.msk $0xffff, v0  }
0x38b: {  	v2 =	vor.u32 v21, v18;
	v39 =	vadd.s32 v1, v17;
	v32 =	vadd.s32 v1, v19;
	v0 =	vld.idx.msk [tilespmem:v6+s5+$0x0], $0xffff  }
0x38c: {  	[tilespmem:v63+s31+$0x0] =	vst.idx.msk $0xffff, v34;
	v54 =	vadd.s32 v1, v23;
	v63 =	vadd.s32 v1, v24;
	v1 =	vld [tilespmem:$0x1FC50]  }
0x38d: {  	[tilespmem:v61+s31+$0x0] =	vst.idx.msk $0xffff, v14;
	v10 =	vld.idx.msk [tilespmem:v31+s5+$0x0], $0xffff;
	v31 =	vor.u32 v21, v25  }
0x38e: {  	v52 =	vor.u32 v21, v26;
	v6 =	vsel vm15, v58, v53;
	v27 =	vld.idx.msk [tilespmem:v27+s5+$0x0], $0xffff;
	v14 =	vsel vm15, v4, v60  }
0x38f: {  	v37 =	vor.u32 v21, v40;
	v36 =	vld.idx.msk [tilespmem:v42+s5+$0x0], $0xffff;
	v61 =	vcombine.low v14, v6  }
0x390: {  	[tilespmem:v2+s31+$0x0] =	vst.idx.msk $0xffff, v0  }
0x391: {  	v0 =	vld.idx.msk [tilespmem:v39+s5+$0x0], $0xffff;
	v2 =	vor.u32 v61, v18  }
0x392: {  	[tilespmem:v31+s31+$0x0] =	vst.idx.msk $0xffff, v10;
	v39 =	vadd.s32 v1, v17  }
0x393: {  	v10 =	vsel vm15, v9, v7;
	[tilespmem:v52+s31+$0x0] =	vst.idx.msk $0xffff, v27;
	v31 =	vld.idx.msk [tilespmem:v32+s5+$0x0], $0xffff;
	v32 =	vor.u32 v61, v25  }
0x394: {  	[tilespmem:v37+s31+$0x0] =	vst.idx.msk $0xffff, v36;
	v27 =	vsel vm15, v16, v12;
	v34 =	vld.idx.msk [tilespmem:v54+s5+$0x0], $0xffff;
	v52 =	vor.u32 v61, v26  }
0x395: {  	v35 =	vadd.s32 v1, v19;
	v37 =	vld.idx.msk [tilespmem:v63+s5+$0x0], $0xffff;
	v63 =	vcombine.low v27, v10;
	v41 =	vor.u32 v61, v40  }
0x396: {  	v36 =	vadd.s32 v1, v23;
	v54 =	vadd.s32 v1, v24;
	v1 =	vld [tilespmem:$0x1FCA0];
	[tilespmem:v2+s31+$0x0] =	vst.idx.msk $0xffff, v0  }
0x397: {  	v2 =	vor.u32 v63, v18;
	v0 =	vld.idx.msk [tilespmem:v39+s5+$0x0], $0xffff  }
0x398: {  	[tilespmem:v32+s31+$0x0] =	vst.idx.msk $0xffff, v31  }
0x399: {  	[tilespmem:v52+s31+$0x0] =	vst.idx.msk $0xffff, v34  }
0x39a: {  	v42 =	vor.u32 v63, v26;
	[tilespmem:v41+s31+$0x0] =	vst.idx.msk $0xffff, v37;
	v31 =	vld.idx.msk [tilespmem:v35+s5+$0x0], $0xffff;
	v35 =	vor.u32 v63, v25  }
0x39b: {  	v37 =	vadd.s32 v1, v19;
	v34 =	vsel vm15, v33, v44;
	v39 =	vadd.s32 v1, v17;
	v36 =	vld.idx.msk [tilespmem:v36+s5+$0x0], $0xffff  }
0x39c: {  	v33 =	vadd.s32 v1, v23;
	[tilespmem:v2+s31+$0x0] =	vst.idx.msk $0xffff, v0;
	v0 =	vadd.s32 v1, v24;
	v1 =	vld [tilespmem:$0x1FCB0]  }
0x39d: {  	v32 =	vsel vm15, v43, v38  }
0x39e: {  	v41 =	vld.idx.msk [tilespmem:v54+s5+$0x0], $0xffff;
	v54 =	vor.u32 v63, v40;
	v52 =	vcombine.low v34, v32  }
0x39f: {  	[tilespmem:v35+s31+$0x0] =	vst.idx.msk $0xffff, v31  }
0x3a0: {  	[tilespmem:v42+s31+$0x0] =	vst.idx.msk $0xffff, v36;
	v36 =	vor.u32 v52, v18;
	v2 =	vld.idx.msk [tilespmem:v39+s5+$0x0], $0xffff  }
0x3a1: {  	v38 =	vor.u32 v52, v25;
	v37 =	vld.idx.msk [tilespmem:v37+s5+$0x0], $0xffff;
	v39 =	vadd.s32 v1, v17  }
0x3a2: {  	v44 =	vor.u32 v52, v26;
	v42 =	vld.idx.msk [tilespmem:v33+s5+$0x0], $0xffff;
	v43 =	vadd.s32 v1, v19  }
0x3a3: {  	[tilespmem:v54+s31+$0x0] =	vst.idx.msk $0xffff, v41;
	v35 =	vsel vm15, v45, v48;
	v45 =	vadd.s32 v1, v23  }
0x3a4: {  	v0 =	vld.idx.msk [tilespmem:v0+s5+$0x0], $0xffff  }
0x3a5: {  	v31 =	vsel vm15, v47, v46;
	v48 =	vadd.s32 v1, v24;
	v1 =	vld [tilespmem:$0x1FCC0];
	[tilespmem:v36+s31+$0x0] =	vst.idx.msk $0xffff, v2  }
0x3a6: {  	v33 =	vor.u32 v52, v40;
	v54 =	vcombine.low v35, v31;
	[tilespmem:v38+s31+$0x0] =	vst.idx.msk $0xffff, v37;
	v2 =	vld.idx.msk [tilespmem:v39+s5+$0x0], $0xffff  }
0x3a7: {  	[tilespmem:v44+s31+$0x0] =	vst.idx.msk $0xffff, v42;
	v41 =	vld.idx.msk [tilespmem:v43+s5+$0x0], $0xffff  }
0x3a8: {  	v36 =	vor.u32 v54, v18;
	v43 =	vld.idx.msk [tilespmem:v45+s5+$0x0], $0xffff  }
0x3a9: {  	v45 =	vor.u32 v54, v26;
	v39 =	vsel vm15, v53, v4;
	v4 =	vld [tilespmem:$0x1FCD0];
	_ =	sdelay $0x1  }
0x3aa: {  	v42 =	vor.u32 v54, v25;
	[tilespmem:v33+s31+$0x0] =	vst.idx.msk $0xffff, v0;
	v44 =	vadd.s32 v1, v17  }
0x3ab: {  	v37 =	vsel vm15, v60, v58;
	v47 =	vadd.s32 v1, v19;
	v33 =	vor.u32 v54, v40;
	v46 =	vld.idx.msk [tilespmem:v48+s5+$0x0], $0xffff  }
0x3ac: {  	v58 =	vadd.s32 v1, v23;
	v0 =	vcombine.low v39, v37;
	[tilespmem:v36+s31+$0x0] =	vst.idx.msk $0xffff, v2  }
0x3ad: {  	v2 =	vadd.s32 v1, v24;
	[tilespmem:v45+s31+$0x0] =	vst.idx.msk $0xffff, v43;
	v45 =	vadd.s32 v4, v17  }
0x3ae: {  	v48 =	vadd.s32 v4, v19;
	v1 =	vadd.s32 v4, v23;
	v60 =	vadd.s32 v4, v24;
	v4 =	vld [tilespmem:$0x1FCE0]  }
0x3af: {  	[tilespmem:v42+s31+$0x0] =	vst.idx.msk $0xffff, v41;
	v43 =	vor.u32 v0, v18;
	v42 =	vld.idx.msk [tilespmem:v44+s5+$0x0], $0xffff  }
0x3b0: {  	[tilespmem:v33+s31+$0x0] =	vst.idx.msk $0xffff, v46;
	v44 =	vld.idx.msk [tilespmem:v47+s5+$0x0], $0xffff;
	v46 =	vor.u32 v0, v25  }
0x3b1: {  	v53 =	vor.u32 v0, v26;
	v47 =	vld.idx.msk [tilespmem:v58+s5+$0x0], $0xffff;
	_ =	sdelay $0x1  }
0x3b2: {  	v36 =	vsel vm15, v12, v9;
	v41 =	vsel vm15, v7, v16;
	v33 =	vor.u32 v0, v40;
	v58 =	vld.idx.msk [tilespmem:v2+s5+$0x0], $0xffff  }
0x3b3: {  	v2 =	vcombine.low v41, v36;
	[tilespmem:v43+s31+$0x0] =	vst.idx.msk $0xffff, v42  }
0x3b4: {  	v3 =	vcombine.low v3, v11;
	[tilespmem:v46+s31+$0x0] =	vst.idx.msk $0xffff, v44;
	v42 =	vld.idx.msk [tilespmem:v45+s5+$0x0], $0xffff  }
0x3b5: {  	v11 =	vadd.s32 v4, v24;
	[tilespmem:v53+s31+$0x0] =	vst.idx.msk $0xffff, v47;
	v43 =	vor.u32 v2, v18;
	v44 =	vld.idx.msk [tilespmem:v48+s5+$0x0], $0xffff  }
0x3b6: {  	v45 =	vadd.s32 v4, v17;
	v46 =	vor.u32 v2, v25;
	v1 =	vld.idx.msk [tilespmem:v1+s5+$0x0], $0xffff;
	v47 =	vor.u32 v2, v26  }
0x3b7: {  	v48 =	vadd.s32 v4, v23;
	[tilespmem:v33+s31+$0x0] =	vst.idx.msk $0xffff, v58;
	v33 =	vadd.s32 v4, v19;
	v4 =	vld [tilespmem:$0x1FCF0];
	_ =	sdelay $0x1  }
0x3b8: {  	v38 =	vld.idx.msk [tilespmem:v60+s5+$0x0], $0xffff;
	v60 =	vor.u32 v2, v40  }
0x3b9: {  	[tilespmem:v43+s31+$0x0] =	vst.idx.msk $0xffff, v42  }
0x3ba: {  	v5 =	vcombine.low v5, v13;
	[tilespmem:v46+s31+$0x0] =	vst.idx.msk $0xffff, v44;
	v43 =	vor.u32 v3, v18;
	v42 =	vld.idx.msk [tilespmem:v45+s5+$0x0], $0xffff  }
0x3bb: {  	[tilespmem:v47+s31+$0x0] =	vst.idx.msk $0xffff, v1;
	v44 =	vor.u32 v3, v25;
	v1 =	vld.idx.msk [tilespmem:v33+s5+$0x0], $0xffff;
	v33 =	vadd.s32 v4, v17  }
0x3bc: {  	v45 =	vadd.s32 v4, v19;
	v47 =	vadd.s32 v4, v23;
	v13 =	vadd.s32 v4, v24;
	v4 =	vld [tilespmem:$0x1FD00]  }
0x3bd: {  	v46 =	vor.u32 v3, v26;
	[tilespmem:v60+s31+$0x0] =	vst.idx.msk $0xffff, v38;
	v38 =	vld.idx.msk [tilespmem:v48+s5+$0x0], $0xffff;
	_ =	sdelay $0x1  }
0x3be: {  	v60 =	vor.u32 v3, v40;
	v11 =	vld.idx.msk [tilespmem:v11+s5+$0x0], $0xffff  }
0x3bf: {  	[tilespmem:v43+s31+$0x0] =	vst.idx.msk $0xffff, v42  }
0x3c0: {  	v6 =	vcombine.low v6, v14;
	v43 =	vor.u32 v5, v25;
	[tilespmem:v44+s31+$0x0] =	vst.idx.msk $0xffff, v1;
	v1 =	vld.idx.msk [tilespmem:v33+s5+$0x0], $0xffff  }
0x3c1: {  	v33 =	vor.u32 v5, v18;
	v42 =	vadd.s32 v4, v17;
	[tilespmem:v46+s31+$0x0] =	vst.idx.msk $0xffff, v38;
	v38 =	vld.idx.msk [tilespmem:v45+s5+$0x0], $0xffff  }
0x3c2: {  	v44 =	vadd.s32 v4, v19;
	v14 =	vadd.s32 v4, v24;
	v46 =	vadd.s32 v4, v23;
	v4 =	vld [tilespmem:$0x1FD10]  }
0x3c3: {  	v45 =	vor.u32 v5, v26;
	[tilespmem:v60+s31+$0x0] =	vst.idx.msk $0xffff, v11;
	v11 =	vld.idx.msk [tilespmem:v47+s5+$0x0], $0xffff;
	_ =	sdelay $0x1  }
0x3c4: {  	v60 =	vor.u32 v5, v40;
	v13 =	vld.idx.msk [tilespmem:v13+s5+$0x0], $0xffff  }
0x3c5: {  	[tilespmem:v33+s31+$0x0] =	vst.idx.msk $0xffff, v1  }
0x3c6: {  	v10 =	vcombine.low v10, v27;
	v33 =	vor.u32 v6, v18;
	[tilespmem:v43+s31+$0x0] =	vst.idx.msk $0xffff, v38;
	v1 =	vld.idx.msk [tilespmem:v42+s5+$0x0], $0xffff  }
0x3c7: {  	v38 =	vadd.s32 v4, v17;
	v42 =	vor.u32 v6, v25;
	[tilespmem:v45+s31+$0x0] =	vst.idx.msk $0xffff, v11;
	v11 =	vld.idx.msk [tilespmem:v44+s5+$0x0], $0xffff  }
0x3c8: {  	v43 =	vadd.s32 v4, v19;
	v27 =	vadd.s32 v4, v24;
	v45 =	vadd.s32 v4, v23;
	v4 =	vld [tilespmem:$0x1FD20]  }
0x3c9: {  	v44 =	vor.u32 v6, v26;
	[tilespmem:v60+s31+$0x0] =	vst.idx.msk $0xffff, v13;
	v13 =	vld.idx.msk [tilespmem:v46+s5+$0x0], $0xffff  }
0x3ca: {  	v60 =	vor.u32 v6, v40;
	v14 =	vld.idx.msk [tilespmem:v14+s5+$0x0], $0xffff;
	_ =	sdelay $0x1  }
0x3cb: {  	v53 =	vld [tilespmem:$0x1FEC0];
	[tilespmem:v33+s31+$0x0] =	vst.idx.msk $0xffff, v1  }
0x3cc: {  	[tilespmem:v42+s31+$0x0] =	vst.idx.msk $0xffff, v11;
	v1 =	vld.idx.msk [tilespmem:v38+s5+$0x0], $0xffff  }
0x3cd: {  	v33 =	vor.u32 v10, v18;
	v38 =	vadd.s32 v4, v17;
	[tilespmem:v44+s31+$0x0] =	vst.idx.msk $0xffff, v13;
	v13 =	vld.idx.msk [tilespmem:v43+s5+$0x0], $0xffff  }
0x3ce: {  	v42 =	vor.u32 v10, v25;
	v43 =	vadd.s32 v4, v19;
	[tilespmem:v60+s31+$0x0] =	vst.idx.msk $0xffff, v14;
	v14 =	vld.idx.msk [tilespmem:v45+s5+$0x0], $0xffff  }
0x3cf: {  	v44 =	vor.u32 v10, v26;
	v45 =	vadd.s32 v4, v23;
	v60 =	vadd.s32 v4, v24;
	v4 =	vld [tilespmem:$0x1FD30]  }
0x3d0: {  	v48 =	vld [tilespmem:$0x1FEB0]  }
0x3d1: {  	v46 =	vor.u32 v10, v40;
	v11 =	vcombine.low v32, v34;
	v27 =	vld.idx.msk [tilespmem:v27+s5+$0x0], $0xffff  }
0x3d2: {  	v47 =	vld [tilespmem:$0x1FEA0];
	[tilespmem:v33+s31+$0x0] =	vst.idx.msk $0xffff, v1  }
0x3d3: {  	v33 =	vor.u32 v11, v18;
	[tilespmem:v42+s31+$0x0] =	vst.idx.msk $0xffff, v13;
	v1 =	vld.idx.msk [tilespmem:v38+s5+$0x0], $0xffff;
	v38 =	vor.u32 v11, v25  }
0x3d4: {  	v13 =	vcombine.low v31, v35;
	[tilespmem:v44+s31+$0x0] =	vst.idx.msk $0xffff, v14;
	v14 =	vld.idx.msk [tilespmem:v43+s5+$0x0], $0xffff;
	v34 =	vadd.s32 v4, v17  }
0x3d5: {  	v42 =	vadd.s32 v4, v19;
	v44 =	vadd.s32 v4, v23;
	v31 =	vadd.s32 v4, v24;
	v4 =	vld [tilespmem:$0x1FD40]  }
0x3d6: {  	v43 =	vor.u32 v11, v26;
	[tilespmem:v46+s31+$0x0] =	vst.idx.msk $0xffff, v27;
	v27 =	vld.idx.msk [tilespmem:v45+s5+$0x0], $0xffff  }
0x3d7: {  	v32 =	vld.idx.msk [tilespmem:v60+s5+$0x0], $0xffff;
	v60 =	vor.u32 v11, v40  }
0x3d8: {  	v46 =	vld [tilespmem:$0x1FE90]  }
0x3d9: {  	v45 =	vld [tilespmem:$0x1FE80];
	[tilespmem:v33+s31+$0x0] =	vst.idx.msk $0xffff, v1  }
0x3da: {  	v33 =	vor.u32 v13, v18;
	[tilespmem:v38+s31+$0x0] =	vst.idx.msk $0xffff, v14;
	v1 =	vld.idx.msk [tilespmem:v34+s5+$0x0], $0xffff  }
0x3db: {  	v35 =	vor.u32 v13, v25;
	v34 =	vadd.s32 v4, v17;
	[tilespmem:v43+s31+$0x0] =	vst.idx.msk $0xffff, v27;
	v27 =	vld.idx.msk [tilespmem:v42+s5+$0x0], $0xffff  }
0x3dc: {  	v42 =	vor.u32 v13, v26;
	[tilespmem:v60+s31+$0x0] =	vst.idx.msk $0xffff, v32;
	v32 =	vld.idx.msk [tilespmem:v44+s5+$0x0], $0xffff  }
0x3dd: {  	v38 =	vadd.s32 v4, v19;
	v14 =	vcombine.low v37, v39;
	v39 =	vld [tilespmem:$0x1FF80]  }
0x3de: {  	v43 =	vadd.s32 v4, v23;
	v60 =	vadd.s32 v4, v24;
	v4 =	vld [tilespmem:$0x1FD50]  }
0x3df: {  	v31 =	vld.idx.msk [tilespmem:v31+s5+$0x0], $0xffff;
	[tilespmem:v33+s31+$0x0] =	vst.idx.msk $0xffff, v1  }
0x3e0: {  	[tilespmem:v35+s31+$0x0] =	vst.idx.msk $0xffff, v27;
	v1 =	vld.idx.msk [tilespmem:v34+s5+$0x0], $0xffff  }
0x3e1: {  	v44 =	vor.u32 v13, v40;
	[tilespmem:v42+s31+$0x0] =	vst.idx.msk $0xffff, v32;
	v42 =	vld [tilespmem:$0x1FEE0]  }
0x3e2: {  	v33 =	vld.idx.msk [tilespmem:v38+s5+$0x0], $0xffff  }
0x3e3: {  	v32 =	vadd.s32 v4, v17;
	v17 =	vcombine.low v36, v41;
	v36 =	vld [tilespmem:$0x1FF50]  }
0x3e4: {  	v41 =	vld [tilespmem:$0x1FED0]  }
0x3e5: {  	v34 =	vor.u32 v14, v25;
	v38 =	vld [tilespmem:$0x1FF70]  }
0x3e6: {  	v27 =	vor.u32 v14, v18;
	[tilespmem:v44+s31+$0x0] =	vst.idx.msk $0xffff, v31;
	v44 =	vld [tilespmem:$0x1FE70]  }
0x3e7: {  	v31 =	vld.idx.msk [tilespmem:v43+s5+$0x0], $0xffff  }
0x3e8: {  	v35 =	vor.u32 v14, v26;
	v19 =	vadd.s32 v4, v19;
	v43 =	vld [tilespmem:$0x1FE60]  }
0x3e9: {  	v23 =	vadd.s32 v4, v23;
	v37 =	vld.idx.msk [tilespmem:v60+s5+$0x0], $0xffff;
	v60 =	vor.u32 v14, v40  }
0x3ea: {  	v24 =	vadd.s32 v4, v24;
	[tilespmem:v34+s31+$0x0] =	vst.idx.msk $0xffff, v33;
	v34 =	vld [tilespmem:$0x1FF30]  }
0x3eb: {  	[tilespmem:v27+s31+$0x0] =	vst.idx.msk $0xffff, v1;
	v33 =	vld [tilespmem:$0x1FF20]  }
0x3ec: {  	v18 =	vor.u32 v17, v18;
	v1 =	vld.idx.msk [tilespmem:v32+s5+$0x0], $0xffff  }
0x3ed: {  	v25 =	vor.u32 v17, v25;
	[tilespmem:v35+s31+$0x0] =	vst.idx.msk $0xffff, v31;
	v19 =	vld.idx.msk [tilespmem:v19+s5+$0x0], $0xffff  }
0x3ee: {  	s8 =	sadd.s32 $0x4, s8;
	v26 =	vor.u32 v17, v26;
	[tilespmem:v60+s31+$0x0] =	vst.idx.msk $0xffff, v37;
	v23 =	vld.idx.msk [tilespmem:v23+s5+$0x0], $0xffff  }
0x3ef: {  	p2 =	slt.u32 s8, $0x14;
	v27 =	vor.u32 v17, v40;
	v24 =	vld.idx.msk [tilespmem:v24+s5+$0x0], $0xffff  }
.Ltmp5:
0x3f0: {  	v32 =	vld [tilespmem:$0x1FF10];
	(pc) =	sbr.rel @p2 .LBB2_3-.Ltmp5, $4  }
0x3f1: {  	v35 =	vld [tilespmem:$0x1FF40];
	[tilespmem:v18+s31+$0x0] =	vst.idx.msk $0xffff, v1  }
0x3f2: {  	v31 =	vld [tilespmem:$0x1FF00];
	[tilespmem:v25+s31+$0x0] =	vst.idx.msk $0xffff, v19  }
0x3f3: {  	v37 =	vld [tilespmem:$0x1FF60];
	[tilespmem:v26+s31+$0x0] =	vst.idx.msk $0xffff, v23  }
0x3f4: {  	s10 =	sadd.s32 $0x40, s10;
	s9 =	sadd.s32 $0x20, s9;
	v58 =	vlaneseq.u32;
	[tilespmem:v27+s31+$0x0] =	vst.idx.msk $0xffff, v24;
	v27 =	vld [tilespmem:$0x1FEF0]  }
0x3f5: {  	s8 =	smul.u32 $0xC00, s7;
	s9 =	sadd.s32 s16, s30  }
0x3f6: {  	p2 =	sgt.u32 s9, $0xA2B  }
0x3f7: {  	s8 =	sadd.s32 s4, s8;
	s9 =	smul.u32 @!p2 $0xC00, s9  }
0x3f8: {  	[hbm4b:s8+s5] =	stream.linear.scatter [tilespmem:s31], [sflag:$0x2], $0x6000, $0x38;
	[tilespmem:$0x1C000] =	vst v63  }
0x3f9: {  	s10 =	simm.s32 @!p2 $0x7A1400;
	s8 =	sshrl.u32 @!p2 s9, $0x3  }
0x3fa: {  	s11 =	simm.s32 @!p2 $0x0;
	s9 =	simm.s32 @!p2 $0xC00;
	s8 =	sadd.s32 @!p2 s1, s8  }
0x3fb: {  	[tilespmem:s11], [sflag:$0x1] =	stream.strided.gather @!p2 [hbm4b:s8+s9], $0x1800, s10, s9, $0x38;
	[tilespmem:$0x1C000] =	vst v63  }
0x3fc: {  	s12 =	simm.s32 @!p2 $0x1800;
	s11 =	sadd.s32 @!p2 $0x1E8500, s8  }
0x3fd: {  	[tilespmem:s12], [sflag:$0x1] =	stream.strided.gather @!p2 [hbm4b:s11+s9], $0x1800, s10, s9, $0x38;
	[tilespmem:$0x1C000] =	vst v63  }
0x3fe: {  	s11 =	sadd.s32 @!p2 $0x3D0A00, s8;
	s12 =	simm.s32 @!p2 $0x3000  }
0x3ff: {  	[tilespmem:s12], [sflag:$0x1] =	stream.strided.gather @!p2 [hbm4b:s11+s9], $0x1800, s10, s9, $0x38;
	[tilespmem:$0x1C000] =	vst v63  }
0x400: {  	s7 =	sor.u32 $0x20, s7;
	s8 =	sadd.s32 @!p2 $0x5B8F00, s8;
	s11 =	simm.s32 @!p2 $0x4800  }
0x401: {  	[tilespmem:s11], [sflag:$0x1] =	stream.strided.gather @!p2 [hbm4b:s8+s9], $0x1800, s10, s9, $0x38;
	[tilespmem:$0x1C000] =	vst v63  }
0x402: {  	p2 =	sgt.u32 s7, $0xA2B  }
.Ltmp6:
0x403: {  	[tilespmem:$0x1F480] =	vst v63;
	(pc) =	sbr.rel @p2 .LBB2_8-.Ltmp6, $4  }
0x404: {  	[tilespmem:$0x1F490] =	vst v61;
	v40 =	vmov v20;
	v20 =	vld [tilespmem:$0x1F5F0]  }
0x405: {  	[tilespmem:$0x1F4A0] =	vst v59;
	v16 =	vld [tilespmem:$0x1F5E0]  }
0x406: {  	[tilespmem:$0x1F4B0] =	vst v62;
	v12 =	vld [tilespmem:$0x1F5D0]  }
0x407: {  	[tilespmem:$0x1F4C0] =	vst v55;
	v9 =	vld [tilespmem:$0x1F5C0]  }
0x408: {  	_ =	swait.ge [sflag:s19], $0x6000  }
0x409: {  	[sflag:s19] =	ssyncset.done $0x0  }
0x40a: {  	[sflag:s19] =	ssyncadd.s32 $0xFFFFA000  }
0x40b: {  	_ =	swait.ge [sflag:s23], $0x1800  }
0x40c: {  	[sflag:s23] =	ssyncset.done $0x0  }
0x40d: {  	[sflag:s23] =	ssyncadd.s32 $0xFFFFE800  }
0x40e: {  	_ =	swait.ge [sflag:s23], $0x1800  }
0x40f: {  	[sflag:s23] =	ssyncset.done $0x0  }
0x410: {  	[sflag:s23] =	ssyncadd.s32 $0xFFFFE800  }
0x411: {  	_ =	swait.ge [sflag:s23], $0x1800  }
0x412: {  	[sflag:s23] =	ssyncset.done $0x0  }
0x413: {  	[sflag:s23] =	ssyncadd.s32 $0xFFFFE800  }
0x414: {  	_ =	swait.ge [sflag:s23], $0x1800  }
0x415: {  	v55 =	vmov v28;
	v28 =	vmov v30;
	v30 =	vmov v49;
	v49 =	vld [tilespmem:$0x1F4C0]  }
0x416: {  	v62 =	vmovc v57;
	v57 =	vmovc v56;
	v56 =	vmov v29;
	v29 =	vmov v50;
	v50 =	vmov v51;
	v51 =	vld [tilespmem:$0x1F4B0]  }
0x417: {  	v59 =	vld [tilespmem:$0x1F4A0]  }
0x418: {  	s8 =	simm.s32 $0xFFFFFFFC;
	v61 =	vmovc v8;
	v8 =	vmov v15;
	v15 =	vmov v21;
	v7 =	vmov v9;
	[sflag:s23] =	ssyncset.done $0x0;
	v21 =	vld [tilespmem:$0x1F490]  }
0x419: {  	s9 =	simm.s32 $0x18;
	s10 =	simm.s32 $0x30;
	v9 =	vmovc v12;
	v12 =	vmovc v16;
	v16 =	vmov v20;
	v20 =	vmov v22;
	v22 =	vmov v40;
	v63 =	vld [tilespmem:$0x1F480];
	[sflag:s23] =	ssyncadd.s32 $0xFFFFE800  }
.LBB2_6:
0x41a: {  	s11 =	sadd.s32 $0xFFFFFFD0, s10  }
0x41b: {  	v1 =	vmov s11  }
0x41c: {  	v18 =	vor.u32 s11, v58;
	v1 =	vshll.u32 v1, $0x3  }
0x41d: {  	v18 =	vand.u32 $0x4F, v18;
	v1 =	vand.u32 $0xC00, v1  }
0x41e: {  	v19 =	vor.u32 v18, v1  }
0x41f: {  	v1 =	vadd.s32 v43, v19  }
0x420: {  	s12 =	sadd.s32 $0xFFFFFFE8, s9  }
0x421: {  	v18 =	vmov s12  }
0x422: {  	v18 =	vshll.u32 v18, $0x7  }
0x423: {  	v18 =	vor.u32 v44, v18  }
0x424: {  	v23 =	vor.u32 v45, v18;
	v1 =	vld.idx.msk [tilespmem:v1+s26+$0x0], $0xffff  }
0x425: {  	v24 =	vadd.s32 v46, v19;
	_ =	sdelay $0x3  }
0x426: {  	[tilespmem:v23+s3+$0x0] =	vst.idx.msk $0xffff, v1  }
0x427: {  	v23 =	vor.u32 v47, v18;
	v1 =	vld.idx.msk [tilespmem:v24+s26+$0x0], $0xffff  }
0x428: {  	v24 =	vadd.s32 v48, v19;
	_ =	sdelay $0x3  }
0x429: {  	[tilespmem:v23+s3+$0x0] =	vst.idx.msk $0xffff, v1  }
0x42a: {  	v23 =	vor.u32 v53, v18;
	v1 =	vld.idx.msk [tilespmem:v24+s26+$0x0], $0xffff  }
0x42b: {  	v24 =	vadd.s32 v41, v19;
	_ =	sdelay $0x3  }
0x42c: {  	[tilespmem:v23+s3+$0x0] =	vst.idx.msk $0xffff, v1  }
0x42d: {  	v23 =	vor.u32 v42, v18;
	v1 =	vld.idx.msk [tilespmem:v24+s26+$0x0], $0xffff  }
0x42e: {  	v24 =	vadd.s32 v27, v19;
	_ =	sdelay $0x3  }
0x42f: {  	[tilespmem:v23+s3+$0x0] =	vst.idx.msk $0xffff, v1  }
0x430: {  	v1 =	vld.idx.msk [tilespmem:v24+s26+$0x0], $0xffff;
	v24 =	vor.u32 v31, v18  }
0x431: {  	v25 =	vadd.s32 v32, v19  }
0x432: {  	s12 =	sadd.s32 $0xFFFFFFE0, s10  }
0x433: {  	v26 =	vor.u32 s12, v58;
	v23 =	vmov s12  }
0x434: {  	v26 =	vand.u32 $0x5F, v26;
	s12 =	sadd.s32 $0xFFFFFFF0, s10;
	v23 =	vshll.u32 v23, $0x3  }
0x435: {  	v27 =	vor.u32 v33, v18;
	v23 =	vand.u32 $0xC00, v23;
	[tilespmem:v24+s3+$0x0] =	vst.idx.msk $0xffff, v1;
	v24 =	vmov s12  }
0x436: {  	v23 =	vor.u32 v26, v23;
	v26 =	vor.u32 s12, v58;
	v32 =	vld.idx.msk [tilespmem:v25+s26+$0x0], $0xffff;
	v24 =	vshll.u32 v24, $0x3  }
0x437: {  	v25 =	vand.u32 $0x6F, v26;
	v26 =	vmov s10;
	v24 =	vand.u32 $0xC00, v24  }
0x438: {  	v36 =	vor.u32 s10, v58;
	v26 =	vshll.u32 v26, $0x3;
	v24 =	vor.u32 v25, v24  }
0x439: {  	s12 =	sadd.s32 $0xFFFFFFF0, s9;
	v25 =	vand.u32 $0x7F, v36;
	v26 =	vand.u32 $0xC00, v26;
	v37 =	vadd.s32 v43, v24  }
0x43a: {  	v1 =	vadd.s32 v43, v23;
	v25 =	vor.u32 v25, v26;
	v26 =	vmov s12;
	s12 =	sadd.s32 $0xFFFFFFF8, s9  }
0x43b: {  	v31 =	vadd.s32 v34, v19;
	v34 =	vadd.s32 v43, v25;
	[tilespmem:v27+s3+$0x0] =	vst.idx.msk $0xffff, v32;
	v27 =	vmov s12  }
0x43c: {  	v27 =	vshll.u32 v27, $0x7  }
0x43d: {  	v38 =	vmov s9;
	v26 =	vshll.u32 v26, $0x7;
	v40 =	vor.u32 v44, v27  }
0x43e: {  	v26 =	vor.u32 v44, v26;
	v27 =	vshll.u32 v38, $0x7;
	v33 =	vld.idx.msk [tilespmem:v37+s26+$0x0], $0xffff;
	v36 =	vor.u32 v45, v40  }
0x43f: {  	v1 =	vld.idx.msk [tilespmem:v1+s26+$0x0], $0xffff;
	v35 =	vor.u32 v45, v26;
	v27 =	vor.u32 v44, v27;
	v37 =	vadd.s32 v46, v24  }
0x440: {  	v60 =	vadd.s32 v46, v23;
	v34 =	vld.idx.msk [tilespmem:v34+s26+$0x0], $0xffff;
	v38 =	vor.u32 v45, v27  }
0x441: {  	v39 =	vadd.s32 v46, v25;
	_ =	sdelay $0x1  }
0x442: {  	[tilespmem:v36+s3+$0x0] =	vst.idx.msk $0xffff, v33  }
0x443: {  	[tilespmem:v35+s3+$0x0] =	vst.idx.msk $0xffff, v1;
	v36 =	vor.u32 v47, v40;
	v35 =	vld.idx.msk [tilespmem:v37+s26+$0x0], $0xffff  }
0x444: {  	v32 =	vor.u32 v47, v26;
	v1 =	vld.idx.msk [tilespmem:v60+s26+$0x0], $0xffff;
	v60 =	vadd.s32 v48, v24;
	[tilespmem:v38+s3+$0x0] =	vst.idx.msk $0xffff, v34  }
0x445: {  	v33 =	vadd.s32 v48, v23;
	v38 =	vor.u32 v47, v27;
	v37 =	vld.idx.msk [tilespmem:v39+s26+$0x0], $0xffff  }
0x446: {  	v39 =	vadd.s32 v48, v25;
	_ =	sdelay $0x1  }
0x447: {  	[tilespmem:v36+s3+$0x0] =	vst.idx.msk $0xffff, v35  }
0x448: {  	[tilespmem:v32+s3+$0x0] =	vst.idx.msk $0xffff, v1;
	v34 =	vld.idx.msk [tilespmem:v60+s26+$0x0], $0xffff;
	v60 =	vor.u32 v53, v40  }
0x449: {  	v32 =	vor.u32 v53, v26;
	v1 =	vld.idx.msk [tilespmem:v33+s26+$0x0], $0xffff;
	[tilespmem:v38+s3+$0x0] =	vst.idx.msk $0xffff, v37  }
0x44a: {  	v38 =	vor.u32 v53, v27;
	v37 =	vld.idx.msk [tilespmem:v39+s26+$0x0], $0xffff  }
0x44b: {  	v33 =	vadd.s32 v41, v23  }
0x44c: {  	v36 =	vadd.s32 v41, v24  }
0x44d: {  	v39 =	vadd.s32 v41, v25;
	[tilespmem:v60+s3+$0x0] =	vst.idx.msk $0xffff, v34;
	v60 =	vld [tilespmem:$0x1FEF0]  }
0x44e: {  	v35 =	vor.u32 v42, v40;
	v41 =	vld [tilespmem:$0x1FEF0];
	[tilespmem:v32+s3+$0x0] =	vst.idx.msk $0xffff, v1  }
0x44f: {  	v32 =	vor.u32 v42, v26;
	[tilespmem:v38+s3+$0x0] =	vst.idx.msk $0xffff, v37;
	v38 =	vor.u32 v42, v27;
	v42 =	vld [tilespmem:$0x1FEF0]  }
0x450: {  	v1 =	vld.idx.msk [tilespmem:v33+s26+$0x0], $0xffff  }
0x451: {  	v34 =	vld.idx.msk [tilespmem:v36+s26+$0x0], $0xffff  }
0x452: {  	v37 =	vld.idx.msk [tilespmem:v39+s26+$0x0], $0xffff;
	v33 =	vadd.s32 v60, v23  }
0x453: {  	v60 =	vld [tilespmem:$0x1FF00]  }
0x454: {  	v39 =	vadd.s32 v42, v25;
	v42 =	vld [tilespmem:$0x1FF00]  }
0x455: {  	v36 =	vadd.s32 v41, v24;
	v41 =	vld [tilespmem:$0x1FF10]  }
0x456: {  	[tilespmem:v32+s3+$0x0] =	vst.idx.msk $0xffff, v1  }
0x457: {  	v1 =	vld.idx.msk [tilespmem:v33+s26+$0x0], $0xffff  }
0x458: {  	v32 =	vor.u32 v60, v26;
	v60 =	vld [tilespmem:$0x1FF10]  }
0x459: {  	[tilespmem:v35+s3+$0x0] =	vst.idx.msk $0xffff, v34;
	v35 =	vor.u32 v42, v40;
	v42 =	vld [tilespmem:$0x1FF10]  }
0x45a: {  	v33 =	vadd.s32 v41, v23;
	v41 =	vld [tilespmem:$0x1FF00]  }
0x45b: {  	v34 =	vld.idx.msk [tilespmem:v36+s26+$0x0], $0xffff;
	[tilespmem:v38+s3+$0x0] =	vst.idx.msk $0xffff, v37  }
0x45c: {  	v37 =	vld.idx.msk [tilespmem:v39+s26+$0x0], $0xffff  }
0x45d: {  	v36 =	vadd.s32 v60, v24;
	v60 =	vld [tilespmem:$0x1FF20]  }
0x45e: {  	v39 =	vadd.s32 v42, v25;
	v42 =	vld [tilespmem:$0x1FF20]  }
0x45f: {  	v38 =	vor.u32 v41, v27;
	v41 =	vld [tilespmem:$0x1FF30]  }
0x460: {  	[tilespmem:v32+s3+$0x0] =	vst.idx.msk $0xffff, v1  }
0x461: {  	v1 =	vld.idx.msk [tilespmem:v33+s26+$0x0], $0xffff  }
0x462: {  	v32 =	vor.u32 v60, v26;
	v60 =	vld [tilespmem:$0x1FF30]  }
0x463: {  	[tilespmem:v35+s3+$0x0] =	vst.idx.msk $0xffff, v34;
	v35 =	vor.u32 v42, v40;
	v42 =	vld [tilespmem:$0x1FF30]  }
0x464: {  	v33 =	vadd.s32 v41, v23;
	v41 =	vld [tilespmem:$0x1FF20];
	_ =	sdelay $0x1  }
0x465: {  	v34 =	vld.idx.msk [tilespmem:v36+s26+$0x0], $0xffff;
	[tilespmem:v38+s3+$0x0] =	vst.idx.msk $0xffff, v37  }
0x466: {  	v37 =	vld.idx.msk [tilespmem:v39+s26+$0x0], $0xffff  }
0x467: {  	v39 =	vadd.s32 v42, v25;
	v42 =	vld [tilespmem:$0x1FF40]  }
0x468: {  	v36 =	vadd.s32 v60, v24;
	v38 =	vor.u32 v41, v27;
	v60 =	vld [tilespmem:$0x1FF50];
	_ =	sdelay $0x1  }
0x469: {  	v4 =	vld [tilespmem:$0x1FE50]  }
0x46a: {  	v31 =	vld.idx.msk [tilespmem:v31+s26+$0x0], $0xffff;
	[tilespmem:v32+s3+$0x0] =	vst.idx.msk $0xffff, v1  }
0x46b: {  	v32 =	vld.idx.msk [tilespmem:v33+s26+$0x0], $0xffff;
	[tilespmem:v35+s3+$0x0] =	vst.idx.msk $0xffff, v34;
	v41 =	vor.u32 v42, v18  }
0x46c: {  	v1 =	vadd.s32 v60, v19;
	v35 =	vld.idx.msk [tilespmem:v36+s26+$0x0], $0xffff;
	[tilespmem:v38+s3+$0x0] =	vst.idx.msk $0xffff, v37;
	v33 =	vor.u32 v42, v26  }
0x46d: {  	v34 =	vadd.s32 v60, v23;
	v36 =	vor.u32 v42, v40;
	v38 =	vld.idx.msk [tilespmem:v39+s26+$0x0], $0xffff  }
0x46e: {  	v37 =	vadd.s32 v60, v24;
	v39 =	vor.u32 v42, v27;
	v42 =	vadd.s32 v60, v25;
	v60 =	vld [tilespmem:$0x1FF80];
	_ =	sdelay $0x1  }
0x46f: {  	[tilespmem:v41+s3+$0x0] =	vst.idx.msk $0xffff, v31  }
0x470: {  	[tilespmem:v33+s3+$0x0] =	vst.idx.msk $0xffff, v32;
	v1 =	vld.idx.msk [tilespmem:v1+s26+$0x0], $0xffff  }
0x471: {  	v31 =	vor.u32 v4, v18;
	[tilespmem:v36+s3+$0x0] =	vst.idx.msk $0xffff, v35;
	v33 =	vld.idx.msk [tilespmem:v34+s26+$0x0], $0xffff  }
0x472: {  	v32 =	vadd.s32 v60, v19;
	[tilespmem:v39+s3+$0x0] =	vst.idx.msk $0xffff, v38;
	v34 =	vor.u32 v4, v26;
	v36 =	vld.idx.msk [tilespmem:v37+s26+$0x0], $0xffff  }
0x473: {  	v35 =	vadd.s32 v60, v23;
	v37 =	vor.u32 v4, v40;
	v39 =	vld.idx.msk [tilespmem:v42+s26+$0x0], $0xffff  }
0x474: {  	v38 =	vadd.s32 v60, v24;
	v41 =	vor.u32 v4, v27;
	v42 =	vadd.s32 v60, v25;
	v60 =	vld [tilespmem:$0x1F670]  }
0x475: {  	v4 =	vld [tilespmem:$0x1F680]  }
0x476: {  	[tilespmem:v31+s3+$0x0] =	vst.idx.msk $0xffff, v1  }
0x477: {  	[tilespmem:v34+s3+$0x0] =	vst.idx.msk $0xffff, v33;
	v1 =	vld.idx.msk [tilespmem:v32+s26+$0x0], $0xffff  }
0x478: {  	[tilespmem:v37+s3+$0x0] =	vst.idx.msk $0xffff, v36;
	v33 =	vld.idx.msk [tilespmem:v35+s26+$0x0], $0xffff  }
0x479: {  	v31 =	vor.u32 v60, v18;
	[tilespmem:v41+s3+$0x0] =	vst.idx.msk $0xffff, v39;
	v36 =	vld.idx.msk [tilespmem:v38+s26+$0x0], $0xffff  }
0x47a: {  	v34 =	vor.u32 v60, v26;
	v37 =	vor.u32 v60, v40;
	v32 =	vadd.s32 v4, v19;
	v39 =	vld.idx.msk [tilespmem:v42+s26+$0x0], $0xffff  }
0x47b: {  	v35 =	vadd.s32 v4, v23;
	v38 =	vadd.s32 v4, v24;
	v42 =	vadd.s32 v4, v25;
	v4 =	vld [tilespmem:$0x1F690]  }
0x47c: {  	v41 =	vor.u32 v60, v27;
	_ =	sdelay $0x1  }
0x47d: {  	[tilespmem:v31+s3+$0x0] =	vst.idx.msk $0xffff, v1  }
0x47e: {  	[tilespmem:v34+s3+$0x0] =	vst.idx.msk $0xffff, v33  }
0x47f: {  	v60 =	vld [tilespmem:$0x1F6A0];
	v31 =	vor.u32 v4, v18;
	v34 =	vor.u32 v4, v26;
	[tilespmem:v37+s3+$0x0] =	vst.idx.msk $0xffff, v36  }
0x480: {  	v37 =	vor.u32 v4, v40;
	[tilespmem:v41+s3+$0x0] =	vst.idx.msk $0xffff, v39;
	v41 =	vor.u32 v4, v27;
	v4 =	vld [tilespmem:$0x1F6B0]  }
0x481: {  	v1 =	vld.idx.msk [tilespmem:v32+s26+$0x0], $0xffff  }
0x482: {  	v33 =	vld.idx.msk [tilespmem:v35+s26+$0x0], $0xffff  }
0x483: {  	v36 =	vld.idx.msk [tilespmem:v38+s26+$0x0], $0xffff  }
0x484: {  	v39 =	vld.idx.msk [tilespmem:v42+s26+$0x0], $0xffff  }
0x485: {  	v32 =	vadd.s32 v60, v19  }
0x486: {  	v35 =	vadd.s32 v60, v23;
	[tilespmem:v31+s3+$0x0] =	vst.idx.msk $0xffff, v1  }
0x487: {  	v38 =	vadd.s32 v60, v24;
	v42 =	vadd.s32 v60, v25;
	v60 =	vld [tilespmem:$0x1F6C0];
	[tilespmem:v34+s3+$0x0] =	vst.idx.msk $0xffff, v33  }
0x488: {  	v31 =	vor.u32 v4, v18;
	v34 =	vor.u32 v4, v26;
	[tilespmem:v37+s3+$0x0] =	vst.idx.msk $0xffff, v36  }
0x489: {  	v37 =	vor.u32 v4, v40;
	[tilespmem:v41+s3+$0x0] =	vst.idx.msk $0xffff, v39;
	v41 =	vor.u32 v4, v27;
	v4 =	vld [tilespmem:$0x1F6D0]  }
0x48a: {  	v1 =	vld.idx.msk [tilespmem:v32+s26+$0x0], $0xffff  }
0x48b: {  	v33 =	vld.idx.msk [tilespmem:v35+s26+$0x0], $0xffff  }
0x48c: {  	v32 =	vadd.s32 v60, v19;
	v36 =	vld.idx.msk [tilespmem:v38+s26+$0x0], $0xffff  }
0x48d: {  	v35 =	vadd.s32 v60, v23;
	v39 =	vld.idx.msk [tilespmem:v42+s26+$0x0], $0xffff  }
0x48e: {  	v38 =	vadd.s32 v60, v24;
	v42 =	vadd.s32 v60, v25;
	v60 =	vld [tilespmem:$0x1F6E0];
	_ =	sdelay $0x1  }
0x48f: {  	[tilespmem:v31+s3+$0x0] =	vst.idx.msk $0xffff, v1  }
0x490: {  	[tilespmem:v34+s3+$0x0] =	vst.idx.msk $0xffff, v33;
	v1 =	vld.idx.msk [tilespmem:v32+s26+$0x0], $0xffff  }
0x491: {  	v31 =	vor.u32 v4, v18;
	v33 =	vld.idx.msk [tilespmem:v35+s26+$0x0], $0xffff;
	[tilespmem:v37+s3+$0x0] =	vst.idx.msk $0xffff, v36  }
0x492: {  	v34 =	vor.u32 v4, v26;
	v32 =	vadd.s32 v60, v19;
	v35 =	vadd.s32 v60, v23;
	v36 =	vld.idx.msk [tilespmem:v38+s26+$0x0], $0xffff  }
0x493: {  	v37 =	vor.u32 v4, v40;
	[tilespmem:v41+s3+$0x0] =	vst.idx.msk $0xffff, v39;
	v41 =	vor.u32 v4, v27;
	v4 =	vld [tilespmem:$0x1F6F0]  }
0x494: {  	v39 =	vld.idx.msk [tilespmem:v42+s26+$0x0], $0xffff  }
0x495: {  	v38 =	vadd.s32 v60, v24  }
0x496: {  	v42 =	vadd.s32 v60, v25;
	v60 =	vld [tilespmem:$0x1F700];
	[tilespmem:v31+s3+$0x0] =	vst.idx.msk $0xffff, v1  }
0x497: {  	[tilespmem:v34+s3+$0x0] =	vst.idx.msk $0xffff, v33;
	v1 =	vld.idx.msk [tilespmem:v32+s26+$0x0], $0xffff  }
0x498: {  	v31 =	vor.u32 v4, v18;
	v33 =	vld.idx.msk [tilespmem:v35+s26+$0x0], $0xffff;
	v34 =	vor.u32 v4, v26;
	[tilespmem:v37+s3+$0x0] =	vst.idx.msk $0xffff, v36  }
0x499: {  	v37 =	vor.u32 v4, v40;
	[tilespmem:v41+s3+$0x0] =	vst.idx.msk $0xffff, v39;
	v41 =	vor.u32 v4, v27;
	v4 =	vld [tilespmem:$0x1F710]  }
0x49a: {  	v36 =	vld.idx.msk [tilespmem:v38+s26+$0x0], $0xffff  }
0x49b: {  	v32 =	vadd.s32 v60, v19;
	v39 =	vld.idx.msk [tilespmem:v42+s26+$0x0], $0xffff  }
0x49c: {  	v35 =	vadd.s32 v60, v23;
	v38 =	vadd.s32 v60, v24;
	v42 =	vadd.s32 v60, v25;
	v60 =	vld [tilespmem:$0x1F720];
	_ =	sdelay $0x2  }
0x49d: {  	[tilespmem:v31+s3+$0x0] =	vst.idx.msk $0xffff, v1  }
0x49e: {  	v31 =	vor.u32 v4, v18;
	[tilespmem:v34+s3+$0x0] =	vst.idx.msk $0xffff, v33;
	v1 =	vld.idx.msk [tilespmem:v32+s26+$0x0], $0xffff  }
0x49f: {  	v34 =	vor.u32 v4, v26;
	v32 =	vadd.s32 v60, v19;
	v33 =	vld.idx.msk [tilespmem:v35+s26+$0x0], $0xffff;
	[tilespmem:v37+s3+$0x0] =	vst.idx.msk $0xffff, v36  }
0x4a0: {  	v37 =	vor.u32 v4, v40;
	[tilespmem:v41+s3+$0x0] =	vst.idx.msk $0xffff, v39;
	v41 =	vor.u32 v4, v27;
	v4 =	vld [tilespmem:$0x1F730]  }
0x4a1: {  	v35 =	vadd.s32 v60, v23;
	v36 =	vld.idx.msk [tilespmem:v38+s26+$0x0], $0xffff  }
0x4a2: {  	v38 =	vadd.s32 v60, v24;
	v39 =	vld.idx.msk [tilespmem:v42+s26+$0x0], $0xffff  }
0x4a3: {  	v42 =	vadd.s32 v60, v25;
	v60 =	vld [tilespmem:$0x1F740]  }
0x4a4: {  	[tilespmem:v31+s3+$0x0] =	vst.idx.msk $0xffff, v1  }
0x4a5: {  	[tilespmem:v34+s3+$0x0] =	vst.idx.msk $0xffff, v33;
	v1 =	vld.idx.msk [tilespmem:v32+s26+$0x0], $0xffff  }
0x4a6: {  	v33 =	vld.idx.msk [tilespmem:v35+s26+$0x0], $0xffff;
	[tilespmem:v37+s3+$0x0] =	vst.idx.msk $0xffff, v36  }
0x4a7: {  	[tilespmem:v41+s3+$0x0] =	vst.idx.msk $0xffff, v39;
	v36 =	vld.idx.msk [tilespmem:v38+s26+$0x0], $0xffff  }
0x4a8: {  	v31 =	vor.u32 v4, v18;
	v34 =	vor.u32 v4, v26;
	v32 =	vadd.s32 v60, v19;
	v39 =	vld.idx.msk [tilespmem:v42+s26+$0x0], $0xffff  }
0x4a9: {  	v35 =	vadd.s32 v60, v23;
	v38 =	vadd.s32 v60, v24;
	v42 =	vadd.s32 v60, v25;
	v60 =	vld [tilespmem:$0x1F4D0]  }
0x4aa: {  	v37 =	vor.u32 v4, v40;
	v41 =	vor.u32 v4, v27;
	v4 =	vld [tilespmem:$0x1F750];
	_ =	sdelay $0x2  }
0x4ab: {  	[tilespmem:v31+s3+$0x0] =	vst.idx.msk $0xffff, v1  }
0x4ac: {  	[tilespmem:v34+s3+$0x0] =	vst.idx.msk $0xffff, v33;
	v1 =	vld.idx.msk [tilespmem:v32+s26+$0x0], $0xffff;
	v31 =	vor.u32 v60, v18  }
0x4ad: {  	v32 =	vadd.s32 v4, v19;
	v33 =	vld.idx.msk [tilespmem:v35+s26+$0x0], $0xffff;
	v34 =	vor.u32 v60, v26;
	[tilespmem:v37+s3+$0x0] =	vst.idx.msk $0xffff, v36  }
0x4ae: {  	v37 =	vor.u32 v60, v40;
	[tilespmem:v41+s3+$0x0] =	vst.idx.msk $0xffff, v39;
	v41 =	vor.u32 v60, v27;
	v60 =	vld [tilespmem:$0x1F4E0]  }
0x4af: {  	v35 =	vadd.s32 v4, v23;
	v36 =	vld.idx.msk [tilespmem:v38+s26+$0x0], $0xffff  }
0x4b0: {  	v39 =	vld.idx.msk [tilespmem:v42+s26+$0x0], $0xffff  }
0x4b1: {  	v38 =	vadd.s32 v4, v24  }
0x4b2: {  	v42 =	vadd.s32 v4, v25;
	v4 =	vld [tilespmem:$0x1F7A0];
	[tilespmem:v31+s3+$0x0] =	vst.idx.msk $0xffff, v1  }
0x4b3: {  	[tilespmem:v34+s3+$0x0] =	vst.idx.msk $0xffff, v33;
	v1 =	vld.idx.msk [tilespmem:v32+s26+$0x0], $0xffff  }
0x4b4: {  	v31 =	vor.u32 v60, v18;
	v34 =	vor.u32 v60, v26;
	v33 =	vld.idx.msk [tilespmem:v35+s26+$0x0], $0xffff;
	[tilespmem:v37+s3+$0x0] =	vst.idx.msk $0xffff, v36  }
0x4b5: {  	v37 =	vor.u32 v60, v40;
	[tilespmem:v41+s3+$0x0] =	vst.idx.msk $0xffff, v39;
	v41 =	vor.u32 v60, v27;
	v60 =	vld [tilespmem:$0x1F4F0]  }
0x4b6: {  	v36 =	vld.idx.msk [tilespmem:v38+s26+$0x0], $0xffff  }
0x4b7: {  	v32 =	vadd.s32 v4, v19;
	v39 =	vld.idx.msk [tilespmem:v42+s26+$0x0], $0xffff  }
0x4b8: {  	v35 =	vadd.s32 v4, v23;
	v38 =	vadd.s32 v4, v24;
	v42 =	vadd.s32 v4, v25;
	v4 =	vld [tilespmem:$0x1F7F0];
	_ =	sdelay $0x2  }
0x4b9: {  	[tilespmem:v31+s3+$0x0] =	vst.idx.msk $0xffff, v1  }
0x4ba: {  	v31 =	vor.u32 v60, v18;
	[tilespmem:v34+s3+$0x0] =	vst.idx.msk $0xffff, v33;
	v1 =	vld.idx.msk [tilespmem:v32+s26+$0x0], $0xffff  }
0x4bb: {  	v34 =	vor.u32 v60, v26;
	v32 =	vadd.s32 v4, v19;
	v33 =	vld.idx.msk [tilespmem:v35+s26+$0x0], $0xffff;
	[tilespmem:v37+s3+$0x0] =	vst.idx.msk $0xffff, v36  }
0x4bc: {  	v37 =	vor.u32 v60, v40;
	[tilespmem:v41+s3+$0x0] =	vst.idx.msk $0xffff, v39;
	v41 =	vor.u32 v60, v27;
	v60 =	vld [tilespmem:$0x1F500]  }
0x4bd: {  	v35 =	vadd.s32 v4, v23;
	v36 =	vld.idx.msk [tilespmem:v38+s26+$0x0], $0xffff  }
0x4be: {  	v39 =	vld.idx.msk [tilespmem:v42+s26+$0x0], $0xffff  }
0x4bf: {  	v38 =	vadd.s32 v4, v24  }
0x4c0: {  	v42 =	vadd.s32 v4, v25;
	v4 =	vld [tilespmem:$0x1F850];
	[tilespmem:v31+s3+$0x0] =	vst.idx.msk $0xffff, v1  }
0x4c1: {  	[tilespmem:v34+s3+$0x0] =	vst.idx.msk $0xffff, v33;
	v1 =	vld.idx.msk [tilespmem:v32+s26+$0x0], $0xffff  }
0x4c2: {  	v31 =	vor.u32 v60, v18;
	v34 =	vor.u32 v60, v26;
	v33 =	vld.idx.msk [tilespmem:v35+s26+$0x0], $0xffff;
	[tilespmem:v37+s3+$0x0] =	vst.idx.msk $0xffff, v36  }
0x4c3: {  	v37 =	vor.u32 v60, v40;
	[tilespmem:v41+s3+$0x0] =	vst.idx.msk $0xffff, v39;
	v41 =	vor.u32 v60, v27;
	v60 =	vld [tilespmem:$0x1F510]  }
0x4c4: {  	v36 =	vld.idx.msk [tilespmem:v38+s26+$0x0], $0xffff  }
0x4c5: {  	v32 =	vadd.s32 v4, v19;
	v39 =	vld.idx.msk [tilespmem:v42+s26+$0x0], $0xffff  }
0x4c6: {  	v35 =	vadd.s32 v4, v23;
	v38 =	vadd.s32 v4, v24;
	v42 =	vadd.s32 v4, v25;
	v4 =	vld [tilespmem:$0x1F8A0];
	_ =	sdelay $0x2  }
0x4c7: {  	[tilespmem:v31+s3+$0x0] =	vst.idx.msk $0xffff, v1  }
0x4c8: {  	v31 =	vor.u32 v60, v18;
	[tilespmem:v34+s3+$0x0] =	vst.idx.msk $0xffff, v33;
	v1 =	vld.idx.msk [tilespmem:v32+s26+$0x0], $0xffff  }
0x4c9: {  	v34 =	vor.u32 v60, v26;
	v32 =	vadd.s32 v4, v19;
	v33 =	vld.idx.msk [tilespmem:v35+s26+$0x0], $0xffff;
	[tilespmem:v37+s3+$0x0] =	vst.idx.msk $0xffff, v36  }
0x4ca: {  	v37 =	vor.u32 v60, v40;
	[tilespmem:v41+s3+$0x0] =	vst.idx.msk $0xffff, v39;
	v41 =	vor.u32 v60, v27;
	v60 =	vld [tilespmem:$0x1F520]  }
0x4cb: {  	v35 =	vadd.s32 v4, v23;
	v36 =	vld.idx.msk [tilespmem:v38+s26+$0x0], $0xffff  }
0x4cc: {  	v39 =	vld.idx.msk [tilespmem:v42+s26+$0x0], $0xffff  }
0x4cd: {  	v38 =	vadd.s32 v4, v24  }
0x4ce: {  	v42 =	vadd.s32 v4, v25;
	v4 =	vld [tilespmem:$0x1F8B0];
	[tilespmem:v31+s3+$0x0] =	vst.idx.msk $0xffff, v1  }
0x4cf: {  	[tilespmem:v34+s3+$0x0] =	vst.idx.msk $0xffff, v33;
	v1 =	vld.idx.msk [tilespmem:v32+s26+$0x0], $0xffff  }
0x4d0: {  	v31 =	vor.u32 v60, v18;
	v34 =	vor.u32 v60, v26;
	v33 =	vld.idx.msk [tilespmem:v35+s26+$0x0], $0xffff;
	[tilespmem:v37+s3+$0x0] =	vst.idx.msk $0xffff, v36  }
0x4d1: {  	v37 =	vor.u32 v60, v40;
	[tilespmem:v41+s3+$0x0] =	vst.idx.msk $0xffff, v39;
	v41 =	vor.u32 v60, v27;
	v60 =	vld [tilespmem:$0x1F530]  }
0x4d2: {  	v36 =	vld.idx.msk [tilespmem:v38+s26+$0x0], $0xffff  }
0x4d3: {  	v32 =	vadd.s32 v4, v19;
	v39 =	vld.idx.msk [tilespmem:v42+s26+$0x0], $0xffff  }
0x4d4: {  	v35 =	vadd.s32 v4, v23;
	v38 =	vadd.s32 v4, v24;
	v42 =	vadd.s32 v4, v25;
	v4 =	vld [tilespmem:$0x1F8C0];
	_ =	sdelay $0x2  }
0x4d5: {  	[tilespmem:v31+s3+$0x0] =	vst.idx.msk $0xffff, v1  }
0x4d6: {  	v31 =	vor.u32 v60, v18;
	[tilespmem:v34+s3+$0x0] =	vst.idx.msk $0xffff, v33;
	v1 =	vld.idx.msk [tilespmem:v32+s26+$0x0], $0xffff  }
0x4d7: {  	v34 =	vor.u32 v60, v26;
	v32 =	vadd.s32 v4, v19;
	v33 =	vld.idx.msk [tilespmem:v35+s26+$0x0], $0xffff;
	[tilespmem:v37+s3+$0x0] =	vst.idx.msk $0xffff, v36  }
0x4d8: {  	v37 =	vor.u32 v60, v40;
	[tilespmem:v41+s3+$0x0] =	vst.idx.msk $0xffff, v39;
	v41 =	vor.u32 v60, v27;
	v60 =	vld [tilespmem:$0x1F540]  }
0x4d9: {  	v35 =	vadd.s32 v4, v23;
	v36 =	vld.idx.msk [tilespmem:v38+s26+$0x0], $0xffff  }
0x4da: {  	v39 =	vld.idx.msk [tilespmem:v42+s26+$0x0], $0xffff  }
0x4db: {  	v38 =	vadd.s32 v4, v24  }
0x4dc: {  	v42 =	vadd.s32 v4, v25;
	v4 =	vld [tilespmem:$0x1F8D0];
	[tilespmem:v31+s3+$0x0] =	vst.idx.msk $0xffff, v1  }
0x4dd: {  	[tilespmem:v34+s3+$0x0] =	vst.idx.msk $0xffff, v33;
	v1 =	vld.idx.msk [tilespmem:v32+s26+$0x0], $0xffff  }
0x4de: {  	v31 =	vor.u32 v60, v18;
	v34 =	vor.u32 v60, v26;
	v33 =	vld.idx.msk [tilespmem:v35+s26+$0x0], $0xffff;
	[tilespmem:v37+s3+$0x0] =	vst.idx.msk $0xffff, v36  }
0x4df: {  	v37 =	vor.u32 v60, v40;
	[tilespmem:v41+s3+$0x0] =	vst.idx.msk $0xffff, v39;
	v41 =	vor.u32 v60, v27;
	v60 =	vld [tilespmem:$0x1F550]  }
0x4e0: {  	v36 =	vld.idx.msk [tilespmem:v38+s26+$0x0], $0xffff  }
0x4e1: {  	v32 =	vadd.s32 v4, v19;
	v39 =	vld.idx.msk [tilespmem:v42+s26+$0x0], $0xffff  }
0x4e2: {  	v35 =	vadd.s32 v4, v23;
	v38 =	vadd.s32 v4, v24;
	v42 =	vadd.s32 v4, v25;
	v4 =	vld [tilespmem:$0x1F8E0];
	_ =	sdelay $0x2  }
0x4e3: {  	[tilespmem:v31+s3+$0x0] =	vst.idx.msk $0xffff, v1  }
0x4e4: {  	v31 =	vor.u32 v60, v18;
	[tilespmem:v34+s3+$0x0] =	vst.idx.msk $0xffff, v33;
	v1 =	vld.idx.msk [tilespmem:v32+s26+$0x0], $0xffff  }
0x4e5: {  	v34 =	vor.u32 v60, v26;
	v32 =	vadd.s32 v4, v19;
	v33 =	vld.idx.msk [tilespmem:v35+s26+$0x0], $0xffff;
	[tilespmem:v37+s3+$0x0] =	vst.idx.msk $0xffff, v36  }
0x4e6: {  	v37 =	vor.u32 v60, v40;
	[tilespmem:v41+s3+$0x0] =	vst.idx.msk $0xffff, v39;
	v41 =	vor.u32 v60, v27;
	v60 =	vld [tilespmem:$0x1F560]  }
0x4e7: {  	v35 =	vadd.s32 v4, v23;
	v36 =	vld.idx.msk [tilespmem:v38+s26+$0x0], $0xffff  }
0x4e8: {  	v39 =	vld.idx.msk [tilespmem:v42+s26+$0x0], $0xffff  }
0x4e9: {  	v38 =	vadd.s32 v4, v24  }
0x4ea: {  	v42 =	vadd.s32 v4, v25;
	v4 =	vld [tilespmem:$0x1F8F0];
	[tilespmem:v31+s3+$0x0] =	vst.idx.msk $0xffff, v1  }
0x4eb: {  	[tilespmem:v34+s3+$0x0] =	vst.idx.msk $0xffff, v33;
	v1 =	vld.idx.msk [tilespmem:v32+s26+$0x0], $0xffff  }
0x4ec: {  	v31 =	vor.u32 v60, v18;
	v34 =	vor.u32 v60, v26;
	v33 =	vld.idx.msk [tilespmem:v35+s26+$0x0], $0xffff;
	[tilespmem:v37+s3+$0x0] =	vst.idx.msk $0xffff, v36  }
0x4ed: {  	v37 =	vor.u32 v60, v40;
	[tilespmem:v41+s3+$0x0] =	vst.idx.msk $0xffff, v39;
	v41 =	vor.u32 v60, v27;
	v60 =	vld [tilespmem:$0x1F570]  }
0x4ee: {  	v36 =	vld.idx.msk [tilespmem:v38+s26+$0x0], $0xffff  }
0x4ef: {  	v32 =	vadd.s32 v4, v19;
	v39 =	vld.idx.msk [tilespmem:v42+s26+$0x0], $0xffff  }
0x4f0: {  	v35 =	vadd.s32 v4, v23;
	v38 =	vadd.s32 v4, v24;
	v42 =	vadd.s32 v4, v25;
	v4 =	vld [tilespmem:$0x1F900];
	_ =	sdelay $0x2  }
0x4f1: {  	[tilespmem:v31+s3+$0x0] =	vst.idx.msk $0xffff, v1  }
0x4f2: {  	v31 =	vor.u32 v60, v18;
	[tilespmem:v34+s3+$0x0] =	vst.idx.msk $0xffff, v33;
	v1 =	vld.idx.msk [tilespmem:v32+s26+$0x0], $0xffff  }
0x4f3: {  	v34 =	vor.u32 v60, v26;
	v32 =	vadd.s32 v4, v19;
	v33 =	vld.idx.msk [tilespmem:v35+s26+$0x0], $0xffff;
	[tilespmem:v37+s3+$0x0] =	vst.idx.msk $0xffff, v36  }
0x4f4: {  	v37 =	vor.u32 v60, v40;
	[tilespmem:v41+s3+$0x0] =	vst.idx.msk $0xffff, v39;
	v41 =	vor.u32 v60, v27;
	v60 =	vld [tilespmem:$0x1F580]  }
0x4f5: {  	v35 =	vadd.s32 v4, v23;
	v36 =	vld.idx.msk [tilespmem:v38+s26+$0x0], $0xffff  }
0x4f6: {  	v39 =	vld.idx.msk [tilespmem:v42+s26+$0x0], $0xffff  }
0x4f7: {  	v38 =	vadd.s32 v4, v24  }
0x4f8: {  	v42 =	vadd.s32 v4, v25;
	v4 =	vld [tilespmem:$0x1F910];
	[tilespmem:v31+s3+$0x0] =	vst.idx.msk $0xffff, v1  }
0x4f9: {  	[tilespmem:v34+s3+$0x0] =	vst.idx.msk $0xffff, v33;
	v1 =	vld.idx.msk [tilespmem:v32+s26+$0x0], $0xffff  }
0x4fa: {  	v31 =	vor.u32 v60, v18;
	v34 =	vor.u32 v60, v26;
	v33 =	vld.idx.msk [tilespmem:v35+s26+$0x0], $0xffff;
	[tilespmem:v37+s3+$0x0] =	vst.idx.msk $0xffff, v36  }
0x4fb: {  	v37 =	vor.u32 v60, v40;
	[tilespmem:v41+s3+$0x0] =	vst.idx.msk $0xffff, v39;
	v41 =	vor.u32 v60, v27;
	v60 =	vld [tilespmem:$0x1F590]  }
0x4fc: {  	v36 =	vld.idx.msk [tilespmem:v38+s26+$0x0], $0xffff  }
0x4fd: {  	v32 =	vadd.s32 v4, v19;
	v39 =	vld.idx.msk [tilespmem:v42+s26+$0x0], $0xffff  }
0x4fe: {  	v35 =	vadd.s32 v4, v23;
	v38 =	vadd.s32 v4, v24;
	v42 =	vadd.s32 v4, v25;
	v4 =	vld [tilespmem:$0x1F920];
	_ =	sdelay $0x2  }
0x4ff: {  	[tilespmem:v31+s3+$0x0] =	vst.idx.msk $0xffff, v1  }
0x500: {  	v31 =	vor.u32 v60, v18;
	[tilespmem:v34+s3+$0x0] =	vst.idx.msk $0xffff, v33;
	v1 =	vld.idx.msk [tilespmem:v32+s26+$0x0], $0xffff  }
0x501: {  	v34 =	vor.u32 v60, v26;
	v32 =	vadd.s32 v4, v19;
	v33 =	vld.idx.msk [tilespmem:v35+s26+$0x0], $0xffff;
	[tilespmem:v37+s3+$0x0] =	vst.idx.msk $0xffff, v36  }
0x502: {  	v37 =	vor.u32 v60, v40;
	[tilespmem:v41+s3+$0x0] =	vst.idx.msk $0xffff, v39;
	v41 =	vor.u32 v60, v27;
	v60 =	vld [tilespmem:$0x1F5A0]  }
0x503: {  	v35 =	vadd.s32 v4, v23;
	v36 =	vld.idx.msk [tilespmem:v38+s26+$0x0], $0xffff  }
0x504: {  	v39 =	vld.idx.msk [tilespmem:v42+s26+$0x0], $0xffff  }
0x505: {  	v38 =	vadd.s32 v4, v24  }
0x506: {  	v42 =	vadd.s32 v4, v25;
	v4 =	vld [tilespmem:$0x1F930];
	[tilespmem:v31+s3+$0x0] =	vst.idx.msk $0xffff, v1  }
0x507: {  	[tilespmem:v34+s3+$0x0] =	vst.idx.msk $0xffff, v33;
	v1 =	vld.idx.msk [tilespmem:v32+s26+$0x0], $0xffff  }
0x508: {  	v31 =	vor.u32 v60, v18;
	v34 =	vor.u32 v60, v26;
	v33 =	vld.idx.msk [tilespmem:v35+s26+$0x0], $0xffff;
	[tilespmem:v37+s3+$0x0] =	vst.idx.msk $0xffff, v36  }
0x509: {  	v37 =	vor.u32 v60, v40;
	[tilespmem:v41+s3+$0x0] =	vst.idx.msk $0xffff, v39;
	v41 =	vor.u32 v60, v27;
	v60 =	vld [tilespmem:$0x1F5B0]  }
0x50a: {  	v36 =	vld.idx.msk [tilespmem:v38+s26+$0x0], $0xffff  }
0x50b: {  	v32 =	vadd.s32 v4, v19;
	v39 =	vld.idx.msk [tilespmem:v42+s26+$0x0], $0xffff  }
0x50c: {  	v35 =	vadd.s32 v4, v23;
	v38 =	vadd.s32 v4, v24;
	v42 =	vadd.s32 v4, v25;
	v4 =	vld [tilespmem:$0x1F940];
	_ =	sdelay $0x2  }
0x50d: {  	[tilespmem:v31+s3+$0x0] =	vst.idx.msk $0xffff, v1  }
0x50e: {  	v31 =	vor.u32 v60, v18;
	[tilespmem:v34+s3+$0x0] =	vst.idx.msk $0xffff, v33;
	v1 =	vld.idx.msk [tilespmem:v32+s26+$0x0], $0xffff  }
0x50f: {  	v34 =	vor.u32 v60, v26;
	v32 =	vadd.s32 v4, v19;
	v33 =	vld.idx.msk [tilespmem:v35+s26+$0x0], $0xffff;
	[tilespmem:v37+s3+$0x0] =	vst.idx.msk $0xffff, v36  }
0x510: {  	v35 =	vadd.s32 v4, v23;
	v37 =	vor.u32 v60, v40;
	[tilespmem:v41+s3+$0x0] =	vst.idx.msk $0xffff, v39;
	v36 =	vld.idx.msk [tilespmem:v38+s26+$0x0], $0xffff  }
0x511: {  	v41 =	vor.u32 v60, v27;
	v60 =	vadd.s32 v4, v25;
	v38 =	vadd.s32 v4, v24;
	v4 =	vld [tilespmem:$0x1F950]  }
0x512: {  	v39 =	vld.idx.msk [tilespmem:v42+s26+$0x0], $0xffff;
	_ =	sdelay $0x1  }
0x513: {  	[tilespmem:v31+s3+$0x0] =	vst.idx.msk $0xffff, v1  }
0x514: {  	v31 =	vor.u32 v7, v18;
	[tilespmem:v34+s3+$0x0] =	vst.idx.msk $0xffff, v33;
	v1 =	vld.idx.msk [tilespmem:v32+s26+$0x0], $0xffff  }
0x515: {  	v34 =	vor.u32 v7, v26;
	v32 =	vadd.s32 v4, v19;
	v33 =	vld.idx.msk [tilespmem:v35+s26+$0x0], $0xffff;
	[tilespmem:v37+s3+$0x0] =	vst.idx.msk $0xffff, v36  }
0x516: {  	v35 =	vadd.s32 v4, v23;
	v37 =	vor.u32 v7, v40;
	[tilespmem:v41+s3+$0x0] =	vst.idx.msk $0xffff, v39;
	v36 =	vld.idx.msk [tilespmem:v38+s26+$0x0], $0xffff  }
0x517: {  	v41 =	vor.u32 v7, v27;
	v38 =	vadd.s32 v4, v24;
	v39 =	vld.idx.msk [tilespmem:v60+s26+$0x0], $0xffff  }
0x518: {  	v60 =	vadd.s32 v4, v25;
	v4 =	vld [tilespmem:$0x1F960]  }
0x519: {  	[tilespmem:v31+s3+$0x0] =	vst.idx.msk $0xffff, v1  }
0x51a: {  	[tilespmem:v34+s3+$0x0] =	vst.idx.msk $0xffff, v33;
	v1 =	vld.idx.msk [tilespmem:v32+s26+$0x0], $0xffff  }
0x51b: {  	v33 =	vld.idx.msk [tilespmem:v35+s26+$0x0], $0xffff;
	[tilespmem:v37+s3+$0x0] =	vst.idx.msk $0xffff, v36  }
0x51c: {  	v31 =	vor.u32 v9, v18;
	[tilespmem:v41+s3+$0x0] =	vst.idx.msk $0xffff, v39;
	v36 =	vld.idx.msk [tilespmem:v38+s26+$0x0], $0xffff  }
0x51d: {  	v34 =	vor.u32 v9, v26;
	v32 =	vadd.s32 v4, v19;
	v35 =	vadd.s32 v4, v23;
	v39 =	vld.idx.msk [tilespmem:v60+s26+$0x0], $0xffff  }
0x51e: {  	v37 =	vor.u32 v9, v40;
	v38 =	vadd.s32 v4, v24;
	v60 =	vadd.s32 v4, v25;
	v4 =	vld [tilespmem:$0x1F9B0]  }
0x51f: {  	v41 =	vor.u32 v9, v27;
	_ =	sdelay $0x1  }
0x520: {  	[tilespmem:v31+s3+$0x0] =	vst.idx.msk $0xffff, v1  }
0x521: {  	v31 =	vor.u32 v12, v18;
	[tilespmem:v34+s3+$0x0] =	vst.idx.msk $0xffff, v33;
	v1 =	vld.idx.msk [tilespmem:v32+s26+$0x0], $0xffff  }
0x522: {  	v34 =	vor.u32 v12, v26;
	v32 =	vadd.s32 v4, v19;
	v33 =	vld.idx.msk [tilespmem:v35+s26+$0x0], $0xffff;
	[tilespmem:v37+s3+$0x0] =	vst.idx.msk $0xffff, v36  }
0x523: {  	v35 =	vadd.s32 v4, v23;
	v37 =	vor.u32 v12, v40;
	[tilespmem:v41+s3+$0x0] =	vst.idx.msk $0xffff, v39;
	v36 =	vld.idx.msk [tilespmem:v38+s26+$0x0], $0xffff  }
0x524: {  	v41 =	vor.u32 v12, v27;
	v38 =	vadd.s32 v4, v24;
	v39 =	vld.idx.msk [tilespmem:v60+s26+$0x0], $0xffff  }
0x525: {  	v60 =	vadd.s32 v4, v25;
	v4 =	vld [tilespmem:$0x1FA00]  }
0x526: {  	[tilespmem:v31+s3+$0x0] =	vst.idx.msk $0xffff, v1  }
0x527: {  	[tilespmem:v34+s3+$0x0] =	vst.idx.msk $0xffff, v33;
	v1 =	vld.idx.msk [tilespmem:v32+s26+$0x0], $0xffff  }
0x528: {  	v33 =	vld.idx.msk [tilespmem:v35+s26+$0x0], $0xffff;
	[tilespmem:v37+s3+$0x0] =	vst.idx.msk $0xffff, v36  }
0x529: {  	v31 =	vor.u32 v16, v18;
	[tilespmem:v41+s3+$0x0] =	vst.idx.msk $0xffff, v39;
	v36 =	vld.idx.msk [tilespmem:v38+s26+$0x0], $0xffff  }
0x52a: {  	v34 =	vor.u32 v16, v26;
	v32 =	vadd.s32 v4, v19;
	v35 =	vadd.s32 v4, v23;
	v39 =	vld.idx.msk [tilespmem:v60+s26+$0x0], $0xffff  }
0x52b: {  	v37 =	vor.u32 v16, v40;
	v38 =	vadd.s32 v4, v24;
	v60 =	vadd.s32 v4, v25;
	v4 =	vld [tilespmem:$0x1FA50]  }
0x52c: {  	v41 =	vor.u32 v16, v27;
	_ =	sdelay $0x1  }
0x52d: {  	[tilespmem:v31+s3+$0x0] =	vst.idx.msk $0xffff, v1  }
0x52e: {  	v31 =	vor.u32 v20, v18;
	[tilespmem:v34+s3+$0x0] =	vst.idx.msk $0xffff, v33;
	v1 =	vld.idx.msk [tilespmem:v32+s26+$0x0], $0xffff  }
0x52f: {  	v34 =	vor.u32 v20, v26;
	v32 =	vadd.s32 v4, v19;
	v33 =	vld.idx.msk [tilespmem:v35+s26+$0x0], $0xffff;
	[tilespmem:v37+s3+$0x0] =	vst.idx.msk $0xffff, v36  }
0x530: {  	v35 =	vadd.s32 v4, v23;
	v37 =	vor.u32 v20, v40;
	[tilespmem:v41+s3+$0x0] =	vst.idx.msk $0xffff, v39;
	v36 =	vld.idx.msk [tilespmem:v38+s26+$0x0], $0xffff  }
0x531: {  	v41 =	vor.u32 v20, v27;
	v38 =	vadd.s32 v4, v24;
	v39 =	vld.idx.msk [tilespmem:v60+s26+$0x0], $0xffff  }
0x532: {  	v60 =	vadd.s32 v4, v25;
	v4 =	vld [tilespmem:$0x1FAA0]  }
0x533: {  	[tilespmem:v31+s3+$0x0] =	vst.idx.msk $0xffff, v1  }
0x534: {  	[tilespmem:v34+s3+$0x0] =	vst.idx.msk $0xffff, v33;
	v1 =	vld.idx.msk [tilespmem:v32+s26+$0x0], $0xffff  }
0x535: {  	v33 =	vld.idx.msk [tilespmem:v35+s26+$0x0], $0xffff;
	[tilespmem:v37+s3+$0x0] =	vst.idx.msk $0xffff, v36  }
0x536: {  	v31 =	vor.u32 v22, v18;
	[tilespmem:v41+s3+$0x0] =	vst.idx.msk $0xffff, v39;
	v36 =	vld.idx.msk [tilespmem:v38+s26+$0x0], $0xffff  }
0x537: {  	v34 =	vor.u32 v22, v26;
	v32 =	vadd.s32 v4, v19;
	v35 =	vadd.s32 v4, v23;
	v39 =	vld.idx.msk [tilespmem:v60+s26+$0x0], $0xffff  }
0x538: {  	v37 =	vor.u32 v22, v40;
	v38 =	vadd.s32 v4, v24;
	v60 =	vadd.s32 v4, v25;
	v4 =	vld [tilespmem:$0x1FAB0]  }
0x539: {  	v41 =	vor.u32 v22, v27;
	_ =	sdelay $0x1  }
0x53a: {  	[tilespmem:v31+s3+$0x0] =	vst.idx.msk $0xffff, v1  }
0x53b: {  	v31 =	vor.u32 v55, v18;
	[tilespmem:v34+s3+$0x0] =	vst.idx.msk $0xffff, v33;
	v1 =	vld.idx.msk [tilespmem:v32+s26+$0x0], $0xffff  }
0x53c: {  	v34 =	vor.u32 v55, v26;
	v32 =	vadd.s32 v4, v19;
	v33 =	vld.idx.msk [tilespmem:v35+s26+$0x0], $0xffff;
	[tilespmem:v37+s3+$0x0] =	vst.idx.msk $0xffff, v36  }
0x53d: {  	v35 =	vadd.s32 v4, v23;
	v37 =	vor.u32 v55, v40;
	[tilespmem:v41+s3+$0x0] =	vst.idx.msk $0xffff, v39;
	v36 =	vld.idx.msk [tilespmem:v38+s26+$0x0], $0xffff  }
0x53e: {  	v41 =	vor.u32 v55, v27;
	v38 =	vadd.s32 v4, v24;
	v39 =	vld.idx.msk [tilespmem:v60+s26+$0x0], $0xffff  }
0x53f: {  	v60 =	vadd.s32 v4, v25;
	v4 =	vld [tilespmem:$0x1FAC0]  }
0x540: {  	[tilespmem:v31+s3+$0x0] =	vst.idx.msk $0xffff, v1  }
0x541: {  	[tilespmem:v34+s3+$0x0] =	vst.idx.msk $0xffff, v33;
	v1 =	vld.idx.msk [tilespmem:v32+s26+$0x0], $0xffff  }
0x542: {  	v33 =	vld.idx.msk [tilespmem:v35+s26+$0x0], $0xffff;
	[tilespmem:v37+s3+$0x0] =	vst.idx.msk $0xffff, v36  }
0x543: {  	v31 =	vor.u32 v28, v18;
	[tilespmem:v41+s3+$0x0] =	vst.idx.msk $0xffff, v39;
	v36 =	vld.idx.msk [tilespmem:v38+s26+$0x0], $0xffff  }
0x544: {  	v34 =	vor.u32 v28, v26;
	v32 =	vadd.s32 v4, v19;
	v35 =	vadd.s32 v4, v23;
	v39 =	vld.idx.msk [tilespmem:v60+s26+$0x0], $0xffff  }
0x545: {  	v37 =	vor.u32 v28, v40;
	v38 =	vadd.s32 v4, v24;
	v60 =	vadd.s32 v4, v25;
	v4 =	vld [tilespmem:$0x1FAD0]  }
0x546: {  	v41 =	vor.u32 v28, v27;
	_ =	sdelay $0x1  }
0x547: {  	[tilespmem:v31+s3+$0x0] =	vst.idx.msk $0xffff, v1  }
0x548: {  	v31 =	vor.u32 v30, v18;
	[tilespmem:v34+s3+$0x0] =	vst.idx.msk $0xffff, v33;
	v1 =	vld.idx.msk [tilespmem:v32+s26+$0x0], $0xffff  }
0x549: {  	v34 =	vor.u32 v30, v26;
	v32 =	vadd.s32 v4, v19;
	v33 =	vld.idx.msk [tilespmem:v35+s26+$0x0], $0xffff;
	[tilespmem:v37+s3+$0x0] =	vst.idx.msk $0xffff, v36  }
0x54a: {  	v35 =	vadd.s32 v4, v23;
	v37 =	vor.u32 v30, v40;
	[tilespmem:v41+s3+$0x0] =	vst.idx.msk $0xffff, v39;
	v36 =	vld.idx.msk [tilespmem:v38+s26+$0x0], $0xffff  }
0x54b: {  	v41 =	vor.u32 v30, v27;
	v38 =	vadd.s32 v4, v24;
	v39 =	vld.idx.msk [tilespmem:v60+s26+$0x0], $0xffff  }
0x54c: {  	v60 =	vadd.s32 v4, v25;
	v4 =	vld [tilespmem:$0x1FAE0]  }
0x54d: {  	[tilespmem:v31+s3+$0x0] =	vst.idx.msk $0xffff, v1  }
0x54e: {  	[tilespmem:v34+s3+$0x0] =	vst.idx.msk $0xffff, v33;
	v1 =	vld.idx.msk [tilespmem:v32+s26+$0x0], $0xffff  }
0x54f: {  	v33 =	vld.idx.msk [tilespmem:v35+s26+$0x0], $0xffff;
	[tilespmem:v37+s3+$0x0] =	vst.idx.msk $0xffff, v36  }
0x550: {  	v31 =	vor.u32 v49, v18;
	[tilespmem:v41+s3+$0x0] =	vst.idx.msk $0xffff, v39;
	v36 =	vld.idx.msk [tilespmem:v38+s26+$0x0], $0xffff  }
0x551: {  	v34 =	vor.u32 v49, v26;
	v32 =	vadd.s32 v4, v19;
	v35 =	vadd.s32 v4, v23;
	v39 =	vld.idx.msk [tilespmem:v60+s26+$0x0], $0xffff  }
0x552: {  	v37 =	vor.u32 v49, v40;
	v38 =	vadd.s32 v4, v24;
	v60 =	vadd.s32 v4, v25;
	v4 =	vld [tilespmem:$0x1FAF0]  }
0x553: {  	v41 =	vor.u32 v49, v27;
	_ =	sdelay $0x1  }
0x554: {  	[tilespmem:v31+s3+$0x0] =	vst.idx.msk $0xffff, v1  }
0x555: {  	v31 =	vor.u32 v62, v18;
	[tilespmem:v34+s3+$0x0] =	vst.idx.msk $0xffff, v33;
	v1 =	vld.idx.msk [tilespmem:v32+s26+$0x0], $0xffff  }
0x556: {  	v34 =	vor.u32 v62, v26;
	v32 =	vadd.s32 v4, v19;
	v33 =	vld.idx.msk [tilespmem:v35+s26+$0x0], $0xffff;
	[tilespmem:v37+s3+$0x0] =	vst.idx.msk $0xffff, v36  }
0x557: {  	v35 =	vadd.s32 v4, v23;
	v37 =	vor.u32 v62, v40;
	[tilespmem:v41+s3+$0x0] =	vst.idx.msk $0xffff, v39;
	v36 =	vld.idx.msk [tilespmem:v38+s26+$0x0], $0xffff  }
0x558: {  	v41 =	vor.u32 v62, v27;
	v38 =	vadd.s32 v4, v24;
	v39 =	vld.idx.msk [tilespmem:v60+s26+$0x0], $0xffff  }
0x559: {  	v60 =	vadd.s32 v4, v25;
	v4 =	vld [tilespmem:$0x1FB00]  }
0x55a: {  	[tilespmem:v31+s3+$0x0] =	vst.idx.msk $0xffff, v1  }
0x55b: {  	[tilespmem:v34+s3+$0x0] =	vst.idx.msk $0xffff, v33;
	v1 =	vld.idx.msk [tilespmem:v32+s26+$0x0], $0xffff  }
0x55c: {  	v33 =	vld.idx.msk [tilespmem:v35+s26+$0x0], $0xffff;
	[tilespmem:v37+s3+$0x0] =	vst.idx.msk $0xffff, v36  }
0x55d: {  	v31 =	vor.u32 v57, v18;
	[tilespmem:v41+s3+$0x0] =	vst.idx.msk $0xffff, v39;
	v36 =	vld.idx.msk [tilespmem:v38+s26+$0x0], $0xffff  }
0x55e: {  	v34 =	vor.u32 v57, v26;
	v32 =	vadd.s32 v4, v19;
	v35 =	vadd.s32 v4, v23;
	v39 =	vld.idx.msk [tilespmem:v60+s26+$0x0], $0xffff  }
0x55f: {  	v37 =	vor.u32 v57, v40;
	v38 =	vadd.s32 v4, v24;
	v60 =	vadd.s32 v4, v25;
	v4 =	vld [tilespmem:$0x1FB10]  }
0x560: {  	v41 =	vor.u32 v57, v27;
	_ =	sdelay $0x1  }
0x561: {  	[tilespmem:v31+s3+$0x0] =	vst.idx.msk $0xffff, v1  }
0x562: {  	v31 =	vor.u32 v56, v18;
	[tilespmem:v34+s3+$0x0] =	vst.idx.msk $0xffff, v33;
	v1 =	vld.idx.msk [tilespmem:v32+s26+$0x0], $0xffff  }
0x563: {  	v34 =	vor.u32 v56, v26;
	v32 =	vadd.s32 v4, v19;
	v33 =	vld.idx.msk [tilespmem:v35+s26+$0x0], $0xffff;
	[tilespmem:v37+s3+$0x0] =	vst.idx.msk $0xffff, v36  }
0x564: {  	v35 =	vadd.s32 v4, v23;
	v37 =	vor.u32 v56, v40;
	[tilespmem:v41+s3+$0x0] =	vst.idx.msk $0xffff, v39;
	v36 =	vld.idx.msk [tilespmem:v38+s26+$0x0], $0xffff  }
0x565: {  	v41 =	vor.u32 v56, v27;
	v38 =	vadd.s32 v4, v24;
	v39 =	vld.idx.msk [tilespmem:v60+s26+$0x0], $0xffff  }
0x566: {  	v60 =	vadd.s32 v4, v25;
	v4 =	vld [tilespmem:$0x1FB20]  }
0x567: {  	[tilespmem:v31+s3+$0x0] =	vst.idx.msk $0xffff, v1  }
0x568: {  	[tilespmem:v34+s3+$0x0] =	vst.idx.msk $0xffff, v33;
	v1 =	vld.idx.msk [tilespmem:v32+s26+$0x0], $0xffff  }
0x569: {  	v33 =	vld.idx.msk [tilespmem:v35+s26+$0x0], $0xffff;
	[tilespmem:v37+s3+$0x0] =	vst.idx.msk $0xffff, v36  }
0x56a: {  	v31 =	vor.u32 v29, v18;
	[tilespmem:v41+s3+$0x0] =	vst.idx.msk $0xffff, v39;
	v36 =	vld.idx.msk [tilespmem:v38+s26+$0x0], $0xffff  }
0x56b: {  	v34 =	vor.u32 v29, v26;
	v32 =	vadd.s32 v4, v19;
	v35 =	vadd.s32 v4, v23;
	v39 =	vld.idx.msk [tilespmem:v60+s26+$0x0], $0xffff  }
0x56c: {  	v37 =	vor.u32 v29, v40;
	v38 =	vadd.s32 v4, v24;
	v60 =	vadd.s32 v4, v25;
	v4 =	vld [tilespmem:$0x1FB30]  }
0x56d: {  	v41 =	vor.u32 v29, v27;
	_ =	sdelay $0x1  }
0x56e: {  	[tilespmem:v31+s3+$0x0] =	vst.idx.msk $0xffff, v1  }
0x56f: {  	v31 =	vor.u32 v50, v18;
	[tilespmem:v34+s3+$0x0] =	vst.idx.msk $0xffff, v33;
	v1 =	vld.idx.msk [tilespmem:v32+s26+$0x0], $0xffff  }
0x570: {  	v34 =	vor.u32 v50, v26;
	v32 =	vadd.s32 v4, v19;
	v33 =	vld.idx.msk [tilespmem:v35+s26+$0x0], $0xffff;
	[tilespmem:v37+s3+$0x0] =	vst.idx.msk $0xffff, v36  }
0x571: {  	v35 =	vadd.s32 v4, v23;
	v37 =	vor.u32 v50, v40;
	[tilespmem:v41+s3+$0x0] =	vst.idx.msk $0xffff, v39;
	v36 =	vld.idx.msk [tilespmem:v38+s26+$0x0], $0xffff  }
0x572: {  	v41 =	vor.u32 v50, v27;
	v38 =	vadd.s32 v4, v24;
	v39 =	vld.idx.msk [tilespmem:v60+s26+$0x0], $0xffff  }
0x573: {  	v60 =	vadd.s32 v4, v25;
	v4 =	vld [tilespmem:$0x1FB40]  }
0x574: {  	[tilespmem:v31+s3+$0x0] =	vst.idx.msk $0xffff, v1  }
0x575: {  	[tilespmem:v34+s3+$0x0] =	vst.idx.msk $0xffff, v33;
	v1 =	vld.idx.msk [tilespmem:v32+s26+$0x0], $0xffff  }
0x576: {  	v33 =	vld.idx.msk [tilespmem:v35+s26+$0x0], $0xffff;
	[tilespmem:v37+s3+$0x0] =	vst.idx.msk $0xffff, v36  }
0x577: {  	v31 =	vor.u32 v51, v18;
	[tilespmem:v41+s3+$0x0] =	vst.idx.msk $0xffff, v39;
	v36 =	vld.idx.msk [tilespmem:v38+s26+$0x0], $0xffff  }
0x578: {  	v34 =	vor.u32 v51, v26;
	v32 =	vadd.s32 v4, v19;
	v35 =	vadd.s32 v4, v23;
	v39 =	vld.idx.msk [tilespmem:v60+s26+$0x0], $0xffff  }
0x579: {  	v37 =	vor.u32 v51, v40;
	v38 =	vadd.s32 v4, v24;
	v60 =	vadd.s32 v4, v25;
	v4 =	vld [tilespmem:$0x1FB50]  }
0x57a: {  	v41 =	vor.u32 v51, v27;
	_ =	sdelay $0x1  }
0x57b: {  	[tilespmem:v31+s3+$0x0] =	vst.idx.msk $0xffff, v1  }
0x57c: {  	v31 =	vor.u32 v59, v18;
	[tilespmem:v34+s3+$0x0] =	vst.idx.msk $0xffff, v33;
	v1 =	vld.idx.msk [tilespmem:v32+s26+$0x0], $0xffff  }
0x57d: {  	v34 =	vor.u32 v59, v26;
	v32 =	vadd.s32 v4, v19;
	v33 =	vld.idx.msk [tilespmem:v35+s26+$0x0], $0xffff;
	[tilespmem:v37+s3+$0x0] =	vst.idx.msk $0xffff, v36  }
0x57e: {  	v35 =	vadd.s32 v4, v23;
	v37 =	vor.u32 v59, v40;
	[tilespmem:v41+s3+$0x0] =	vst.idx.msk $0xffff, v39;
	v36 =	vld.idx.msk [tilespmem:v38+s26+$0x0], $0xffff  }
0x57f: {  	v41 =	vor.u32 v59, v27;
	v38 =	vadd.s32 v4, v24;
	v39 =	vld.idx.msk [tilespmem:v60+s26+$0x0], $0xffff  }
0x580: {  	v60 =	vadd.s32 v4, v25;
	v4 =	vld [tilespmem:$0x1FB60]  }
0x581: {  	[tilespmem:v31+s3+$0x0] =	vst.idx.msk $0xffff, v1  }
0x582: {  	[tilespmem:v34+s3+$0x0] =	vst.idx.msk $0xffff, v33;
	v1 =	vld.idx.msk [tilespmem:v32+s26+$0x0], $0xffff  }
0x583: {  	v33 =	vld.idx.msk [tilespmem:v35+s26+$0x0], $0xffff;
	[tilespmem:v37+s3+$0x0] =	vst.idx.msk $0xffff, v36  }
0x584: {  	v31 =	vor.u32 v61, v18;
	[tilespmem:v41+s3+$0x0] =	vst.idx.msk $0xffff, v39;
	v36 =	vld.idx.msk [tilespmem:v38+s26+$0x0], $0xffff  }
0x585: {  	v34 =	vor.u32 v61, v26;
	v32 =	vadd.s32 v4, v19;
	v35 =	vadd.s32 v4, v23;
	v39 =	vld.idx.msk [tilespmem:v60+s26+$0x0], $0xffff  }
0x586: {  	v37 =	vor.u32 v61, v40;
	v38 =	vadd.s32 v4, v24;
	v60 =	vadd.s32 v4, v25;
	v4 =	vld [tilespmem:$0x1FBB0]  }
0x587: {  	v41 =	vor.u32 v61, v27;
	_ =	sdelay $0x1  }
0x588: {  	[tilespmem:v31+s3+$0x0] =	vst.idx.msk $0xffff, v1  }
0x589: {  	v31 =	vor.u32 v8, v18;
	[tilespmem:v34+s3+$0x0] =	vst.idx.msk $0xffff, v33;
	v1 =	vld.idx.msk [tilespmem:v32+s26+$0x0], $0xffff  }
0x58a: {  	v34 =	vor.u32 v8, v26;
	v32 =	vadd.s32 v4, v19;
	v33 =	vld.idx.msk [tilespmem:v35+s26+$0x0], $0xffff;
	[tilespmem:v37+s3+$0x0] =	vst.idx.msk $0xffff, v36  }
0x58b: {  	v35 =	vadd.s32 v4, v23;
	v37 =	vor.u32 v8, v40;
	[tilespmem:v41+s3+$0x0] =	vst.idx.msk $0xffff, v39;
	v36 =	vld.idx.msk [tilespmem:v38+s26+$0x0], $0xffff  }
0x58c: {  	v41 =	vor.u32 v8, v27;
	v38 =	vadd.s32 v4, v24;
	v39 =	vld.idx.msk [tilespmem:v60+s26+$0x0], $0xffff  }
0x58d: {  	v60 =	vadd.s32 v4, v25;
	v4 =	vld [tilespmem:$0x1FC00]  }
0x58e: {  	[tilespmem:v31+s3+$0x0] =	vst.idx.msk $0xffff, v1  }
0x58f: {  	[tilespmem:v34+s3+$0x0] =	vst.idx.msk $0xffff, v33;
	v1 =	vld.idx.msk [tilespmem:v32+s26+$0x0], $0xffff  }
0x590: {  	v33 =	vld.idx.msk [tilespmem:v35+s26+$0x0], $0xffff;
	[tilespmem:v37+s3+$0x0] =	vst.idx.msk $0xffff, v36  }
0x591: {  	v31 =	vor.u32 v15, v18;
	[tilespmem:v41+s3+$0x0] =	vst.idx.msk $0xffff, v39;
	v36 =	vld.idx.msk [tilespmem:v38+s26+$0x0], $0xffff  }
0x592: {  	v34 =	vor.u32 v15, v26;
	v32 =	vadd.s32 v4, v19;
	v35 =	vadd.s32 v4, v23;
	v39 =	vld.idx.msk [tilespmem:v60+s26+$0x0], $0xffff  }
0x593: {  	v37 =	vor.u32 v15, v40;
	v38 =	vadd.s32 v4, v24;
	v60 =	vadd.s32 v4, v25;
	v4 =	vld [tilespmem:$0x1FC50]  }
0x594: {  	v41 =	vor.u32 v15, v27;
	_ =	sdelay $0x1  }
0x595: {  	[tilespmem:v31+s3+$0x0] =	vst.idx.msk $0xffff, v1  }
0x596: {  	v31 =	vor.u32 v21, v18;
	[tilespmem:v34+s3+$0x0] =	vst.idx.msk $0xffff, v33;
	v1 =	vld.idx.msk [tilespmem:v32+s26+$0x0], $0xffff  }
0x597: {  	v34 =	vor.u32 v21, v26;
	v32 =	vadd.s32 v4, v19;
	v33 =	vld.idx.msk [tilespmem:v35+s26+$0x0], $0xffff;
	[tilespmem:v37+s3+$0x0] =	vst.idx.msk $0xffff, v36  }
0x598: {  	v35 =	vadd.s32 v4, v23;
	v37 =	vor.u32 v21, v40;
	[tilespmem:v41+s3+$0x0] =	vst.idx.msk $0xffff, v39;
	v36 =	vld.idx.msk [tilespmem:v38+s26+$0x0], $0xffff  }
0x599: {  	v41 =	vor.u32 v21, v27;
	v38 =	vadd.s32 v4, v24;
	v39 =	vld.idx.msk [tilespmem:v60+s26+$0x0], $0xffff  }
0x59a: {  	v60 =	vadd.s32 v4, v25;
	v4 =	vld [tilespmem:$0x1FCA0]  }
0x59b: {  	[tilespmem:v31+s3+$0x0] =	vst.idx.msk $0xffff, v1  }
0x59c: {  	[tilespmem:v34+s3+$0x0] =	vst.idx.msk $0xffff, v33;
	v1 =	vld.idx.msk [tilespmem:v32+s26+$0x0], $0xffff  }
0x59d: {  	v33 =	vld.idx.msk [tilespmem:v35+s26+$0x0], $0xffff;
	[tilespmem:v37+s3+$0x0] =	vst.idx.msk $0xffff, v36  }
0x59e: {  	v31 =	vor.u32 v63, v18;
	[tilespmem:v41+s3+$0x0] =	vst.idx.msk $0xffff, v39;
	v36 =	vld.idx.msk [tilespmem:v38+s26+$0x0], $0xffff  }
0x59f: {  	v34 =	vor.u32 v63, v26;
	v32 =	vadd.s32 v4, v19;
	v35 =	vadd.s32 v4, v23;
	v39 =	vld.idx.msk [tilespmem:v60+s26+$0x0], $0xffff  }
0x5a0: {  	v37 =	vor.u32 v63, v40;
	v38 =	vadd.s32 v4, v24;
	v60 =	vadd.s32 v4, v25;
	v4 =	vld [tilespmem:$0x1FCB0]  }
0x5a1: {  	v41 =	vor.u32 v63, v27;
	_ =	sdelay $0x1  }
0x5a2: {  	[tilespmem:v31+s3+$0x0] =	vst.idx.msk $0xffff, v1  }
0x5a3: {  	v31 =	vor.u32 v52, v18;
	[tilespmem:v34+s3+$0x0] =	vst.idx.msk $0xffff, v33;
	v1 =	vld.idx.msk [tilespmem:v32+s26+$0x0], $0xffff  }
0x5a4: {  	v34 =	vor.u32 v52, v26;
	v32 =	vadd.s32 v4, v19;
	v33 =	vld.idx.msk [tilespmem:v35+s26+$0x0], $0xffff;
	[tilespmem:v37+s3+$0x0] =	vst.idx.msk $0xffff, v36  }
0x5a5: {  	v35 =	vadd.s32 v4, v23;
	v37 =	vor.u32 v52, v40;
	[tilespmem:v41+s3+$0x0] =	vst.idx.msk $0xffff, v39;
	v36 =	vld.idx.msk [tilespmem:v38+s26+$0x0], $0xffff  }
0x5a6: {  	v41 =	vor.u32 v52, v27;
	v38 =	vadd.s32 v4, v24;
	v39 =	vld.idx.msk [tilespmem:v60+s26+$0x0], $0xffff  }
0x5a7: {  	v60 =	vadd.s32 v4, v25;
	v4 =	vld [tilespmem:$0x1FCC0]  }
0x5a8: {  	[tilespmem:v31+s3+$0x0] =	vst.idx.msk $0xffff, v1  }
0x5a9: {  	[tilespmem:v34+s3+$0x0] =	vst.idx.msk $0xffff, v33;
	v1 =	vld.idx.msk [tilespmem:v32+s26+$0x0], $0xffff  }
0x5aa: {  	v33 =	vld.idx.msk [tilespmem:v35+s26+$0x0], $0xffff;
	[tilespmem:v37+s3+$0x0] =	vst.idx.msk $0xffff, v36  }
0x5ab: {  	v31 =	vor.u32 v54, v18;
	[tilespmem:v41+s3+$0x0] =	vst.idx.msk $0xffff, v39;
	v36 =	vld.idx.msk [tilespmem:v38+s26+$0x0], $0xffff  }
0x5ac: {  	v34 =	vor.u32 v54, v26;
	v32 =	vadd.s32 v4, v19;
	v35 =	vadd.s32 v4, v23;
	v39 =	vld.idx.msk [tilespmem:v60+s26+$0x0], $0xffff  }
0x5ad: {  	v37 =	vor.u32 v54, v40;
	v38 =	vadd.s32 v4, v24;
	v60 =	vadd.s32 v4, v25;
	v4 =	vld [tilespmem:$0x1FCD0]  }
0x5ae: {  	v41 =	vor.u32 v54, v27;
	_ =	sdelay $0x1  }
0x5af: {  	[tilespmem:v31+s3+$0x0] =	vst.idx.msk $0xffff, v1  }
0x5b0: {  	v31 =	vor.u32 v0, v18;
	[tilespmem:v34+s3+$0x0] =	vst.idx.msk $0xffff, v33;
	v1 =	vld.idx.msk [tilespmem:v32+s26+$0x0], $0xffff  }
0x5b1: {  	v34 =	vor.u32 v0, v26;
	v32 =	vadd.s32 v4, v19;
	v33 =	vld.idx.msk [tilespmem:v35+s26+$0x0], $0xffff;
	[tilespmem:v37+s3+$0x0] =	vst.idx.msk $0xffff, v36  }
0x5b2: {  	v35 =	vadd.s32 v4, v23;
	v37 =	vor.u32 v0, v40;
	[tilespmem:v41+s3+$0x0] =	vst.idx.msk $0xffff, v39;
	v36 =	vld.idx.msk [tilespmem:v38+s26+$0x0], $0xffff  }
0x5b3: {  	v41 =	vor.u32 v0, v27;
	v38 =	vadd.s32 v4, v24;
	v39 =	vld.idx.msk [tilespmem:v60+s26+$0x0], $0xffff  }
0x5b4: {  	v60 =	vadd.s32 v4, v25;
	v4 =	vld [tilespmem:$0x1FCE0]  }
0x5b5: {  	[tilespmem:v31+s3+$0x0] =	vst.idx.msk $0xffff, v1  }
0x5b6: {  	[tilespmem:v34+s3+$0x0] =	vst.idx.msk $0xffff, v33;
	v1 =	vld.idx.msk [tilespmem:v32+s26+$0x0], $0xffff  }
0x5b7: {  	v33 =	vld.idx.msk [tilespmem:v35+s26+$0x0], $0xffff;
	[tilespmem:v37+s3+$0x0] =	vst.idx.msk $0xffff, v36  }
0x5b8: {  	v31 =	vor.u32 v2, v18;
	[tilespmem:v41+s3+$0x0] =	vst.idx.msk $0xffff, v39;
	v36 =	vld.idx.msk [tilespmem:v38+s26+$0x0], $0xffff  }
0x5b9: {  	v34 =	vor.u32 v2, v26;
	v32 =	vadd.s32 v4, v19;
	v35 =	vadd.s32 v4, v23;
	v39 =	vld.idx.msk [tilespmem:v60+s26+$0x0], $0xffff  }
0x5ba: {  	v37 =	vor.u32 v2, v40;
	v38 =	vadd.s32 v4, v24;
	v60 =	vadd.s32 v4, v25;
	v4 =	vld [tilespmem:$0x1FCF0]  }
0x5bb: {  	v41 =	vor.u32 v2, v27;
	_ =	sdelay $0x1  }
0x5bc: {  	[tilespmem:v31+s3+$0x0] =	vst.idx.msk $0xffff, v1  }
0x5bd: {  	v31 =	vor.u32 v3, v18;
	[tilespmem:v34+s3+$0x0] =	vst.idx.msk $0xffff, v33;
	v1 =	vld.idx.msk [tilespmem:v32+s26+$0x0], $0xffff  }
0x5be: {  	v34 =	vor.u32 v3, v26;
	v32 =	vadd.s32 v4, v19;
	v33 =	vld.idx.msk [tilespmem:v35+s26+$0x0], $0xffff;
	[tilespmem:v37+s3+$0x0] =	vst.idx.msk $0xffff, v36  }
0x5bf: {  	v35 =	vadd.s32 v4, v23;
	v37 =	vor.u32 v3, v40;
	[tilespmem:v41+s3+$0x0] =	vst.idx.msk $0xffff, v39;
	v36 =	vld.idx.msk [tilespmem:v38+s26+$0x0], $0xffff  }
0x5c0: {  	v41 =	vor.u32 v3, v27;
	v38 =	vadd.s32 v4, v24;
	v39 =	vld.idx.msk [tilespmem:v60+s26+$0x0], $0xffff  }
0x5c1: {  	v60 =	vadd.s32 v4, v25;
	v4 =	vld [tilespmem:$0x1FD00]  }
0x5c2: {  	[tilespmem:v31+s3+$0x0] =	vst.idx.msk $0xffff, v1  }
0x5c3: {  	[tilespmem:v34+s3+$0x0] =	vst.idx.msk $0xffff, v33;
	v1 =	vld.idx.msk [tilespmem:v32+s26+$0x0], $0xffff  }
0x5c4: {  	v33 =	vld.idx.msk [tilespmem:v35+s26+$0x0], $0xffff;
	[tilespmem:v37+s3+$0x0] =	vst.idx.msk $0xffff, v36  }
0x5c5: {  	v31 =	vor.u32 v5, v18;
	[tilespmem:v41+s3+$0x0] =	vst.idx.msk $0xffff, v39;
	v36 =	vld.idx.msk [tilespmem:v38+s26+$0x0], $0xffff  }
0x5c6: {  	v34 =	vor.u32 v5, v26;
	v32 =	vadd.s32 v4, v19;
	v35 =	vadd.s32 v4, v23;
	v39 =	vld.idx.msk [tilespmem:v60+s26+$0x0], $0xffff  }
0x5c7: {  	v37 =	vor.u32 v5, v40;
	v38 =	vadd.s32 v4, v24;
	v60 =	vadd.s32 v4, v25;
	v4 =	vld [tilespmem:$0x1FD10]  }
0x5c8: {  	v41 =	vor.u32 v5, v27;
	_ =	sdelay $0x1  }
0x5c9: {  	[tilespmem:v31+s3+$0x0] =	vst.idx.msk $0xffff, v1  }
0x5ca: {  	v31 =	vor.u32 v6, v18;
	[tilespmem:v34+s3+$0x0] =	vst.idx.msk $0xffff, v33;
	v1 =	vld.idx.msk [tilespmem:v32+s26+$0x0], $0xffff  }
0x5cb: {  	v34 =	vor.u32 v6, v26;
	v32 =	vadd.s32 v4, v19;
	v33 =	vld.idx.msk [tilespmem:v35+s26+$0x0], $0xffff;
	[tilespmem:v37+s3+$0x0] =	vst.idx.msk $0xffff, v36  }
0x5cc: {  	v35 =	vadd.s32 v4, v23;
	v37 =	vor.u32 v6, v40;
	[tilespmem:v41+s3+$0x0] =	vst.idx.msk $0xffff, v39;
	v36 =	vld.idx.msk [tilespmem:v38+s26+$0x0], $0xffff  }
0x5cd: {  	v41 =	vor.u32 v6, v27;
	v38 =	vadd.s32 v4, v24;
	v39 =	vld.idx.msk [tilespmem:v60+s26+$0x0], $0xffff  }
0x5ce: {  	v60 =	vadd.s32 v4, v25;
	v4 =	vld [tilespmem:$0x1FD20]  }
0x5cf: {  	[tilespmem:v31+s3+$0x0] =	vst.idx.msk $0xffff, v1  }
0x5d0: {  	[tilespmem:v34+s3+$0x0] =	vst.idx.msk $0xffff, v33;
	v1 =	vld.idx.msk [tilespmem:v32+s26+$0x0], $0xffff  }
0x5d1: {  	v33 =	vld.idx.msk [tilespmem:v35+s26+$0x0], $0xffff;
	[tilespmem:v37+s3+$0x0] =	vst.idx.msk $0xffff, v36  }
0x5d2: {  	v31 =	vor.u32 v10, v18;
	[tilespmem:v41+s3+$0x0] =	vst.idx.msk $0xffff, v39;
	v36 =	vld.idx.msk [tilespmem:v38+s26+$0x0], $0xffff  }
0x5d3: {  	v34 =	vor.u32 v10, v26;
	v32 =	vadd.s32 v4, v19;
	v35 =	vadd.s32 v4, v23;
	v39 =	vld.idx.msk [tilespmem:v60+s26+$0x0], $0xffff  }
0x5d4: {  	v37 =	vor.u32 v10, v40;
	v38 =	vadd.s32 v4, v24;
	v60 =	vadd.s32 v4, v25;
	v4 =	vld [tilespmem:$0x1FD30]  }
0x5d5: {  	v41 =	vor.u32 v10, v27;
	_ =	sdelay $0x1  }
0x5d6: {  	[tilespmem:v31+s3+$0x0] =	vst.idx.msk $0xffff, v1  }
0x5d7: {  	v31 =	vor.u32 v11, v18;
	[tilespmem:v34+s3+$0x0] =	vst.idx.msk $0xffff, v33;
	v1 =	vld.idx.msk [tilespmem:v32+s26+$0x0], $0xffff  }
0x5d8: {  	v34 =	vor.u32 v11, v26;
	v32 =	vadd.s32 v4, v19;
	v33 =	vld.idx.msk [tilespmem:v35+s26+$0x0], $0xffff;
	[tilespmem:v37+s3+$0x0] =	vst.idx.msk $0xffff, v36  }
0x5d9: {  	v35 =	vadd.s32 v4, v23;
	v37 =	vor.u32 v11, v40;
	[tilespmem:v41+s3+$0x0] =	vst.idx.msk $0xffff, v39;
	v36 =	vld.idx.msk [tilespmem:v38+s26+$0x0], $0xffff  }
0x5da: {  	v41 =	vor.u32 v11, v27;
	v38 =	vadd.s32 v4, v24;
	v39 =	vld.idx.msk [tilespmem:v60+s26+$0x0], $0xffff  }
0x5db: {  	v60 =	vadd.s32 v4, v25;
	v4 =	vld [tilespmem:$0x1FD40]  }
0x5dc: {  	[tilespmem:v31+s3+$0x0] =	vst.idx.msk $0xffff, v1  }
0x5dd: {  	[tilespmem:v34+s3+$0x0] =	vst.idx.msk $0xffff, v33;
	v1 =	vld.idx.msk [tilespmem:v32+s26+$0x0], $0xffff  }
0x5de: {  	v33 =	vld.idx.msk [tilespmem:v35+s26+$0x0], $0xffff;
	[tilespmem:v37+s3+$0x0] =	vst.idx.msk $0xffff, v36  }
0x5df: {  	v31 =	vor.u32 v13, v18;
	[tilespmem:v41+s3+$0x0] =	vst.idx.msk $0xffff, v39;
	v36 =	vld.idx.msk [tilespmem:v38+s26+$0x0], $0xffff  }
0x5e0: {  	v34 =	vor.u32 v13, v26;
	v32 =	vadd.s32 v4, v19;
	v35 =	vadd.s32 v4, v23;
	v39 =	vld.idx.msk [tilespmem:v60+s26+$0x0], $0xffff  }
0x5e1: {  	v37 =	vor.u32 v13, v40;
	v38 =	vadd.s32 v4, v24;
	v60 =	vadd.s32 v4, v25;
	v4 =	vld [tilespmem:$0x1FD50]  }
0x5e2: {  	v41 =	vor.u32 v13, v27;
	_ =	sdelay $0x1  }
0x5e3: {  	[tilespmem:v31+s3+$0x0] =	vst.idx.msk $0xffff, v1  }
0x5e4: {  	[tilespmem:v34+s3+$0x0] =	vst.idx.msk $0xffff, v33;
	v31 =	vor.u32 v14, v18;
	v1 =	vld.idx.msk [tilespmem:v32+s26+$0x0], $0xffff  }
0x5e5: {  	v33 =	vor.u32 v14, v26;
	[tilespmem:v37+s3+$0x0] =	vst.idx.msk $0xffff, v36;
	v19 =	vadd.s32 v4, v19;
	v32 =	vld.idx.msk [tilespmem:v35+s26+$0x0], $0xffff  }
0x5e6: {  	v23 =	vadd.s32 v4, v23;
	[tilespmem:v41+s3+$0x0] =	vst.idx.msk $0xffff, v39;
	v35 =	vor.u32 v14, v40;
	v34 =	vld.idx.msk [tilespmem:v38+s26+$0x0], $0xffff  }
0x5e7: {  	v24 =	vadd.s32 v4, v24;
	v36 =	vld.idx.msk [tilespmem:v60+s26+$0x0], $0xffff;
	v60 =	vor.u32 v14, v27  }
0x5e8: {  	v42 =	vld [tilespmem:$0x1FEE0];
	v25 =	vadd.s32 v4, v25  }
0x5e9: {  	v41 =	vld [tilespmem:$0x1FED0];
	[tilespmem:v31+s3+$0x0] =	vst.idx.msk $0xffff, v1  }
0x5ea: {  	v18 =	vor.u32 v17, v18;
	[tilespmem:v33+s3+$0x0] =	vst.idx.msk $0xffff, v32;
	v1 =	vld.idx.msk [tilespmem:v19+s26+$0x0], $0xffff  }
0x5eb: {  	[tilespmem:v35+s3+$0x0] =	vst.idx.msk $0xffff, v34;
	v19 =	vld.idx.msk [tilespmem:v23+s26+$0x0], $0xffff;
	v23 =	vor.u32 v17, v26  }
0x5ec: {  	s8 =	sadd.s32 $0x4, s8;
	[tilespmem:v60+s3+$0x0] =	vst.idx.msk $0xffff, v36;
	v26 =	vor.u32 v17, v40;
	v24 =	vld.idx.msk [tilespmem:v24+s26+$0x0], $0xffff  }
0x5ed: {  	p2 =	slt.u32 s8, $0x14;
	v27 =	vor.u32 v17, v27;
	v25 =	vld.idx.msk [tilespmem:v25+s26+$0x0], $0xffff  }
.Ltmp7:
0x5ee: {  	v31 =	vld [tilespmem:$0x1FF00];
	(pc) =	sbr.rel @p2 .LBB2_6-.Ltmp7, $4  }
0x5ef: {  	v33 =	vld [tilespmem:$0x1FF20];
	[tilespmem:v18+s3+$0x0] =	vst.idx.msk $0xffff, v1  }
0x5f0: {  	v32 =	vld [tilespmem:$0x1FF10];
	[tilespmem:v23+s3+$0x0] =	vst.idx.msk $0xffff, v19  }
0x5f1: {  	v34 =	vld [tilespmem:$0x1FF30];
	[tilespmem:v26+s3+$0x0] =	vst.idx.msk $0xffff, v24  }
0x5f2: {  	s10 =	sadd.s32 $0x40, s10;
	s9 =	sadd.s32 $0x20, s9;
	[tilespmem:v27+s3+$0x0] =	vst.idx.msk $0xffff, v25;
	v27 =	vld [tilespmem:$0x1FEF0]  }
.Ltmp8:
0x5f3: {  	v35 =	vld [tilespmem:$0x1FF40];
	(pc) =	sbr.rel .LBB2_8-.Ltmp8, $4  }
0x5f4: {  	s7 =	smul.u32 $0xC00, s7;
	v36 =	vld [tilespmem:$0x1FF50]  }
0x5f5: {  	v37 =	vld [tilespmem:$0x1FF60]  }
0x5f6: {  	v38 =	vld [tilespmem:$0x1FF70];
	s7 =	sadd.s32 s4, s7  }
0x5f7: {  	v39 =	vld [tilespmem:$0x1FF80];
	[hbm4b:s7+s5] =	stream.linear.scatter [tilespmem:s3], [sflag:$0x4], $0x6000, $0x38  }
.LBB2_10:
0x5f8: {  	s7 =	rddreg [dreg:$0x9];
	s8 =	simm.s32 $0x800  }
0x5f9: {  	[tilespmem:s24], [sflag:$0x5] =	stream.strided.gather [hbm4b:s7+s8], $0x4000, s22, s8, $0x38;
	[tilespmem:$0x1C000] =	vst v63  }
0x5fa: {  	_ =	swait.ge [sflag:s25], $0x4000  }
0x5fb: {  	[sflag:s25] =	ssyncset.done $0x0  }
0x5fc: {  	s7 =	simm.s32 $0x0;
	s8 =	simm.s32 $0x0;
	v39 =	vld [tilespmem:$0x1FE40];
	[sflag:s25] =	ssyncadd.s32 $0xFFFFC000  }
.LBB2_11:
0x5fd: {  	v44 =	vld [tilespmem:$0x1FD80]  }
0x5fe: {  	v45 =	vld [tilespmem:$0x1FD90]  }
0x5ff: {  	v50 =	vld [tilespmem:$0x1FDC0]  }
0x600: {  	v51 =	vld [tilespmem:$0x1FDD0]  }
0x601: {  	s9 =	sshll.u32 s8, $0x4  }
0x602: {  	v1 =	vmul.u32 $0x80, v58;
	v0 =	vmov s9  }
0x603: {  	v0 =	vshll.u32 v0, $0x7  }
0x604: {  	v46 =	vor.u32 v1, v0;
	v0 =	vcombine.low v45, v44  }
0x605: {  	v4 =	vcombine.low v51, v50  }
0x606: {  	v0 =	vand.u32 $0xF, v0  }
0x607: {  	v5 =	vor.u32 v0, v46;
	v0 =	vand.u32 $0xF, v4;
	v4 =	vld [tilespmem:$0x1F630];
	_ =	sdelay $0x4  }
0x608: {  	v7 =	vsel vm4, $0x0, v4;
	v4 =	vimm.s32 $0x300  }
0x609: {  	v8 =	vsel vm0, $0x400, v4;
	v4 =	vld [tilespmem:$0x1F620];
	_ =	sdelay $0x2  }
0x60a: {  	v42 =	vld [tilespmem:$0x1FD60]  }
0x60b: {  	v43 =	vld [tilespmem:$0x1FD70]  }
0x60c: {  	v9 =	vsel vm5, $0x0, v4;
	v4 =	vld [tilespmem:$0x1F610]  }
0x60d: {  	v13 =	vsel vm0, $0x200, v6;
	v6 =	vmul.u32 $0x2, v58;
	v15 =	vimm.s32 $0x0;
	s12 =	sand.u32 $0x30, s7;
	s9 =	sshll.u32 s8, $0x5  }
0x60e: {  	v14 =	vand.u32 $0x7, v58;
	v15 =	vsel vm0, $0x100, v15;
	v18 =	vmov s12;
	s10 =	sadd.s32 $0x0, s9  }
0x60f: {  	v18 =	vshll.u32 v18, $0x8;
	v26 =	vmov s10;
	v27 =	vor.u32 s10, v6  }
0x610: {  	v2 =	vor.u32 v58, v46;
	v26 =	vshll.u32 v26, $0x3;
	v3 =	vcombine.low v43, v42  }
0x611: {  	v27 =	vand.u32 $0x7F, v27;
	v10 =	vsel vm6, $0x0, v4;
	v4 =	vimm.s32 $0x200  }
0x612: {  	v26 =	vand.u32 $0x400, v26;
	v3 =	vand.u32 $0xF, v3;
	v11 =	vsel vm0, $0x300, v4;
	v4 =	vld [tilespmem:$0x1F600]  }
0x613: {  	v21 =	vor.u32 s7, v2;
	v30 =	vor.u32 v26, v27;
	v3 =	vor.u32 v3, v46  }
0x614: {  	v16 =	vsel vm5, $0x80, v7;
	v7 =	vmul.u32 $0x80, v14;
	v17 =	vsel vm1, $0x500, v8  }
0x615: {  	v23 =	vor.u32 s7, v3;
	v14 =	vsel vm2, $0x600, v17;
	v8 =	vsel vm6, $0x80, v9  }
0x616: {  	v33 =	vor.u32 v7, v30;
	v27 =	vsel vm3, $0x700, v14;
	v22 =	vsel vm8, $0x180, v8  }
0x617: {  	v9 =	vsel vm8, $0x100, v10;
	v10 =	vsel vm1, $0x400, v11;
	v12 =	vsel vm8, $0x80, v4  }
0x618: {  	v11 =	vsel vm9, $0x100, v12;
	v12 =	vsel vm1, $0x300, v13;
	v13 =	vsel vm1, $0x200, v15  }
0x619: {  	v22 =	vsel vm9, $0x200, v22;
	v15 =	vsel vm6, $0x100, v16;
	v16 =	vsel vm2, $0x300, v13  }
0x61a: {  	v22 =	vsel vm10, $0x280, v22;
	v19 =	vsel vm9, $0x180, v9;
	v16 =	vsel vm3, $0x400, v16  }
0x61b: {  	v20 =	vsel vm2, $0x500, v10;
	v19 =	vsel vm10, $0x200, v19;
	v16 =	vsel vm4, $0x500, v16  }
0x61c: {  	v20 =	vsel vm3, $0x600, v20;
	v19 =	vsel vm11, $0x280, v19;
	v16 =	vsel vm5, $0x600, v16  }
0x61d: {  	v20 =	vsel vm4, $0x700, v20;
	v4 =	vmul.u32 $0x100, v58;
	v16 =	vsel vm6, $0x700, v16  }
0x61e: {  	v20 =	vsel vm5, $0x800, v20;
	v25 =	vsel vm2, $0x400, v12;
	v16 =	vsel vm7, $0x800, v16  }
0x61f: {  	v17 =	vsel vm10, $0x180, v11;
	v25 =	vsel vm3, $0x500, v25;
	v16 =	vsel vm8, $0x900, v16  }
0x620: {  	v29 =	vor.u32 v4, v18;
	v25 =	vsel vm4, $0x600, v25;
	v16 =	vsel vm9, $0xA00, v16  }
0x621: {  	v26 =	vand.u32 $0x3800, v29;
	v25 =	vsel vm5, $0x700, v25;
	v16 =	vsel vm10, $0xB00, v16  }
0x622: {  	v26 =	vor.u32 v26, v33;
	v25 =	vsel vm6, $0x800, v25;
	v16 =	vsel vm11, $0xC00, v16  }
0x623: {  	v17 =	vsel vm11, $0x200, v17;
	v25 =	vsel vm7, $0x900, v25;
	v16 =	vsel vm12, $0xD00, v16  }
0x624: {  	v17 =	vsel vm12, $0x280, v17;
	v25 =	vsel vm8, $0xA00, v25;
	v16 =	vsel vm13, $0xE00, v16  }
0x625: {  	v17 =	vsel vm13, $0x300, v17;
	v25 =	vsel vm9, $0xB00, v25;
	v16 =	vsel vm14, $0xF00, v16  }
0x626: {  	v25 =	vsel vm10, $0xC00, v25;
	[tilespmem:$0x1F460] =	vst v16;
	v29 =	vor.u32 v16, v18;
	v16 =	vsel vm14, $0x380, v17  }
0x627: {  	v26 =	vld.idx.msk [tilespmem:v26+s24+$0x0], $0xffff;
	v25 =	vsel vm11, $0xD00, v25;
	v29 =	vand.u32 $0x3800, v29;
	v31 =	vor.u32 v16, v30  }
0x628: {  	v20 =	vsel vm6, $0x900, v20;
	v25 =	vsel vm12, $0xE00, v25;
	v29 =	vor.u32 v29, v31  }
0x629: {  	v32 =	vsel vm12, $0x300, v19;
	v20 =	vsel vm7, $0xA00, v20;
	v25 =	vsel vm13, $0xF00, v25  }
0x62a: {  	v53 =	vsel vm8, $0xB00, v20;
	v19 =	vsel vm14, $0x0, v25;
	v25 =	vsel vm13, $0x380, v32  }
0x62b: {  	v22 =	vsel vm11, $0x300, v22;
	v20 =	vsel vm14, $0x0, v25;
	v25 =	vsel vm9, $0xC00, v53  }
0x62c: {  	[tilespmem:v21+s31+$0x0] =	vst.idx.msk $0xffff, v26;
	v21 =	vsel vm4, $0x800, v27;
	v34 =	vor.u32 v19, v18;
	v25 =	vsel vm10, $0xD00, v25  }
0x62d: {  	v54 =	vand.u32 $0x3800, v34;
	v34 =	vor.u32 v20, v30;
	v25 =	vsel vm11, $0xE00, v25;
	v26 =	vld.idx.msk [tilespmem:v29+s24+$0x0], $0xffff  }
0x62e: {  	v47 =	vld [tilespmem:$0x1FDA0];
	v21 =	vsel vm5, $0x900, v21;
	v32 =	vor.u32 v54, v34;
	v25 =	vsel vm12, $0xF00, v25  }
0x62f: {  	v22 =	vsel vm12, $0x380, v22;
	v21 =	vsel vm6, $0xA00, v21;
	v25 =	vsel vm13, $0x0, v25;
	v29 =	vld [tilespmem:$0x1F640]  }
0x630: {  	v48 =	vld [tilespmem:$0x1FDB0];
	v22 =	vsel vm13, $0x0, v22;
	v27 =	vsel vm7, $0xB00, v21;
	v21 =	vsel vm14, $0x100, v25  }
0x631: {  	v22 =	vsel vm14, $0x80, v22;
	v25 =	vsel vm8, $0xC00, v27;
	v27 =	vor.u32 v21, v18  }
0x632: {  	v35 =	vor.u32 v22, v30;
	v25 =	vsel vm9, $0xD00, v25;
	v27 =	vand.u32 $0x3800, v27;
	[tilespmem:v23+s31+$0x0] =	vst.idx.msk $0xffff, v26  }
0x633: {  	v24 =	vor.u32 s7, v5;
	v23 =	vsel vm10, $0xE00, v25;
	v25 =	vor.u32 v27, v35;
	v27 =	vld.idx.msk [tilespmem:v32+s24+$0x0], $0xffff  }
0x634: {  	v29 =	vsel vm3, $0x0, v29  }
0x635: {  	v1 =	vcombine.low v48, v47;
	v29 =	vsel vm4, $0x80, v29  }
0x636: {  	v29 =	vsel vm5, $0x100, v29  }
0x637: {  	v1 =	vand.u32 $0xF, v1;
	v29 =	vsel vm6, $0x180, v29  }
0x638: {  	v1 =	vor.u32 v1, v46;
	v28 =	vsel vm8, $0x200, v15;
	v29 =	vsel vm8, $0x280, v29;
	[tilespmem:v24+s31+$0x0] =	vst.idx.msk $0xffff, v27  }
0x639: {  	v26 =	vsel vm9, $0x280, v28;
	v28 =	vor.u32 s7, v1;
	v27 =	vsel vm9, $0x300, v29;
	v29 =	vld.idx.msk [tilespmem:v25+s24+$0x0], $0xffff  }
0x63a: {  	v23 =	vsel vm11, $0xF00, v23;
	v26 =	vsel vm10, $0x300, v26;
	v25 =	vsel vm10, $0x380, v27;
	v27 =	vld [tilespmem:$0x1F650]  }
0x63b: {  	v23 =	vsel vm12, $0x0, v23;
	v26 =	vsel vm11, $0x380, v26  }
0x63c: {  	v23 =	vsel vm13, $0x100, v23;
	v26 =	vsel vm12, $0x0, v26  }
0x63d: {  	v52 =	vld [tilespmem:$0x1FDE0];
	v23 =	vsel vm14, $0x200, v23;
	v26 =	vsel vm13, $0x80, v26  }
0x63e: {  	v38 =	vor.u32 v39, v18;
	v53 =	vld [tilespmem:$0x1FDF0];
	v55 =	vor.u32 v23, v18;
	v24 =	vsel vm14, $0x100, v26  }
0x63f: {  	v26 =	vand.u32 $0x3800, v55;
	v36 =	vor.u32 v24, v30;
	v27 =	vsel vm2, $0x0, v27;
	[tilespmem:v28+s31+$0x0] =	vst.idx.msk $0xffff, v29;
	v29 =	vld [tilespmem:$0x1F660]  }
0x640: {  	v26 =	vor.u32 v26, v36;
	v25 =	vsel vm11, $0x0, v25;
	v27 =	vsel vm3, $0x80, v27  }
0x641: {  	v0 =	vor.u32 v0, v46;
	v25 =	vsel vm12, $0x80, v25;
	v27 =	vsel vm4, $0x100, v27  }
0x642: {  	v37 =	vor.u32 s7, v0;
	v25 =	vsel vm13, $0x100, v25;
	v27 =	vsel vm5, $0x180, v27  }
0x643: {  	v56 =	vcombine.low v53, v52;
	v25 =	vsel vm14, $0x180, v25;
	v27 =	vsel vm6, $0x200, v27  }
0x644: {  	v28 =	vand.u32 $0x3800, v38;
	v27 =	vsel vm8, $0x300, v27;
	v29 =	vsel vm1, $0x0, v29  }
0x645: {  	v17 =	vmovc v39;
	v39 =	vor.u32 v25, v30;
	v57 =	vld.idx.msk [tilespmem:v26+s24+$0x0], $0xffff;
	v26 =	vsel vm9, $0x380, v27;
	v27 =	vsel vm2, $0x80, v29  }
0x646: {  	v28 =	vor.u32 v28, v39;
	v26 =	vsel vm10, $0x0, v26;
	v27 =	vsel vm3, $0x100, v27  }
0x647: {  	v29 =	vand.u32 $0xF, v56;
	v54 =	vsel vm11, $0x80, v26;
	v27 =	vsel vm4, $0x180, v27  }
0x648: {  	v26 =	vor.u32 v29, v46;
	v29 =	vsel vm12, $0x100, v54;
	v27 =	vsel vm5, $0x200, v27  }
0x649: {  	v54 =	vld [tilespmem:$0x1FE00];
	v29 =	vsel vm13, $0x180, v29;
	v55 =	vsel vm6, $0x280, v27  }
0x64a: {  	[tilespmem:v37+s31+$0x0] =	vst.idx.msk $0xffff, v57;
	v27 =	vsel vm14, $0x200, v29;
	v29 =	vsel vm8, $0x380, v55;
	v55 =	vld [tilespmem:$0x1FE10]  }
0x64b: {  	v38 =	vld.idx.msk [tilespmem:v28+s24+$0x0], $0xffff;
	v40 =	vor.u32 s7, v26  }
0x64c: {  	v56 =	vor.u32 v49, v18  }
0x64d: {  	v28 =	vand.u32 $0x3800, v56;
	v32 =	vor.u32 v27, v30;
	v29 =	vsel vm9, $0x0, v29  }
0x64e: {  	v37 =	vor.u32 v28, v32;
	v28 =	vsel vm10, $0x80, v29  }
0x64f: {  	v57 =	vor.u32 v62, v18;
	v56 =	vld [tilespmem:$0x1FE20];
	v28 =	vsel vm11, $0x100, v28;
	v29 =	vcombine.low v55, v54  }
0x650: {  	[tilespmem:v40+s31+$0x0] =	vst.idx.msk $0xffff, v38;
	v38 =	vand.u32 $0x3800, v57;
	v57 =	vld [tilespmem:$0x1FE30];
	v28 =	vsel vm12, $0x180, v28  }
0x651: {  	v41 =	vsel vm13, $0x200, v28;
	v29 =	vand.u32 $0xF, v29  }
0x652: {  	v28 =	vor.u32 v29, v46;
	v29 =	vsel vm14, $0x280, v41  }
0x653: {  	[tilespmem:$0x1F470] =	vst v16;
	v16 =	vmov v49;
	v37 =	vld.idx.msk [tilespmem:v37+s24+$0x0], $0xffff;
	v40 =	vor.u32 s7, v28;
	v49 =	vor.u32 v29, v30  }
0x654: {  	v38 =	vor.u32 v38, v49  }
0x655: {  	v30 =	vcombine.low v57, v56;
	_ =	sdelay $0x1  }
0x656: {  	v30 =	vand.u32 $0xF, v30  }
0x657: {  	v41 =	vld [tilespmem:$0x1F810];
	v30 =	vor.u32 v30, v46;
	[tilespmem:v40+s31+$0x0] =	vst.idx.msk $0xffff, v37;
	v37 =	vor.u32 v59, v18  }
0x658: {  	v40 =	vor.u32 s7, v30;
	v38 =	vld.idx.msk [tilespmem:v38+s24+$0x0], $0xffff;
	v37 =	vand.u32 $0x3800, v37  }
0x659: {  	v37 =	vor.u32 v37, v33;
	_ =	sdelay $0x3  }
0x65a: {  	v33 =	vor.u32 v41, v46;
	[tilespmem:v40+s31+$0x0] =	vst.idx.msk $0xffff, v38;
	v38 =	vor.u32 v63, v18  }
0x65b: {  	v40 =	vor.u32 s7, v33;
	v37 =	vld.idx.msk [tilespmem:v37+s24+$0x0], $0xffff;
	v38 =	vand.u32 $0x3800, v38  }
0x65c: {  	v31 =	vor.u32 v38, v31  }
0x65d: {  	v43 =	vcombine.low v42, v43  }
0x65e: {  	v45 =	vcombine.low v44, v45  }
0x65f: {  	v48 =	vcombine.low v47, v48;
	v38 =	vand.u32 $0xF, v43  }
0x660: {  	v44 =	vand.u32 $0xF, v45;
	v38 =	vor.u32 v38, v46;
	[tilespmem:v40+s31+$0x0] =	vst.idx.msk $0xffff, v37;
	v37 =	vor.u32 v61, v18  }
0x661: {  	v45 =	vimm.s32 $0xC00;
	v42 =	vor.u32 s7, v38;
	v31 =	vld.idx.msk [tilespmem:v31+s24+$0x0], $0xffff;
	v37 =	vand.u32 $0x3800, v37  }
0x662: {  	v40 =	vsel vm0, $0xD00, v45;
	v34 =	vor.u32 v37, v34  }
0x663: {  	v47 =	vand.u32 $0xF, v48;
	v48 =	vsel vm1, $0xE00, v40  }
0x664: {  	v50 =	vcombine.low v50, v51;
	v41 =	vor.u32 v44, v46;
	v43 =	vsel vm2, $0xF00, v48  }
0x665: {  	v51 =	vcombine.low v52, v53;
	v53 =	vor.u32 s7, v41;
	v52 =	vsel vm3, $0x0, v43  }
0x666: {  	v40 =	vor.u32 v47, v46;
	[tilespmem:v42+s31+$0x0] =	vst.idx.msk $0xffff, v31;
	v31 =	vor.u32 v60, v18;
	v42 =	vsel vm4, $0x100, v52;
	v52 =	vld [tilespmem:$0x1FF90]  }
0x667: {  	v47 =	vcombine.low v56, v57;
	v37 =	vand.u32 $0xF, v50;
	v34 =	vld.idx.msk [tilespmem:v34+s24+$0x0], $0xffff;
	v31 =	vand.u32 $0x3800, v31  }
0x668: {  	v50 =	vand.u32 $0xF, v51;
	v48 =	vsel vm5, $0x200, v42;
	v31 =	vor.u32 v31, v35  }
0x669: {  	v51 =	vcombine.low v54, v55;
	v44 =	vor.u32 s7, v40;
	v35 =	vsel vm6, $0x300, v48  }
0x66a: {  	s10 =	simm.s32 $0x10;
	v54 =	vimm.s32 $0xE00;
	v43 =	vor.u32 v37, v46;
	v35 =	vsel vm7, $0x400, v35  }
0x66b: {  	v37 =	vand.u32 $0xF, v51;
	v51 =	vor.u32 s10, v3;
	v35 =	vsel vm8, $0x500, v35  }
0x66c: {  	v35 =	vsel vm9, $0x600, v35;
	[tilespmem:v53+s31+$0x0] =	vst.idx.msk $0xffff, v34;
	v34 =	vor.u32 v52, v18;
	v53 =	vimm.s32 $0xD00  }
0x66d: {  	v35 =	vsel vm10, $0x700, v35;
	v45 =	vsel vm0, $0xE00, v53;
	v31 =	vld.idx.msk [tilespmem:v31+s24+$0x0], $0xffff;
	v34 =	vand.u32 $0x3800, v34  }
0x66e: {  	v35 =	vsel vm11, $0x800, v35;
	v45 =	vsel vm1, $0xF00, v45;
	v34 =	vor.u32 v34, v36  }
0x66f: {  	v48 =	vsel vm0, $0xF00, v54;
	v35 =	vsel vm12, $0x900, v35;
	v45 =	vsel vm2, $0x0, v45  }
0x670: {  	v56 =	vsel vm1, $0x0, v48;
	v35 =	vsel vm13, $0xA00, v35;
	v45 =	vsel vm3, $0x100, v45  }
0x671: {  	v36 =	vor.u32 s7, v43;
	v55 =	vsel vm4, $0x200, v45;
	v45 =	vsel vm14, $0xB00, v35  }
0x672: {  	v35 =	vsel vm2, $0x100, v56;
	v57 =	vsel vm5, $0x300, v55;
	[tilespmem:v44+s31+$0x0] =	vst.idx.msk $0xffff, v31;
	v31 =	vor.u32 v45, v18  }
0x673: {  	v35 =	vsel vm3, $0x200, v35;
	v52 =	vsel vm6, $0x400, v57;
	v34 =	vld.idx.msk [tilespmem:v34+s24+$0x0], $0xffff;
	v31 =	vand.u32 $0x3800, v31  }
0x674: {  	v48 =	vsel vm7, $0x500, v52;
	v39 =	vor.u32 v31, v39;
	v31 =	vsel vm4, $0x300, v35  }
0x675: {  	v42 =	vor.u32 v50, v46;
	v53 =	vsel vm8, $0x600, v48;
	v31 =	vsel vm5, $0x400, v31  }
0x676: {  	v50 =	vor.u32 s10, v5;
	v35 =	vsel vm9, $0x700, v53;
	v31 =	vsel vm6, $0x500, v31  }
0x677: {  	v54 =	vand.u32 $0xF, v47;
	v35 =	vsel vm10, $0x800, v35;
	v55 =	vsel vm7, $0x600, v31  }
0x678: {  	v44 =	vor.u32 v37, v46;
	v35 =	vsel vm11, $0x900, v35;
	[tilespmem:v36+s31+$0x0] =	vst.idx.msk $0xffff, v34;
	v56 =	vsel vm8, $0x700, v55  }
0x679: {  	v36 =	vor.u32 s7, v42;
	v35 =	vsel vm12, $0xA00, v35;
	v37 =	vld.idx.msk [tilespmem:v39+s24+$0x0], $0xffff;
	v34 =	vsel vm9, $0x800, v56  }
0x67a: {  	v46 =	vor.u32 v54, v46;
	v35 =	vsel vm13, $0xB00, v35;
	v34 =	vsel vm10, $0x900, v34  }
0x67b: {  	v54 =	vor.u32 s7, v46;
	v47 =	vsel vm14, $0xC00, v35;
	v34 =	vsel vm11, $0xA00, v34  }
0x67c: {  	v53 =	vor.u32 s10, v2;
	v35 =	vor.u32 v47, v18;
	v34 =	vsel vm12, $0xB00, v34  }
0x67d: {  	s11 =	sand.u32 $0x30, s10;
	v31 =	vor.u32 s7, v44;
	v35 =	vand.u32 $0x3800, v35;
	v57 =	vsel vm13, $0xC00, v34  }
0x67e: {  	s29 =	simm.s32 $0x1;
	s30 =	simm.s32 $0x2;
	[tilespmem:v36+s31+$0x0] =	vst.idx.msk $0xffff, v37;
	v34 =	vor.u32 v35, v32;
	v32 =	vmov s11;
	v48 =	vsel vm14, $0xD00, v57  }
.LBB2_12:
0x67f: {  	_ = 	snop  }
0x680: {  	v35 =	vsel vm9, $0x180, v9;
	v36 =	vsel vm8, $0x180, v8  }
0x681: {  	v18 =	vor.u32 v48, v18;
	v37 =	vsel vm2, $0x500, v10;
	v39 =	vsel vm2, $0x300, v13  }
0x682: {  	v55 =	vsel vm10, $0x180, v11;
	v56 =	vsel vm2, $0x400, v12;
	v18 =	vand.u32 $0x3800, v18  }
0x683: {  	v34 =	vld.idx.msk [tilespmem:v34+s24+$0x0], $0xffff;
	s11 =	sshrl.u32 s29, $0x2;
	v39 =	vsel vm3, $0x400, v39;
	v55 =	vsel vm11, $0x200, v55;
	v37 =	vsel vm3, $0x600, v37  }
0x684: {  	s11 =	sadd.s32 s9, s11;
	v35 =	vsel vm10, $0x200, v35;
	v52 =	vor.u32 v18, v49;
	v39 =	vsel vm4, $0x500, v39  }
0x685: {  	v18 =	vshll.u32 v32, $0x8;
	v57 =	vmov s11;
	v39 =	vsel vm5, $0x600, v39  }
0x686: {  	v49 =	vor.u32 s11, v6;
	v55 =	vsel vm12, $0x280, v55;
	v39 =	vsel vm6, $0x700, v39  }
0x687: {  	v32 =	vshll.u32 v57, $0x3;
	v49 =	vand.u32 $0x7F, v49;
	v39 =	vsel vm7, $0x800, v39  }
0x688: {  	v32 =	vand.u32 $0x400, v32;
	[tilespmem:v31+s31+$0x0] =	vst.idx.msk $0xffff, v34;
	v31 =	vsel vm8, $0x900, v39;
	v39 =	vor.u32 v4, v18  }
0x689: {  	v49 =	vor.u32 v32, v49;
	v31 =	vsel vm9, $0xA00, v31;
	v34 =	vand.u32 $0x3800, v39  }
0x68a: {  	v32 =	vld.idx.msk [tilespmem:v52+s24+$0x0], $0xffff;
	v52 =	vor.u32 v7, v49;
	v39 =	vsel vm3, $0x500, v56;
	v31 =	vsel vm10, $0xB00, v31  }
0x68b: {  	v34 =	vor.u32 v34, v52;
	v39 =	vsel vm4, $0x600, v39;
	v31 =	vsel vm11, $0xC00, v31  }
0x68c: {  	v37 =	vsel vm4, $0x700, v37;
	v39 =	vsel vm5, $0x700, v39;
	v31 =	vsel vm12, $0xD00, v31  }
0x68d: {  	v35 =	vsel vm11, $0x280, v35;
	v39 =	vsel vm6, $0x800, v39;
	v31 =	vsel vm13, $0xE00, v31  }
0x68e: {  	v55 =	vsel vm13, $0x300, v55;
	v39 =	vsel vm7, $0x900, v39;
	v31 =	vsel vm14, $0xF00, v31  }
0x68f: {  	v55 =	vsel vm14, $0x380, v55;
	[tilespmem:v54+s31+$0x0] =	vst.idx.msk $0xffff, v32;
	v54 =	vsel vm8, $0xA00, v39;
	v31 =	vor.u32 v31, v18  }
0x690: {  	v34 =	vld.idx.msk [tilespmem:v34+s24+$0x0], $0xffff;
	v32 =	vsel vm9, $0xB00, v54;
	v54 =	vor.u32 v55, v49;
	v31 =	vand.u32 $0x3800, v31  }
0x691: {  	v57 =	vsel vm8, $0x200, v15;
	v32 =	vsel vm10, $0xC00, v32;
	v31 =	vor.u32 v31, v54  }
0x692: {  	v37 =	vsel vm5, $0x800, v37;
	v35 =	vsel vm12, $0x300, v35;
	v32 =	vsel vm11, $0xD00, v32  }
0x693: {  	v37 =	vsel vm6, $0x900, v37;
	v56 =	vsel vm3, $0x700, v14;
	v32 =	vsel vm12, $0xE00, v32  }
0x694: {  	v37 =	vsel vm7, $0xA00, v37;
	v56 =	vsel vm4, $0x800, v56;
	v32 =	vsel vm13, $0xF00, v32  }
0x695: {  	v55 =	vsel vm8, $0xB00, v37;
	v32 =	vsel vm14, $0x0, v32;
	[tilespmem:v53+s31+$0x0] =	vst.idx.msk $0xffff, v34;
	v53 =	vsel vm13, $0x380, v35  }
0x696: {  	v55 =	vsel vm9, $0xC00, v55;
	v53 =	vsel vm14, $0x0, v53;
	v37 =	vld.idx.msk [tilespmem:v31+s24+$0x0], $0xffff;
	v31 =	vor.u32 v32, v18  }
0x697: {  	v32 =	vsel vm10, $0xD00, v55;
	v55 =	vsel vm9, $0x200, v36;
	v36 =	vsel vm5, $0x900, v56  }
0x698: {  	v39 =	vand.u32 $0x3800, v31;
	v31 =	vor.u32 v53, v49;
	v32 =	vsel vm11, $0xE00, v32  }
0x699: {  	v35 =	vsel vm10, $0x280, v55;
	v36 =	vsel vm6, $0xA00, v36;
	v53 =	vor.u32 v39, v31  }
0x69a: {  	v32 =	vsel vm12, $0xF00, v32;
	v35 =	vsel vm11, $0x300, v35;
	v36 =	vsel vm7, $0xB00, v36  }
0x69b: {  	v32 =	vsel vm13, $0x0, v32;
	v35 =	vsel vm12, $0x380, v35;
	v36 =	vsel vm8, $0xC00, v36  }
0x69c: {  	v32 =	vsel vm14, $0x100, v32;
	v35 =	vsel vm13, $0x0, v35;
	v36 =	vsel vm9, $0xD00, v36  }
0x69d: {  	[tilespmem:v51+s31+$0x0] =	vst.idx.msk $0xffff, v37;
	v32 =	vor.u32 v32, v18;
	v35 =	vsel vm14, $0x80, v35;
	v36 =	vsel vm10, $0xE00, v36  }
0x69e: {  	v32 =	vand.u32 $0x3800, v32;
	v35 =	vor.u32 v35, v49;
	v34 =	vld.idx.msk [tilespmem:v53+s24+$0x0], $0xffff;
	v53 =	vsel vm9, $0x280, v57  }
0x69f: {  	v36 =	vsel vm11, $0xF00, v36;
	v32 =	vor.u32 v32, v35;
	v37 =	vsel vm10, $0x300, v53  }
0x6a0: {  	v36 =	vsel vm12, $0x0, v36;
	v37 =	vsel vm11, $0x380, v37  }
0x6a1: {  	v36 =	vsel vm13, $0x100, v36;
	v37 =	vsel vm12, $0x0, v37  }
0x6a2: {  	v36 =	vsel vm14, $0x200, v36;
	v56 =	vsel vm13, $0x80, v37  }
0x6a3: {  	v36 =	vor.u32 v36, v18;
	[tilespmem:v50+s31+$0x0] =	vst.idx.msk $0xffff, v34;
	v34 =	vsel vm14, $0x100, v56  }
0x6a4: {  	v55 =	vor.u32 s10, v1;
	v36 =	vand.u32 $0x3800, v36;
	v32 =	vld.idx.msk [tilespmem:v32+s24+$0x0], $0xffff;
	v34 =	vor.u32 v34, v49  }
0x6a5: {  	v36 =	vor.u32 v36, v34;
	_ =	sdelay $0x3  }
0x6a6: {  	v50 =	vor.u32 v17, v18;
	[tilespmem:v55+s31+$0x0] =	vst.idx.msk $0xffff, v32  }
0x6a7: {  	v39 =	vor.u32 v25, v49;
	v57 =	vor.u32 s10, v0;
	v37 =	vand.u32 $0x3800, v50;
	v36 =	vld.idx.msk [tilespmem:v36+s24+$0x0], $0xffff  }
0x6a8: {  	v37 =	vor.u32 v37, v39;
	_ =	sdelay $0x3  }
0x6a9: {  	v55 =	vor.u32 v16, v18;
	[tilespmem:v57+s31+$0x0] =	vst.idx.msk $0xffff, v36  }
0x6aa: {  	v51 =	vor.u32 s10, v26;
	v36 =	vld.idx.msk [tilespmem:v37+s24+$0x0], $0xffff;
	v37 =	vand.u32 $0x3800, v55;
	v55 =	vor.u32 v27, v49  }
0x6ab: {  	v37 =	vor.u32 v37, v55;
	_ =	sdelay $0x3  }
0x6ac: {  	v56 =	vor.u32 v62, v18;
	[tilespmem:v51+s31+$0x0] =	vst.idx.msk $0xffff, v36  }
0x6ad: {  	v57 =	vor.u32 s10, v28;
	v49 =	vor.u32 v29, v49;
	v36 =	vand.u32 $0x3800, v56;
	v32 =	vld.idx.msk [tilespmem:v37+s24+$0x0], $0xffff  }
0x6ae: {  	v36 =	vor.u32 v36, v49;
	_ =	sdelay $0x3  }
0x6af: {  	v51 =	vor.u32 v59, v18;
	[tilespmem:v57+s31+$0x0] =	vst.idx.msk $0xffff, v32  }
0x6b0: {  	v53 =	vor.u32 s10, v30;
	v32 =	vld.idx.msk [tilespmem:v36+s24+$0x0], $0xffff;
	v36 =	vand.u32 $0x3800, v51  }
0x6b1: {  	v36 =	vor.u32 v36, v52;
	_ =	sdelay $0x3  }
0x6b2: {  	v56 =	vor.u32 v63, v18;
	[tilespmem:v53+s31+$0x0] =	vst.idx.msk $0xffff, v32  }
0x6b3: {  	v57 =	vor.u32 s10, v33;
	v32 =	vld.idx.msk [tilespmem:v36+s24+$0x0], $0xffff;
	v36 =	vand.u32 $0x3800, v56  }
0x6b4: {  	v36 =	vor.u32 v36, v54;
	_ =	sdelay $0x3  }
0x6b5: {  	v50 =	vor.u32 v61, v18;
	[tilespmem:v57+s31+$0x0] =	vst.idx.msk $0xffff, v32  }
0x6b6: {  	v51 =	vor.u32 s10, v38;
	v32 =	vld.idx.msk [tilespmem:v36+s24+$0x0], $0xffff;
	v36 =	vand.u32 $0x3800, v50  }
0x6b7: {  	v36 =	vor.u32 v36, v31;
	_ =	sdelay $0x3  }
0x6b8: {  	[tilespmem:v51+s31+$0x0] =	vst.idx.msk $0xffff, v32  }
0x6b9: {  	v52 =	vor.u32 s10, v41;
	v36 =	vld.idx.msk [tilespmem:v36+s24+$0x0], $0xffff;
	_ =	sdelay $0x3  }
0x6ba: {  	v56 =	vor.u32 v60, v18  }
0x6bb: {  	v50 =	vand.u32 $0x3800, v56;
	[tilespmem:v52+s31+$0x0] =	vst.idx.msk $0xffff, v36;
	v52 =	vld [tilespmem:$0x1FF90]  }
0x6bc: {  	v35 =	vor.u32 v50, v35;
	_ =	sdelay $0x3  }
0x6bd: {  	v57 =	vor.u32 v52, v18  }
0x6be: {  	v56 =	vor.u32 s10, v40;
	v35 =	vld.idx.msk [tilespmem:v35+s24+$0x0], $0xffff;
	v36 =	vand.u32 $0x3800, v57  }
0x6bf: {  	v34 =	vor.u32 v36, v34;
	_ =	sdelay $0x3  }
0x6c0: {  	[tilespmem:v56+s31+$0x0] =	vst.idx.msk $0xffff, v35;
	v56 =	vor.u32 v45, v18  }
0x6c1: {  	v32 =	vor.u32 s10, v43;
	v35 =	vand.u32 $0x3800, v56;
	v34 =	vld.idx.msk [tilespmem:v34+s24+$0x0], $0xffff  }
0x6c2: {  	v35 =	vor.u32 v35, v39;
	_ =	sdelay $0x3  }
0x6c3: {  	[tilespmem:v32+s31+$0x0] =	vst.idx.msk $0xffff, v34  }
0x6c4: {  	p2 =	sne.s32 s30, $0x7;
	v37 =	vor.u32 s10, v42;
	v35 =	vld.idx.msk [tilespmem:v35+s24+$0x0], $0xffff  }
.Ltmp9:
0x6c5: {  	_ = 	snop;
	(pc) =	sbr.rel @p2 .LBB2_12-.Ltmp9, $4  }
0x6c6: {  	_ = 	snop  }
0x6c7: {  	v54 =	vor.u32 s10, v46;
	v31 =	vor.u32 s10, v44;
	s10 =	sadd.s32 $0x10, s10;
	v57 =	vor.u32 v47, v18  }
0x6c8: {  	v50 =	vor.u32 s10, v5;
	v51 =	vor.u32 s10, v3;
	s12 =	sand.u32 $0x30, s10;
	v32 =	vand.u32 $0x3800, v57  }
0x6c9: {  	s29 =	smov.u32 s30;
	s30 =	sadd.s32 $0x1, s30;
	v53 =	vor.u32 s10, v2;
	v34 =	vor.u32 v32, v55;
	v32 =	vmov s12;
	[tilespmem:v37+s31+$0x0] =	vst.idx.msk $0xffff, v35  }
0x6ca: {  	_ =	sdelay $0x2  }
0x6cb: {  	v2 =	vor.u32 v48, v18  }
0x6cc: {  	v3 =	vld.idx.msk [tilespmem:v34+s24+$0x0], $0xffff;
	s11 =	sshrl.u32 s29, $0x2;
	v2 =	vand.u32 $0x3800, v2  }
0x6cd: {  	s9 =	sadd.s32 s9, s11;
	v2 =	vor.u32 v2, v49  }
0x6ce: {  	v5 =	vmov s9  }
0x6cf: {  	v6 =	vor.u32 s9, v6;
	v5 =	vshll.u32 v5, $0x3  }
0x6d0: {  	v8 =	vshll.u32 v32, $0x8;
	v6 =	vand.u32 $0x7F, v6;
	v5 =	vand.u32 $0x400, v5  }
0x6d1: {  	v18 =	vld [tilespmem:$0x1F460];
	v15 =	vor.u32 v4, v8;
	[tilespmem:v31+s31+$0x0] =	vst.idx.msk $0xffff, v3;
	v4 =	vor.u32 v5, v6  }
0x6d2: {  	v3 =	vand.u32 $0x3800, v15;
	v5 =	vor.u32 v7, v4;
	v2 =	vld.idx.msk [tilespmem:v2+s24+$0x0], $0xffff  }
0x6d3: {  	v6 =	vld [tilespmem:$0x1F470];
	v3 =	vor.u32 v3, v5;
	_ =	sdelay $0x3  }
0x6d4: {  	[tilespmem:v54+s31+$0x0] =	vst.idx.msk $0xffff, v2;
	v2 =	vor.u32 v18, v8  }
0x6d5: {  	v6 =	vor.u32 v6, v4;
	v3 =	vld.idx.msk [tilespmem:v3+s24+$0x0], $0xffff;
	v2 =	vand.u32 $0x3800, v2  }
0x6d6: {  	v2 =	vor.u32 v2, v6;
	_ =	sdelay $0x3  }
0x6d7: {  	v19 =	vor.u32 v19, v8;
	[tilespmem:v53+s31+$0x0] =	vst.idx.msk $0xffff, v3  }
0x6d8: {  	v7 =	vor.u32 v20, v4;
	v3 =	vand.u32 $0x3800, v19;
	v2 =	vld.idx.msk [tilespmem:v2+s24+$0x0], $0xffff  }
0x6d9: {  	v3 =	vor.u32 v3, v7;
	_ =	sdelay $0x3  }
0x6da: {  	v21 =	vor.u32 v21, v8;
	[tilespmem:v51+s31+$0x0] =	vst.idx.msk $0xffff, v2  }
0x6db: {  	v9 =	vor.u32 v22, v4;
	v2 =	vand.u32 $0x3800, v21;
	v3 =	vld.idx.msk [tilespmem:v3+s24+$0x0], $0xffff  }
0x6dc: {  	v2 =	vor.u32 v2, v9;
	_ =	sdelay $0x3  }
0x6dd: {  	v22 =	vor.u32 v23, v8;
	[tilespmem:v50+s31+$0x0] =	vst.idx.msk $0xffff, v3  }
0x6de: {  	v1 =	vor.u32 s10, v1;
	v10 =	vor.u32 v24, v4;
	v3 =	vand.u32 $0x3800, v22;
	v2 =	vld.idx.msk [tilespmem:v2+s24+$0x0], $0xffff  }
0x6df: {  	v3 =	vor.u32 v3, v10;
	_ =	sdelay $0x3  }
0x6e0: {  	v23 =	vor.u32 v17, v8;
	[tilespmem:v1+s31+$0x0] =	vst.idx.msk $0xffff, v2  }
0x6e1: {  	v0 =	vor.u32 s10, v0;
	v24 =	vor.u32 v25, v4;
	v1 =	vand.u32 $0x3800, v23;
	v2 =	vld.idx.msk [tilespmem:v3+s24+$0x0], $0xffff  }
0x6e2: {  	v1 =	vor.u32 v1, v24;
	_ =	sdelay $0x3  }
0x6e3: {  	v25 =	vor.u32 v16, v8;
	[tilespmem:v0+s31+$0x0] =	vst.idx.msk $0xffff, v2  }
0x6e4: {  	v26 =	vor.u32 s10, v26;
	v11 =	vor.u32 v27, v4;
	v0 =	vand.u32 $0x3800, v25;
	v1 =	vld.idx.msk [tilespmem:v1+s24+$0x0], $0xffff  }
0x6e5: {  	v0 =	vor.u32 v0, v11;
	_ =	sdelay $0x3  }
0x6e6: {  	v27 =	vor.u32 v62, v8;
	[tilespmem:v26+s31+$0x0] =	vst.idx.msk $0xffff, v1  }
0x6e7: {  	v31 =	vor.u32 s10, v28;
	v4 =	vor.u32 v29, v4;
	v1 =	vand.u32 $0x3800, v27;
	v0 =	vld.idx.msk [tilespmem:v0+s24+$0x0], $0xffff  }
0x6e8: {  	v1 =	vor.u32 v1, v4;
	_ =	sdelay $0x3  }
0x6e9: {  	v32 =	vor.u32 v59, v8;
	[tilespmem:v31+s31+$0x0] =	vst.idx.msk $0xffff, v0  }
0x6ea: {  	v34 =	vor.u32 s10, v30;
	v0 =	vand.u32 $0x3800, v32;
	v1 =	vld.idx.msk [tilespmem:v1+s24+$0x0], $0xffff  }
0x6eb: {  	v0 =	vor.u32 v0, v5;
	_ =	sdelay $0x3  }
0x6ec: {  	v35 =	vor.u32 v63, v8;
	[tilespmem:v34+s31+$0x0] =	vst.idx.msk $0xffff, v1  }
0x6ed: {  	v36 =	vor.u32 s10, v33;
	v1 =	vand.u32 $0x3800, v35;
	v0 =	vld.idx.msk [tilespmem:v0+s24+$0x0], $0xffff  }
0x6ee: {  	v1 =	vor.u32 v1, v6;
	_ =	sdelay $0x3  }
0x6ef: {  	v37 =	vor.u32 v61, v8;
	[tilespmem:v36+s31+$0x0] =	vst.idx.msk $0xffff, v0  }
0x6f0: {  	v38 =	vor.u32 s10, v38;
	v0 =	vand.u32 $0x3800, v37;
	v1 =	vld.idx.msk [tilespmem:v1+s24+$0x0], $0xffff  }
0x6f1: {  	v0 =	vor.u32 v0, v7;
	_ =	sdelay $0x3  }
0x6f2: {  	v39 =	vor.u32 v60, v8;
	[tilespmem:v38+s31+$0x0] =	vst.idx.msk $0xffff, v1  }
0x6f3: {  	v41 =	vor.u32 s10, v41;
	v1 =	vand.u32 $0x3800, v39;
	v0 =	vld.idx.msk [tilespmem:v0+s24+$0x0], $0xffff  }
0x6f4: {  	v1 =	vor.u32 v1, v9;
	_ =	sdelay $0x3  }
0x6f5: {  	v49 =	vor.u32 v52, v8;
	[tilespmem:v41+s31+$0x0] =	vst.idx.msk $0xffff, v0  }
0x6f6: {  	v50 =	vor.u32 s10, v40;
	v0 =	vand.u32 $0x3800, v49;
	v1 =	vld.idx.msk [tilespmem:v1+s24+$0x0], $0xffff  }
0x6f7: {  	v0 =	vor.u32 v0, v10;
	_ =	sdelay $0x3  }
0x6f8: {  	v51 =	vor.u32 v45, v8;
	[tilespmem:v50+s31+$0x0] =	vst.idx.msk $0xffff, v1  }
0x6f9: {  	v52 =	vor.u32 s10, v43;
	v1 =	vand.u32 $0x3800, v51;
	v0 =	vld.idx.msk [tilespmem:v0+s24+$0x0], $0xffff  }
0x6fa: {  	v1 =	vor.u32 v1, v24;
	_ =	sdelay $0x3  }
0x6fb: {  	v53 =	vor.u32 v47, v8;
	[tilespmem:v52+s31+$0x0] =	vst.idx.msk $0xffff, v0  }
0x6fc: {  	v54 =	vor.u32 s10, v42;
	v0 =	vand.u32 $0x3800, v53;
	v1 =	vld.idx.msk [tilespmem:v1+s24+$0x0], $0xffff  }
0x6fd: {  	v0 =	vor.u32 v0, v11;
	_ =	sdelay $0x3  }
0x6fe: {  	v55 =	vor.u32 v48, v8;
	[tilespmem:v54+s31+$0x0] =	vst.idx.msk $0xffff, v1  }
0x6ff: {  	v56 =	vor.u32 s10, v44;
	v1 =	vand.u32 $0x3800, v55;
	v0 =	vld.idx.msk [tilespmem:v0+s24+$0x0], $0xffff  }
0x700: {  	v1 =	vor.u32 v1, v4;
	_ =	sdelay $0x3  }
0x701: {  	s8 =	sadd.s32 $0x1, s8;
	[tilespmem:v56+s31+$0x0] =	vst.idx.msk $0xffff, v0  }
0x702: {  	v57 =	vor.u32 s10, v46;
	p2 =	sne.s32 s8, $0x6;
	v1 =	vld.idx.msk [tilespmem:v1+s24+$0x0], $0xffff  }
.Ltmp10:
0x703: {  	_ = 	snop;
	(pc) =	sbr.rel @p2 .LBB2_11-.Ltmp10, $2  }
0x704: {  	_ =	sdelay $0x2  }
0x705: {  	v6 =	vimm.s32 $0x100;
	v39 =	vmov v17;
	v49 =	vmov v16;
	[tilespmem:v57+s31+$0x0] =	vst.idx.msk $0xffff, v1  }
0x706: {  	s7 =	rddreg [dreg:$0xa]  }
0x707: {  	[hbm4b:s7+s5] =	stream.linear.scatter [tilespmem:s31], [sflag:$0x5], $0x3000, $0x38;
	[tilespmem:$0x1C000] =	vst v63  }
0x708: {  	_ =	swait.ge [sflag:s25], $0x3000  }
0x709: {  	v43 =	vld [tilespmem:$0x1FE60]  }
0x70a: {  	v44 =	vld [tilespmem:$0x1FE70]  }
0x70b: {  	v45 =	vld [tilespmem:$0x1FE80]  }
0x70c: {  	v46 =	vld [tilespmem:$0x1FE90]  }
0x70d: {  	v47 =	vld [tilespmem:$0x1FEA0]  }
0x70e: {  	v48 =	vld [tilespmem:$0x1FEB0]  }
0x70f: {  	v53 =	vld [tilespmem:$0x1FEC0]  }
0x710: {  	v41 =	vld [tilespmem:$0x1FED0]  }
0x711: {  	v42 =	vld [tilespmem:$0x1FEE0]  }
0x712: {  	v27 =	vld [tilespmem:$0x1FEF0]  }
0x713: {  	v31 =	vld [tilespmem:$0x1FF00]  }
0x714: {  	v32 =	vld [tilespmem:$0x1FF10]  }
0x715: {  	v33 =	vld [tilespmem:$0x1FF20]  }
0x716: {  	v34 =	vld [tilespmem:$0x1FF30]  }
.Ltmp11:
0x717: {  	v35 =	vld [tilespmem:$0x1FF40];
	(pc) =	sbr.rel .LBB2_15-.Ltmp11, $4  }
0x718: {  	v36 =	vld [tilespmem:$0x1FF50]  }
0x719: {  	v37 =	vld [tilespmem:$0x1FF60]  }
0x71a: {  	[sflag:s25] =	ssyncset.done $0x0;
	v38 =	vld [tilespmem:$0x1FF70]  }
0x71b: {  	v39 =	vld [tilespmem:$0x1FF80];
	[sflag:s25] =	ssyncadd.s32 $0xFFFFD000  }
.LBB2_16:
0x71c: {  	_ =	sfence.sel $0x180000  }
0x71d: {  	[bflag:$0x0] =	sbarrier.arrive $0xFFFF  }
0x71e: {  	_ =	strace $0x90000047  }
0x71f: {  	s0 =	stileid.u32;
	[bflag:$0x2] =	sbarrier.arrive $0xFFFF  }
0x720: {  	p0 =	sne.s32 s0, $0x0;
	s0 =	rddreg [dreg:$0x2]  }
0x721: {  	s0 =	sadd.s32 @!p0 $0x100000, s0  }
0x722: {  	[sflag:s0] =	ssyncadd.tile.s32 @!p0 $0x1;
	_ =	shalt  }
.Lfunc_end2:
_tile_overlayer_lowered:
.L_overlay_start_2:
0x723: {  	(tag) =	ssettag $0x2  }
0x724: {  	s0 =	rddreg [dreg:$0x0];
	s2 =	stileid.u32  }
0x725: {  	s1 =	rddreg [dreg:$0x1];
	p0 =	sne.s32 s2, $0x0  }
0x726: {  	s3 =	rddreg [dreg:$0x2];
	[bflag:$0x3] =	sbarrier.arrive $0xFFFF;
	s2 =	simm.s32 @!p0 $0x1C05  }
0x727: {  	[timem:s3], [sflag:s2] =	dma.local @!p0 [hbm:s0], s1  }
0x728: {  	s0 =	simm.s32 @!p0 $0x5  }
0x729: {  	_ =	swait.ge @!p0 [sflag:s0], s1  }
0x72a: {  	s1 =	ssub.s32 @!p0 $0x0, s1;
	[sflag:s0] =	ssyncset.done @!p0 $0x0  }
0x72b: {  	[sflag:s0] =	ssyncadd.s32 @!p0 s1  }
0x72c: {  	[bflag:$0x3] =	sbarrier.arrive $0xFFFF  }
0x72d: {  	_ =	shalt  }

</sc_bundles>
